<compile_context>
chip_gen: v7x
topology: tpu7x:2x2x1
jax: 0.10.2.dev20260603
libtpu: 0.0.44.dev20260713+nightly
codegen_flags: <defaults>
</compile_context>

<pallas_src>
import functools

import jax
import jax.numpy as jnp
from jax import lax
from jax.experimental import pallas as pl
from jax.experimental.pallas import tpu as pltpu
from jax.experimental.pallas import tpu_sc as plsc

N_NODES = 10000
N_EDGES = 320000
D_FEAT = 128

_NC = 2
_NS = 16
_L = 16
_NW = _NC * _NS
_E_PER_W = N_EDGES // _NW
_B = 80
_CHUNKS = _E_PER_W // _B
_GROUPS = _B // _L
_KS = D_FEAT // (2 * _L)


def _sc_body(x_hbm, src_hbm, dst_hbm, out_hbm,
             x_sp, sidx_all, didx_all,
             srows0, srows1, drows0, drows1, outv0, outv1,
             sem_s0, sem_s1, sem_d0, sem_d1):
    sid = lax.axis_index("s")
    wid = sid * _NC + lax.axis_index("c")
    base_w = wid * _E_PER_W

    rows_per_tile = N_NODES // _NS
    pltpu.sync_copy(x_hbm.at[pl.ds(sid * rows_per_tile, rows_per_tile)],
                    x_sp.at[pl.ds(sid * rows_per_tile, rows_per_tile)])

    pltpu.sync_copy(src_hbm.at[pl.ds(base_w, _E_PER_W)], sidx_all)
    pltpu.sync_copy(dst_hbm.at[pl.ds(base_w, _E_PER_W)], didx_all)
    plsc.subcore_barrier()

    srows = (srows0, srows1)
    drows = (drows0, drows1)
    outv = (outv0, outv1)
    sem_s = (sem_s0, sem_s1)
    sem_d = (sem_d0, sem_d1)

    def start(c, b):
        pltpu.async_copy(x_sp.at[sidx_all.at[pl.ds(c * _B, _B)]],
                         srows[b], sem_s[b])
        pltpu.async_copy(x_sp.at[didx_all.at[pl.ds(c * _B, _B)]],
                         drows[b], sem_d[b])

    def wait(b):
        pltpu.make_async_copy(x_sp.at[sidx_all.at[pl.ds(0, _B)]],
                              srows[b], sem_s[b]).wait()
        pltpu.make_async_copy(x_sp.at[didx_all.at[pl.ds(0, _B)]],
                              drows[b], sem_d[b]).wait()


    def compute(b):
        sr, dr, ov = srows[b], drows[b], outv[b]

        def group_body(g, carry):
            lane = lax.iota(jnp.int32, _L)
            tot = jnp.zeros((_L,), jnp.float32)
            for j in range(_L):
                e = g * _L + j
                acc = jnp.zeros((_L,), jnp.float32)
                for k in range(_KS):
                    sv = sr[e, pl.ds(k * 2 * _L, 2 * _L)]
                    dv = dr[e, pl.ds(k * 2 * _L, 2 * _L)]
                    p = plsc.bitcast(sv * dv, jnp.int32)
                    acc = acc + plsc.bitcast(p << 16, jnp.float32)
                    acc = acc + plsc.bitcast(p, jnp.float32)
                tot = jnp.where(lane == j, jnp.sum(acc), tot)
            ov[pl.ds(g * _L, _L)] = tot
            return carry

        lax.fori_loop(0, _GROUPS, group_body, 0, unroll=False)

    def store(c, b):
        pltpu.sync_copy(outv[b], out_hbm.at[pl.ds(base_w + c * _B, _B)])

    start(0, 0)
    start(1, 1)

    def pair_body(p, carry):
        for b in (0, 1):
            c = 2 * p + b
            wait(b)
            compute(b)
            store(c, b)

            @pl.when(c + 2 < _CHUNKS)
            def _():
                start(c + 2, b)

        return carry

    lax.fori_loop(0, (_CHUNKS - 1) // 2, pair_body, 0, unroll=False)
    wait(0)
    compute(0)
    store(_CHUNKS - 1, 0)


@jax.jit
def _score(x_bf, src, dst):
    mesh = plsc.VectorSubcoreMesh(core_axis_name="c", subcore_axis_name="s")
    f = functools.partial(
        pl.kernel,
        mesh=mesh,
        compiler_params=pltpu.CompilerParams(
            needs_layout_passes=False, use_tc_tiling_on_sc=False),
        out_type=jax.ShapeDtypeStruct((N_EDGES,), jnp.float32),
        scratch_types=[
            pltpu.VMEM_SHARED((N_NODES, D_FEAT), jnp.bfloat16),
            pltpu.VMEM((_E_PER_W,), jnp.int32),
            pltpu.VMEM((_E_PER_W,), jnp.int32),
            pltpu.VMEM((_B, D_FEAT), jnp.bfloat16),
            pltpu.VMEM((_B, D_FEAT), jnp.bfloat16),
            pltpu.VMEM((_B, D_FEAT), jnp.bfloat16),
            pltpu.VMEM((_B, D_FEAT), jnp.bfloat16),
            pltpu.VMEM((_B,), jnp.float32),
            pltpu.VMEM((_B,), jnp.float32),
            pltpu.SemaphoreType.DMA,
            pltpu.SemaphoreType.DMA,
            pltpu.SemaphoreType.DMA,
            pltpu.SemaphoreType.DMA,
        ],
    )(_sc_body)
    return f(x_bf, src, dst)


def kernel(x, edge_index):
    src = edge_index[0].astype(jnp.int32)
    dst = edge_index[1].astype(jnp.int32)
    x_bf = x.astype(jnp.bfloat16)
    score = _score(x_bf, src, dst)
    return score.reshape(N_EDGES, 1)

# --- scband reference (transcript-rebuilt; emitter-appended) ---
"""Pipeline reference for scband-prediction-layer-23252952940858 (READ-ONLY COPY).

The authoritative reference and input builder live on the scoring server;
editing this copy changes nothing except your own understanding.
"""

import jax, jax.numpy as jnp
import numpy as np

N_NODES = 10000
N_EDGES = 320000
D_FEAT = 128

def setup_inputs(seed: int = 0) -> dict:
    key = jax.random.key(seed)
    k1, k2 = jax.random.split(key)
    x = jax.random.normal(k1, (N_NODES, D_FEAT), dtype=jnp.float32)
    edge_index = jax.random.randint(k2, (2, N_EDGES), 0, N_NODES, dtype=jnp.int64)
    return {"x": x, "edge_index": edge_index}

def reference(x, edge_index):
    # DGL apply_edges(u_dot_v('h','h','score')): per-edge dot product of
    # source-node and destination-node features, output shape [E, 1].
    src = edge_index[0]
    dst = edge_index[1]
    h_src = jnp.take(x, src, axis=0)  # gather [E, d]
    h_dst = jnp.take(x, dst, axis=0)  # gather [E, d]
    score = jnp.sum(h_src * h_dst, axis=1, keepdims=True)  # [E, 1]
    return score

if __name__ == "__main__":
    import jax
    _d = setup_inputs()
    print(jax.jit(kernel)(*tuple(_d.values())))

</pallas_src>

<mosaic_0001>
#map = affine_map<(d0, d1) -> (0, 0)>
#map1 = affine_map<(d0, d1) -> (0)>
module attributes {stable_mosaic.version = 14 : i64} {
  func.func @_sc_body(%arg0: i32, %arg1: i32, %arg2: memref<10000x128xbf16, #tpu.memory_space<hbm>>, %arg3: memref<320000xi32, #tpu.memory_space<hbm>>, %arg4: memref<320000xi32, #tpu.memory_space<hbm>>, %arg5: memref<320000xf32, #tpu.memory_space<hbm>>, %arg6: memref<10000x128xbf16, #tpu.memory_space<vmem_shared>>, %arg7: memref<10000xi32, #tpu.memory_space<vmem>>, %arg8: memref<10000xi32, #tpu.memory_space<vmem>>, %arg9: memref<80x128xbf16, #tpu.memory_space<vmem>>, %arg10: memref<80x128xbf16, #tpu.memory_space<vmem>>, %arg11: memref<80x128xbf16, #tpu.memory_space<vmem>>, %arg12: memref<80x128xbf16, #tpu.memory_space<vmem>>, %arg13: memref<80xf32, #tpu.memory_space<vmem>>, %arg14: memref<80xf32, #tpu.memory_space<vmem>>, %arg15: memref<!tpu.dma_semaphore, #tpu.memory_space<semaphore_mem>>, %arg16: memref<!tpu.dma_semaphore, #tpu.memory_space<semaphore_mem>>, %arg17: memref<!tpu.dma_semaphore, #tpu.memory_space<semaphore_mem>>, %arg18: memref<!tpu.dma_semaphore, #tpu.memory_space<semaphore_mem>>) attributes {dimension_semantics = [#tpu.dimension_semantics<core_parallel>, #tpu.dimension_semantics<subcore_parallel>], iteration_bounds = array<i64: 2, 16>, scalar_prefetch = 0 : i64, scratch_operands = 13 : i64, tpu.core_type = #tpu.core_type<sc_vector_subcore>, window_params = [{transform_indices = #map}, {transform_indices = #map1}, {transform_indices = #map1}, {transform_indices = #map1}]} {
    %mul3A = arith.constant 2 : i32
    %mul3A_0 = arith.muli %arg1, %mul3A : i32
    %add3A = arith.addi %mul3A_0, %arg0 : i32
    %mul3A_1 = arith.constant 10000 : i32
    %mul3A_2 = arith.muli %add3A, %mul3A_1 : i32
    %mul3A_3 = arith.constant 625 : i32
    %mul3A_4 = arith.muli %arg1, %mul3A_3 : i32
    %mul3A_5 = arith.constant 625 : i32
    %mul3A_6 = arith.muli %arg1, %mul3A_5 : i32
    "tpu.region"() ({
      %run_scoped3A = tpu.sem_alloc : memref<!tpu.dma_semaphore, #tpu.memory_space<semaphore_mem>>
      %dma_start3A_48 = arith.constant 0 : i32
      %dma_start3A_49 = tpu.memref_slice %arg6[%mul3A_6, %dma_start3A_48] : memref<10000x128xbf16, #tpu.memory_space<vmem_shared>> -> memref<625x128xbf16, #tpu.memory_space<vmem_shared>>
      %dma_start3A_50 = arith.constant 0 : i32
      %dma_start3A_51 = tpu.memref_slice %arg2[%mul3A_4, %dma_start3A_50] : memref<10000x128xbf16, #tpu.memory_space<hbm>> -> memref<625x128xbf16, #tpu.memory_space<hbm>>
      tpu.enqueue_dma source(%dma_start3A_51 : memref<625x128xbf16, #tpu.memory_space<hbm>>) target(%dma_start3A_49 : memref<625x128xbf16, #tpu.memory_space<vmem_shared>>) target_semaphore(%run_scoped3A : memref<!tpu.dma_semaphore, #tpu.memory_space<semaphore_mem>>)
      %dma_wait3A_52 = arith.constant 0 : i32
      %dma_wait3A_53 = tpu.memref_slice %arg6[%mul3A_6, %dma_wait3A_52] : memref<10000x128xbf16, #tpu.memory_space<vmem_shared>> -> memref<625x128xbf16, #tpu.memory_space<vmem_shared>>
      %dma_wait3A_54 = arith.constant 0 : i32
      %dma_wait3A_55 = tpu.memref_slice %arg2[%mul3A_4, %dma_wait3A_54] : memref<10000x128xbf16, #tpu.memory_space<hbm>> -> memref<625x128xbf16, #tpu.memory_space<hbm>>
      tpu.wait_dma2 semaphore(%run_scoped3A : memref<!tpu.dma_semaphore, #tpu.memory_space<semaphore_mem>>) src(%dma_wait3A_55 : memref<625x128xbf16, #tpu.memory_space<hbm>>) dst(%dma_wait3A_53 : memref<625x128xbf16, #tpu.memory_space<vmem_shared>>)
      tpu.yield
    }) : () -> ()
    "tpu.region"() ({
      %run_scoped3A = tpu.sem_alloc : memref<!tpu.dma_semaphore, #tpu.memory_space<semaphore_mem>>
      %dma_start3A_48 = tpu.memref_slice %arg3[%mul3A_2] : memref<320000xi32, #tpu.memory_space<hbm>> -> memref<10000xi32, #tpu.memory_space<hbm>>
      %dma_start3A_49 = tpu.memref_slice %arg3[%mul3A_2] : memref<320000xi32, #tpu.memory_space<hbm>> -> memref<10000xi32, #tpu.memory_space<hbm>>
      tpu.enqueue_dma source(%dma_start3A_49 : memref<10000xi32, #tpu.memory_space<hbm>>) target(%arg7 : memref<10000xi32, #tpu.memory_space<vmem>>) target_semaphore(%run_scoped3A : memref<!tpu.dma_semaphore, #tpu.memory_space<semaphore_mem>>)
      %dma_wait3A_50 = tpu.memref_slice %arg3[%mul3A_2] : memref<320000xi32, #tpu.memory_space<hbm>> -> memref<10000xi32, #tpu.memory_space<hbm>>
      %dma_wait3A_51 = tpu.memref_slice %arg3[%mul3A_2] : memref<320000xi32, #tpu.memory_space<hbm>> -> memref<10000xi32, #tpu.memory_space<hbm>>
      tpu.wait_dma2 semaphore(%run_scoped3A : memref<!tpu.dma_semaphore, #tpu.memory_space<semaphore_mem>>) src(%dma_wait3A_51 : memref<10000xi32, #tpu.memory_space<hbm>>) dst(%arg7 : memref<10000xi32, #tpu.memory_space<vmem>>)
      tpu.yield
    }) : () -> ()
    "tpu.region"() ({
      %run_scoped3A = tpu.sem_alloc : memref<!tpu.dma_semaphore, #tpu.memory_space<semaphore_mem>>
      %dma_start3A_48 = tpu.memref_slice %arg4[%mul3A_2] : memref<320000xi32, #tpu.memory_space<hbm>> -> memref<10000xi32, #tpu.memory_space<hbm>>
      %dma_start3A_49 = tpu.memref_slice %arg4[%mul3A_2] : memref<320000xi32, #tpu.memory_space<hbm>> -> memref<10000xi32, #tpu.memory_space<hbm>>
      tpu.enqueue_dma source(%dma_start3A_49 : memref<10000xi32, #tpu.memory_space<hbm>>) target(%arg8 : memref<10000xi32, #tpu.memory_space<vmem>>) target_semaphore(%run_scoped3A : memref<!tpu.dma_semaphore, #tpu.memory_space<semaphore_mem>>)
      %dma_wait3A_50 = tpu.memref_slice %arg4[%mul3A_2] : memref<320000xi32, #tpu.memory_space<hbm>> -> memref<10000xi32, #tpu.memory_space<hbm>>
      %dma_wait3A_51 = tpu.memref_slice %arg4[%mul3A_2] : memref<320000xi32, #tpu.memory_space<hbm>> -> memref<10000xi32, #tpu.memory_space<hbm>>
      tpu.wait_dma2 semaphore(%run_scoped3A : memref<!tpu.dma_semaphore, #tpu.memory_space<semaphore_mem>>) src(%dma_wait3A_51 : memref<10000xi32, #tpu.memory_space<hbm>>) dst(%arg8 : memref<10000xi32, #tpu.memory_space<vmem>>)
      tpu.yield
    }) : () -> ()
    %barrier3A = arith.constant 0 : index
    tpu.barrier barrier_id(%barrier3A)
    %dma_start3A = arith.constant 0 : i32
    %dma_start3A_7 = tpu.memref_slice %arg7[%dma_start3A] : memref<10000xi32, #tpu.memory_space<vmem>> -> memref<80xi32, #tpu.memory_space<vmem>>
    %dma_start3A_8 = arith.constant 0 : i32
    %dma_start3A_9 = arith.constant 0 : i32
    %dma_start3A_10 = tpu.memref_slice %arg6[%dma_start3A_8, %dma_start3A_9] : memref<10000x128xbf16, #tpu.memory_space<vmem_shared>> -> memref<10000x128xbf16, #tpu.memory_space<vmem_shared>>
    tpu.enqueue_indirect_dma source(%dma_start3A_10 : memref<10000x128xbf16, #tpu.memory_space<vmem_shared>>) target(%arg9 : memref<80x128xbf16, #tpu.memory_space<vmem>>) offsets(%dma_start3A_7 : memref<80xi32, #tpu.memory_space<vmem>>) semaphore(%arg15 : memref<!tpu.dma_semaphore, #tpu.memory_space<semaphore_mem>>)
    %dma_start3A_11 = arith.constant 0 : i32
    %dma_start3A_12 = tpu.memref_slice %arg8[%dma_start3A_11] : memref<10000xi32, #tpu.memory_space<vmem>> -> memref<80xi32, #tpu.memory_space<vmem>>
    %dma_start3A_13 = arith.constant 0 : i32
    %dma_start3A_14 = arith.constant 0 : i32
    %dma_start3A_15 = tpu.memref_slice %arg6[%dma_start3A_13, %dma_start3A_14] : memref<10000x128xbf16, #tpu.memory_space<vmem_shared>> -> memref<10000x128xbf16, #tpu.memory_space<vmem_shared>>
    tpu.enqueue_indirect_dma source(%dma_start3A_15 : memref<10000x128xbf16, #tpu.memory_space<vmem_shared>>) target(%arg11 : memref<80x128xbf16, #tpu.memory_space<vmem>>) offsets(%dma_start3A_12 : memref<80xi32, #tpu.memory_space<vmem>>) semaphore(%arg17 : memref<!tpu.dma_semaphore, #tpu.memory_space<semaphore_mem>>)
    %dma_start3A_16 = arith.constant 80 : i32
    %dma_start3A_17 = tpu.memref_slice %arg7[%dma_start3A_16] : memref<10000xi32, #tpu.memory_space<vmem>> -> memref<80xi32, #tpu.memory_space<vmem>>
    %dma_start3A_18 = arith.constant 0 : i32
    %dma_start3A_19 = arith.constant 0 : i32
    %dma_start3A_20 = tpu.memref_slice %arg6[%dma_start3A_18, %dma_start3A_19] : memref<10000x128xbf16, #tpu.memory_space<vmem_shared>> -> memref<10000x128xbf16, #tpu.memory_space<vmem_shared>>
    tpu.enqueue_indirect_dma source(%dma_start3A_20 : memref<10000x128xbf16, #tpu.memory_space<vmem_shared>>) target(%arg10 : memref<80x128xbf16, #tpu.memory_space<vmem>>) offsets(%dma_start3A_17 : memref<80xi32, #tpu.memory_space<vmem>>) semaphore(%arg16 : memref<!tpu.dma_semaphore, #tpu.memory_space<semaphore_mem>>)
    %dma_start3A_21 = arith.constant 80 : i32
    %dma_start3A_22 = tpu.memref_slice %arg8[%dma_start3A_21] : memref<10000xi32, #tpu.memory_space<vmem>> -> memref<80xi32, #tpu.memory_space<vmem>>
    %dma_start3A_23 = arith.constant 0 : i32
    %dma_start3A_24 = arith.constant 0 : i32
    %dma_start3A_25 = tpu.memref_slice %arg6[%dma_start3A_23, %dma_start3A_24] : memref<10000x128xbf16, #tpu.memory_space<vmem_shared>> -> memref<10000x128xbf16, #tpu.memory_space<vmem_shared>>
    tpu.enqueue_indirect_dma source(%dma_start3A_25 : memref<10000x128xbf16, #tpu.memory_space<vmem_shared>>) target(%arg12 : memref<80x128xbf16, #tpu.memory_space<vmem>>) offsets(%dma_start3A_22 : memref<80xi32, #tpu.memory_space<vmem>>) semaphore(%arg18 : memref<!tpu.dma_semaphore, #tpu.memory_space<semaphore_mem>>)
    %scan3A = arith.constant 0 : i32
    %scan3A_26 = arith.constant 0 : i32
    %scan3A_27 = arith.constant 62 : i32
    %scan3A_28 = arith.addi %scan3A_26, %scan3A_27 : i32
    %scan3A_29 = arith.constant 1 : i32
    scf.for %scan3A_48 = %scan3A_26 to %scan3A_28 step %scan3A_29  : i32 {
      %mul3A_49 = arith.constant 2 : i32
      %mul3A_50 = arith.muli %mul3A_49, %scan3A_48 : i32
      %add3A_51 = arith.constant 0 : i32
      %add3A_52 = arith.addi %mul3A_50, %add3A_51 : i32
      %dma_wait3A_53 = arith.constant 0 : i32
      %dma_wait3A_54 = tpu.memref_slice %arg7[%dma_wait3A_53] : memref<10000xi32, #tpu.memory_space<vmem>> -> memref<80xi32, #tpu.memory_space<vmem>>
      %dma_wait3A_55 = arith.constant 0 : i32
      %dma_wait3A_56 = arith.constant 0 : i32
      %dma_wait3A_57 = tpu.memref_slice %arg6[%dma_wait3A_55, %dma_wait3A_56] : memref<10000x128xbf16, #tpu.memory_space<vmem_shared>> -> memref<10000x128xbf16, #tpu.memory_space<vmem_shared>>
      tpu.wait_indirect_dma semaphore(%arg15 : memref<!tpu.dma_semaphore, #tpu.memory_space<semaphore_mem>>) src(%dma_wait3A_57 : memref<10000x128xbf16, #tpu.memory_space<vmem_shared>>) dst(%arg9 : memref<80x128xbf16, #tpu.memory_space<vmem>>)
      %dma_wait3A_58 = arith.constant 0 : i32
      %dma_wait3A_59 = tpu.memref_slice %arg8[%dma_wait3A_58] : memref<10000xi32, #tpu.memory_space<vmem>> -> memref<80xi32, #tpu.memory_space<vmem>>
      %dma_wait3A_60 = arith.constant 0 : i32
      %dma_wait3A_61 = arith.constant 0 : i32
      %dma_wait3A_62 = tpu.memref_slice %arg6[%dma_wait3A_60, %dma_wait3A_61] : memref<10000x128xbf16, #tpu.memory_space<vmem_shared>> -> memref<10000x128xbf16, #tpu.memory_space<vmem_shared>>
      tpu.wait_indirect_dma semaphore(%arg17 : memref<!tpu.dma_semaphore, #tpu.memory_space<semaphore_mem>>) src(%dma_wait3A_62 : memref<10000x128xbf16, #tpu.memory_space<vmem_shared>>) dst(%arg11 : memref<80x128xbf16, #tpu.memory_space<vmem>>)
      %scan3A_63 = arith.constant 0 : i32
      %scan3A_64 = arith.constant 0 : i32
      %scan3A_65 = arith.constant 5 : i32
      %scan3A_66 = arith.addi %scan3A_64, %scan3A_65 : i32
      %scan3A_67 = arith.constant 1 : i32
      scf.for %scan3A_106 = %scan3A_64 to %scan3A_66 step %scan3A_67  : i32 {
        %iota3A = tpu.iota {dimensions = array<i32: 0>} : vector<16xi32>
        %broadcast_in_dim3A = arith.constant 0.000000e+00 : f32
        %broadcast_in_dim3A_107 = vector.broadcast %broadcast_in_dim3A : f32 to vector<16xf32>
        %mul3A_108 = arith.constant 16 : i32
        %mul3A_109 = arith.muli %scan3A_106, %mul3A_108 : i32
        %add3A_110 = arith.constant 0 : i32
        %add3A_111 = arith.addi %mul3A_109, %add3A_110 : i32
        %broadcast_in_dim3A_112 = arith.constant 0.000000e+00 : f32
        %broadcast_in_dim3A_113 = vector.broadcast %broadcast_in_dim3A_112 : f32 to vector<16xf32>
        %get3A = arith.index_cast %add3A_111 : i32 to index
        %get3A_114 = arith.constant 0 : index
        %get3A_115 = tpu.vector_load %arg9[%get3A, %get3A_114] {strides = array<i32>} : memref<80x128xbf16, #tpu.memory_space<vmem>>, vector<32xbf16>,
        %get3A_116 = arith.index_cast %add3A_111 : i32 to index
        %get3A_117 = arith.constant 0 : index
        %get3A_118 = tpu.vector_load %arg11[%get3A_116, %get3A_117] {strides = array<i32>} : memref<80x128xbf16, #tpu.memory_space<vmem>>, vector<32xbf16>,
        %mul3A_119 = arith.mulf %get3A_115, %get3A_118 : vector<32xbf16>
        %bitcast3A = vector.bitcast %mul3A_119 : vector<32xbf16> to vector<16xi32>
        %shift_left3A = arith.constant 16 : i32
        %shift_left3A_120 = vector.broadcast %shift_left3A : i32 to vector<16xi32>
        %shift_left3A_121 = arith.shli %bitcast3A, %shift_left3A_120 : vector<16xi32>
        %bitcast3A_122 = vector.bitcast %shift_left3A_121 : vector<16xi32> to vector<16xf32>
        %add3A_123 = arith.addf %broadcast_in_dim3A_113, %bitcast3A_122 : vector<16xf32>
        %bitcast3A_124 = vector.bitcast %bitcast3A : vector<16xi32> to vector<16xf32>
        %add3A_125 = arith.addf %add3A_123, %bitcast3A_124 : vector<16xf32>
        %get3A_126 = arith.index_cast %add3A_111 : i32 to index
        %get3A_127 = arith.constant 32 : index
        %get3A_128 = tpu.vector_load %arg9[%get3A_126, %get3A_127] {strides = array<i32>} : memref<80x128xbf16, #tpu.memory_space<vmem>>, vector<32xbf16>,
        %get3A_129 = arith.index_cast %add3A_111 : i32 to index
        %get3A_130 = arith.constant 32 : index
        %get3A_131 = tpu.vector_load %arg11[%get3A_129, %get3A_130] {strides = array<i32>} : memref<80x128xbf16, #tpu.memory_space<vmem>>, vector<32xbf16>,
        %mul3A_132 = arith.mulf %get3A_128, %get3A_131 : vector<32xbf16>
        %bitcast3A_133 = vector.bitcast %mul3A_132 : vector<32xbf16> to vector<16xi32>
        %shift_left3A_134 = arith.constant 16 : i32
        %shift_left3A_135 = vector.broadcast %shift_left3A_134 : i32 to vector<16xi32>
        %shift_left3A_136 = arith.shli %bitcast3A_133, %shift_left3A_135 : vector<16xi32>
        %bitcast3A_137 = vector.bitcast %shift_left3A_136 : vector<16xi32> to vector<16xf32>
        %add3A_138 = arith.addf %add3A_125, %bitcast3A_137 : vector<16xf32>
        %bitcast3A_139 = vector.bitcast %bitcast3A_133 : vector<16xi32> to vector<16xf32>
        %add3A_140 = arith.addf %add3A_138, %bitcast3A_139 : vector<16xf32>
        %get3A_141 = arith.index_cast %add3A_111 : i32 to index
        %get3A_142 = arith.constant 64 : index
        %get3A_143 = tpu.vector_load %arg9[%get3A_141, %get3A_142] {strides = array<i32>} : memref<80x128xbf16, #tpu.memory_space<vmem>>, vector<32xbf16>,
        %get3A_144 = arith.index_cast %add3A_111 : i32 to index
        %get3A_145 = arith.constant 64 : index
        %get3A_146 = tpu.vector_load %arg11[%get3A_144, %get3A_145] {strides = array<i32>} : memref<80x128xbf16, #tpu.memory_space<vmem>>, vector<32xbf16>,
        %mul3A_147 = arith.mulf %get3A_143, %get3A_146 : vector<32xbf16>
        %bitcast3A_148 = vector.bitcast %mul3A_147 : vector<32xbf16> to vector<16xi32>
        %shift_left3A_149 = arith.constant 16 : i32
        %shift_left3A_150 = vector.broadcast %shift_left3A_149 : i32 to vector<16xi32>
        %shift_left3A_151 = arith.shli %bitcast3A_148, %shift_left3A_150 : vector<16xi32>
        %bitcast3A_152 = vector.bitcast %shift_left3A_151 : vector<16xi32> to vector<16xf32>
        %add3A_153 = arith.addf %add3A_140, %bitcast3A_152 : vector<16xf32>
        %bitcast3A_154 = vector.bitcast %bitcast3A_148 : vector<16xi32> to vector<16xf32>
        %add3A_155 = arith.addf %add3A_153, %bitcast3A_154 : vector<16xf32>
        %get3A_156 = arith.index_cast %add3A_111 : i32 to index
        %get3A_157 = arith.constant 96 : index
        %get3A_158 = tpu.vector_load %arg9[%get3A_156, %get3A_157] {strides = array<i32>} : memref<80x128xbf16, #tpu.memory_space<vmem>>, vector<32xbf16>,
        %get3A_159 = arith.index_cast %add3A_111 : i32 to index
        %get3A_160 = arith.constant 96 : index
        %get3A_161 = tpu.vector_load %arg11[%get3A_159, %get3A_160] {strides = array<i32>} : memref<80x128xbf16, #tpu.memory_space<vmem>>, vector<32xbf16>,
        %mul3A_162 = arith.mulf %get3A_158, %get3A_161 : vector<32xbf16>
        %bitcast3A_163 = vector.bitcast %mul3A_162 : vector<32xbf16> to vector<16xi32>
        %shift_left3A_164 = arith.constant 16 : i32
        %shift_left3A_165 = vector.broadcast %shift_left3A_164 : i32 to vector<16xi32>
        %shift_left3A_166 = arith.shli %bitcast3A_163, %shift_left3A_165 : vector<16xi32>
        %bitcast3A_167 = vector.bitcast %shift_left3A_166 : vector<16xi32> to vector<16xf32>
        %add3A_168 = arith.addf %add3A_155, %bitcast3A_167 : vector<16xf32>
        %bitcast3A_169 = vector.bitcast %bitcast3A_163 : vector<16xi32> to vector<16xf32>
        %add3A_170 = arith.addf %add3A_168, %bitcast3A_169 : vector<16xf32>
        %eq3A = arith.constant 0 : i32
        %eq3A_171 = vector.broadcast %eq3A : i32 to vector<16xi32>
        %eq3A_172 = arith.cmpi eq, %iota3A, %eq3A_171 : vector<16xi32>
        %reduce_sum3A = arith.constant true
        %reduce_sum3A_173 = vector.broadcast %reduce_sum3A : i1 to vector<16xi1>
        %reduce_sum3A_174 = tpu.scan <sum>, %add3A_170 masked %reduce_sum3A_173 : vector<16xf32>, vector<16xi1> -> vector<16xf32>
        %reduce_sum3A_175 = vector.extract %reduce_sum3A_174[15] : f32 from vector<16xf32>
        %broadcast_in_dim3A_176 = vector.broadcast %reduce_sum3A_175 : f32 to vector<16xf32>
        %select_n3A = arith.select %eq3A_172, %broadcast_in_dim3A_176, %broadcast_in_dim3A_107 : vector<16xi1>, vector<16xf32>
        %mul3A_177 = arith.constant 16 : i32
        %mul3A_178 = arith.muli %scan3A_106, %mul3A_177 : i32
        %add3A_179 = arith.constant 1 : i32
        %add3A_180 = arith.addi %mul3A_178, %add3A_179 : i32
        %broadcast_in_dim3A_181 = arith.constant 0.000000e+00 : f32
        %broadcast_in_dim3A_182 = vector.broadcast %broadcast_in_dim3A_181 : f32 to vector<16xf32>
        %get3A_183 = arith.index_cast %add3A_180 : i32 to index
        %get3A_184 = arith.constant 0 : index
        %get3A_185 = tpu.vector_load %arg9[%get3A_183, %get3A_184] {strides = array<i32>} : memref<80x128xbf16, #tpu.memory_space<vmem>>, vector<32xbf16>,
        %get3A_186 = arith.index_cast %add3A_180 : i32 to index
        %get3A_187 = arith.constant 0 : index
        %get3A_188 = tpu.vector_load %arg11[%get3A_186, %get3A_187] {strides = array<i32>} : memref<80x128xbf16, #tpu.memory_space<vmem>>, vector<32xbf16>,
        %mul3A_189 = arith.mulf %get3A_185, %get3A_188 : vector<32xbf16>
        %bitcast3A_190 = vector.bitcast %mul3A_189 : vector<32xbf16> to vector<16xi32>
        %shift_left3A_191 = arith.constant 16 : i32
        %shift_left3A_192 = vector.broadcast %shift_left3A_191 : i32 to vector<16xi32>
        %shift_left3A_193 = arith.shli %bitcast3A_190, %shift_left3A_192 : vector<16xi32>
        %bitcast3A_194 = vector.bitcast %shift_left3A_193 : vector<16xi32> to vector<16xf32>
        %add3A_195 = arith.addf %broadcast_in_dim3A_182, %bitcast3A_194 : vector<16xf32>
        %bitcast3A_196 = vector.bitcast %bitcast3A_190 : vector<16xi32> to vector<16xf32>
        %add3A_197 = arith.addf %add3A_195, %bitcast3A_196 : vector<16xf32>
        %get3A_198 = arith.index_cast %add3A_180 : i32 to index
        %get3A_199 = arith.constant 32 : index
        %get3A_200 = tpu.vector_load %arg9[%get3A_198, %get3A_199] {strides = array<i32>} : memref<80x128xbf16, #tpu.memory_space<vmem>>, vector<32xbf16>,
        %get3A_201 = arith.index_cast %add3A_180 : i32 to index
        %get3A_202 = arith.constant 32 : index
        %get3A_203 = tpu.vector_load %arg11[%get3A_201, %get3A_202] {strides = array<i32>} : memref<80x128xbf16, #tpu.memory_space<vmem>>, vector<32xbf16>,
        %mul3A_204 = arith.mulf %get3A_200, %get3A_203 : vector<32xbf16>
        %bitcast3A_205 = vector.bitcast %mul3A_204 : vector<32xbf16> to vector<16xi32>
        %shift_left3A_206 = arith.constant 16 : i32
        %shift_left3A_207 = vector.broadcast %shift_left3A_206 : i32 to vector<16xi32>
        %shift_left3A_208 = arith.shli %bitcast3A_205, %shift_left3A_207 : vector<16xi32>
        %bitcast3A_209 = vector.bitcast %shift_left3A_208 : vector<16xi32> to vector<16xf32>
        %add3A_210 = arith.addf %add3A_197, %bitcast3A_209 : vector<16xf32>
        %bitcast3A_211 = vector.bitcast %bitcast3A_205 : vector<16xi32> to vector<16xf32>
        %add3A_212 = arith.addf %add3A_210, %bitcast3A_211 : vector<16xf32>
        %get3A_213 = arith.index_cast %add3A_180 : i32 to index
        %get3A_214 = arith.constant 64 : index
        %get3A_215 = tpu.vector_load %arg9[%get3A_213, %get3A_214] {strides = array<i32>} : memref<80x128xbf16, #tpu.memory_space<vmem>>, vector<32xbf16>,
        %get3A_216 = arith.index_cast %add3A_180 : i32 to index
        %get3A_217 = arith.constant 64 : index
        %get3A_218 = tpu.vector_load %arg11[%get3A_216, %get3A_217] {strides = array<i32>} : memref<80x128xbf16, #tpu.memory_space<vmem>>, vector<32xbf16>,
        %mul3A_219 = arith.mulf %get3A_215, %get3A_218 : vector<32xbf16>
        %bitcast3A_220 = vector.bitcast %mul3A_219 : vector<32xbf16> to vector<16xi32>
        %shift_left3A_221 = arith.constant 16 : i32
        %shift_left3A_222 = vector.broadcast %shift_left3A_221 : i32 to vector<16xi32>
        %shift_left3A_223 = arith.shli %bitcast3A_220, %shift_left3A_222 : vector<16xi32>
        %bitcast3A_224 = vector.bitcast %shift_left3A_223 : vector<16xi32> to vector<16xf32>
        %add3A_225 = arith.addf %add3A_212, %bitcast3A_224 : vector<16xf32>
        %bitcast3A_226 = vector.bitcast %bitcast3A_220 : vector<16xi32> to vector<16xf32>
        %add3A_227 = arith.addf %add3A_225, %bitcast3A_226 : vector<16xf32>
        %get3A_228 = arith.index_cast %add3A_180 : i32 to index
        %get3A_229 = arith.constant 96 : index
        %get3A_230 = tpu.vector_load %arg9[%get3A_228, %get3A_229] {strides = array<i32>} : memref<80x128xbf16, #tpu.memory_space<vmem>>, vector<32xbf16>,
        %get3A_231 = arith.index_cast %add3A_180 : i32 to index
        %get3A_232 = arith.constant 96 : index
        %get3A_233 = tpu.vector_load %arg11[%get3A_231, %get3A_232] {strides = array<i32>} : memref<80x128xbf16, #tpu.memory_space<vmem>>, vector<32xbf16>,
        %mul3A_234 = arith.mulf %get3A_230, %get3A_233 : vector<32xbf16>
        %bitcast3A_235 = vector.bitcast %mul3A_234 : vector<32xbf16> to vector<16xi32>
        %shift_left3A_236 = arith.constant 16 : i32
        %shift_left3A_237 = vector.broadcast %shift_left3A_236 : i32 to vector<16xi32>
        %shift_left3A_238 = arith.shli %bitcast3A_235, %shift_left3A_237 : vector<16xi32>
        %bitcast3A_239 = vector.bitcast %shift_left3A_238 : vector<16xi32> to vector<16xf32>
        %add3A_240 = arith.addf %add3A_227, %bitcast3A_239 : vector<16xf32>
        %bitcast3A_241 = vector.bitcast %bitcast3A_235 : vector<16xi32> to vector<16xf32>
        %add3A_242 = arith.addf %add3A_240, %bitcast3A_241 : vector<16xf32>
        %eq3A_243 = arith.constant 1 : i32
        %eq3A_244 = vector.broadcast %eq3A_243 : i32 to vector<16xi32>
        %eq3A_245 = arith.cmpi eq, %iota3A, %eq3A_244 : vector<16xi32>
        %reduce_sum3A_246 = arith.constant true
        %reduce_sum3A_247 = vector.broadcast %reduce_sum3A_246 : i1 to vector<16xi1>
        %reduce_sum3A_248 = tpu.scan <sum>, %add3A_242 masked %reduce_sum3A_247 : vector<16xf32>, vector<16xi1> -> vector<16xf32>
        %reduce_sum3A_249 = vector.extract %reduce_sum3A_248[15] : f32 from vector<16xf32>
        %broadcast_in_dim3A_250 = vector.broadcast %reduce_sum3A_249 : f32 to vector<16xf32>
        %select_n3A_251 = arith.select %eq3A_245, %broadcast_in_dim3A_250, %select_n3A : vector<16xi1>, vector<16xf32>
        %mul3A_252 = arith.constant 16 : i32
        %mul3A_253 = arith.muli %scan3A_106, %mul3A_252 : i32
        %add3A_254 = arith.constant 2 : i32
        %add3A_255 = arith.addi %mul3A_253, %add3A_254 : i32
        %broadcast_in_dim3A_256 = arith.constant 0.000000e+00 : f32
        %broadcast_in_dim3A_257 = vector.broadcast %broadcast_in_dim3A_256 : f32 to vector<16xf32>
        %get3A_258 = arith.index_cast %add3A_255 : i32 to index
        %get3A_259 = arith.constant 0 : index
        %get3A_260 = tpu.vector_load %arg9[%get3A_258, %get3A_259] {strides = array<i32>} : memref<80x128xbf16, #tpu.memory_space<vmem>>, vector<32xbf16>,
        %get3A_261 = arith.index_cast %add3A_255 : i32 to index
        %get3A_262 = arith.constant 0 : index
        %get3A_263 = tpu.vector_load %arg11[%get3A_261, %get3A_262] {strides = array<i32>} : memref<80x128xbf16, #tpu.memory_space<vmem>>, vector<32xbf16>,
        %mul3A_264 = arith.mulf %get3A_260, %get3A_263 : vector<32xbf16>
        %bitcast3A_265 = vector.bitcast %mul3A_264 : vector<32xbf16> to vector<16xi32>
        %shift_left3A_266 = arith.constant 16 : i32
        %shift_left3A_267 = vector.broadcast %shift_left3A_266 : i32 to vector<16xi32>
        %shift_left3A_268 = arith.shli %bitcast3A_265, %shift_left3A_267 : vector<16xi32>
        %bitcast3A_269 = vector.bitcast %shift_left3A_268 : vector<16xi32> to vector<16xf32>
        %add3A_270 = arith.addf %broadcast_in_dim3A_257, %bitcast3A_269 : vector<16xf32>
        %bitcast3A_271 = vector.bitcast %bitcast3A_265 : vector<16xi32> to vector<16xf32>
        %add3A_272 = arith.addf %add3A_270, %bitcast3A_271 : vector<16xf32>
        %get3A_273 = arith.index_cast %add3A_255 : i32 to index
        %get3A_274 = arith.constant 32 : index
        %get3A_275 = tpu.vector_load %arg9[%get3A_273, %get3A_274] {strides = array<i32>} : memref<80x128xbf16, #tpu.memory_space<vmem>>, vector<32xbf16>,
        %get3A_276 = arith.index_cast %add3A_255 : i32 to index
        %get3A_277 = arith.constant 32 : index
        %get3A_278 = tpu.vector_load %arg11[%get3A_276, %get3A_277] {strides = array<i32>} : memref<80x128xbf16, #tpu.memory_space<vmem>>, vector<32xbf16>,
        %mul3A_279 = arith.mulf %get3A_275, %get3A_278 : vector<32xbf16>
        %bitcast3A_280 = vector.bitcast %mul3A_279 : vector<32xbf16> to vector<16xi32>
        %shift_left3A_281 = arith.constant 16 : i32
        %shift_left3A_282 = vector.broadcast %shift_left3A_281 : i32 to vector<16xi32>
        %shift_left3A_283 = arith.shli %bitcast3A_280, %shift_left3A_282 : vector<16xi32>
        %bitcast3A_284 = vector.bitcast %shift_left3A_283 : vector<16xi32> to vector<16xf32>
        %add3A_285 = arith.addf %add3A_272, %bitcast3A_284 : vector<16xf32>
        %bitcast3A_286 = vector.bitcast %bitcast3A_280 : vector<16xi32> to vector<16xf32>
        %add3A_287 = arith.addf %add3A_285, %bitcast3A_286 : vector<16xf32>
        %get3A_288 = arith.index_cast %add3A_255 : i32 to index
        %get3A_289 = arith.constant 64 : index
        %get3A_290 = tpu.vector_load %arg9[%get3A_288, %get3A_289] {strides = array<i32>} : memref<80x128xbf16, #tpu.memory_space<vmem>>, vector<32xbf16>,
        %get3A_291 = arith.index_cast %add3A_255 : i32 to index
        %get3A_292 = arith.constant 64 : index
        %get3A_293 = tpu.vector_load %arg11[%get3A_291, %get3A_292] {strides = array<i32>} : memref<80x128xbf16, #tpu.memory_space<vmem>>, vector<32xbf16>,
        %mul3A_294 = arith.mulf %get3A_290, %get3A_293 : vector<32xbf16>
        %bitcast3A_295 = vector.bitcast %mul3A_294 : vector<32xbf16> to vector<16xi32>
        %shift_left3A_296 = arith.constant 16 : i32
        %shift_left3A_297 = vector.broadcast %shift_left3A_296 : i32 to vector<16xi32>
        %shift_left3A_298 = arith.shli %bitcast3A_295, %shift_left3A_297 : vector<16xi32>
        %bitcast3A_299 = vector.bitcast %shift_left3A_298 : vector<16xi32> to vector<16xf32>
        %add3A_300 = arith.addf %add3A_287, %bitcast3A_299 : vector<16xf32>
        %bitcast3A_301 = vector.bitcast %bitcast3A_295 : vector<16xi32> to vector<16xf32>
        %add3A_302 = arith.addf %add3A_300, %bitcast3A_301 : vector<16xf32>
        %get3A_303 = arith.index_cast %add3A_255 : i32 to index
        %get3A_304 = arith.constant 96 : index
        %get3A_305 = tpu.vector_load %arg9[%get3A_303, %get3A_304] {strides = array<i32>} : memref<80x128xbf16, #tpu.memory_space<vmem>>, vector<32xbf16>,
        %get3A_306 = arith.index_cast %add3A_255 : i32 to index
        %get3A_307 = arith.constant 96 : index
        %get3A_308 = tpu.vector_load %arg11[%get3A_306, %get3A_307] {strides = array<i32>} : memref<80x128xbf16, #tpu.memory_space<vmem>>, vector<32xbf16>,
        %mul3A_309 = arith.mulf %get3A_305, %get3A_308 : vector<32xbf16>
        %bitcast3A_310 = vector.bitcast %mul3A_309 : vector<32xbf16> to vector<16xi32>
        %shift_left3A_311 = arith.constant 16 : i32
        %shift_left3A_312 = vector.broadcast %shift_left3A_311 : i32 to vector<16xi32>
        %shift_left3A_313 = arith.shli %bitcast3A_310, %shift_left3A_312 : vector<16xi32>
        %bitcast3A_314 = vector.bitcast %shift_left3A_313 : vector<16xi32> to vector<16xf32>
        %add3A_315 = arith.addf %add3A_302, %bitcast3A_314 : vector<16xf32>
        %bitcast3A_316 = vector.bitcast %bitcast3A_310 : vector<16xi32> to vector<16xf32>
        %add3A_317 = arith.addf %add3A_315, %bitcast3A_316 : vector<16xf32>
        %eq3A_318 = arith.constant 2 : i32
        %eq3A_319 = vector.broadcast %eq3A_318 : i32 to vector<16xi32>
        %eq3A_320 = arith.cmpi eq, %iota3A, %eq3A_319 : vector<16xi32>
        %reduce_sum3A_321 = arith.constant true
        %reduce_sum3A_322 = vector.broadcast %reduce_sum3A_321 : i1 to vector<16xi1>
        %reduce_sum3A_323 = tpu.scan <sum>, %add3A_317 masked %reduce_sum3A_322 : vector<16xf32>, vector<16xi1> -> vector<16xf32>
        %reduce_sum3A_324 = vector.extract %reduce_sum3A_323[15] : f32 from vector<16xf32>
        %broadcast_in_dim3A_325 = vector.broadcast %reduce_sum3A_324 : f32 to vector<16xf32>
        %select_n3A_326 = arith.select %eq3A_320, %broadcast_in_dim3A_325, %select_n3A_251 : vector<16xi1>, vector<16xf32>
        %mul3A_327 = arith.constant 16 : i32
        %mul3A_328 = arith.muli %scan3A_106, %mul3A_327 : i32
        %add3A_329 = arith.constant 3 : i32
        %add3A_330 = arith.addi %mul3A_328, %add3A_329 : i32
        %broadcast_in_dim3A_331 = arith.constant 0.000000e+00 : f32
        %broadcast_in_dim3A_332 = vector.broadcast %broadcast_in_dim3A_331 : f32 to vector<16xf32>
        %get3A_333 = arith.index_cast %add3A_330 : i32 to index
        %get3A_334 = arith.constant 0 : index
        %get3A_335 = tpu.vector_load %arg9[%get3A_333, %get3A_334] {strides = array<i32>} : memref<80x128xbf16, #tpu.memory_space<vmem>>, vector<32xbf16>,
        %get3A_336 = arith.index_cast %add3A_330 : i32 to index
        %get3A_337 = arith.constant 0 : index
        %get3A_338 = tpu.vector_load %arg11[%get3A_336, %get3A_337] {strides = array<i32>} : memref<80x128xbf16, #tpu.memory_space<vmem>>, vector<32xbf16>,
        %mul3A_339 = arith.mulf %get3A_335, %get3A_338 : vector<32xbf16>
        %bitcast3A_340 = vector.bitcast %mul3A_339 : vector<32xbf16> to vector<16xi32>
        %shift_left3A_341 = arith.constant 16 : i32
        %shift_left3A_342 = vector.broadcast %shift_left3A_341 : i32 to vector<16xi32>
        %shift_left3A_343 = arith.shli %bitcast3A_340, %shift_left3A_342 : vector<16xi32>
        %bitcast3A_344 = vector.bitcast %shift_left3A_343 : vector<16xi32> to vector<16xf32>
        %add3A_345 = arith.addf %broadcast_in_dim3A_332, %bitcast3A_344 : vector<16xf32>
        %bitcast3A_346 = vector.bitcast %bitcast3A_340 : vector<16xi32> to vector<16xf32>
        %add3A_347 = arith.addf %add3A_345, %bitcast3A_346 : vector<16xf32>
        %get3A_348 = arith.index_cast %add3A_330 : i32 to index
        %get3A_349 = arith.constant 32 : index
        %get3A_350 = tpu.vector_load %arg9[%get3A_348, %get3A_349] {strides = array<i32>} : memref<80x128xbf16, #tpu.memory_space<vmem>>, vector<32xbf16>,
        %get3A_351 = arith.index_cast %add3A_330 : i32 to index
        %get3A_352 = arith.constant 32 : index
        %get3A_353 = tpu.vector_load %arg11[%get3A_351, %get3A_352] {strides = array<i32>} : memref<80x128xbf16, #tpu.memory_space<vmem>>, vector<32xbf16>,
        %mul3A_354 = arith.mulf %get3A_350, %get3A_353 : vector<32xbf16>
        %bitcast3A_355 = vector.bitcast %mul3A_354 : vector<32xbf16> to vector<16xi32>
        %shift_left3A_356 = arith.constant 16 : i32
        %shift_left3A_357 = vector.broadcast %shift_left3A_356 : i32 to vector<16xi32>
        %shift_left3A_358 = arith.shli %bitcast3A_355, %shift_left3A_357 : vector<16xi32>
        %bitcast3A_359 = vector.bitcast %shift_left3A_358 : vector<16xi32> to vector<16xf32>
        %add3A_360 = arith.addf %add3A_347, %bitcast3A_359 : vector<16xf32>
        %bitcast3A_361 = vector.bitcast %bitcast3A_355 : vector<16xi32> to vector<16xf32>
        %add3A_362 = arith.addf %add3A_360, %bitcast3A_361 : vector<16xf32>
        %get3A_363 = arith.index_cast %add3A_330 : i32 to index
        %get3A_364 = arith.constant 64 : index
        %get3A_365 = tpu.vector_load %arg9[%get3A_363, %get3A_364] {strides = array<i32>} : memref<80x128xbf16, #tpu.memory_space<vmem>>, vector<32xbf16>,
        %get3A_366 = arith.index_cast %add3A_330 : i32 to index
        %get3A_367 = arith.constant 64 : index
        %get3A_368 = tpu.vector_load %arg11[%get3A_366, %get3A_367] {strides = array<i32>} : memref<80x128xbf16, #tpu.memory_space<vmem>>, vector<32xbf16>,
        %mul3A_369 = arith.mulf %get3A_365, %get3A_368 : vector<32xbf16>
        %bitcast3A_370 = vector.bitcast %mul3A_369 : vector<32xbf16> to vector<16xi32>
        %shift_left3A_371 = arith.constant 16 : i32
        %shift_left3A_372 = vector.broadcast %shift_left3A_371 : i32 to vector<16xi32>
        %shift_left3A_373 = arith.shli %bitcast3A_370, %shift_left3A_372 : vector<16xi32>
        %bitcast3A_374 = vector.bitcast %shift_left3A_373 : vector<16xi32> to vector<16xf32>
        %add3A_375 = arith.addf %add3A_362, %bitcast3A_374 : vector<16xf32>
        %bitcast3A_376 = vector.bitcast %bitcast3A_370 : vector<16xi32> to vector<16xf32>
        %add3A_377 = arith.addf %add3A_375, %bitcast3A_376 : vector<16xf32>
        %get3A_378 = arith.index_cast %add3A_330 : i32 to index
        %get3A_379 = arith.constant 96 : index
        %get3A_380 = tpu.vector_load %arg9[%get3A_378, %get3A_379] {strides = array<i32>} : memref<80x128xbf16, #tpu.memory_space<vmem>>, vector<32xbf16>,
        %get3A_381 = arith.index_cast %add3A_330 : i32 to index
        %get3A_382 = arith.constant 96 : index
        %get3A_383 = tpu.vector_load %arg11[%get3A_381, %get3A_382] {strides = array<i32>} : memref<80x128xbf16, #tpu.memory_space<vmem>>, vector<32xbf16>,
        %mul3A_384 = arith.mulf %get3A_380, %get3A_383 : vector<32xbf16>
        %bitcast3A_385 = vector.bitcast %mul3A_384 : vector<32xbf16> to vector<16xi32>
        %shift_left3A_386 = arith.constant 16 : i32
        %shift_left3A_387 = vector.broadcast %shift_left3A_386 : i32 to vector<16xi32>
        %shift_left3A_388 = arith.shli %bitcast3A_385, %shift_left3A_387 : vector<16xi32>
        %bitcast3A_389 = vector.bitcast %shift_left3A_388 : vector<16xi32> to vector<16xf32>
        %add3A_390 = arith.addf %add3A_377, %bitcast3A_389 : vector<16xf32>
        %bitcast3A_391 = vector.bitcast %bitcast3A_385 : vector<16xi32> to vector<16xf32>
        %add3A_392 = arith.addf %add3A_390, %bitcast3A_391 : vector<16xf32>
        %eq3A_393 = arith.constant 3 : i32
        %eq3A_394 = vector.broadcast %eq3A_393 : i32 to vector<16xi32>
        %eq3A_395 = arith.cmpi eq, %iota3A, %eq3A_394 : vector<16xi32>
        %reduce_sum3A_396 = arith.constant true
        %reduce_sum3A_397 = vector.broadcast %reduce_sum3A_396 : i1 to vector<16xi1>
        %reduce_sum3A_398 = tpu.scan <sum>, %add3A_392 masked %reduce_sum3A_397 : vector<16xf32>, vector<16xi1> -> vector<16xf32>
        %reduce_sum3A_399 = vector.extract %reduce_sum3A_398[15] : f32 from vector<16xf32>
        %broadcast_in_dim3A_400 = vector.broadcast %reduce_sum3A_399 : f32 to vector<16xf32>
        %select_n3A_401 = arith.select %eq3A_395, %broadcast_in_dim3A_400, %select_n3A_326 : vector<16xi1>, vector<16xf32>
        %mul3A_402 = arith.constant 16 : i32
        %mul3A_403 = arith.muli %scan3A_106, %mul3A_402 : i32
        %add3A_404 = arith.constant 4 : i32
        %add3A_405 = arith.addi %mul3A_403, %add3A_404 : i32
        %broadcast_in_dim3A_406 = arith.constant 0.000000e+00 : f32
        %broadcast_in_dim3A_407 = vector.broadcast %broadcast_in_dim3A_406 : f32 to vector<16xf32>
        %get3A_408 = arith.index_cast %add3A_405 : i32 to index
        %get3A_409 = arith.constant 0 : index
        %get3A_410 = tpu.vector_load %arg9[%get3A_408, %get3A_409] {strides = array<i32>} : memref<80x128xbf16, #tpu.memory_space<vmem>>, vector<32xbf16>,
        %get3A_411 = arith.index_cast %add3A_405 : i32 to index
        %get3A_412 = arith.constant 0 : index
        %get3A_413 = tpu.vector_load %arg11[%get3A_411, %get3A_412] {strides = array<i32>} : memref<80x128xbf16, #tpu.memory_space<vmem>>, vector<32xbf16>,
        %mul3A_414 = arith.mulf %get3A_410, %get3A_413 : vector<32xbf16>
        %bitcast3A_415 = vector.bitcast %mul3A_414 : vector<32xbf16> to vector<16xi32>
        %shift_left3A_416 = arith.constant 16 : i32
        %shift_left3A_417 = vector.broadcast %shift_left3A_416 : i32 to vector<16xi32>
        %shift_left3A_418 = arith.shli %bitcast3A_415, %shift_left3A_417 : vector<16xi32>
        %bitcast3A_419 = vector.bitcast %shift_left3A_418 : vector<16xi32> to vector<16xf32>
        %add3A_420 = arith.addf %broadcast_in_dim3A_407, %bitcast3A_419 : vector<16xf32>
        %bitcast3A_421 = vector.bitcast %bitcast3A_415 : vector<16xi32> to vector<16xf32>
        %add3A_422 = arith.addf %add3A_420, %bitcast3A_421 : vector<16xf32>
        %get3A_423 = arith.index_cast %add3A_405 : i32 to index
        %get3A_424 = arith.constant 32 : index
        %get3A_425 = tpu.vector_load %arg9[%get3A_423, %get3A_424] {strides = array<i32>} : memref<80x128xbf16, #tpu.memory_space<vmem>>, vector<32xbf16>,
        %get3A_426 = arith.index_cast %add3A_405 : i32 to index
        %get3A_427 = arith.constant 32 : index
        %get3A_428 = tpu.vector_load %arg11[%get3A_426, %get3A_427] {strides = array<i32>} : memref<80x128xbf16, #tpu.memory_space<vmem>>, vector<32xbf16>,
        %mul3A_429 = arith.mulf %get3A_425, %get3A_428 : vector<32xbf16>
        %bitcast3A_430 = vector.bitcast %mul3A_429 : vector<32xbf16> to vector<16xi32>
        %shift_left3A_431 = arith.constant 16 : i32
        %shift_left3A_432 = vector.broadcast %shift_left3A_431 : i32 to vector<16xi32>
        %shift_left3A_433 = arith.shli %bitcast3A_430, %shift_left3A_432 : vector<16xi32>
        %bitcast3A_434 = vector.bitcast %shift_left3A_433 : vector<16xi32> to vector<16xf32>
        %add3A_435 = arith.addf %add3A_422, %bitcast3A_434 : vector<16xf32>
        %bitcast3A_436 = vector.bitcast %bitcast3A_430 : vector<16xi32> to vector<16xf32>
        %add3A_437 = arith.addf %add3A_435, %bitcast3A_436 : vector<16xf32>
        %get3A_438 = arith.index_cast %add3A_405 : i32 to index
        %get3A_439 = arith.constant 64 : index
        %get3A_440 = tpu.vector_load %arg9[%get3A_438, %get3A_439] {strides = array<i32>} : memref<80x128xbf16, #tpu.memory_space<vmem>>, vector<32xbf16>,
        %get3A_441 = arith.index_cast %add3A_405 : i32 to index
        %get3A_442 = arith.constant 64 : index
        %get3A_443 = tpu.vector_load %arg11[%get3A_441, %get3A_442] {strides = array<i32>} : memref<80x128xbf16, #tpu.memory_space<vmem>>, vector<32xbf16>,
        %mul3A_444 = arith.mulf %get3A_440, %get3A_443 : vector<32xbf16>
        %bitcast3A_445 = vector.bitcast %mul3A_444 : vector<32xbf16> to vector<16xi32>
        %shift_left3A_446 = arith.constant 16 : i32
        %shift_left3A_447 = vector.broadcast %shift_left3A_446 : i32 to vector<16xi32>
        %shift_left3A_448 = arith.shli %bitcast3A_445, %shift_left3A_447 : vector<16xi32>
        %bitcast3A_449 = vector.bitcast %shift_left3A_448 : vector<16xi32> to vector<16xf32>
        %add3A_450 = arith.addf %add3A_437, %bitcast3A_449 : vector<16xf32>
        %bitcast3A_451 = vector.bitcast %bitcast3A_445 : vector<16xi32> to vector<16xf32>
        %add3A_452 = arith.addf %add3A_450, %bitcast3A_451 : vector<16xf32>
        %get3A_453 = arith.index_cast %add3A_405 : i32 to index
        %get3A_454 = arith.constant 96 : index
        %get3A_455 = tpu.vector_load %arg9[%get3A_453, %get3A_454] {strides = array<i32>} : memref<80x128xbf16, #tpu.memory_space<vmem>>, vector<32xbf16>,
        %get3A_456 = arith.index_cast %add3A_405 : i32 to index
        %get3A_457 = arith.constant 96 : index
        %get3A_458 = tpu.vector_load %arg11[%get3A_456, %get3A_457] {strides = array<i32>} : memref<80x128xbf16, #tpu.memory_space<vmem>>, vector<32xbf16>,
        %mul3A_459 = arith.mulf %get3A_455, %get3A_458 : vector<32xbf16>
        %bitcast3A_460 = vector.bitcast %mul3A_459 : vector<32xbf16> to vector<16xi32>
        %shift_left3A_461 = arith.constant 16 : i32
        %shift_left3A_462 = vector.broadcast %shift_left3A_461 : i32 to vector<16xi32>
        %shift_left3A_463 = arith.shli %bitcast3A_460, %shift_left3A_462 : vector<16xi32>
        %bitcast3A_464 = vector.bitcast %shift_left3A_463 : vector<16xi32> to vector<16xf32>
        %add3A_465 = arith.addf %add3A_452, %bitcast3A_464 : vector<16xf32>
        %bitcast3A_466 = vector.bitcast %bitcast3A_460 : vector<16xi32> to vector<16xf32>
        %add3A_467 = arith.addf %add3A_465, %bitcast3A_466 : vector<16xf32>
        %eq3A_468 = arith.constant 4 : i32
        %eq3A_469 = vector.broadcast %eq3A_468 : i32 to vector<16xi32>
        %eq3A_470 = arith.cmpi eq, %iota3A, %eq3A_469 : vector<16xi32>
        %reduce_sum3A_471 = arith.constant true
        %reduce_sum3A_472 = vector.broadcast %reduce_sum3A_471 : i1 to vector<16xi1>
        %reduce_sum3A_473 = tpu.scan <sum>, %add3A_467 masked %reduce_sum3A_472 : vector<16xf32>, vector<16xi1> -> vector<16xf32>
        %reduce_sum3A_474 = vector.extract %reduce_sum3A_473[15] : f32 from vector<16xf32>
        %broadcast_in_dim3A_475 = vector.broadcast %reduce_sum3A_474 : f32 to vector<16xf32>
        %select_n3A_476 = arith.select %eq3A_470, %broadcast_in_dim3A_475, %select_n3A_401 : vector<16xi1>, vector<16xf32>
        %mul3A_477 = arith.constant 16 : i32
        %mul3A_478 = arith.muli %scan3A_106, %mul3A_477 : i32
        %add3A_479 = arith.constant 5 : i32
        %add3A_480 = arith.addi %mul3A_478, %add3A_479 : i32
        %broadcast_in_dim3A_481 = arith.constant 0.000000e+00 : f32
        %broadcast_in_dim3A_482 = vector.broadcast %broadcast_in_dim3A_481 : f32 to vector<16xf32>
        %get3A_483 = arith.index_cast %add3A_480 : i32 to index
        %get3A_484 = arith.constant 0 : index
        %get3A_485 = tpu.vector_load %arg9[%get3A_483, %get3A_484] {strides = array<i32>} : memref<80x128xbf16, #tpu.memory_space<vmem>>, vector<32xbf16>,
        %get3A_486 = arith.index_cast %add3A_480 : i32 to index
        %get3A_487 = arith.constant 0 : index
        %get3A_488 = tpu.vector_load %arg11[%get3A_486, %get3A_487] {strides = array<i32>} : memref<80x128xbf16, #tpu.memory_space<vmem>>, vector<32xbf16>,
        %mul3A_489 = arith.mulf %get3A_485, %get3A_488 : vector<32xbf16>
        %bitcast3A_490 = vector.bitcast %mul3A_489 : vector<32xbf16> to vector<16xi32>
        %shift_left3A_491 = arith.constant 16 : i32
        %shift_left3A_492 = vector.broadcast %shift_left3A_491 : i32 to vector<16xi32>
        %shift_left3A_493 = arith.shli %bitcast3A_490, %shift_left3A_492 : vector<16xi32>
        %bitcast3A_494 = vector.bitcast %shift_left3A_493 : vector<16xi32> to vector<16xf32>
        %add3A_495 = arith.addf %broadcast_in_dim3A_482, %bitcast3A_494 : vector<16xf32>
        %bitcast3A_496 = vector.bitcast %bitcast3A_490 : vector<16xi32> to vector<16xf32>
        %add3A_497 = arith.addf %add3A_495, %bitcast3A_496 : vector<16xf32>
        %get3A_498 = arith.index_cast %add3A_480 : i32 to index
        %get3A_499 = arith.constant 32 : index
        %get3A_500 = tpu.vector_load %arg9[%get3A_498, %get3A_499] {strides = array<i32>} : memref<80x128xbf16, #tpu.memory_space<vmem>>, vector<32xbf16>,
        %get3A_501 = arith.index_cast %add3A_480 : i32 to index
        %get3A_502 = arith.constant 32 : index
        %get3A_503 = tpu.vector_load %arg11[%get3A_501, %get3A_502] {strides = array<i32>} : memref<80x128xbf16, #tpu.memory_space<vmem>>, vector<32xbf16>,
        %mul3A_504 = arith.mulf %get3A_500, %get3A_503 : vector<32xbf16>
        %bitcast3A_505 = vector.bitcast %mul3A_504 : vector<32xbf16> to vector<16xi32>
        %shift_left3A_506 = arith.constant 16 : i32
        %shift_left3A_507 = vector.broadcast %shift_left3A_506 : i32 to vector<16xi32>
        %shift_left3A_508 = arith.shli %bitcast3A_505, %shift_left3A_507 : vector<16xi32>
        %bitcast3A_509 = vector.bitcast %shift_left3A_508 : vector<16xi32> to vector<16xf32>
        %add3A_510 = arith.addf %add3A_497, %bitcast3A_509 : vector<16xf32>
        %bitcast3A_511 = vector.bitcast %bitcast3A_505 : vector<16xi32> to vector<16xf32>
        %add3A_512 = arith.addf %add3A_510, %bitcast3A_511 : vector<16xf32>
        %get3A_513 = arith.index_cast %add3A_480 : i32 to index
        %get3A_514 = arith.constant 64 : index
        %get3A_515 = tpu.vector_load %arg9[%get3A_513, %get3A_514] {strides = array<i32>} : memref<80x128xbf16, #tpu.memory_space<vmem>>, vector<32xbf16>,
        %get3A_516 = arith.index_cast %add3A_480 : i32 to index
        %get3A_517 = arith.constant 64 : index
        %get3A_518 = tpu.vector_load %arg11[%get3A_516, %get3A_517] {strides = array<i32>} : memref<80x128xbf16, #tpu.memory_space<vmem>>, vector<32xbf16>,
        %mul3A_519 = arith.mulf %get3A_515, %get3A_518 : vector<32xbf16>
        %bitcast3A_520 = vector.bitcast %mul3A_519 : vector<32xbf16> to vector<16xi32>
        %shift_left3A_521 = arith.constant 16 : i32
        %shift_left3A_522 = vector.broadcast %shift_left3A_521 : i32 to vector<16xi32>
        %shift_left3A_523 = arith.shli %bitcast3A_520, %shift_left3A_522 : vector<16xi32>
        %bitcast3A_524 = vector.bitcast %shift_left3A_523 : vector<16xi32> to vector<16xf32>
        %add3A_525 = arith.addf %add3A_512, %bitcast3A_524 : vector<16xf32>
        %bitcast3A_526 = vector.bitcast %bitcast3A_520 : vector<16xi32> to vector<16xf32>
        %add3A_527 = arith.addf %add3A_525, %bitcast3A_526 : vector<16xf32>
        %get3A_528 = arith.index_cast %add3A_480 : i32 to index
        %get3A_529 = arith.constant 96 : index
        %get3A_530 = tpu.vector_load %arg9[%get3A_528, %get3A_529] {strides = array<i32>} : memref<80x128xbf16, #tpu.memory_space<vmem>>, vector<32xbf16>,
        %get3A_531 = arith.index_cast %add3A_480 : i32 to index
        %get3A_532 = arith.constant 96 : index
        %get3A_533 = tpu.vector_load %arg11[%get3A_531, %get3A_532] {strides = array<i32>} : memref<80x128xbf16, #tpu.memory_space<vmem>>, vector<32xbf16>,
        %mul3A_534 = arith.mulf %get3A_530, %get3A_533 : vector<32xbf16>
        %bitcast3A_535 = vector.bitcast %mul3A_534 : vector<32xbf16> to vector<16xi32>
        %shift_left3A_536 = arith.constant 16 : i32
        %shift_left3A_537 = vector.broadcast %shift_left3A_536 : i32 to vector<16xi32>
        %shift_left3A_538 = arith.shli %bitcast3A_535, %shift_left3A_537 : vector<16xi32>
        %bitcast3A_539 = vector.bitcast %shift_left3A_538 : vector<16xi32> to vector<16xf32>
        %add3A_540 = arith.addf %add3A_527, %bitcast3A_539 : vector<16xf32>
        %bitcast3A_541 = vector.bitcast %bitcast3A_535 : vector<16xi32> to vector<16xf32>
        %add3A_542 = arith.addf %add3A_540, %bitcast3A_541 : vector<16xf32>
        %eq3A_543 = arith.constant 5 : i32
        %eq3A_544 = vector.broadcast %eq3A_543 : i32 to vector<16xi32>
        %eq3A_545 = arith.cmpi eq, %iota3A, %eq3A_544 : vector<16xi32>
        %reduce_sum3A_546 = arith.constant true
        %reduce_sum3A_547 = vector.broadcast %reduce_sum3A_546 : i1 to vector<16xi1>
        %reduce_sum3A_548 = tpu.scan <sum>, %add3A_542 masked %reduce_sum3A_547 : vector<16xf32>, vector<16xi1> -> vector<16xf32>
        %reduce_sum3A_549 = vector.extract %reduce_sum3A_548[15] : f32 from vector<16xf32>
        %broadcast_in_dim3A_550 = vector.broadcast %reduce_sum3A_549 : f32 to vector<16xf32>
        %select_n3A_551 = arith.select %eq3A_545, %broadcast_in_dim3A_550, %select_n3A_476 : vector<16xi1>, vector<16xf32>
        %mul3A_552 = arith.constant 16 : i32
        %mul3A_553 = arith.muli %scan3A_106, %mul3A_552 : i32
        %add3A_554 = arith.constant 6 : i32
        %add3A_555 = arith.addi %mul3A_553, %add3A_554 : i32
        %broadcast_in_dim3A_556 = arith.constant 0.000000e+00 : f32
        %broadcast_in_dim3A_557 = vector.broadcast %broadcast_in_dim3A_556 : f32 to vector<16xf32>
        %get3A_558 = arith.index_cast %add3A_555 : i32 to index
        %get3A_559 = arith.constant 0 : index
        %get3A_560 = tpu.vector_load %arg9[%get3A_558, %get3A_559] {strides = array<i32>} : memref<80x128xbf16, #tpu.memory_space<vmem>>, vector<32xbf16>,
        %get3A_561 = arith.index_cast %add3A_555 : i32 to index
        %get3A_562 = arith.constant 0 : index
        %get3A_563 = tpu.vector_load %arg11[%get3A_561, %get3A_562] {strides = array<i32>} : memref<80x128xbf16, #tpu.memory_space<vmem>>, vector<32xbf16>,
        %mul3A_564 = arith.mulf %get3A_560, %get3A_563 : vector<32xbf16>
        %bitcast3A_565 = vector.bitcast %mul3A_564 : vector<32xbf16> to vector<16xi32>
        %shift_left3A_566 = arith.constant 16 : i32
        %shift_left3A_567 = vector.broadcast %shift_left3A_566 : i32 to vector<16xi32>
        %shift_left3A_568 = arith.shli %bitcast3A_565, %shift_left3A_567 : vector<16xi32>
        %bitcast3A_569 = vector.bitcast %shift_left3A_568 : vector<16xi32> to vector<16xf32>
        %add3A_570 = arith.addf %broadcast_in_dim3A_557, %bitcast3A_569 : vector<16xf32>
        %bitcast3A_571 = vector.bitcast %bitcast3A_565 : vector<16xi32> to vector<16xf32>
        %add3A_572 = arith.addf %add3A_570, %bitcast3A_571 : vector<16xf32>
        %get3A_573 = arith.index_cast %add3A_555 : i32 to index
        %get3A_574 = arith.constant 32 : index
        %get3A_575 = tpu.vector_load %arg9[%get3A_573, %get3A_574] {strides = array<i32>} : memref<80x128xbf16, #tpu.memory_space<vmem>>, vector<32xbf16>,
        %get3A_576 = arith.index_cast %add3A_555 : i32 to index
        %get3A_577 = arith.constant 32 : index
        %get3A_578 = tpu.vector_load %arg11[%get3A_576, %get3A_577] {strides = array<i32>} : memref<80x128xbf16, #tpu.memory_space<vmem>>, vector<32xbf16>,
        %mul3A_579 = arith.mulf %get3A_575, %get3A_578 : vector<32xbf16>
        %bitcast3A_580 = vector.bitcast %mul3A_579 : vector<32xbf16> to vector<16xi32>
        %shift_left3A_581 = arith.constant 16 : i32
        %shift_left3A_582 = vector.broadcast %shift_left3A_581 : i32 to vector<16xi32>
        %shift_left3A_583 = arith.shli %bitcast3A_580, %shift_left3A_582 : vector<16xi32>
        %bitcast3A_584 = vector.bitcast %shift_left3A_583 : vector<16xi32> to vector<16xf32>
        %add3A_585 = arith.addf %add3A_572, %bitcast3A_584 : vector<16xf32>
        %bitcast3A_586 = vector.bitcast %bitcast3A_580 : vector<16xi32> to vector<16xf32>
        %add3A_587 = arith.addf %add3A_585, %bitcast3A_586 : vector<16xf32>
        %get3A_588 = arith.index_cast %add3A_555 : i32 to index
        %get3A_589 = arith.constant 64 : index
        %get3A_590 = tpu.vector_load %arg9[%get3A_588, %get3A_589] {strides = array<i32>} : memref<80x128xbf16, #tpu.memory_space<vmem>>, vector<32xbf16>,
        %get3A_591 = arith.index_cast %add3A_555 : i32 to index
        %get3A_592 = arith.constant 64 : index
        %get3A_593 = tpu.vector_load %arg11[%get3A_591, %get3A_592] {strides = array<i32>} : memref<80x128xbf16, #tpu.memory_space<vmem>>, vector<32xbf16>,
        %mul3A_594 = arith.mulf %get3A_590, %get3A_593 : vector<32xbf16>
        %bitcast3A_595 = vector.bitcast %mul3A_594 : vector<32xbf16> to vector<16xi32>
        %shift_left3A_596 = arith.constant 16 : i32
        %shift_left3A_597 = vector.broadcast %shift_left3A_596 : i32 to vector<16xi32>
        %shift_left3A_598 = arith.shli %bitcast3A_595, %shift_left3A_597 : vector<16xi32>
        %bitcast3A_599 = vector.bitcast %shift_left3A_598 : vector<16xi32> to vector<16xf32>
        %add3A_600 = arith.addf %add3A_587, %bitcast3A_599 : vector<16xf32>
        %bitcast3A_601 = vector.bitcast %bitcast3A_595 : vector<16xi32> to vector<16xf32>
        %add3A_602 = arith.addf %add3A_600, %bitcast3A_601 : vector<16xf32>
        %get3A_603 = arith.index_cast %add3A_555 : i32 to index
        %get3A_604 = arith.constant 96 : index
        %get3A_605 = tpu.vector_load %arg9[%get3A_603, %get3A_604] {strides = array<i32>} : memref<80x128xbf16, #tpu.memory_space<vmem>>, vector<32xbf16>,
        %get3A_606 = arith.index_cast %add3A_555 : i32 to index
        %get3A_607 = arith.constant 96 : index
        %get3A_608 = tpu.vector_load %arg11[%get3A_606, %get3A_607] {strides = array<i32>} : memref<80x128xbf16, #tpu.memory_space<vmem>>, vector<32xbf16>,
        %mul3A_609 = arith.mulf %get3A_605, %get3A_608 : vector<32xbf16>
        %bitcast3A_610 = vector.bitcast %mul3A_609 : vector<32xbf16> to vector<16xi32>
        %shift_left3A_611 = arith.constant 16 : i32
        %shift_left3A_612 = vector.broadcast %shift_left3A_611 : i32 to vector<16xi32>
        %shift_left3A_613 = arith.shli %bitcast3A_610, %shift_left3A_612 : vector<16xi32>
        %bitcast3A_614 = vector.bitcast %shift_left3A_613 : vector<16xi32> to vector<16xf32>
        %add3A_615 = arith.addf %add3A_602, %bitcast3A_614 : vector<16xf32>
        %bitcast3A_616 = vector.bitcast %bitcast3A_610 : vector<16xi32> to vector<16xf32>
        %add3A_617 = arith.addf %add3A_615, %bitcast3A_616 : vector<16xf32>
        %eq3A_618 = arith.constant 6 : i32
        %eq3A_619 = vector.broadcast %eq3A_618 : i32 to vector<16xi32>
        %eq3A_620 = arith.cmpi eq, %iota3A, %eq3A_619 : vector<16xi32>
        %reduce_sum3A_621 = arith.constant true
        %reduce_sum3A_622 = vector.broadcast %reduce_sum3A_621 : i1 to vector<16xi1>
        %reduce_sum3A_623 = tpu.scan <sum>, %add3A_617 masked %reduce_sum3A_622 : vector<16xf32>, vector<16xi1> -> vector<16xf32>
        %reduce_sum3A_624 = vector.extract %reduce_sum3A_623[15] : f32 from vector<16xf32>
        %broadcast_in_dim3A_625 = vector.broadcast %reduce_sum3A_624 : f32 to vector<16xf32>
        %select_n3A_626 = arith.select %eq3A_620, %broadcast_in_dim3A_625, %select_n3A_551 : vector<16xi1>, vector<16xf32>
        %mul3A_627 = arith.constant 16 : i32
        %mul3A_628 = arith.muli %scan3A_106, %mul3A_627 : i32
        %add3A_629 = arith.constant 7 : i32
        %add3A_630 = arith.addi %mul3A_628, %add3A_629 : i32
        %broadcast_in_dim3A_631 = arith.constant 0.000000e+00 : f32
        %broadcast_in_dim3A_632 = vector.broadcast %broadcast_in_dim3A_631 : f32 to vector<16xf32>
        %get3A_633 = arith.index_cast %add3A_630 : i32 to index
        %get3A_634 = arith.constant 0 : index
        %get3A_635 = tpu.vector_load %arg9[%get3A_633, %get3A_634] {strides = array<i32>} : memref<80x128xbf16, #tpu.memory_space<vmem>>, vector<32xbf16>,
        %get3A_636 = arith.index_cast %add3A_630 : i32 to index
        %get3A_637 = arith.constant 0 : index
        %get3A_638 = tpu.vector_load %arg11[%get3A_636, %get3A_637] {strides = array<i32>} : memref<80x128xbf16, #tpu.memory_space<vmem>>, vector<32xbf16>,
        %mul3A_639 = arith.mulf %get3A_635, %get3A_638 : vector<32xbf16>
        %bitcast3A_640 = vector.bitcast %mul3A_639 : vector<32xbf16> to vector<16xi32>
        %shift_left3A_641 = arith.constant 16 : i32
        %shift_left3A_642 = vector.broadcast %shift_left3A_641 : i32 to vector<16xi32>
        %shift_left3A_643 = arith.shli %bitcast3A_640, %shift_left3A_642 : vector<16xi32>
        %bitcast3A_644 = vector.bitcast %shift_left3A_643 : vector<16xi32> to vector<16xf32>
        %add3A_645 = arith.addf %broadcast_in_dim3A_632, %bitcast3A_644 : vector<16xf32>
        %bitcast3A_646 = vector.bitcast %bitcast3A_640 : vector<16xi32> to vector<16xf32>
        %add3A_647 = arith.addf %add3A_645, %bitcast3A_646 : vector<16xf32>
        %get3A_648 = arith.index_cast %add3A_630 : i32 to index
        %get3A_649 = arith.constant 32 : index
        %get3A_650 = tpu.vector_load %arg9[%get3A_648, %get3A_649] {strides = array<i32>} : memref<80x128xbf16, #tpu.memory_space<vmem>>, vector<32xbf16>,
        %get3A_651 = arith.index_cast %add3A_630 : i32 to index
        %get3A_652 = arith.constant 32 : index
        %get3A_653 = tpu.vector_load %arg11[%get3A_651, %get3A_652] {strides = array<i32>} : memref<80x128xbf16, #tpu.memory_space<vmem>>, vector<32xbf16>,
        %mul3A_654 = arith.mulf %get3A_650, %get3A_653 : vector<32xbf16>
        %bitcast3A_655 = vector.bitcast %mul3A_654 : vector<32xbf16> to vector<16xi32>
        %shift_left3A_656 = arith.constant 16 : i32
        %shift_left3A_657 = vector.broadcast %shift_left3A_656 : i32 to vector<16xi32>
        %shift_left3A_658 = arith.shli %bitcast3A_655, %shift_left3A_657 : vector<16xi32>
        %bitcast3A_659 = vector.bitcast %shift_left3A_658 : vector<16xi32> to vector<16xf32>
        %add3A_660 = arith.addf %add3A_647, %bitcast3A_659 : vector<16xf32>
        %bitcast3A_661 = vector.bitcast %bitcast3A_655 : vector<16xi32> to vector<16xf32>
        %add3A_662 = arith.addf %add3A_660, %bitcast3A_661 : vector<16xf32>
        %get3A_663 = arith.index_cast %add3A_630 : i32 to index
        %get3A_664 = arith.constant 64 : index
        %get3A_665 = tpu.vector_load %arg9[%get3A_663, %get3A_664] {strides = array<i32>} : memref<80x128xbf16, #tpu.memory_space<vmem>>, vector<32xbf16>,
        %get3A_666 = arith.index_cast %add3A_630 : i32 to index
        %get3A_667 = arith.constant 64 : index
        %get3A_668 = tpu.vector_load %arg11[%get3A_666, %get3A_667] {strides = array<i32>} : memref<80x128xbf16, #tpu.memory_space<vmem>>, vector<32xbf16>,
        %mul3A_669 = arith.mulf %get3A_665, %get3A_668 : vector<32xbf16>
        %bitcast3A_670 = vector.bitcast %mul3A_669 : vector<32xbf16> to vector<16xi32>
        %shift_left3A_671 = arith.constant 16 : i32
        %shift_left3A_672 = vector.broadcast %shift_left3A_671 : i32 to vector<16xi32>
        %shift_left3A_673 = arith.shli %bitcast3A_670, %shift_left3A_672 : vector<16xi32>
        %bitcast3A_674 = vector.bitcast %shift_left3A_673 : vector<16xi32> to vector<16xf32>
        %add3A_675 = arith.addf %add3A_662, %bitcast3A_674 : vector<16xf32>
        %bitcast3A_676 = vector.bitcast %bitcast3A_670 : vector<16xi32> to vector<16xf32>
        %add3A_677 = arith.addf %add3A_675, %bitcast3A_676 : vector<16xf32>
        %get3A_678 = arith.index_cast %add3A_630 : i32 to index
        %get3A_679 = arith.constant 96 : index
        %get3A_680 = tpu.vector_load %arg9[%get3A_678, %get3A_679] {strides = array<i32>} : memref<80x128xbf16, #tpu.memory_space<vmem>>, vector<32xbf16>,
        %get3A_681 = arith.index_cast %add3A_630 : i32 to index
        %get3A_682 = arith.constant 96 : index
        %get3A_683 = tpu.vector_load %arg11[%get3A_681, %get3A_682] {strides = array<i32>} : memref<80x128xbf16, #tpu.memory_space<vmem>>, vector<32xbf16>,
        %mul3A_684 = arith.mulf %get3A_680, %get3A_683 : vector<32xbf16>
        %bitcast3A_685 = vector.bitcast %mul3A_684 : vector<32xbf16> to vector<16xi32>
        %shift_left3A_686 = arith.constant 16 : i32
        %shift_left3A_687 = vector.broadcast %shift_left3A_686 : i32 to vector<16xi32>
        %shift_left3A_688 = arith.shli %bitcast3A_685, %shift_left3A_687 : vector<16xi32>
        %bitcast3A_689 = vector.bitcast %shift_left3A_688 : vector<16xi32> to vector<16xf32>
        %add3A_690 = arith.addf %add3A_677, %bitcast3A_689 : vector<16xf32>
        %bitcast3A_691 = vector.bitcast %bitcast3A_685 : vector<16xi32> to vector<16xf32>
        %add3A_692 = arith.addf %add3A_690, %bitcast3A_691 : vector<16xf32>
        %eq3A_693 = arith.constant 7 : i32
        %eq3A_694 = vector.broadcast %eq3A_693 : i32 to vector<16xi32>
        %eq3A_695 = arith.cmpi eq, %iota3A, %eq3A_694 : vector<16xi32>
        %reduce_sum3A_696 = arith.constant true
        %reduce_sum3A_697 = vector.broadcast %reduce_sum3A_696 : i1 to vector<16xi1>
        %reduce_sum3A_698 = tpu.scan <sum>, %add3A_692 masked %reduce_sum3A_697 : vector<16xf32>, vector<16xi1> -> vector<16xf32>
        %reduce_sum3A_699 = vector.extract %reduce_sum3A_698[15] : f32 from vector<16xf32>
        %broadcast_in_dim3A_700 = vector.broadcast %reduce_sum3A_699 : f32 to vector<16xf32>
        %select_n3A_701 = arith.select %eq3A_695, %broadcast_in_dim3A_700, %select_n3A_626 : vector<16xi1>, vector<16xf32>
        %mul3A_702 = arith.constant 16 : i32
        %mul3A_703 = arith.muli %scan3A_106, %mul3A_702 : i32
        %add3A_704 = arith.constant 8 : i32
        %add3A_705 = arith.addi %mul3A_703, %add3A_704 : i32
        %broadcast_in_dim3A_706 = arith.constant 0.000000e+00 : f32
        %broadcast_in_dim3A_707 = vector.broadcast %broadcast_in_dim3A_706 : f32 to vector<16xf32>
        %get3A_708 = arith.index_cast %add3A_705 : i32 to index
        %get3A_709 = arith.constant 0 : index
        %get3A_710 = tpu.vector_load %arg9[%get3A_708, %get3A_709] {strides = array<i32>} : memref<80x128xbf16, #tpu.memory_space<vmem>>, vector<32xbf16>,
        %get3A_711 = arith.index_cast %add3A_705 : i32 to index
        %get3A_712 = arith.constant 0 : index
        %get3A_713 = tpu.vector_load %arg11[%get3A_711, %get3A_712] {strides = array<i32>} : memref<80x128xbf16, #tpu.memory_space<vmem>>, vector<32xbf16>,
        %mul3A_714 = arith.mulf %get3A_710, %get3A_713 : vector<32xbf16>
        %bitcast3A_715 = vector.bitcast %mul3A_714 : vector<32xbf16> to vector<16xi32>
        %shift_left3A_716 = arith.constant 16 : i32
        %shift_left3A_717 = vector.broadcast %shift_left3A_716 : i32 to vector<16xi32>
        %shift_left3A_718 = arith.shli %bitcast3A_715, %shift_left3A_717 : vector<16xi32>
        %bitcast3A_719 = vector.bitcast %shift_left3A_718 : vector<16xi32> to vector<16xf32>
        %add3A_720 = arith.addf %broadcast_in_dim3A_707, %bitcast3A_719 : vector<16xf32>
        %bitcast3A_721 = vector.bitcast %bitcast3A_715 : vector<16xi32> to vector<16xf32>
        %add3A_722 = arith.addf %add3A_720, %bitcast3A_721 : vector<16xf32>
        %get3A_723 = arith.index_cast %add3A_705 : i32 to index
        %get3A_724 = arith.constant 32 : index
        %get3A_725 = tpu.vector_load %arg9[%get3A_723, %get3A_724] {strides = array<i32>} : memref<80x128xbf16, #tpu.memory_space<vmem>>, vector<32xbf16>,
        %get3A_726 = arith.index_cast %add3A_705 : i32 to index
        %get3A_727 = arith.constant 32 : index
        %get3A_728 = tpu.vector_load %arg11[%get3A_726, %get3A_727] {strides = array<i32>} : memref<80x128xbf16, #tpu.memory_space<vmem>>, vector<32xbf16>,
        %mul3A_729 = arith.mulf %get3A_725, %get3A_728 : vector<32xbf16>
        %bitcast3A_730 = vector.bitcast %mul3A_729 : vector<32xbf16> to vector<16xi32>
        %shift_left3A_731 = arith.constant 16 : i32
        %shift_left3A_732 = vector.broadcast %shift_left3A_731 : i32 to vector<16xi32>
        %shift_left3A_733 = arith.shli %bitcast3A_730, %shift_left3A_732 : vector<16xi32>
        %bitcast3A_734 = vector.bitcast %shift_left3A_733 : vector<16xi32> to vector<16xf32>
        %add3A_735 = arith.addf %add3A_722, %bitcast3A_734 : vector<16xf32>
        %bitcast3A_736 = vector.bitcast %bitcast3A_730 : vector<16xi32> to vector<16xf32>
        %add3A_737 = arith.addf %add3A_735, %bitcast3A_736 : vector<16xf32>
        %get3A_738 = arith.index_cast %add3A_705 : i32 to index
        %get3A_739 = arith.constant 64 : index
        %get3A_740 = tpu.vector_load %arg9[%get3A_738, %get3A_739] {strides = array<i32>} : memref<80x128xbf16, #tpu.memory_space<vmem>>, vector<32xbf16>,
        %get3A_741 = arith.index_cast %add3A_705 : i32 to index
        %get3A_742 = arith.constant 64 : index
        %get3A_743 = tpu.vector_load %arg11[%get3A_741, %get3A_742] {strides = array<i32>} : memref<80x128xbf16, #tpu.memory_space<vmem>>, vector<32xbf16>,
        %mul3A_744 = arith.mulf %get3A_740, %get3A_743 : vector<32xbf16>
        %bitcast3A_745 = vector.bitcast %mul3A_744 : vector<32xbf16> to vector<16xi32>
        %shift_left3A_746 = arith.constant 16 : i32
        %shift_left3A_747 = vector.broadcast %shift_left3A_746 : i32 to vector<16xi32>
        %shift_left3A_748 = arith.shli %bitcast3A_745, %shift_left3A_747 : vector<16xi32>
        %bitcast3A_749 = vector.bitcast %shift_left3A_748 : vector<16xi32> to vector<16xf32>
        %add3A_750 = arith.addf %add3A_737, %bitcast3A_749 : vector<16xf32>
        %bitcast3A_751 = vector.bitcast %bitcast3A_745 : vector<16xi32> to vector<16xf32>
        %add3A_752 = arith.addf %add3A_750, %bitcast3A_751 : vector<16xf32>
        %get3A_753 = arith.index_cast %add3A_705 : i32 to index
        %get3A_754 = arith.constant 96 : index
        %get3A_755 = tpu.vector_load %arg9[%get3A_753, %get3A_754] {strides = array<i32>} : memref<80x128xbf16, #tpu.memory_space<vmem>>, vector<32xbf16>,
        %get3A_756 = arith.index_cast %add3A_705 : i32 to index
        %get3A_757 = arith.constant 96 : index
        %get3A_758 = tpu.vector_load %arg11[%get3A_756, %get3A_757] {strides = array<i32>} : memref<80x128xbf16, #tpu.memory_space<vmem>>, vector<32xbf16>,
        %mul3A_759 = arith.mulf %get3A_755, %get3A_758 : vector<32xbf16>
        %bitcast3A_760 = vector.bitcast %mul3A_759 : vector<32xbf16> to vector<16xi32>
        %shift_left3A_761 = arith.constant 16 : i32
        %shift_left3A_762 = vector.broadcast %shift_left3A_761 : i32 to vector<16xi32>
        %shift_left3A_763 = arith.shli %bitcast3A_760, %shift_left3A_762 : vector<16xi32>
        %bitcast3A_764 = vector.bitcast %shift_left3A_763 : vector<16xi32> to vector<16xf32>
        %add3A_765 = arith.addf %add3A_752, %bitcast3A_764 : vector<16xf32>
        %bitcast3A_766 = vector.bitcast %bitcast3A_760 : vector<16xi32> to vector<16xf32>
        %add3A_767 = arith.addf %add3A_765, %bitcast3A_766 : vector<16xf32>
        %eq3A_768 = arith.constant 8 : i32
        %eq3A_769 = vector.broadcast %eq3A_768 : i32 to vector<16xi32>
        %eq3A_770 = arith.cmpi eq, %iota3A, %eq3A_769 : vector<16xi32>
        %reduce_sum3A_771 = arith.constant true
        %reduce_sum3A_772 = vector.broadcast %reduce_sum3A_771 : i1 to vector<16xi1>
        %reduce_sum3A_773 = tpu.scan <sum>, %add3A_767 masked %reduce_sum3A_772 : vector<16xf32>, vector<16xi1> -> vector<16xf32>
        %reduce_sum3A_774 = vector.extract %reduce_sum3A_773[15] : f32 from vector<16xf32>
        %broadcast_in_dim3A_775 = vector.broadcast %reduce_sum3A_774 : f32 to vector<16xf32>
        %select_n3A_776 = arith.select %eq3A_770, %broadcast_in_dim3A_775, %select_n3A_701 : vector<16xi1>, vector<16xf32>
        %mul3A_777 = arith.constant 16 : i32
        %mul3A_778 = arith.muli %scan3A_106, %mul3A_777 : i32
        %add3A_779 = arith.constant 9 : i32
        %add3A_780 = arith.addi %mul3A_778, %add3A_779 : i32
        %broadcast_in_dim3A_781 = arith.constant 0.000000e+00 : f32
        %broadcast_in_dim3A_782 = vector.broadcast %broadcast_in_dim3A_781 : f32 to vector<16xf32>
        %get3A_783 = arith.index_cast %add3A_780 : i32 to index
        %get3A_784 = arith.constant 0 : index
        %get3A_785 = tpu.vector_load %arg9[%get3A_783, %get3A_784] {strides = array<i32>} : memref<80x128xbf16, #tpu.memory_space<vmem>>, vector<32xbf16>,
        %get3A_786 = arith.index_cast %add3A_780 : i32 to index
        %get3A_787 = arith.constant 0 : index
        %get3A_788 = tpu.vector_load %arg11[%get3A_786, %get3A_787] {strides = array<i32>} : memref<80x128xbf16, #tpu.memory_space<vmem>>, vector<32xbf16>,
        %mul3A_789 = arith.mulf %get3A_785, %get3A_788 : vector<32xbf16>
        %bitcast3A_790 = vector.bitcast %mul3A_789 : vector<32xbf16> to vector<16xi32>
        %shift_left3A_791 = arith.constant 16 : i32
        %shift_left3A_792 = vector.broadcast %shift_left3A_791 : i32 to vector<16xi32>
        %shift_left3A_793 = arith.shli %bitcast3A_790, %shift_left3A_792 : vector<16xi32>
        %bitcast3A_794 = vector.bitcast %shift_left3A_793 : vector<16xi32> to vector<16xf32>
        %add3A_795 = arith.addf %broadcast_in_dim3A_782, %bitcast3A_794 : vector<16xf32>
        %bitcast3A_796 = vector.bitcast %bitcast3A_790 : vector<16xi32> to vector<16xf32>
        %add3A_797 = arith.addf %add3A_795, %bitcast3A_796 : vector<16xf32>
        %get3A_798 = arith.index_cast %add3A_780 : i32 to index
        %get3A_799 = arith.constant 32 : index
        %get3A_800 = tpu.vector_load %arg9[%get3A_798, %get3A_799] {strides = array<i32>} : memref<80x128xbf16, #tpu.memory_space<vmem>>, vector<32xbf16>,
        %get3A_801 = arith.index_cast %add3A_780 : i32 to index
        %get3A_802 = arith.constant 32 : index
        %get3A_803 = tpu.vector_load %arg11[%get3A_801, %get3A_802] {strides = array<i32>} : memref<80x128xbf16, #tpu.memory_space<vmem>>, vector<32xbf16>,
        %mul3A_804 = arith.mulf %get3A_800, %get3A_803 : vector<32xbf16>
        %bitcast3A_805 = vector.bitcast %mul3A_804 : vector<32xbf16> to vector<16xi32>
        %shift_left3A_806 = arith.constant 16 : i32
        %shift_left3A_807 = vector.broadcast %shift_left3A_806 : i32 to vector<16xi32>
        %shift_left3A_808 = arith.shli %bitcast3A_805, %shift_left3A_807 : vector<16xi32>
        %bitcast3A_809 = vector.bitcast %shift_left3A_808 : vector<16xi32> to vector<16xf32>
        %add3A_810 = arith.addf %add3A_797, %bitcast3A_809 : vector<16xf32>
        %bitcast3A_811 = vector.bitcast %bitcast3A_805 : vector<16xi32> to vector<16xf32>
        %add3A_812 = arith.addf %add3A_810, %bitcast3A_811 : vector<16xf32>
        %get3A_813 = arith.index_cast %add3A_780 : i32 to index
        %get3A_814 = arith.constant 64 : index
        %get3A_815 = tpu.vector_load %arg9[%get3A_813, %get3A_814] {strides = array<i32>} : memref<80x128xbf16, #tpu.memory_space<vmem>>, vector<32xbf16>,
        %get3A_816 = arith.index_cast %add3A_780 : i32 to index
        %get3A_817 = arith.constant 64 : index
        %get3A_818 = tpu.vector_load %arg11[%get3A_816, %get3A_817] {strides = array<i32>} : memref<80x128xbf16, #tpu.memory_space<vmem>>, vector<32xbf16>,
        %mul3A_819 = arith.mulf %get3A_815, %get3A_818 : vector<32xbf16>
        %bitcast3A_820 = vector.bitcast %mul3A_819 : vector<32xbf16> to vector<16xi32>
        %shift_left3A_821 = arith.constant 16 : i32
        %shift_left3A_822 = vector.broadcast %shift_left3A_821 : i32 to vector<16xi32>
        %shift_left3A_823 = arith.shli %bitcast3A_820, %shift_left3A_822 : vector<16xi32>
        %bitcast3A_824 = vector.bitcast %shift_left3A_823 : vector<16xi32> to vector<16xf32>
        %add3A_825 = arith.addf %add3A_812, %bitcast3A_824 : vector<16xf32>
        %bitcast3A_826 = vector.bitcast %bitcast3A_820 : vector<16xi32> to vector<16xf32>
        %add3A_827 = arith.addf %add3A_825, %bitcast3A_826 : vector<16xf32>
        %get3A_828 = arith.index_cast %add3A_780 : i32 to index
        %get3A_829 = arith.constant 96 : index
        %get3A_830 = tpu.vector_load %arg9[%get3A_828, %get3A_829] {strides = array<i32>} : memref<80x128xbf16, #tpu.memory_space<vmem>>, vector<32xbf16>,
        %get3A_831 = arith.index_cast %add3A_780 : i32 to index
        %get3A_832 = arith.constant 96 : index
        %get3A_833 = tpu.vector_load %arg11[%get3A_831, %get3A_832] {strides = array<i32>} : memref<80x128xbf16, #tpu.memory_space<vmem>>, vector<32xbf16>,
        %mul3A_834 = arith.mulf %get3A_830, %get3A_833 : vector<32xbf16>
        %bitcast3A_835 = vector.bitcast %mul3A_834 : vector<32xbf16> to vector<16xi32>
        %shift_left3A_836 = arith.constant 16 : i32
        %shift_left3A_837 = vector.broadcast %shift_left3A_836 : i32 to vector<16xi32>
        %shift_left3A_838 = arith.shli %bitcast3A_835, %shift_left3A_837 : vector<16xi32>
        %bitcast3A_839 = vector.bitcast %shift_left3A_838 : vector<16xi32> to vector<16xf32>
        %add3A_840 = arith.addf %add3A_827, %bitcast3A_839 : vector<16xf32>
        %bitcast3A_841 = vector.bitcast %bitcast3A_835 : vector<16xi32> to vector<16xf32>
        %add3A_842 = arith.addf %add3A_840, %bitcast3A_841 : vector<16xf32>
        %eq3A_843 = arith.constant 9 : i32
        %eq3A_844 = vector.broadcast %eq3A_843 : i32 to vector<16xi32>
        %eq3A_845 = arith.cmpi eq, %iota3A, %eq3A_844 : vector<16xi32>
        %reduce_sum3A_846 = arith.constant true
        %reduce_sum3A_847 = vector.broadcast %reduce_sum3A_846 : i1 to vector<16xi1>
        %reduce_sum3A_848 = tpu.scan <sum>, %add3A_842 masked %reduce_sum3A_847 : vector<16xf32>, vector<16xi1> -> vector<16xf32>
        %reduce_sum3A_849 = vector.extract %reduce_sum3A_848[15] : f32 from vector<16xf32>
        %broadcast_in_dim3A_850 = vector.broadcast %reduce_sum3A_849 : f32 to vector<16xf32>
        %select_n3A_851 = arith.select %eq3A_845, %broadcast_in_dim3A_850, %select_n3A_776 : vector<16xi1>, vector<16xf32>
        %mul3A_852 = arith.constant 16 : i32
        %mul3A_853 = arith.muli %scan3A_106, %mul3A_852 : i32
        %add3A_854 = arith.constant 10 : i32
        %add3A_855 = arith.addi %mul3A_853, %add3A_854 : i32
        %broadcast_in_dim3A_856 = arith.constant 0.000000e+00 : f32
        %broadcast_in_dim3A_857 = vector.broadcast %broadcast_in_dim3A_856 : f32 to vector<16xf32>
        %get3A_858 = arith.index_cast %add3A_855 : i32 to index
        %get3A_859 = arith.constant 0 : index
        %get3A_860 = tpu.vector_load %arg9[%get3A_858, %get3A_859] {strides = array<i32>} : memref<80x128xbf16, #tpu.memory_space<vmem>>, vector<32xbf16>,
        %get3A_861 = arith.index_cast %add3A_855 : i32 to index
        %get3A_862 = arith.constant 0 : index
        %get3A_863 = tpu.vector_load %arg11[%get3A_861, %get3A_862] {strides = array<i32>} : memref<80x128xbf16, #tpu.memory_space<vmem>>, vector<32xbf16>,
        %mul3A_864 = arith.mulf %get3A_860, %get3A_863 : vector<32xbf16>
        %bitcast3A_865 = vector.bitcast %mul3A_864 : vector<32xbf16> to vector<16xi32>
        %shift_left3A_866 = arith.constant 16 : i32
        %shift_left3A_867 = vector.broadcast %shift_left3A_866 : i32 to vector<16xi32>
        %shift_left3A_868 = arith.shli %bitcast3A_865, %shift_left3A_867 : vector<16xi32>
        %bitcast3A_869 = vector.bitcast %shift_left3A_868 : vector<16xi32> to vector<16xf32>
        %add3A_870 = arith.addf %broadcast_in_dim3A_857, %bitcast3A_869 : vector<16xf32>
        %bitcast3A_871 = vector.bitcast %bitcast3A_865 : vector<16xi32> to vector<16xf32>
        %add3A_872 = arith.addf %add3A_870, %bitcast3A_871 : vector<16xf32>
        %get3A_873 = arith.index_cast %add3A_855 : i32 to index
        %get3A_874 = arith.constant 32 : index
        %get3A_875 = tpu.vector_load %arg9[%get3A_873, %get3A_874] {strides = array<i32>} : memref<80x128xbf16, #tpu.memory_space<vmem>>, vector<32xbf16>,
        %get3A_876 = arith.index_cast %add3A_855 : i32 to index
        %get3A_877 = arith.constant 32 : index
        %get3A_878 = tpu.vector_load %arg11[%get3A_876, %get3A_877] {strides = array<i32>} : memref<80x128xbf16, #tpu.memory_space<vmem>>, vector<32xbf16>,
        %mul3A_879 = arith.mulf %get3A_875, %get3A_878 : vector<32xbf16>
        %bitcast3A_880 = vector.bitcast %mul3A_879 : vector<32xbf16> to vector<16xi32>
        %shift_left3A_881 = arith.constant 16 : i32
        %shift_left3A_882 = vector.broadcast %shift_left3A_881 : i32 to vector<16xi32>
        %shift_left3A_883 = arith.shli %bitcast3A_880, %shift_left3A_882 : vector<16xi32>
        %bitcast3A_884 = vector.bitcast %shift_left3A_883 : vector<16xi32> to vector<16xf32>
        %add3A_885 = arith.addf %add3A_872, %bitcast3A_884 : vector<16xf32>
        %bitcast3A_886 = vector.bitcast %bitcast3A_880 : vector<16xi32> to vector<16xf32>
        %add3A_887 = arith.addf %add3A_885, %bitcast3A_886 : vector<16xf32>
        %get3A_888 = arith.index_cast %add3A_855 : i32 to index
        %get3A_889 = arith.constant 64 : index
        %get3A_890 = tpu.vector_load %arg9[%get3A_888, %get3A_889] {strides = array<i32>} : memref<80x128xbf16, #tpu.memory_space<vmem>>, vector<32xbf16>,
        %get3A_891 = arith.index_cast %add3A_855 : i32 to index
        %get3A_892 = arith.constant 64 : index
        %get3A_893 = tpu.vector_load %arg11[%get3A_891, %get3A_892] {strides = array<i32>} : memref<80x128xbf16, #tpu.memory_space<vmem>>, vector<32xbf16>,
        %mul3A_894 = arith.mulf %get3A_890, %get3A_893 : vector<32xbf16>
        %bitcast3A_895 = vector.bitcast %mul3A_894 : vector<32xbf16> to vector<16xi32>
        %shift_left3A_896 = arith.constant 16 : i32
        %shift_left3A_897 = vector.broadcast %shift_left3A_896 : i32 to vector<16xi32>
        %shift_left3A_898 = arith.shli %bitcast3A_895, %shift_left3A_897 : vector<16xi32>
        %bitcast3A_899 = vector.bitcast %shift_left3A_898 : vector<16xi32> to vector<16xf32>
        %add3A_900 = arith.addf %add3A_887, %bitcast3A_899 : vector<16xf32>
        %bitcast3A_901 = vector.bitcast %bitcast3A_895 : vector<16xi32> to vector<16xf32>
        %add3A_902 = arith.addf %add3A_900, %bitcast3A_901 : vector<16xf32>
        %get3A_903 = arith.index_cast %add3A_855 : i32 to index
        %get3A_904 = arith.constant 96 : index
        %get3A_905 = tpu.vector_load %arg9[%get3A_903, %get3A_904] {strides = array<i32>} : memref<80x128xbf16, #tpu.memory_space<vmem>>, vector<32xbf16>,
        %get3A_906 = arith.index_cast %add3A_855 : i32 to index
        %get3A_907 = arith.constant 96 : index
        %get3A_908 = tpu.vector_load %arg11[%get3A_906, %get3A_907] {strides = array<i32>} : memref<80x128xbf16, #tpu.memory_space<vmem>>, vector<32xbf16>,
        %mul3A_909 = arith.mulf %get3A_905, %get3A_908 : vector<32xbf16>
        %bitcast3A_910 = vector.bitcast %mul3A_909 : vector<32xbf16> to vector<16xi32>
        %shift_left3A_911 = arith.constant 16 : i32
        %shift_left3A_912 = vector.broadcast %shift_left3A_911 : i32 to vector<16xi32>
        %shift_left3A_913 = arith.shli %bitcast3A_910, %shift_left3A_912 : vector<16xi32>
        %bitcast3A_914 = vector.bitcast %shift_left3A_913 : vector<16xi32> to vector<16xf32>
        %add3A_915 = arith.addf %add3A_902, %bitcast3A_914 : vector<16xf32>
        %bitcast3A_916 = vector.bitcast %bitcast3A_910 : vector<16xi32> to vector<16xf32>
        %add3A_917 = arith.addf %add3A_915, %bitcast3A_916 : vector<16xf32>
        %eq3A_918 = arith.constant 10 : i32
        %eq3A_919 = vector.broadcast %eq3A_918 : i32 to vector<16xi32>
        %eq3A_920 = arith.cmpi eq, %iota3A, %eq3A_919 : vector<16xi32>
        %reduce_sum3A_921 = arith.constant true
        %reduce_sum3A_922 = vector.broadcast %reduce_sum3A_921 : i1 to vector<16xi1>
        %reduce_sum3A_923 = tpu.scan <sum>, %add3A_917 masked %reduce_sum3A_922 : vector<16xf32>, vector<16xi1> -> vector<16xf32>
        %reduce_sum3A_924 = vector.extract %reduce_sum3A_923[15] : f32 from vector<16xf32>
        %broadcast_in_dim3A_925 = vector.broadcast %reduce_sum3A_924 : f32 to vector<16xf32>
        %select_n3A_926 = arith.select %eq3A_920, %broadcast_in_dim3A_925, %select_n3A_851 : vector<16xi1>, vector<16xf32>
        %mul3A_927 = arith.constant 16 : i32
        %mul3A_928 = arith.muli %scan3A_106, %mul3A_927 : i32
        %add3A_929 = arith.constant 11 : i32
        %add3A_930 = arith.addi %mul3A_928, %add3A_929 : i32
        %broadcast_in_dim3A_931 = arith.constant 0.000000e+00 : f32
        %broadcast_in_dim3A_932 = vector.broadcast %broadcast_in_dim3A_931 : f32 to vector<16xf32>
        %get3A_933 = arith.index_cast %add3A_930 : i32 to index
        %get3A_934 = arith.constant 0 : index
        %get3A_935 = tpu.vector_load %arg9[%get3A_933, %get3A_934] {strides = array<i32>} : memref<80x128xbf16, #tpu.memory_space<vmem>>, vector<32xbf16>,
        %get3A_936 = arith.index_cast %add3A_930 : i32 to index
        %get3A_937 = arith.constant 0 : index
        %get3A_938 = tpu.vector_load %arg11[%get3A_936, %get3A_937] {strides = array<i32>} : memref<80x128xbf16, #tpu.memory_space<vmem>>, vector<32xbf16>,
        %mul3A_939 = arith.mulf %get3A_935, %get3A_938 : vector<32xbf16>
        %bitcast3A_940 = vector.bitcast %mul3A_939 : vector<32xbf16> to vector<16xi32>
        %shift_left3A_941 = arith.constant 16 : i32
        %shift_left3A_942 = vector.broadcast %shift_left3A_941 : i32 to vector<16xi32>
        %shift_left3A_943 = arith.shli %bitcast3A_940, %shift_left3A_942 : vector<16xi32>
        %bitcast3A_944 = vector.bitcast %shift_left3A_943 : vector<16xi32> to vector<16xf32>
        %add3A_945 = arith.addf %broadcast_in_dim3A_932, %bitcast3A_944 : vector<16xf32>
        %bitcast3A_946 = vector.bitcast %bitcast3A_940 : vector<16xi32> to vector<16xf32>
        %add3A_947 = arith.addf %add3A_945, %bitcast3A_946 : vector<16xf32>
        %get3A_948 = arith.index_cast %add3A_930 : i32 to index
        %get3A_949 = arith.constant 32 : index
        %get3A_950 = tpu.vector_load %arg9[%get3A_948, %get3A_949] {strides = array<i32>} : memref<80x128xbf16, #tpu.memory_space<vmem>>, vector<32xbf16>,
        %get3A_951 = arith.index_cast %add3A_930 : i32 to index
        %get3A_952 = arith.constant 32 : index
        %get3A_953 = tpu.vector_load %arg11[%get3A_951, %get3A_952] {strides = array<i32>} : memref<80x128xbf16, #tpu.memory_space<vmem>>, vector<32xbf16>,
        %mul3A_954 = arith.mulf %get3A_950, %get3A_953 : vector<32xbf16>
        %bitcast3A_955 = vector.bitcast %mul3A_954 : vector<32xbf16> to vector<16xi32>
        %shift_left3A_956 = arith.constant 16 : i32
        %shift_left3A_957 = vector.broadcast %shift_left3A_956 : i32 to vector<16xi32>
        %shift_left3A_958 = arith.shli %bitcast3A_955, %shift_left3A_957 : vector<16xi32>
        %bitcast3A_959 = vector.bitcast %shift_left3A_958 : vector<16xi32> to vector<16xf32>
        %add3A_960 = arith.addf %add3A_947, %bitcast3A_959 : vector<16xf32>
        %bitcast3A_961 = vector.bitcast %bitcast3A_955 : vector<16xi32> to vector<16xf32>
        %add3A_962 = arith.addf %add3A_960, %bitcast3A_961 : vector<16xf32>
        %get3A_963 = arith.index_cast %add3A_930 : i32 to index
        %get3A_964 = arith.constant 64 : index
        %get3A_965 = tpu.vector_load %arg9[%get3A_963, %get3A_964] {strides = array<i32>} : memref<80x128xbf16, #tpu.memory_space<vmem>>, vector<32xbf16>,
        %get3A_966 = arith.index_cast %add3A_930 : i32 to index
        %get3A_967 = arith.constant 64 : index
        %get3A_968 = tpu.vector_load %arg11[%get3A_966, %get3A_967] {strides = array<i32>} : memref<80x128xbf16, #tpu.memory_space<vmem>>, vector<32xbf16>,
        %mul3A_969 = arith.mulf %get3A_965, %get3A_968 : vector<32xbf16>
        %bitcast3A_970 = vector.bitcast %mul3A_969 : vector<32xbf16> to vector<16xi32>
        %shift_left3A_971 = arith.constant 16 : i32
        %shift_left3A_972 = vector.broadcast %shift_left3A_971 : i32 to vector<16xi32>
        %shift_left3A_973 = arith.shli %bitcast3A_970, %shift_left3A_972 : vector<16xi32>
        %bitcast3A_974 = vector.bitcast %shift_left3A_973 : vector<16xi32> to vector<16xf32>
        %add3A_975 = arith.addf %add3A_962, %bitcast3A_974 : vector<16xf32>
        %bitcast3A_976 = vector.bitcast %bitcast3A_970 : vector<16xi32> to vector<16xf32>
        %add3A_977 = arith.addf %add3A_975, %bitcast3A_976 : vector<16xf32>
        %get3A_978 = arith.index_cast %add3A_930 : i32 to index
        %get3A_979 = arith.constant 96 : index
        %get3A_980 = tpu.vector_load %arg9[%get3A_978, %get3A_979] {strides = array<i32>} : memref<80x128xbf16, #tpu.memory_space<vmem>>, vector<32xbf16>,
        %get3A_981 = arith.index_cast %add3A_930 : i32 to index
        %get3A_982 = arith.constant 96 : index
        %get3A_983 = tpu.vector_load %arg11[%get3A_981, %get3A_982] {strides = array<i32>} : memref<80x128xbf16, #tpu.memory_space<vmem>>, vector<32xbf16>,
        %mul3A_984 = arith.mulf %get3A_980, %get3A_983 : vector<32xbf16>
        %bitcast3A_985 = vector.bitcast %mul3A_984 : vector<32xbf16> to vector<16xi32>
        %shift_left3A_986 = arith.constant 16 : i32
        %shift_left3A_987 = vector.broadcast %shift_left3A_986 : i32 to vector<16xi32>
        %shift_left3A_988 = arith.shli %bitcast3A_985, %shift_left3A_987 : vector<16xi32>
        %bitcast3A_989 = vector.bitcast %shift_left3A_988 : vector<16xi32> to vector<16xf32>
        %add3A_990 = arith.addf %add3A_977, %bitcast3A_989 : vector<16xf32>
        %bitcast3A_991 = vector.bitcast %bitcast3A_985 : vector<16xi32> to vector<16xf32>
        %add3A_992 = arith.addf %add3A_990, %bitcast3A_991 : vector<16xf32>
        %eq3A_993 = arith.constant 11 : i32
        %eq3A_994 = vector.broadcast %eq3A_993 : i32 to vector<16xi32>
        %eq3A_995 = arith.cmpi eq, %iota3A, %eq3A_994 : vector<16xi32>
        %reduce_sum3A_996 = arith.constant true
        %reduce_sum3A_997 = vector.broadcast %reduce_sum3A_996 : i1 to vector<16xi1>
        %reduce_sum3A_998 = tpu.scan <sum>, %add3A_992 masked %reduce_sum3A_997 : vector<16xf32>, vector<16xi1> -> vector<16xf32>
        %reduce_sum3A_999 = vector.extract %reduce_sum3A_998[15] : f32 from vector<16xf32>
        %broadcast_in_dim3A_1000 = vector.broadcast %reduce_sum3A_999 : f32 to vector<16xf32>
        %select_n3A_1001 = arith.select %eq3A_995, %broadcast_in_dim3A_1000, %select_n3A_926 : vector<16xi1>, vector<16xf32>
        %mul3A_1002 = arith.constant 16 : i32
        %mul3A_1003 = arith.muli %scan3A_106, %mul3A_1002 : i32
        %add3A_1004 = arith.constant 12 : i32
        %add3A_1005 = arith.addi %mul3A_1003, %add3A_1004 : i32
        %broadcast_in_dim3A_1006 = arith.constant 0.000000e+00 : f32
        %broadcast_in_dim3A_1007 = vector.broadcast %broadcast_in_dim3A_1006 : f32 to vector<16xf32>
        %get3A_1008 = arith.index_cast %add3A_1005 : i32 to index
        %get3A_1009 = arith.constant 0 : index
        %get3A_1010 = tpu.vector_load %arg9[%get3A_1008, %get3A_1009] {strides = array<i32>} : memref<80x128xbf16, #tpu.memory_space<vmem>>, vector<32xbf16>,
        %get3A_1011 = arith.index_cast %add3A_1005 : i32 to index
        %get3A_1012 = arith.constant 0 : index
        %get3A_1013 = tpu.vector_load %arg11[%get3A_1011, %get3A_1012] {strides = array<i32>} : memref<80x128xbf16, #tpu.memory_space<vmem>>, vector<32xbf16>,
        %mul3A_1014 = arith.mulf %get3A_1010, %get3A_1013 : vector<32xbf16>
        %bitcast3A_1015 = vector.bitcast %mul3A_1014 : vector<32xbf16> to vector<16xi32>
        %shift_left3A_1016 = arith.constant 16 : i32
        %shift_left3A_1017 = vector.broadcast %shift_left3A_1016 : i32 to vector<16xi32>
        %shift_left3A_1018 = arith.shli %bitcast3A_1015, %shift_left3A_1017 : vector<16xi32>
        %bitcast3A_1019 = vector.bitcast %shift_left3A_1018 : vector<16xi32> to vector<16xf32>
        %add3A_1020 = arith.addf %broadcast_in_dim3A_1007, %bitcast3A_1019 : vector<16xf32>
        %bitcast3A_1021 = vector.bitcast %bitcast3A_1015 : vector<16xi32> to vector<16xf32>
        %add3A_1022 = arith.addf %add3A_1020, %bitcast3A_1021 : vector<16xf32>
        %get3A_1023 = arith.index_cast %add3A_1005 : i32 to index
        %get3A_1024 = arith.constant 32 : index
        %get3A_1025 = tpu.vector_load %arg9[%get3A_1023, %get3A_1024] {strides = array<i32>} : memref<80x128xbf16, #tpu.memory_space<vmem>>, vector<32xbf16>,
        %get3A_1026 = arith.index_cast %add3A_1005 : i32 to index
        %get3A_1027 = arith.constant 32 : index
        %get3A_1028 = tpu.vector_load %arg11[%get3A_1026, %get3A_1027] {strides = array<i32>} : memref<80x128xbf16, #tpu.memory_space<vmem>>, vector<32xbf16>,
        %mul3A_1029 = arith.mulf %get3A_1025, %get3A_1028 : vector<32xbf16>
        %bitcast3A_1030 = vector.bitcast %mul3A_1029 : vector<32xbf16> to vector<16xi32>
        %shift_left3A_1031 = arith.constant 16 : i32
        %shift_left3A_1032 = vector.broadcast %shift_left3A_1031 : i32 to vector<16xi32>
        %shift_left3A_1033 = arith.shli %bitcast3A_1030, %shift_left3A_1032 : vector<16xi32>
        %bitcast3A_1034 = vector.bitcast %shift_left3A_1033 : vector<16xi32> to vector<16xf32>
        %add3A_1035 = arith.addf %add3A_1022, %bitcast3A_1034 : vector<16xf32>
        %bitcast3A_1036 = vector.bitcast %bitcast3A_1030 : vector<16xi32> to vector<16xf32>
        %add3A_1037 = arith.addf %add3A_1035, %bitcast3A_1036 : vector<16xf32>
        %get3A_1038 = arith.index_cast %add3A_1005 : i32 to index
        %get3A_1039 = arith.constant 64 : index
        %get3A_1040 = tpu.vector_load %arg9[%get3A_1038, %get3A_1039] {strides = array<i32>} : memref<80x128xbf16, #tpu.memory_space<vmem>>, vector<32xbf16>,
        %get3A_1041 = arith.index_cast %add3A_1005 : i32 to index
        %get3A_1042 = arith.constant 64 : index
        %get3A_1043 = tpu.vector_load %arg11[%get3A_1041, %get3A_1042] {strides = array<i32>} : memref<80x128xbf16, #tpu.memory_space<vmem>>, vector<32xbf16>,
        %mul3A_1044 = arith.mulf %get3A_1040, %get3A_1043 : vector<32xbf16>
        %bitcast3A_1045 = vector.bitcast %mul3A_1044 : vector<32xbf16> to vector<16xi32>
        %shift_left3A_1046 = arith.constant 16 : i32
        %shift_left3A_1047 = vector.broadcast %shift_left3A_1046 : i32 to vector<16xi32>
        %shift_left3A_1048 = arith.shli %bitcast3A_1045, %shift_left3A_1047 : vector<16xi32>
        %bitcast3A_1049 = vector.bitcast %shift_left3A_1048 : vector<16xi32> to vector<16xf32>
        %add3A_1050 = arith.addf %add3A_1037, %bitcast3A_1049 : vector<16xf32>
        %bitcast3A_1051 = vector.bitcast %bitcast3A_1045 : vector<16xi32> to vector<16xf32>
        %add3A_1052 = arith.addf %add3A_1050, %bitcast3A_1051 : vector<16xf32>
        %get3A_1053 = arith.index_cast %add3A_1005 : i32 to index
        %get3A_1054 = arith.constant 96 : index
        %get3A_1055 = tpu.vector_load %arg9[%get3A_1053, %get3A_1054] {strides = array<i32>} : memref<80x128xbf16, #tpu.memory_space<vmem>>, vector<32xbf16>,
        %get3A_1056 = arith.index_cast %add3A_1005 : i32 to index
        %get3A_1057 = arith.constant 96 : index
        %get3A_1058 = tpu.vector_load %arg11[%get3A_1056, %get3A_1057] {strides = array<i32>} : memref<80x128xbf16, #tpu.memory_space<vmem>>, vector<32xbf16>,
        %mul3A_1059 = arith.mulf %get3A_1055, %get3A_1058 : vector<32xbf16>
        %bitcast3A_1060 = vector.bitcast %mul3A_1059 : vector<32xbf16> to vector<16xi32>
        %shift_left3A_1061 = arith.constant 16 : i32
        %shift_left3A_1062 = vector.broadcast %shift_left3A_1061 : i32 to vector<16xi32>
        %shift_left3A_1063 = arith.shli %bitcast3A_1060, %shift_left3A_1062 : vector<16xi32>
        %bitcast3A_1064 = vector.bitcast %shift_left3A_1063 : vector<16xi32> to vector<16xf32>
        %add3A_1065 = arith.addf %add3A_1052, %bitcast3A_1064 : vector<16xf32>
        %bitcast3A_1066 = vector.bitcast %bitcast3A_1060 : vector<16xi32> to vector<16xf32>
        %add3A_1067 = arith.addf %add3A_1065, %bitcast3A_1066 : vector<16xf32>
        %eq3A_1068 = arith.constant 12 : i32
        %eq3A_1069 = vector.broadcast %eq3A_1068 : i32 to vector<16xi32>
        %eq3A_1070 = arith.cmpi eq, %iota3A, %eq3A_1069 : vector<16xi32>
        %reduce_sum3A_1071 = arith.constant true
        %reduce_sum3A_1072 = vector.broadcast %reduce_sum3A_1071 : i1 to vector<16xi1>
        %reduce_sum3A_1073 = tpu.scan <sum>, %add3A_1067 masked %reduce_sum3A_1072 : vector<16xf32>, vector<16xi1> -> vector<16xf32>
        %reduce_sum3A_1074 = vector.extract %reduce_sum3A_1073[15] : f32 from vector<16xf32>
        %broadcast_in_dim3A_1075 = vector.broadcast %reduce_sum3A_1074 : f32 to vector<16xf32>
        %select_n3A_1076 = arith.select %eq3A_1070, %broadcast_in_dim3A_1075, %select_n3A_1001 : vector<16xi1>, vector<16xf32>
        %mul3A_1077 = arith.constant 16 : i32
        %mul3A_1078 = arith.muli %scan3A_106, %mul3A_1077 : i32
        %add3A_1079 = arith.constant 13 : i32
        %add3A_1080 = arith.addi %mul3A_1078, %add3A_1079 : i32
        %broadcast_in_dim3A_1081 = arith.constant 0.000000e+00 : f32
        %broadcast_in_dim3A_1082 = vector.broadcast %broadcast_in_dim3A_1081 : f32 to vector<16xf32>
        %get3A_1083 = arith.index_cast %add3A_1080 : i32 to index
        %get3A_1084 = arith.constant 0 : index
        %get3A_1085 = tpu.vector_load %arg9[%get3A_1083, %get3A_1084] {strides = array<i32>} : memref<80x128xbf16, #tpu.memory_space<vmem>>, vector<32xbf16>,
        %get3A_1086 = arith.index_cast %add3A_1080 : i32 to index
        %get3A_1087 = arith.constant 0 : index
        %get3A_1088 = tpu.vector_load %arg11[%get3A_1086, %get3A_1087] {strides = array<i32>} : memref<80x128xbf16, #tpu.memory_space<vmem>>, vector<32xbf16>,
        %mul3A_1089 = arith.mulf %get3A_1085, %get3A_1088 : vector<32xbf16>
        %bitcast3A_1090 = vector.bitcast %mul3A_1089 : vector<32xbf16> to vector<16xi32>
        %shift_left3A_1091 = arith.constant 16 : i32
        %shift_left3A_1092 = vector.broadcast %shift_left3A_1091 : i32 to vector<16xi32>
        %shift_left3A_1093 = arith.shli %bitcast3A_1090, %shift_left3A_1092 : vector<16xi32>
        %bitcast3A_1094 = vector.bitcast %shift_left3A_1093 : vector<16xi32> to vector<16xf32>
        %add3A_1095 = arith.addf %broadcast_in_dim3A_1082, %bitcast3A_1094 : vector<16xf32>
        %bitcast3A_1096 = vector.bitcast %bitcast3A_1090 : vector<16xi32> to vector<16xf32>
        %add3A_1097 = arith.addf %add3A_1095, %bitcast3A_1096 : vector<16xf32>
        %get3A_1098 = arith.index_cast %add3A_1080 : i32 to index
        %get3A_1099 = arith.constant 32 : index
        %get3A_1100 = tpu.vector_load %arg9[%get3A_1098, %get3A_1099] {strides = array<i32>} : memref<80x128xbf16, #tpu.memory_space<vmem>>, vector<32xbf16>,
        %get3A_1101 = arith.index_cast %add3A_1080 : i32 to index
        %get3A_1102 = arith.constant 32 : index
        %get3A_1103 = tpu.vector_load %arg11[%get3A_1101, %get3A_1102] {strides = array<i32>} : memref<80x128xbf16, #tpu.memory_space<vmem>>, vector<32xbf16>,
        %mul3A_1104 = arith.mulf %get3A_1100, %get3A_1103 : vector<32xbf16>
        %bitcast3A_1105 = vector.bitcast %mul3A_1104 : vector<32xbf16> to vector<16xi32>
        %shift_left3A_1106 = arith.constant 16 : i32
        %shift_left3A_1107 = vector.broadcast %shift_left3A_1106 : i32 to vector<16xi32>
        %shift_left3A_1108 = arith.shli %bitcast3A_1105, %shift_left3A_1107 : vector<16xi32>
        %bitcast3A_1109 = vector.bitcast %shift_left3A_1108 : vector<16xi32> to vector<16xf32>
        %add3A_1110 = arith.addf %add3A_1097, %bitcast3A_1109 : vector<16xf32>
        %bitcast3A_1111 = vector.bitcast %bitcast3A_1105 : vector<16xi32> to vector<16xf32>
        %add3A_1112 = arith.addf %add3A_1110, %bitcast3A_1111 : vector<16xf32>
        %get3A_1113 = arith.index_cast %add3A_1080 : i32 to index
        %get3A_1114 = arith.constant 64 : index
        %get3A_1115 = tpu.vector_load %arg9[%get3A_1113, %get3A_1114] {strides = array<i32>} : memref<80x128xbf16, #tpu.memory_space<vmem>>, vector<32xbf16>,
        %get3A_1116 = arith.index_cast %add3A_1080 : i32 to index
        %get3A_1117 = arith.constant 64 : index
        %get3A_1118 = tpu.vector_load %arg11[%get3A_1116, %get3A_1117] {strides = array<i32>} : memref<80x128xbf16, #tpu.memory_space<vmem>>, vector<32xbf16>,
        %mul3A_1119 = arith.mulf %get3A_1115, %get3A_1118 : vector<32xbf16>
        %bitcast3A_1120 = vector.bitcast %mul3A_1119 : vector<32xbf16> to vector<16xi32>
        %shift_left3A_1121 = arith.constant 16 : i32
        %shift_left3A_1122 = vector.broadcast %shift_left3A_1121 : i32 to vector<16xi32>
        %shift_left3A_1123 = arith.shli %bitcast3A_1120, %shift_left3A_1122 : vector<16xi32>
        %bitcast3A_1124 = vector.bitcast %shift_left3A_1123 : vector<16xi32> to vector<16xf32>
        %add3A_1125 = arith.addf %add3A_1112, %bitcast3A_1124 : vector<16xf32>
        %bitcast3A_1126 = vector.bitcast %bitcast3A_1120 : vector<16xi32> to vector<16xf32>
        %add3A_1127 = arith.addf %add3A_1125, %bitcast3A_1126 : vector<16xf32>
        %get3A_1128 = arith.index_cast %add3A_1080 : i32 to index
        %get3A_1129 = arith.constant 96 : index
        %get3A_1130 = tpu.vector_load %arg9[%get3A_1128, %get3A_1129] {strides = array<i32>} : memref<80x128xbf16, #tpu.memory_space<vmem>>, vector<32xbf16>,
        %get3A_1131 = arith.index_cast %add3A_1080 : i32 to index
        %get3A_1132 = arith.constant 96 : index
        %get3A_1133 = tpu.vector_load %arg11[%get3A_1131, %get3A_1132] {strides = array<i32>} : memref<80x128xbf16, #tpu.memory_space<vmem>>, vector<32xbf16>,
        %mul3A_1134 = arith.mulf %get3A_1130, %get3A_1133 : vector<32xbf16>
        %bitcast3A_1135 = vector.bitcast %mul3A_1134 : vector<32xbf16> to vector<16xi32>
        %shift_left3A_1136 = arith.constant 16 : i32
        %shift_left3A_1137 = vector.broadcast %shift_left3A_1136 : i32 to vector<16xi32>
        %shift_left3A_1138 = arith.shli %bitcast3A_1135, %shift_left3A_1137 : vector<16xi32>
        %bitcast3A_1139 = vector.bitcast %shift_left3A_1138 : vector<16xi32> to vector<16xf32>
        %add3A_1140 = arith.addf %add3A_1127, %bitcast3A_1139 : vector<16xf32>
        %bitcast3A_1141 = vector.bitcast %bitcast3A_1135 : vector<16xi32> to vector<16xf32>
        %add3A_1142 = arith.addf %add3A_1140, %bitcast3A_1141 : vector<16xf32>
        %eq3A_1143 = arith.constant 13 : i32
        %eq3A_1144 = vector.broadcast %eq3A_1143 : i32 to vector<16xi32>
        %eq3A_1145 = arith.cmpi eq, %iota3A, %eq3A_1144 : vector<16xi32>
        %reduce_sum3A_1146 = arith.constant true
        %reduce_sum3A_1147 = vector.broadcast %reduce_sum3A_1146 : i1 to vector<16xi1>
        %reduce_sum3A_1148 = tpu.scan <sum>, %add3A_1142 masked %reduce_sum3A_1147 : vector<16xf32>, vector<16xi1> -> vector<16xf32>
        %reduce_sum3A_1149 = vector.extract %reduce_sum3A_1148[15] : f32 from vector<16xf32>
        %broadcast_in_dim3A_1150 = vector.broadcast %reduce_sum3A_1149 : f32 to vector<16xf32>
        %select_n3A_1151 = arith.select %eq3A_1145, %broadcast_in_dim3A_1150, %select_n3A_1076 : vector<16xi1>, vector<16xf32>
        %mul3A_1152 = arith.constant 16 : i32
        %mul3A_1153 = arith.muli %scan3A_106, %mul3A_1152 : i32
        %add3A_1154 = arith.constant 14 : i32
        %add3A_1155 = arith.addi %mul3A_1153, %add3A_1154 : i32
        %broadcast_in_dim3A_1156 = arith.constant 0.000000e+00 : f32
        %broadcast_in_dim3A_1157 = vector.broadcast %broadcast_in_dim3A_1156 : f32 to vector<16xf32>
        %get3A_1158 = arith.index_cast %add3A_1155 : i32 to index
        %get3A_1159 = arith.constant 0 : index
        %get3A_1160 = tpu.vector_load %arg9[%get3A_1158, %get3A_1159] {strides = array<i32>} : memref<80x128xbf16, #tpu.memory_space<vmem>>, vector<32xbf16>,
        %get3A_1161 = arith.index_cast %add3A_1155 : i32 to index
        %get3A_1162 = arith.constant 0 : index
        %get3A_1163 = tpu.vector_load %arg11[%get3A_1161, %get3A_1162] {strides = array<i32>} : memref<80x128xbf16, #tpu.memory_space<vmem>>, vector<32xbf16>,
        %mul3A_1164 = arith.mulf %get3A_1160, %get3A_1163 : vector<32xbf16>
        %bitcast3A_1165 = vector.bitcast %mul3A_1164 : vector<32xbf16> to vector<16xi32>
        %shift_left3A_1166 = arith.constant 16 : i32
        %shift_left3A_1167 = vector.broadcast %shift_left3A_1166 : i32 to vector<16xi32>
        %shift_left3A_1168 = arith.shli %bitcast3A_1165, %shift_left3A_1167 : vector<16xi32>
        %bitcast3A_1169 = vector.bitcast %shift_left3A_1168 : vector<16xi32> to vector<16xf32>
        %add3A_1170 = arith.addf %broadcast_in_dim3A_1157, %bitcast3A_1169 : vector<16xf32>
        %bitcast3A_1171 = vector.bitcast %bitcast3A_1165 : vector<16xi32> to vector<16xf32>
        %add3A_1172 = arith.addf %add3A_1170, %bitcast3A_1171 : vector<16xf32>
        %get3A_1173 = arith.index_cast %add3A_1155 : i32 to index
        %get3A_1174 = arith.constant 32 : index
        %get3A_1175 = tpu.vector_load %arg9[%get3A_1173, %get3A_1174] {strides = array<i32>} : memref<80x128xbf16, #tpu.memory_space<vmem>>, vector<32xbf16>,
        %get3A_1176 = arith.index_cast %add3A_1155 : i32 to index
        %get3A_1177 = arith.constant 32 : index
        %get3A_1178 = tpu.vector_load %arg11[%get3A_1176, %get3A_1177] {strides = array<i32>} : memref<80x128xbf16, #tpu.memory_space<vmem>>, vector<32xbf16>,
        %mul3A_1179 = arith.mulf %get3A_1175, %get3A_1178 : vector<32xbf16>
        %bitcast3A_1180 = vector.bitcast %mul3A_1179 : vector<32xbf16> to vector<16xi32>
        %shift_left3A_1181 = arith.constant 16 : i32
        %shift_left3A_1182 = vector.broadcast %shift_left3A_1181 : i32 to vector<16xi32>
        %shift_left3A_1183 = arith.shli %bitcast3A_1180, %shift_left3A_1182 : vector<16xi32>
        %bitcast3A_1184 = vector.bitcast %shift_left3A_1183 : vector<16xi32> to vector<16xf32>
        %add3A_1185 = arith.addf %add3A_1172, %bitcast3A_1184 : vector<16xf32>
        %bitcast3A_1186 = vector.bitcast %bitcast3A_1180 : vector<16xi32> to vector<16xf32>
        %add3A_1187 = arith.addf %add3A_1185, %bitcast3A_1186 : vector<16xf32>
        %get3A_1188 = arith.index_cast %add3A_1155 : i32 to index
        %get3A_1189 = arith.constant 64 : index
        %get3A_1190 = tpu.vector_load %arg9[%get3A_1188, %get3A_1189] {strides = array<i32>} : memref<80x128xbf16, #tpu.memory_space<vmem>>, vector<32xbf16>,
        %get3A_1191 = arith.index_cast %add3A_1155 : i32 to index
        %get3A_1192 = arith.constant 64 : index
        %get3A_1193 = tpu.vector_load %arg11[%get3A_1191, %get3A_1192] {strides = array<i32>} : memref<80x128xbf16, #tpu.memory_space<vmem>>, vector<32xbf16>,
        %mul3A_1194 = arith.mulf %get3A_1190, %get3A_1193 : vector<32xbf16>
        %bitcast3A_1195 = vector.bitcast %mul3A_1194 : vector<32xbf16> to vector<16xi32>
        %shift_left3A_1196 = arith.constant 16 : i32
        %shift_left3A_1197 = vector.broadcast %shift_left3A_1196 : i32 to vector<16xi32>
        %shift_left3A_1198 = arith.shli %bitcast3A_1195, %shift_left3A_1197 : vector<16xi32>
        %bitcast3A_1199 = vector.bitcast %shift_left3A_1198 : vector<16xi32> to vector<16xf32>
        %add3A_1200 = arith.addf %add3A_1187, %bitcast3A_1199 : vector<16xf32>
        %bitcast3A_1201 = vector.bitcast %bitcast3A_1195 : vector<16xi32> to vector<16xf32>
        %add3A_1202 = arith.addf %add3A_1200, %bitcast3A_1201 : vector<16xf32>
        %get3A_1203 = arith.index_cast %add3A_1155 : i32 to index
        %get3A_1204 = arith.constant 96 : index
        %get3A_1205 = tpu.vector_load %arg9[%get3A_1203, %get3A_1204] {strides = array<i32>} : memref<80x128xbf16, #tpu.memory_space<vmem>>, vector<32xbf16>,
        %get3A_1206 = arith.index_cast %add3A_1155 : i32 to index
        %get3A_1207 = arith.constant 96 : index
        %get3A_1208 = tpu.vector_load %arg11[%get3A_1206, %get3A_1207] {strides = array<i32>} : memref<80x128xbf16, #tpu.memory_space<vmem>>, vector<32xbf16>,
        %mul3A_1209 = arith.mulf %get3A_1205, %get3A_1208 : vector<32xbf16>
        %bitcast3A_1210 = vector.bitcast %mul3A_1209 : vector<32xbf16> to vector<16xi32>
        %shift_left3A_1211 = arith.constant 16 : i32
        %shift_left3A_1212 = vector.broadcast %shift_left3A_1211 : i32 to vector<16xi32>
        %shift_left3A_1213 = arith.shli %bitcast3A_1210, %shift_left3A_1212 : vector<16xi32>
        %bitcast3A_1214 = vector.bitcast %shift_left3A_1213 : vector<16xi32> to vector<16xf32>
        %add3A_1215 = arith.addf %add3A_1202, %bitcast3A_1214 : vector<16xf32>
        %bitcast3A_1216 = vector.bitcast %bitcast3A_1210 : vector<16xi32> to vector<16xf32>
        %add3A_1217 = arith.addf %add3A_1215, %bitcast3A_1216 : vector<16xf32>
        %eq3A_1218 = arith.constant 14 : i32
        %eq3A_1219 = vector.broadcast %eq3A_1218 : i32 to vector<16xi32>
        %eq3A_1220 = arith.cmpi eq, %iota3A, %eq3A_1219 : vector<16xi32>
        %reduce_sum3A_1221 = arith.constant true
        %reduce_sum3A_1222 = vector.broadcast %reduce_sum3A_1221 : i1 to vector<16xi1>
        %reduce_sum3A_1223 = tpu.scan <sum>, %add3A_1217 masked %reduce_sum3A_1222 : vector<16xf32>, vector<16xi1> -> vector<16xf32>
        %reduce_sum3A_1224 = vector.extract %reduce_sum3A_1223[15] : f32 from vector<16xf32>
        %broadcast_in_dim3A_1225 = vector.broadcast %reduce_sum3A_1224 : f32 to vector<16xf32>
        %select_n3A_1226 = arith.select %eq3A_1220, %broadcast_in_dim3A_1225, %select_n3A_1151 : vector<16xi1>, vector<16xf32>
        %mul3A_1227 = arith.constant 16 : i32
        %mul3A_1228 = arith.muli %scan3A_106, %mul3A_1227 : i32
        %add3A_1229 = arith.constant 15 : i32
        %add3A_1230 = arith.addi %mul3A_1228, %add3A_1229 : i32
        %broadcast_in_dim3A_1231 = arith.constant 0.000000e+00 : f32
        %broadcast_in_dim3A_1232 = vector.broadcast %broadcast_in_dim3A_1231 : f32 to vector<16xf32>
        %get3A_1233 = arith.index_cast %add3A_1230 : i32 to index
        %get3A_1234 = arith.constant 0 : index
        %get3A_1235 = tpu.vector_load %arg9[%get3A_1233, %get3A_1234] {strides = array<i32>} : memref<80x128xbf16, #tpu.memory_space<vmem>>, vector<32xbf16>,
        %get3A_1236 = arith.index_cast %add3A_1230 : i32 to index
        %get3A_1237 = arith.constant 0 : index
        %get3A_1238 = tpu.vector_load %arg11[%get3A_1236, %get3A_1237] {strides = array<i32>} : memref<80x128xbf16, #tpu.memory_space<vmem>>, vector<32xbf16>,
        %mul3A_1239 = arith.mulf %get3A_1235, %get3A_1238 : vector<32xbf16>
        %bitcast3A_1240 = vector.bitcast %mul3A_1239 : vector<32xbf16> to vector<16xi32>
        %shift_left3A_1241 = arith.constant 16 : i32
        %shift_left3A_1242 = vector.broadcast %shift_left3A_1241 : i32 to vector<16xi32>
        %shift_left3A_1243 = arith.shli %bitcast3A_1240, %shift_left3A_1242 : vector<16xi32>
        %bitcast3A_1244 = vector.bitcast %shift_left3A_1243 : vector<16xi32> to vector<16xf32>
        %add3A_1245 = arith.addf %broadcast_in_dim3A_1232, %bitcast3A_1244 : vector<16xf32>
        %bitcast3A_1246 = vector.bitcast %bitcast3A_1240 : vector<16xi32> to vector<16xf32>
        %add3A_1247 = arith.addf %add3A_1245, %bitcast3A_1246 : vector<16xf32>
        %get3A_1248 = arith.index_cast %add3A_1230 : i32 to index
        %get3A_1249 = arith.constant 32 : index
        %get3A_1250 = tpu.vector_load %arg9[%get3A_1248, %get3A_1249] {strides = array<i32>} : memref<80x128xbf16, #tpu.memory_space<vmem>>, vector<32xbf16>,
        %get3A_1251 = arith.index_cast %add3A_1230 : i32 to index
        %get3A_1252 = arith.constant 32 : index
        %get3A_1253 = tpu.vector_load %arg11[%get3A_1251, %get3A_1252] {strides = array<i32>} : memref<80x128xbf16, #tpu.memory_space<vmem>>, vector<32xbf16>,
        %mul3A_1254 = arith.mulf %get3A_1250, %get3A_1253 : vector<32xbf16>
        %bitcast3A_1255 = vector.bitcast %mul3A_1254 : vector<32xbf16> to vector<16xi32>
        %shift_left3A_1256 = arith.constant 16 : i32
        %shift_left3A_1257 = vector.broadcast %shift_left3A_1256 : i32 to vector<16xi32>
        %shift_left3A_1258 = arith.shli %bitcast3A_1255, %shift_left3A_1257 : vector<16xi32>
        %bitcast3A_1259 = vector.bitcast %shift_left3A_1258 : vector<16xi32> to vector<16xf32>
        %add3A_1260 = arith.addf %add3A_1247, %bitcast3A_1259 : vector<16xf32>
        %bitcast3A_1261 = vector.bitcast %bitcast3A_1255 : vector<16xi32> to vector<16xf32>
        %add3A_1262 = arith.addf %add3A_1260, %bitcast3A_1261 : vector<16xf32>
        %get3A_1263 = arith.index_cast %add3A_1230 : i32 to index
        %get3A_1264 = arith.constant 64 : index
        %get3A_1265 = tpu.vector_load %arg9[%get3A_1263, %get3A_1264] {strides = array<i32>} : memref<80x128xbf16, #tpu.memory_space<vmem>>, vector<32xbf16>,
        %get3A_1266 = arith.index_cast %add3A_1230 : i32 to index
        %get3A_1267 = arith.constant 64 : index
        %get3A_1268 = tpu.vector_load %arg11[%get3A_1266, %get3A_1267] {strides = array<i32>} : memref<80x128xbf16, #tpu.memory_space<vmem>>, vector<32xbf16>,
        %mul3A_1269 = arith.mulf %get3A_1265, %get3A_1268 : vector<32xbf16>
        %bitcast3A_1270 = vector.bitcast %mul3A_1269 : vector<32xbf16> to vector<16xi32>
        %shift_left3A_1271 = arith.constant 16 : i32
        %shift_left3A_1272 = vector.broadcast %shift_left3A_1271 : i32 to vector<16xi32>
        %shift_left3A_1273 = arith.shli %bitcast3A_1270, %shift_left3A_1272 : vector<16xi32>
        %bitcast3A_1274 = vector.bitcast %shift_left3A_1273 : vector<16xi32> to vector<16xf32>
        %add3A_1275 = arith.addf %add3A_1262, %bitcast3A_1274 : vector<16xf32>
        %bitcast3A_1276 = vector.bitcast %bitcast3A_1270 : vector<16xi32> to vector<16xf32>
        %add3A_1277 = arith.addf %add3A_1275, %bitcast3A_1276 : vector<16xf32>
        %get3A_1278 = arith.index_cast %add3A_1230 : i32 to index
        %get3A_1279 = arith.constant 96 : index
        %get3A_1280 = tpu.vector_load %arg9[%get3A_1278, %get3A_1279] {strides = array<i32>} : memref<80x128xbf16, #tpu.memory_space<vmem>>, vector<32xbf16>,
        %get3A_1281 = arith.index_cast %add3A_1230 : i32 to index
        %get3A_1282 = arith.constant 96 : index
        %get3A_1283 = tpu.vector_load %arg11[%get3A_1281, %get3A_1282] {strides = array<i32>} : memref<80x128xbf16, #tpu.memory_space<vmem>>, vector<32xbf16>,
        %mul3A_1284 = arith.mulf %get3A_1280, %get3A_1283 : vector<32xbf16>
        %bitcast3A_1285 = vector.bitcast %mul3A_1284 : vector<32xbf16> to vector<16xi32>
        %shift_left3A_1286 = arith.constant 16 : i32
        %shift_left3A_1287 = vector.broadcast %shift_left3A_1286 : i32 to vector<16xi32>
        %shift_left3A_1288 = arith.shli %bitcast3A_1285, %shift_left3A_1287 : vector<16xi32>
        %bitcast3A_1289 = vector.bitcast %shift_left3A_1288 : vector<16xi32> to vector<16xf32>
        %add3A_1290 = arith.addf %add3A_1277, %bitcast3A_1289 : vector<16xf32>
        %bitcast3A_1291 = vector.bitcast %bitcast3A_1285 : vector<16xi32> to vector<16xf32>
        %add3A_1292 = arith.addf %add3A_1290, %bitcast3A_1291 : vector<16xf32>
        %eq3A_1293 = arith.constant 15 : i32
        %eq3A_1294 = vector.broadcast %eq3A_1293 : i32 to vector<16xi32>
        %eq3A_1295 = arith.cmpi eq, %iota3A, %eq3A_1294 : vector<16xi32>
        %reduce_sum3A_1296 = arith.constant true
        %reduce_sum3A_1297 = vector.broadcast %reduce_sum3A_1296 : i1 to vector<16xi1>
        %reduce_sum3A_1298 = tpu.scan <sum>, %add3A_1292 masked %reduce_sum3A_1297 : vector<16xf32>, vector<16xi1> -> vector<16xf32>
        %reduce_sum3A_1299 = vector.extract %reduce_sum3A_1298[15] : f32 from vector<16xf32>
        %broadcast_in_dim3A_1300 = vector.broadcast %reduce_sum3A_1299 : f32 to vector<16xf32>
        %select_n3A_1301 = arith.select %eq3A_1295, %broadcast_in_dim3A_1300, %select_n3A_1226 : vector<16xi1>, vector<16xf32>
        %mul3A_1302 = arith.constant 16 : i32
        %mul3A_1303 = arith.muli %scan3A_106, %mul3A_1302 : i32
        %swap3A = arith.index_cast %mul3A_1303 : i32 to index
        %swap3A_1304 = tpu.vector_load %arg13[%swap3A] {strides = array<i32>} : memref<80xf32, #tpu.memory_space<vmem>>, vector<16xf32>,
        tpu.vector_store %arg13[%swap3A], %select_n3A_1301 {strides = array<i32>} : memref<80xf32, #tpu.memory_space<vmem>>, vector<16xf32>,
      }
      %scan3A_68 = arith.constant 5 : i32
      %mul3A_69 = arith.constant 80 : i32
      %mul3A_70 = arith.muli %add3A_52, %mul3A_69 : i32
      %add3A_71 = arith.addi %mul3A_2, %mul3A_70 : i32
      "tpu.region"() ({
        %run_scoped3A = tpu.sem_alloc : memref<!tpu.dma_semaphore, #tpu.memory_space<semaphore_mem>>
        %dma_start3A_106 = tpu.memref_slice %arg5[%add3A_71] : memref<320000xf32, #tpu.memory_space<hbm>> -> memref<80xf32, #tpu.memory_space<hbm>>
        %dma_start3A_107 = tpu.memref_slice %arg5[%add3A_71] : memref<320000xf32, #tpu.memory_space<hbm>> -> memref<80xf32, #tpu.memory_space<hbm>>
        tpu.enqueue_dma source(%arg13 : memref<80xf32, #tpu.memory_space<vmem>>) target(%dma_start3A_107 : memref<80xf32, #tpu.memory_space<hbm>>) target_semaphore(%run_scoped3A : memref<!tpu.dma_semaphore, #tpu.memory_space<semaphore_mem>>)
        %dma_wait3A_108 = tpu.memref_slice %arg5[%add3A_71] : memref<320000xf32, #tpu.memory_space<hbm>> -> memref<80xf32, #tpu.memory_space<hbm>>
        %dma_wait3A_109 = tpu.memref_slice %arg5[%add3A_71] : memref<320000xf32, #tpu.memory_space<hbm>> -> memref<80xf32, #tpu.memory_space<hbm>>
        tpu.wait_dma2 semaphore(%run_scoped3A : memref<!tpu.dma_semaphore, #tpu.memory_space<semaphore_mem>>) src(%arg13 : memref<80xf32, #tpu.memory_space<vmem>>) dst(%dma_wait3A_109 : memref<80xf32, #tpu.memory_space<hbm>>)
        tpu.yield
      }) : () -> ()
      %add3A_72 = arith.constant 2 : i32
      %add3A_73 = arith.addi %add3A_52, %add3A_72 : i32
      %lt3A = arith.constant 125 : i32
      %lt3A_74 = arith.cmpi slt, %add3A_73, %lt3A : i32
      %convert_element_type3A = arith.extui %lt3A_74 : i1 to i32
      %cond3A = arith.constant 0 : i32
      %cond3A_75 = arith.cmpi ne, %convert_element_type3A, %cond3A : i32
      scf.if %cond3A_75 {
        %add3A_106 = arith.constant 2 : i32
        %add3A_107 = arith.addi %add3A_52, %add3A_106 : i32
        %mul3A_108 = arith.constant 80 : i32
        %mul3A_109 = arith.muli %add3A_107, %mul3A_108 : i32
        %dma_start3A_110 = tpu.memref_slice %arg7[%mul3A_109] : memref<10000xi32, #tpu.memory_space<vmem>> -> memref<80xi32, #tpu.memory_space<vmem>>
        %dma_start3A_111 = arith.constant 0 : i32
        %dma_start3A_112 = arith.constant 0 : i32
        %dma_start3A_113 = tpu.memref_slice %arg6[%dma_start3A_111, %dma_start3A_112] : memref<10000x128xbf16, #tpu.memory_space<vmem_shared>> -> memref<10000x128xbf16, #tpu.memory_space<vmem_shared>>
        tpu.enqueue_indirect_dma source(%dma_start3A_113 : memref<10000x128xbf16, #tpu.memory_space<vmem_shared>>) target(%arg9 : memref<80x128xbf16, #tpu.memory_space<vmem>>) offsets(%dma_start3A_110 : memref<80xi32, #tpu.memory_space<vmem>>) semaphore(%arg15 : memref<!tpu.dma_semaphore, #tpu.memory_space<semaphore_mem>>)
        %mul3A_114 = arith.constant 80 : i32
        %mul3A_115 = arith.muli %add3A_107, %mul3A_114 : i32
        %dma_start3A_116 = tpu.memref_slice %arg8[%mul3A_115] : memref<10000xi32, #tpu.memory_space<vmem>> -> memref<80xi32, #tpu.memory_space<vmem>>
        %dma_start3A_117 = arith.constant 0 : i32
        %dma_start3A_118 = arith.constant 0 : i32
        %dma_start3A_119 = tpu.memref_slice %arg6[%dma_start3A_117, %dma_start3A_118] : memref<10000x128xbf16, #tpu.memory_space<vmem_shared>> -> memref<10000x128xbf16, #tpu.memory_space<vmem_shared>>
        tpu.enqueue_indirect_dma source(%dma_start3A_119 : memref<10000x128xbf16, #tpu.memory_space<vmem_shared>>) target(%arg11 : memref<80x128xbf16, #tpu.memory_space<vmem>>) offsets(%dma_start3A_116 : memref<80xi32, #tpu.memory_space<vmem>>) semaphore(%arg17 : memref<!tpu.dma_semaphore, #tpu.memory_space<semaphore_mem>>)
      } else {
      }
      %mul3A_76 = arith.constant 2 : i32
      %mul3A_77 = arith.muli %mul3A_76, %scan3A_48 : i32
      %add3A_78 = arith.constant 1 : i32
      %add3A_79 = arith.addi %mul3A_77, %add3A_78 : i32
      %dma_wait3A_80 = arith.constant 0 : i32
      %dma_wait3A_81 = tpu.memref_slice %arg7[%dma_wait3A_80] : memref<10000xi32, #tpu.memory_space<vmem>> -> memref<80xi32, #tpu.memory_space<vmem>>
      %dma_wait3A_82 = arith.constant 0 : i32
      %dma_wait3A_83 = arith.constant 0 : i32
      %dma_wait3A_84 = tpu.memref_slice %arg6[%dma_wait3A_82, %dma_wait3A_83] : memref<10000x128xbf16, #tpu.memory_space<vmem_shared>> -> memref<10000x128xbf16, #tpu.memory_space<vmem_shared>>
      tpu.wait_indirect_dma semaphore(%arg16 : memref<!tpu.dma_semaphore, #tpu.memory_space<semaphore_mem>>) src(%dma_wait3A_84 : memref<10000x128xbf16, #tpu.memory_space<vmem_shared>>) dst(%arg10 : memref<80x128xbf16, #tpu.memory_space<vmem>>)
      %dma_wait3A_85 = arith.constant 0 : i32
      %dma_wait3A_86 = tpu.memref_slice %arg8[%dma_wait3A_85] : memref<10000xi32, #tpu.memory_space<vmem>> -> memref<80xi32, #tpu.memory_space<vmem>>
      %dma_wait3A_87 = arith.constant 0 : i32
      %dma_wait3A_88 = arith.constant 0 : i32
      %dma_wait3A_89 = tpu.memref_slice %arg6[%dma_wait3A_87, %dma_wait3A_88] : memref<10000x128xbf16, #tpu.memory_space<vmem_shared>> -> memref<10000x128xbf16, #tpu.memory_space<vmem_shared>>
      tpu.wait_indirect_dma semaphore(%arg18 : memref<!tpu.dma_semaphore, #tpu.memory_space<semaphore_mem>>) src(%dma_wait3A_89 : memref<10000x128xbf16, #tpu.memory_space<vmem_shared>>) dst(%arg12 : memref<80x128xbf16, #tpu.memory_space<vmem>>)
      %scan3A_90 = arith.constant 0 : i32
      %scan3A_91 = arith.constant 0 : i32
      %scan3A_92 = arith.constant 5 : i32
      %scan3A_93 = arith.addi %scan3A_91, %scan3A_92 : i32
      %scan3A_94 = arith.constant 1 : i32
      scf.for %scan3A_106 = %scan3A_91 to %scan3A_93 step %scan3A_94  : i32 {
        %iota3A = tpu.iota {dimensions = array<i32: 0>} : vector<16xi32>
        %broadcast_in_dim3A = arith.constant 0.000000e+00 : f32
        %broadcast_in_dim3A_107 = vector.broadcast %broadcast_in_dim3A : f32 to vector<16xf32>
        %mul3A_108 = arith.constant 16 : i32
        %mul3A_109 = arith.muli %scan3A_106, %mul3A_108 : i32
        %add3A_110 = arith.constant 0 : i32
        %add3A_111 = arith.addi %mul3A_109, %add3A_110 : i32
        %broadcast_in_dim3A_112 = arith.constant 0.000000e+00 : f32
        %broadcast_in_dim3A_113 = vector.broadcast %broadcast_in_dim3A_112 : f32 to vector<16xf32>
        %get3A = arith.index_cast %add3A_111 : i32 to index
        %get3A_114 = arith.constant 0 : index
        %get3A_115 = tpu.vector_load %arg10[%get3A, %get3A_114] {strides = array<i32>} : memref<80x128xbf16, #tpu.memory_space<vmem>>, vector<32xbf16>,
        %get3A_116 = arith.index_cast %add3A_111 : i32 to index
        %get3A_117 = arith.constant 0 : index
        %get3A_118 = tpu.vector_load %arg12[%get3A_116, %get3A_117] {strides = array<i32>} : memref<80x128xbf16, #tpu.memory_space<vmem>>, vector<32xbf16>,
        %mul3A_119 = arith.mulf %get3A_115, %get3A_118 : vector<32xbf16>
        %bitcast3A = vector.bitcast %mul3A_119 : vector<32xbf16> to vector<16xi32>
        %shift_left3A = arith.constant 16 : i32
        %shift_left3A_120 = vector.broadcast %shift_left3A : i32 to vector<16xi32>
        %shift_left3A_121 = arith.shli %bitcast3A, %shift_left3A_120 : vector<16xi32>
        %bitcast3A_122 = vector.bitcast %shift_left3A_121 : vector<16xi32> to vector<16xf32>
        %add3A_123 = arith.addf %broadcast_in_dim3A_113, %bitcast3A_122 : vector<16xf32>
        %bitcast3A_124 = vector.bitcast %bitcast3A : vector<16xi32> to vector<16xf32>
        %add3A_125 = arith.addf %add3A_123, %bitcast3A_124 : vector<16xf32>
        %get3A_126 = arith.index_cast %add3A_111 : i32 to index
        %get3A_127 = arith.constant 32 : index
        %get3A_128 = tpu.vector_load %arg10[%get3A_126, %get3A_127] {strides = array<i32>} : memref<80x128xbf16, #tpu.memory_space<vmem>>, vector<32xbf16>,
        %get3A_129 = arith.index_cast %add3A_111 : i32 to index
        %get3A_130 = arith.constant 32 : index
        %get3A_131 = tpu.vector_load %arg12[%get3A_129, %get3A_130] {strides = array<i32>} : memref<80x128xbf16, #tpu.memory_space<vmem>>, vector<32xbf16>,
        %mul3A_132 = arith.mulf %get3A_128, %get3A_131 : vector<32xbf16>
        %bitcast3A_133 = vector.bitcast %mul3A_132 : vector<32xbf16> to vector<16xi32>
        %shift_left3A_134 = arith.constant 16 : i32
        %shift_left3A_135 = vector.broadcast %shift_left3A_134 : i32 to vector<16xi32>
        %shift_left3A_136 = arith.shli %bitcast3A_133, %shift_left3A_135 : vector<16xi32>
        %bitcast3A_137 = vector.bitcast %shift_left3A_136 : vector<16xi32> to vector<16xf32>
        %add3A_138 = arith.addf %add3A_125, %bitcast3A_137 : vector<16xf32>
        %bitcast3A_139 = vector.bitcast %bitcast3A_133 : vector<16xi32> to vector<16xf32>
        %add3A_140 = arith.addf %add3A_138, %bitcast3A_139 : vector<16xf32>
        %get3A_141 = arith.index_cast %add3A_111 : i32 to index
        %get3A_142 = arith.constant 64 : index
        %get3A_143 = tpu.vector_load %arg10[%get3A_141, %get3A_142] {strides = array<i32>} : memref<80x128xbf16, #tpu.memory_space<vmem>>, vector<32xbf16>,
        %get3A_144 = arith.index_cast %add3A_111 : i32 to index
        %get3A_145 = arith.constant 64 : index
        %get3A_146 = tpu.vector_load %arg12[%get3A_144, %get3A_145] {strides = array<i32>} : memref<80x128xbf16, #tpu.memory_space<vmem>>, vector<32xbf16>,
        %mul3A_147 = arith.mulf %get3A_143, %get3A_146 : vector<32xbf16>
        %bitcast3A_148 = vector.bitcast %mul3A_147 : vector<32xbf16> to vector<16xi32>
        %shift_left3A_149 = arith.constant 16 : i32
        %shift_left3A_150 = vector.broadcast %shift_left3A_149 : i32 to vector<16xi32>
        %shift_left3A_151 = arith.shli %bitcast3A_148, %shift_left3A_150 : vector<16xi32>
        %bitcast3A_152 = vector.bitcast %shift_left3A_151 : vector<16xi32> to vector<16xf32>
        %add3A_153 = arith.addf %add3A_140, %bitcast3A_152 : vector<16xf32>
        %bitcast3A_154 = vector.bitcast %bitcast3A_148 : vector<16xi32> to vector<16xf32>
        %add3A_155 = arith.addf %add3A_153, %bitcast3A_154 : vector<16xf32>
        %get3A_156 = arith.index_cast %add3A_111 : i32 to index
        %get3A_157 = arith.constant 96 : index
        %get3A_158 = tpu.vector_load %arg10[%get3A_156, %get3A_157] {strides = array<i32>} : memref<80x128xbf16, #tpu.memory_space<vmem>>, vector<32xbf16>,
        %get3A_159 = arith.index_cast %add3A_111 : i32 to index
        %get3A_160 = arith.constant 96 : index
        %get3A_161 = tpu.vector_load %arg12[%get3A_159, %get3A_160] {strides = array<i32>} : memref<80x128xbf16, #tpu.memory_space<vmem>>, vector<32xbf16>,
        %mul3A_162 = arith.mulf %get3A_158, %get3A_161 : vector<32xbf16>
        %bitcast3A_163 = vector.bitcast %mul3A_162 : vector<32xbf16> to vector<16xi32>
        %shift_left3A_164 = arith.constant 16 : i32
        %shift_left3A_165 = vector.broadcast %shift_left3A_164 : i32 to vector<16xi32>
        %shift_left3A_166 = arith.shli %bitcast3A_163, %shift_left3A_165 : vector<16xi32>
        %bitcast3A_167 = vector.bitcast %shift_left3A_166 : vector<16xi32> to vector<16xf32>
        %add3A_168 = arith.addf %add3A_155, %bitcast3A_167 : vector<16xf32>
        %bitcast3A_169 = vector.bitcast %bitcast3A_163 : vector<16xi32> to vector<16xf32>
        %add3A_170 = arith.addf %add3A_168, %bitcast3A_169 : vector<16xf32>
        %eq3A = arith.constant 0 : i32
        %eq3A_171 = vector.broadcast %eq3A : i32 to vector<16xi32>
        %eq3A_172 = arith.cmpi eq, %iota3A, %eq3A_171 : vector<16xi32>
        %reduce_sum3A = arith.constant true
        %reduce_sum3A_173 = vector.broadcast %reduce_sum3A : i1 to vector<16xi1>
        %reduce_sum3A_174 = tpu.scan <sum>, %add3A_170 masked %reduce_sum3A_173 : vector<16xf32>, vector<16xi1> -> vector<16xf32>
        %reduce_sum3A_175 = vector.extract %reduce_sum3A_174[15] : f32 from vector<16xf32>
        %broadcast_in_dim3A_176 = vector.broadcast %reduce_sum3A_175 : f32 to vector<16xf32>
        %select_n3A = arith.select %eq3A_172, %broadcast_in_dim3A_176, %broadcast_in_dim3A_107 : vector<16xi1>, vector<16xf32>
        %mul3A_177 = arith.constant 16 : i32
        %mul3A_178 = arith.muli %scan3A_106, %mul3A_177 : i32
        %add3A_179 = arith.constant 1 : i32
        %add3A_180 = arith.addi %mul3A_178, %add3A_179 : i32
        %broadcast_in_dim3A_181 = arith.constant 0.000000e+00 : f32
        %broadcast_in_dim3A_182 = vector.broadcast %broadcast_in_dim3A_181 : f32 to vector<16xf32>
        %get3A_183 = arith.index_cast %add3A_180 : i32 to index
        %get3A_184 = arith.constant 0 : index
        %get3A_185 = tpu.vector_load %arg10[%get3A_183, %get3A_184] {strides = array<i32>} : memref<80x128xbf16, #tpu.memory_space<vmem>>, vector<32xbf16>,
        %get3A_186 = arith.index_cast %add3A_180 : i32 to index
        %get3A_187 = arith.constant 0 : index
        %get3A_188 = tpu.vector_load %arg12[%get3A_186, %get3A_187] {strides = array<i32>} : memref<80x128xbf16, #tpu.memory_space<vmem>>, vector<32xbf16>,
        %mul3A_189 = arith.mulf %get3A_185, %get3A_188 : vector<32xbf16>
        %bitcast3A_190 = vector.bitcast %mul3A_189 : vector<32xbf16> to vector<16xi32>
        %shift_left3A_191 = arith.constant 16 : i32
        %shift_left3A_192 = vector.broadcast %shift_left3A_191 : i32 to vector<16xi32>
        %shift_left3A_193 = arith.shli %bitcast3A_190, %shift_left3A_192 : vector<16xi32>
        %bitcast3A_194 = vector.bitcast %shift_left3A_193 : vector<16xi32> to vector<16xf32>
        %add3A_195 = arith.addf %broadcast_in_dim3A_182, %bitcast3A_194 : vector<16xf32>
        %bitcast3A_196 = vector.bitcast %bitcast3A_190 : vector<16xi32> to vector<16xf32>
        %add3A_197 = arith.addf %add3A_195, %bitcast3A_196 : vector<16xf32>
        %get3A_198 = arith.index_cast %add3A_180 : i32 to index
        %get3A_199 = arith.constant 32 : index
        %get3A_200 = tpu.vector_load %arg10[%get3A_198, %get3A_199] {strides = array<i32>} : memref<80x128xbf16, #tpu.memory_space<vmem>>, vector<32xbf16>,
        %get3A_201 = arith.index_cast %add3A_180 : i32 to index
        %get3A_202 = arith.constant 32 : index
        %get3A_203 = tpu.vector_load %arg12[%get3A_201, %get3A_202] {strides = array<i32>} : memref<80x128xbf16, #tpu.memory_space<vmem>>, vector<32xbf16>,
        %mul3A_204 = arith.mulf %get3A_200, %get3A_203 : vector<32xbf16>
        %bitcast3A_205 = vector.bitcast %mul3A_204 : vector<32xbf16> to vector<16xi32>
        %shift_left3A_206 = arith.constant 16 : i32
        %shift_left3A_207 = vector.broadcast %shift_left3A_206 : i32 to vector<16xi32>
        %shift_left3A_208 = arith.shli %bitcast3A_205, %shift_left3A_207 : vector<16xi32>
        %bitcast3A_209 = vector.bitcast %shift_left3A_208 : vector<16xi32> to vector<16xf32>
        %add3A_210 = arith.addf %add3A_197, %bitcast3A_209 : vector<16xf32>
        %bitcast3A_211 = vector.bitcast %bitcast3A_205 : vector<16xi32> to vector<16xf32>
        %add3A_212 = arith.addf %add3A_210, %bitcast3A_211 : vector<16xf32>
        %get3A_213 = arith.index_cast %add3A_180 : i32 to index
        %get3A_214 = arith.constant 64 : index
        %get3A_215 = tpu.vector_load %arg10[%get3A_213, %get3A_214] {strides = array<i32>} : memref<80x128xbf16, #tpu.memory_space<vmem>>, vector<32xbf16>,
        %get3A_216 = arith.index_cast %add3A_180 : i32 to index
        %get3A_217 = arith.constant 64 : index
        %get3A_218 = tpu.vector_load %arg12[%get3A_216, %get3A_217] {strides = array<i32>} : memref<80x128xbf16, #tpu.memory_space<vmem>>, vector<32xbf16>,
        %mul3A_219 = arith.mulf %get3A_215, %get3A_218 : vector<32xbf16>
        %bitcast3A_220 = vector.bitcast %mul3A_219 : vector<32xbf16> to vector<16xi32>
        %shift_left3A_221 = arith.constant 16 : i32
        %shift_left3A_222 = vector.broadcast %shift_left3A_221 : i32 to vector<16xi32>
        %shift_left3A_223 = arith.shli %bitcast3A_220, %shift_left3A_222 : vector<16xi32>
        %bitcast3A_224 = vector.bitcast %shift_left3A_223 : vector<16xi32> to vector<16xf32>
        %add3A_225 = arith.addf %add3A_212, %bitcast3A_224 : vector<16xf32>
        %bitcast3A_226 = vector.bitcast %bitcast3A_220 : vector<16xi32> to vector<16xf32>
        %add3A_227 = arith.addf %add3A_225, %bitcast3A_226 : vector<16xf32>
        %get3A_228 = arith.index_cast %add3A_180 : i32 to index
        %get3A_229 = arith.constant 96 : index
        %get3A_230 = tpu.vector_load %arg10[%get3A_228, %get3A_229] {strides = array<i32>} : memref<80x128xbf16, #tpu.memory_space<vmem>>, vector<32xbf16>,
        %get3A_231 = arith.index_cast %add3A_180 : i32 to index
        %get3A_232 = arith.constant 96 : index
        %get3A_233 = tpu.vector_load %arg12[%get3A_231, %get3A_232] {strides = array<i32>} : memref<80x128xbf16, #tpu.memory_space<vmem>>, vector<32xbf16>,
        %mul3A_234 = arith.mulf %get3A_230, %get3A_233 : vector<32xbf16>
        %bitcast3A_235 = vector.bitcast %mul3A_234 : vector<32xbf16> to vector<16xi32>
        %shift_left3A_236 = arith.constant 16 : i32
        %shift_left3A_237 = vector.broadcast %shift_left3A_236 : i32 to vector<16xi32>
        %shift_left3A_238 = arith.shli %bitcast3A_235, %shift_left3A_237 : vector<16xi32>
        %bitcast3A_239 = vector.bitcast %shift_left3A_238 : vector<16xi32> to vector<16xf32>
        %add3A_240 = arith.addf %add3A_227, %bitcast3A_239 : vector<16xf32>
        %bitcast3A_241 = vector.bitcast %bitcast3A_235 : vector<16xi32> to vector<16xf32>
        %add3A_242 = arith.addf %add3A_240, %bitcast3A_241 : vector<16xf32>
        %eq3A_243 = arith.constant 1 : i32
        %eq3A_244 = vector.broadcast %eq3A_243 : i32 to vector<16xi32>
        %eq3A_245 = arith.cmpi eq, %iota3A, %eq3A_244 : vector<16xi32>
        %reduce_sum3A_246 = arith.constant true
        %reduce_sum3A_247 = vector.broadcast %reduce_sum3A_246 : i1 to vector<16xi1>
        %reduce_sum3A_248 = tpu.scan <sum>, %add3A_242 masked %reduce_sum3A_247 : vector<16xf32>, vector<16xi1> -> vector<16xf32>
        %reduce_sum3A_249 = vector.extract %reduce_sum3A_248[15] : f32 from vector<16xf32>
        %broadcast_in_dim3A_250 = vector.broadcast %reduce_sum3A_249 : f32 to vector<16xf32>
        %select_n3A_251 = arith.select %eq3A_245, %broadcast_in_dim3A_250, %select_n3A : vector<16xi1>, vector<16xf32>
        %mul3A_252 = arith.constant 16 : i32
        %mul3A_253 = arith.muli %scan3A_106, %mul3A_252 : i32
        %add3A_254 = arith.constant 2 : i32
        %add3A_255 = arith.addi %mul3A_253, %add3A_254 : i32
        %broadcast_in_dim3A_256 = arith.constant 0.000000e+00 : f32
        %broadcast_in_dim3A_257 = vector.broadcast %broadcast_in_dim3A_256 : f32 to vector<16xf32>
        %get3A_258 = arith.index_cast %add3A_255 : i32 to index
        %get3A_259 = arith.constant 0 : index
        %get3A_260 = tpu.vector_load %arg10[%get3A_258, %get3A_259] {strides = array<i32>} : memref<80x128xbf16, #tpu.memory_space<vmem>>, vector<32xbf16>,
        %get3A_261 = arith.index_cast %add3A_255 : i32 to index
        %get3A_262 = arith.constant 0 : index
        %get3A_263 = tpu.vector_load %arg12[%get3A_261, %get3A_262] {strides = array<i32>} : memref<80x128xbf16, #tpu.memory_space<vmem>>, vector<32xbf16>,
        %mul3A_264 = arith.mulf %get3A_260, %get3A_263 : vector<32xbf16>
        %bitcast3A_265 = vector.bitcast %mul3A_264 : vector<32xbf16> to vector<16xi32>
        %shift_left3A_266 = arith.constant 16 : i32
        %shift_left3A_267 = vector.broadcast %shift_left3A_266 : i32 to vector<16xi32>
        %shift_left3A_268 = arith.shli %bitcast3A_265, %shift_left3A_267 : vector<16xi32>
        %bitcast3A_269 = vector.bitcast %shift_left3A_268 : vector<16xi32> to vector<16xf32>
        %add3A_270 = arith.addf %broadcast_in_dim3A_257, %bitcast3A_269 : vector<16xf32>
        %bitcast3A_271 = vector.bitcast %bitcast3A_265 : vector<16xi32> to vector<16xf32>
        %add3A_272 = arith.addf %add3A_270, %bitcast3A_271 : vector<16xf32>
        %get3A_273 = arith.index_cast %add3A_255 : i32 to index
        %get3A_274 = arith.constant 32 : index
        %get3A_275 = tpu.vector_load %arg10[%get3A_273, %get3A_274] {strides = array<i32>} : memref<80x128xbf16, #tpu.memory_space<vmem>>, vector<32xbf16>,
        %get3A_276 = arith.index_cast %add3A_255 : i32 to index
        %get3A_277 = arith.constant 32 : index
        %get3A_278 = tpu.vector_load %arg12[%get3A_276, %get3A_277] {strides = array<i32>} : memref<80x128xbf16, #tpu.memory_space<vmem>>, vector<32xbf16>,
        %mul3A_279 = arith.mulf %get3A_275, %get3A_278 : vector<32xbf16>
        %bitcast3A_280 = vector.bitcast %mul3A_279 : vector<32xbf16> to vector<16xi32>
        %shift_left3A_281 = arith.constant 16 : i32
        %shift_left3A_282 = vector.broadcast %shift_left3A_281 : i32 to vector<16xi32>
        %shift_left3A_283 = arith.shli %bitcast3A_280, %shift_left3A_282 : vector<16xi32>
        %bitcast3A_284 = vector.bitcast %shift_left3A_283 : vector<16xi32> to vector<16xf32>
        %add3A_285 = arith.addf %add3A_272, %bitcast3A_284 : vector<16xf32>
        %bitcast3A_286 = vector.bitcast %bitcast3A_280 : vector<16xi32> to vector<16xf32>
        %add3A_287 = arith.addf %add3A_285, %bitcast3A_286 : vector<16xf32>
        %get3A_288 = arith.index_cast %add3A_255 : i32 to index
        %get3A_289 = arith.constant 64 : index
        %get3A_290 = tpu.vector_load %arg10[%get3A_288, %get3A_289] {strides = array<i32>} : memref<80x128xbf16, #tpu.memory_space<vmem>>, vector<32xbf16>,
        %get3A_291 = arith.index_cast %add3A_255 : i32 to index
        %get3A_292 = arith.constant 64 : index
        %get3A_293 = tpu.vector_load %arg12[%get3A_291, %get3A_292] {strides = array<i32>} : memref<80x128xbf16, #tpu.memory_space<vmem>>, vector<32xbf16>,
        %mul3A_294 = arith.mulf %get3A_290, %get3A_293 : vector<32xbf16>
        %bitcast3A_295 = vector.bitcast %mul3A_294 : vector<32xbf16> to vector<16xi32>
        %shift_left3A_296 = arith.constant 16 : i32
        %shift_left3A_297 = vector.broadcast %shift_left3A_296 : i32 to vector<16xi32>
        %shift_left3A_298 = arith.shli %bitcast3A_295, %shift_left3A_297 : vector<16xi32>
        %bitcast3A_299 = vector.bitcast %shift_left3A_298 : vector<16xi32> to vector<16xf32>
        %add3A_300 = arith.addf %add3A_287, %bitcast3A_299 : vector<16xf32>
        %bitcast3A_301 = vector.bitcast %bitcast3A_295 : vector<16xi32> to vector<16xf32>
        %add3A_302 = arith.addf %add3A_300, %bitcast3A_301 : vector<16xf32>
        %get3A_303 = arith.index_cast %add3A_255 : i32 to index
        %get3A_304 = arith.constant 96 : index
        %get3A_305 = tpu.vector_load %arg10[%get3A_303, %get3A_304] {strides = array<i32>} : memref<80x128xbf16, #tpu.memory_space<vmem>>, vector<32xbf16>,
        %get3A_306 = arith.index_cast %add3A_255 : i32 to index
        %get3A_307 = arith.constant 96 : index
        %get3A_308 = tpu.vector_load %arg12[%get3A_306, %get3A_307] {strides = array<i32>} : memref<80x128xbf16, #tpu.memory_space<vmem>>, vector<32xbf16>,
        %mul3A_309 = arith.mulf %get3A_305, %get3A_308 : vector<32xbf16>
        %bitcast3A_310 = vector.bitcast %mul3A_309 : vector<32xbf16> to vector<16xi32>
        %shift_left3A_311 = arith.constant 16 : i32
        %shift_left3A_312 = vector.broadcast %shift_left3A_311 : i32 to vector<16xi32>
        %shift_left3A_313 = arith.shli %bitcast3A_310, %shift_left3A_312 : vector<16xi32>
        %bitcast3A_314 = vector.bitcast %shift_left3A_313 : vector<16xi32> to vector<16xf32>
        %add3A_315 = arith.addf %add3A_302, %bitcast3A_314 : vector<16xf32>
        %bitcast3A_316 = vector.bitcast %bitcast3A_310 : vector<16xi32> to vector<16xf32>
        %add3A_317 = arith.addf %add3A_315, %bitcast3A_316 : vector<16xf32>
        %eq3A_318 = arith.constant 2 : i32
        %eq3A_319 = vector.broadcast %eq3A_318 : i32 to vector<16xi32>
        %eq3A_320 = arith.cmpi eq, %iota3A, %eq3A_319 : vector<16xi32>
        %reduce_sum3A_321 = arith.constant true
        %reduce_sum3A_322 = vector.broadcast %reduce_sum3A_321 : i1 to vector<16xi1>
        %reduce_sum3A_323 = tpu.scan <sum>, %add3A_317 masked %reduce_sum3A_322 : vector<16xf32>, vector<16xi1> -> vector<16xf32>
        %reduce_sum3A_324 = vector.extract %reduce_sum3A_323[15] : f32 from vector<16xf32>
        %broadcast_in_dim3A_325 = vector.broadcast %reduce_sum3A_324 : f32 to vector<16xf32>
        %select_n3A_326 = arith.select %eq3A_320, %broadcast_in_dim3A_325, %select_n3A_251 : vector<16xi1>, vector<16xf32>
        %mul3A_327 = arith.constant 16 : i32
        %mul3A_328 = arith.muli %scan3A_106, %mul3A_327 : i32
        %add3A_329 = arith.constant 3 : i32
        %add3A_330 = arith.addi %mul3A_328, %add3A_329 : i32
        %broadcast_in_dim3A_331 = arith.constant 0.000000e+00 : f32
        %broadcast_in_dim3A_332 = vector.broadcast %broadcast_in_dim3A_331 : f32 to vector<16xf32>
        %get3A_333 = arith.index_cast %add3A_330 : i32 to index
        %get3A_334 = arith.constant 0 : index
        %get3A_335 = tpu.vector_load %arg10[%get3A_333, %get3A_334] {strides = array<i32>} : memref<80x128xbf16, #tpu.memory_space<vmem>>, vector<32xbf16>,
        %get3A_336 = arith.index_cast %add3A_330 : i32 to index
        %get3A_337 = arith.constant 0 : index
        %get3A_338 = tpu.vector_load %arg12[%get3A_336, %get3A_337] {strides = array<i32>} : memref<80x128xbf16, #tpu.memory_space<vmem>>, vector<32xbf16>,
        %mul3A_339 = arith.mulf %get3A_335, %get3A_338 : vector<32xbf16>
        %bitcast3A_340 = vector.bitcast %mul3A_339 : vector<32xbf16> to vector<16xi32>
        %shift_left3A_341 = arith.constant 16 : i32
        %shift_left3A_342 = vector.broadcast %shift_left3A_341 : i32 to vector<16xi32>
        %shift_left3A_343 = arith.shli %bitcast3A_340, %shift_left3A_342 : vector<16xi32>
        %bitcast3A_344 = vector.bitcast %shift_left3A_343 : vector<16xi32> to vector<16xf32>
        %add3A_345 = arith.addf %broadcast_in_dim3A_332, %bitcast3A_344 : vector<16xf32>
        %bitcast3A_346 = vector.bitcast %bitcast3A_340 : vector<16xi32> to vector<16xf32>
        %add3A_347 = arith.addf %add3A_345, %bitcast3A_346 : vector<16xf32>
        %get3A_348 = arith.index_cast %add3A_330 : i32 to index
        %get3A_349 = arith.constant 32 : index
        %get3A_350 = tpu.vector_load %arg10[%get3A_348, %get3A_349] {strides = array<i32>} : memref<80x128xbf16, #tpu.memory_space<vmem>>, vector<32xbf16>,
        %get3A_351 = arith.index_cast %add3A_330 : i32 to index
        %get3A_352 = arith.constant 32 : index
        %get3A_353 = tpu.vector_load %arg12[%get3A_351, %get3A_352] {strides = array<i32>} : memref<80x128xbf16, #tpu.memory_space<vmem>>, vector<32xbf16>,
        %mul3A_354 = arith.mulf %get3A_350, %get3A_353 : vector<32xbf16>
        %bitcast3A_355 = vector.bitcast %mul3A_354 : vector<32xbf16> to vector<16xi32>
        %shift_left3A_356 = arith.constant 16 : i32
        %shift_left3A_357 = vector.broadcast %shift_left3A_356 : i32 to vector<16xi32>
        %shift_left3A_358 = arith.shli %bitcast3A_355, %shift_left3A_357 : vector<16xi32>
        %bitcast3A_359 = vector.bitcast %shift_left3A_358 : vector<16xi32> to vector<16xf32>
        %add3A_360 = arith.addf %add3A_347, %bitcast3A_359 : vector<16xf32>
        %bitcast3A_361 = vector.bitcast %bitcast3A_355 : vector<16xi32> to vector<16xf32>
        %add3A_362 = arith.addf %add3A_360, %bitcast3A_361 : vector<16xf32>
        %get3A_363 = arith.index_cast %add3A_330 : i32 to index
        %get3A_364 = arith.constant 64 : index
        %get3A_365 = tpu.vector_load %arg10[%get3A_363, %get3A_364] {strides = array<i32>} : memref<80x128xbf16, #tpu.memory_space<vmem>>, vector<32xbf16>,
        %get3A_366 = arith.index_cast %add3A_330 : i32 to index
        %get3A_367 = arith.constant 64 : index
        %get3A_368 = tpu.vector_load %arg12[%get3A_366, %get3A_367] {strides = array<i32>} : memref<80x128xbf16, #tpu.memory_space<vmem>>, vector<32xbf16>,
        %mul3A_369 = arith.mulf %get3A_365, %get3A_368 : vector<32xbf16>
        %bitcast3A_370 = vector.bitcast %mul3A_369 : vector<32xbf16> to vector<16xi32>
        %shift_left3A_371 = arith.constant 16 : i32
        %shift_left3A_372 = vector.broadcast %shift_left3A_371 : i32 to vector<16xi32>
        %shift_left3A_373 = arith.shli %bitcast3A_370, %shift_left3A_372 : vector<16xi32>
        %bitcast3A_374 = vector.bitcast %shift_left3A_373 : vector<16xi32> to vector<16xf32>
        %add3A_375 = arith.addf %add3A_362, %bitcast3A_374 : vector<16xf32>
        %bitcast3A_376 = vector.bitcast %bitcast3A_370 : vector<16xi32> to vector<16xf32>
        %add3A_377 = arith.addf %add3A_375, %bitcast3A_376 : vector<16xf32>
        %get3A_378 = arith.index_cast %add3A_330 : i32 to index
        %get3A_379 = arith.constant 96 : index
        %get3A_380 = tpu.vector_load %arg10[%get3A_378, %get3A_379] {strides = array<i32>} : memref<80x128xbf16, #tpu.memory_space<vmem>>, vector<32xbf16>,
        %get3A_381 = arith.index_cast %add3A_330 : i32 to index
        %get3A_382 = arith.constant 96 : index
        %get3A_383 = tpu.vector_load %arg12[%get3A_381, %get3A_382] {strides = array<i32>} : memref<80x128xbf16, #tpu.memory_space<vmem>>, vector<32xbf16>,
        %mul3A_384 = arith.mulf %get3A_380, %get3A_383 : vector<32xbf16>
        %bitcast3A_385 = vector.bitcast %mul3A_384 : vector<32xbf16> to vector<16xi32>
        %shift_left3A_386 = arith.constant 16 : i32
        %shift_left3A_387 = vector.broadcast %shift_left3A_386 : i32 to vector<16xi32>
        %shift_left3A_388 = arith.shli %bitcast3A_385, %shift_left3A_387 : vector<16xi32>
        %bitcast3A_389 = vector.bitcast %shift_left3A_388 : vector<16xi32> to vector<16xf32>
        %add3A_390 = arith.addf %add3A_377, %bitcast3A_389 : vector<16xf32>
        %bitcast3A_391 = vector.bitcast %bitcast3A_385 : vector<16xi32> to vector<16xf32>
        %add3A_392 = arith.addf %add3A_390, %bitcast3A_391 : vector<16xf32>
        %eq3A_393 = arith.constant 3 : i32
        %eq3A_394 = vector.broadcast %eq3A_393 : i32 to vector<16xi32>
        %eq3A_395 = arith.cmpi eq, %iota3A, %eq3A_394 : vector<16xi32>
        %reduce_sum3A_396 = arith.constant true
        %reduce_sum3A_397 = vector.broadcast %reduce_sum3A_396 : i1 to vector<16xi1>
        %reduce_sum3A_398 = tpu.scan <sum>, %add3A_392 masked %reduce_sum3A_397 : vector<16xf32>, vector<16xi1> -> vector<16xf32>
        %reduce_sum3A_399 = vector.extract %reduce_sum3A_398[15] : f32 from vector<16xf32>
        %broadcast_in_dim3A_400 = vector.broadcast %reduce_sum3A_399 : f32 to vector<16xf32>
        %select_n3A_401 = arith.select %eq3A_395, %broadcast_in_dim3A_400, %select_n3A_326 : vector<16xi1>, vector<16xf32>
        %mul3A_402 = arith.constant 16 : i32
        %mul3A_403 = arith.muli %scan3A_106, %mul3A_402 : i32
        %add3A_404 = arith.constant 4 : i32
        %add3A_405 = arith.addi %mul3A_403, %add3A_404 : i32
        %broadcast_in_dim3A_406 = arith.constant 0.000000e+00 : f32
        %broadcast_in_dim3A_407 = vector.broadcast %broadcast_in_dim3A_406 : f32 to vector<16xf32>
        %get3A_408 = arith.index_cast %add3A_405 : i32 to index
        %get3A_409 = arith.constant 0 : index
        %get3A_410 = tpu.vector_load %arg10[%get3A_408, %get3A_409] {strides = array<i32>} : memref<80x128xbf16, #tpu.memory_space<vmem>>, vector<32xbf16>,
        %get3A_411 = arith.index_cast %add3A_405 : i32 to index
        %get3A_412 = arith.constant 0 : index
        %get3A_413 = tpu.vector_load %arg12[%get3A_411, %get3A_412] {strides = array<i32>} : memref<80x128xbf16, #tpu.memory_space<vmem>>, vector<32xbf16>,
        %mul3A_414 = arith.mulf %get3A_410, %get3A_413 : vector<32xbf16>
        %bitcast3A_415 = vector.bitcast %mul3A_414 : vector<32xbf16> to vector<16xi32>
        %shift_left3A_416 = arith.constant 16 : i32
        %shift_left3A_417 = vector.broadcast %shift_left3A_416 : i32 to vector<16xi32>
        %shift_left3A_418 = arith.shli %bitcast3A_415, %shift_left3A_417 : vector<16xi32>
        %bitcast3A_419 = vector.bitcast %shift_left3A_418 : vector<16xi32> to vector<16xf32>
        %add3A_420 = arith.addf %broadcast_in_dim3A_407, %bitcast3A_419 : vector<16xf32>
        %bitcast3A_421 = vector.bitcast %bitcast3A_415 : vector<16xi32> to vector<16xf32>
        %add3A_422 = arith.addf %add3A_420, %bitcast3A_421 : vector<16xf32>
        %get3A_423 = arith.index_cast %add3A_405 : i32 to index
        %get3A_424 = arith.constant 32 : index
        %get3A_425 = tpu.vector_load %arg10[%get3A_423, %get3A_424] {strides = array<i32>} : memref<80x128xbf16, #tpu.memory_space<vmem>>, vector<32xbf16>,
        %get3A_426 = arith.index_cast %add3A_405 : i32 to index
        %get3A_427 = arith.constant 32 : index
        %get3A_428 = tpu.vector_load %arg12[%get3A_426, %get3A_427] {strides = array<i32>} : memref<80x128xbf16, #tpu.memory_space<vmem>>, vector<32xbf16>,
        %mul3A_429 = arith.mulf %get3A_425, %get3A_428 : vector<32xbf16>
        %bitcast3A_430 = vector.bitcast %mul3A_429 : vector<32xbf16> to vector<16xi32>
        %shift_left3A_431 = arith.constant 16 : i32
        %shift_left3A_432 = vector.broadcast %shift_left3A_431 : i32 to vector<16xi32>
        %shift_left3A_433 = arith.shli %bitcast3A_430, %shift_left3A_432 : vector<16xi32>
        %bitcast3A_434 = vector.bitcast %shift_left3A_433 : vector<16xi32> to vector<16xf32>
        %add3A_435 = arith.addf %add3A_422, %bitcast3A_434 : vector<16xf32>
        %bitcast3A_436 = vector.bitcast %bitcast3A_430 : vector<16xi32> to vector<16xf32>
        %add3A_437 = arith.addf %add3A_435, %bitcast3A_436 : vector<16xf32>
        %get3A_438 = arith.index_cast %add3A_405 : i32 to index
        %get3A_439 = arith.constant 64 : index
        %get3A_440 = tpu.vector_load %arg10[%get3A_438, %get3A_439] {strides = array<i32>} : memref<80x128xbf16, #tpu.memory_space<vmem>>, vector<32xbf16>,
        %get3A_441 = arith.index_cast %add3A_405 : i32 to index
        %get3A_442 = arith.constant 64 : index
        %get3A_443 = tpu.vector_load %arg12[%get3A_441, %get3A_442] {strides = array<i32>} : memref<80x128xbf16, #tpu.memory_space<vmem>>, vector<32xbf16>,
        %mul3A_444 = arith.mulf %get3A_440, %get3A_443 : vector<32xbf16>
        %bitcast3A_445 = vector.bitcast %mul3A_444 : vector<32xbf16> to vector<16xi32>
        %shift_left3A_446 = arith.constant 16 : i32
        %shift_left3A_447 = vector.broadcast %shift_left3A_446 : i32 to vector<16xi32>
        %shift_left3A_448 = arith.shli %bitcast3A_445, %shift_left3A_447 : vector<16xi32>
        %bitcast3A_449 = vector.bitcast %shift_left3A_448 : vector<16xi32> to vector<16xf32>
        %add3A_450 = arith.addf %add3A_437, %bitcast3A_449 : vector<16xf32>
        %bitcast3A_451 = vector.bitcast %bitcast3A_445 : vector<16xi32> to vector<16xf32>
        %add3A_452 = arith.addf %add3A_450, %bitcast3A_451 : vector<16xf32>
        %get3A_453 = arith.index_cast %add3A_405 : i32 to index
        %get3A_454 = arith.constant 96 : index
        %get3A_455 = tpu.vector_load %arg10[%get3A_453, %get3A_454] {strides = array<i32>} : memref<80x128xbf16, #tpu.memory_space<vmem>>, vector<32xbf16>,
        %get3A_456 = arith.index_cast %add3A_405 : i32 to index
        %get3A_457 = arith.constant 96 : index
        %get3A_458 = tpu.vector_load %arg12[%get3A_456, %get3A_457] {strides = array<i32>} : memref<80x128xbf16, #tpu.memory_space<vmem>>, vector<32xbf16>,
        %mul3A_459 = arith.mulf %get3A_455, %get3A_458 : vector<32xbf16>
        %bitcast3A_460 = vector.bitcast %mul3A_459 : vector<32xbf16> to vector<16xi32>
        %shift_left3A_461 = arith.constant 16 : i32
        %shift_left3A_462 = vector.broadcast %shift_left3A_461 : i32 to vector<16xi32>
        %shift_left3A_463 = arith.shli %bitcast3A_460, %shift_left3A_462 : vector<16xi32>
        %bitcast3A_464 = vector.bitcast %shift_left3A_463 : vector<16xi32> to vector<16xf32>
        %add3A_465 = arith.addf %add3A_452, %bitcast3A_464 : vector<16xf32>
        %bitcast3A_466 = vector.bitcast %bitcast3A_460 : vector<16xi32> to vector<16xf32>
        %add3A_467 = arith.addf %add3A_465, %bitcast3A_466 : vector<16xf32>
        %eq3A_468 = arith.constant 4 : i32
        %eq3A_469 = vector.broadcast %eq3A_468 : i32 to vector<16xi32>
        %eq3A_470 = arith.cmpi eq, %iota3A, %eq3A_469 : vector<16xi32>
        %reduce_sum3A_471 = arith.constant true
        %reduce_sum3A_472 = vector.broadcast %reduce_sum3A_471 : i1 to vector<16xi1>
        %reduce_sum3A_473 = tpu.scan <sum>, %add3A_467 masked %reduce_sum3A_472 : vector<16xf32>, vector<16xi1> -> vector<16xf32>
        %reduce_sum3A_474 = vector.extract %reduce_sum3A_473[15] : f32 from vector<16xf32>
        %broadcast_in_dim3A_475 = vector.broadcast %reduce_sum3A_474 : f32 to vector<16xf32>
        %select_n3A_476 = arith.select %eq3A_470, %broadcast_in_dim3A_475, %select_n3A_401 : vector<16xi1>, vector<16xf32>
        %mul3A_477 = arith.constant 16 : i32
        %mul3A_478 = arith.muli %scan3A_106, %mul3A_477 : i32
        %add3A_479 = arith.constant 5 : i32
        %add3A_480 = arith.addi %mul3A_478, %add3A_479 : i32
        %broadcast_in_dim3A_481 = arith.constant 0.000000e+00 : f32
        %broadcast_in_dim3A_482 = vector.broadcast %broadcast_in_dim3A_481 : f32 to vector<16xf32>
        %get3A_483 = arith.index_cast %add3A_480 : i32 to index
        %get3A_484 = arith.constant 0 : index
        %get3A_485 = tpu.vector_load %arg10[%get3A_483, %get3A_484] {strides = array<i32>} : memref<80x128xbf16, #tpu.memory_space<vmem>>, vector<32xbf16>,
        %get3A_486 = arith.index_cast %add3A_480 : i32 to index
        %get3A_487 = arith.constant 0 : index
        %get3A_488 = tpu.vector_load %arg12[%get3A_486, %get3A_487] {strides = array<i32>} : memref<80x128xbf16, #tpu.memory_space<vmem>>, vector<32xbf16>,
        %mul3A_489 = arith.mulf %get3A_485, %get3A_488 : vector<32xbf16>
        %bitcast3A_490 = vector.bitcast %mul3A_489 : vector<32xbf16> to vector<16xi32>
        %shift_left3A_491 = arith.constant 16 : i32
        %shift_left3A_492 = vector.broadcast %shift_left3A_491 : i32 to vector<16xi32>
        %shift_left3A_493 = arith.shli %bitcast3A_490, %shift_left3A_492 : vector<16xi32>
        %bitcast3A_494 = vector.bitcast %shift_left3A_493 : vector<16xi32> to vector<16xf32>
        %add3A_495 = arith.addf %broadcast_in_dim3A_482, %bitcast3A_494 : vector<16xf32>
        %bitcast3A_496 = vector.bitcast %bitcast3A_490 : vector<16xi32> to vector<16xf32>
        %add3A_497 = arith.addf %add3A_495, %bitcast3A_496 : vector<16xf32>
        %get3A_498 = arith.index_cast %add3A_480 : i32 to index
        %get3A_499 = arith.constant 32 : index
        %get3A_500 = tpu.vector_load %arg10[%get3A_498, %get3A_499] {strides = array<i32>} : memref<80x128xbf16, #tpu.memory_space<vmem>>, vector<32xbf16>,
        %get3A_501 = arith.index_cast %add3A_480 : i32 to index
        %get3A_502 = arith.constant 32 : index
        %get3A_503 = tpu.vector_load %arg12[%get3A_501, %get3A_502] {strides = array<i32>} : memref<80x128xbf16, #tpu.memory_space<vmem>>, vector<32xbf16>,
        %mul3A_504 = arith.mulf %get3A_500, %get3A_503 : vector<32xbf16>
        %bitcast3A_505 = vector.bitcast %mul3A_504 : vector<32xbf16> to vector<16xi32>
        %shift_left3A_506 = arith.constant 16 : i32
        %shift_left3A_507 = vector.broadcast %shift_left3A_506 : i32 to vector<16xi32>
        %shift_left3A_508 = arith.shli %bitcast3A_505, %shift_left3A_507 : vector<16xi32>
        %bitcast3A_509 = vector.bitcast %shift_left3A_508 : vector<16xi32> to vector<16xf32>
        %add3A_510 = arith.addf %add3A_497, %bitcast3A_509 : vector<16xf32>
        %bitcast3A_511 = vector.bitcast %bitcast3A_505 : vector<16xi32> to vector<16xf32>
        %add3A_512 = arith.addf %add3A_510, %bitcast3A_511 : vector<16xf32>
        %get3A_513 = arith.index_cast %add3A_480 : i32 to index
        %get3A_514 = arith.constant 64 : index
        %get3A_515 = tpu.vector_load %arg10[%get3A_513, %get3A_514] {strides = array<i32>} : memref<80x128xbf16, #tpu.memory_space<vmem>>, vector<32xbf16>,
        %get3A_516 = arith.index_cast %add3A_480 : i32 to index
        %get3A_517 = arith.constant 64 : index
        %get3A_518 = tpu.vector_load %arg12[%get3A_516, %get3A_517] {strides = array<i32>} : memref<80x128xbf16, #tpu.memory_space<vmem>>, vector<32xbf16>,
        %mul3A_519 = arith.mulf %get3A_515, %get3A_518 : vector<32xbf16>
        %bitcast3A_520 = vector.bitcast %mul3A_519 : vector<32xbf16> to vector<16xi32>
        %shift_left3A_521 = arith.constant 16 : i32
        %shift_left3A_522 = vector.broadcast %shift_left3A_521 : i32 to vector<16xi32>
        %shift_left3A_523 = arith.shli %bitcast3A_520, %shift_left3A_522 : vector<16xi32>
        %bitcast3A_524 = vector.bitcast %shift_left3A_523 : vector<16xi32> to vector<16xf32>
        %add3A_525 = arith.addf %add3A_512, %bitcast3A_524 : vector<16xf32>
        %bitcast3A_526 = vector.bitcast %bitcast3A_520 : vector<16xi32> to vector<16xf32>
        %add3A_527 = arith.addf %add3A_525, %bitcast3A_526 : vector<16xf32>
        %get3A_528 = arith.index_cast %add3A_480 : i32 to index
        %get3A_529 = arith.constant 96 : index
        %get3A_530 = tpu.vector_load %arg10[%get3A_528, %get3A_529] {strides = array<i32>} : memref<80x128xbf16, #tpu.memory_space<vmem>>, vector<32xbf16>,
        %get3A_531 = arith.index_cast %add3A_480 : i32 to index
        %get3A_532 = arith.constant 96 : index
        %get3A_533 = tpu.vector_load %arg12[%get3A_531, %get3A_532] {strides = array<i32>} : memref<80x128xbf16, #tpu.memory_space<vmem>>, vector<32xbf16>,
        %mul3A_534 = arith.mulf %get3A_530, %get3A_533 : vector<32xbf16>
        %bitcast3A_535 = vector.bitcast %mul3A_534 : vector<32xbf16> to vector<16xi32>
        %shift_left3A_536 = arith.constant 16 : i32
        %shift_left3A_537 = vector.broadcast %shift_left3A_536 : i32 to vector<16xi32>
        %shift_left3A_538 = arith.shli %bitcast3A_535, %shift_left3A_537 : vector<16xi32>
        %bitcast3A_539 = vector.bitcast %shift_left3A_538 : vector<16xi32> to vector<16xf32>
        %add3A_540 = arith.addf %add3A_527, %bitcast3A_539 : vector<16xf32>
        %bitcast3A_541 = vector.bitcast %bitcast3A_535 : vector<16xi32> to vector<16xf32>
        %add3A_542 = arith.addf %add3A_540, %bitcast3A_541 : vector<16xf32>
        %eq3A_543 = arith.constant 5 : i32
        %eq3A_544 = vector.broadcast %eq3A_543 : i32 to vector<16xi32>
        %eq3A_545 = arith.cmpi eq, %iota3A, %eq3A_544 : vector<16xi32>
        %reduce_sum3A_546 = arith.constant true
        %reduce_sum3A_547 = vector.broadcast %reduce_sum3A_546 : i1 to vector<16xi1>
        %reduce_sum3A_548 = tpu.scan <sum>, %add3A_542 masked %reduce_sum3A_547 : vector<16xf32>, vector<16xi1> -> vector<16xf32>
        %reduce_sum3A_549 = vector.extract %reduce_sum3A_548[15] : f32 from vector<16xf32>
        %broadcast_in_dim3A_550 = vector.broadcast %reduce_sum3A_549 : f32 to vector<16xf32>
        %select_n3A_551 = arith.select %eq3A_545, %broadcast_in_dim3A_550, %select_n3A_476 : vector<16xi1>, vector<16xf32>
        %mul3A_552 = arith.constant 16 : i32
        %mul3A_553 = arith.muli %scan3A_106, %mul3A_552 : i32
        %add3A_554 = arith.constant 6 : i32
        %add3A_555 = arith.addi %mul3A_553, %add3A_554 : i32
        %broadcast_in_dim3A_556 = arith.constant 0.000000e+00 : f32
        %broadcast_in_dim3A_557 = vector.broadcast %broadcast_in_dim3A_556 : f32 to vector<16xf32>
        %get3A_558 = arith.index_cast %add3A_555 : i32 to index
        %get3A_559 = arith.constant 0 : index
        %get3A_560 = tpu.vector_load %arg10[%get3A_558, %get3A_559] {strides = array<i32>} : memref<80x128xbf16, #tpu.memory_space<vmem>>, vector<32xbf16>,
        %get3A_561 = arith.index_cast %add3A_555 : i32 to index
        %get3A_562 = arith.constant 0 : index
        %get3A_563 = tpu.vector_load %arg12[%get3A_561, %get3A_562] {strides = array<i32>} : memref<80x128xbf16, #tpu.memory_space<vmem>>, vector<32xbf16>,
        %mul3A_564 = arith.mulf %get3A_560, %get3A_563 : vector<32xbf16>
        %bitcast3A_565 = vector.bitcast %mul3A_564 : vector<32xbf16> to vector<16xi32>
        %shift_left3A_566 = arith.constant 16 : i32
        %shift_left3A_567 = vector.broadcast %shift_left3A_566 : i32 to vector<16xi32>
        %shift_left3A_568 = arith.shli %bitcast3A_565, %shift_left3A_567 : vector<16xi32>
        %bitcast3A_569 = vector.bitcast %shift_left3A_568 : vector<16xi32> to vector<16xf32>
        %add3A_570 = arith.addf %broadcast_in_dim3A_557, %bitcast3A_569 : vector<16xf32>
        %bitcast3A_571 = vector.bitcast %bitcast3A_565 : vector<16xi32> to vector<16xf32>
        %add3A_572 = arith.addf %add3A_570, %bitcast3A_571 : vector<16xf32>
        %get3A_573 = arith.index_cast %add3A_555 : i32 to index
        %get3A_574 = arith.constant 32 : index
        %get3A_575 = tpu.vector_load %arg10[%get3A_573, %get3A_574] {strides = array<i32>} : memref<80x128xbf16, #tpu.memory_space<vmem>>, vector<32xbf16>,
        %get3A_576 = arith.index_cast %add3A_555 : i32 to index
        %get3A_577 = arith.constant 32 : index
        %get3A_578 = tpu.vector_load %arg12[%get3A_576, %get3A_577] {strides = array<i32>} : memref<80x128xbf16, #tpu.memory_space<vmem>>, vector<32xbf16>,
        %mul3A_579 = arith.mulf %get3A_575, %get3A_578 : vector<32xbf16>
        %bitcast3A_580 = vector.bitcast %mul3A_579 : vector<32xbf16> to vector<16xi32>
        %shift_left3A_581 = arith.constant 16 : i32
        %shift_left3A_582 = vector.broadcast %shift_left3A_581 : i32 to vector<16xi32>
        %shift_left3A_583 = arith.shli %bitcast3A_580, %shift_left3A_582 : vector<16xi32>
        %bitcast3A_584 = vector.bitcast %shift_left3A_583 : vector<16xi32> to vector<16xf32>
        %add3A_585 = arith.addf %add3A_572, %bitcast3A_584 : vector<16xf32>
        %bitcast3A_586 = vector.bitcast %bitcast3A_580 : vector<16xi32> to vector<16xf32>
        %add3A_587 = arith.addf %add3A_585, %bitcast3A_586 : vector<16xf32>
        %get3A_588 = arith.index_cast %add3A_555 : i32 to index
        %get3A_589 = arith.constant 64 : index
        %get3A_590 = tpu.vector_load %arg10[%get3A_588, %get3A_589] {strides = array<i32>} : memref<80x128xbf16, #tpu.memory_space<vmem>>, vector<32xbf16>,
        %get3A_591 = arith.index_cast %add3A_555 : i32 to index
        %get3A_592 = arith.constant 64 : index
        %get3A_593 = tpu.vector_load %arg12[%get3A_591, %get3A_592] {strides = array<i32>} : memref<80x128xbf16, #tpu.memory_space<vmem>>, vector<32xbf16>,
        %mul3A_594 = arith.mulf %get3A_590, %get3A_593 : vector<32xbf16>
        %bitcast3A_595 = vector.bitcast %mul3A_594 : vector<32xbf16> to vector<16xi32>
        %shift_left3A_596 = arith.constant 16 : i32
        %shift_left3A_597 = vector.broadcast %shift_left3A_596 : i32 to vector<16xi32>
        %shift_left3A_598 = arith.shli %bitcast3A_595, %shift_left3A_597 : vector<16xi32>
        %bitcast3A_599 = vector.bitcast %shift_left3A_598 : vector<16xi32> to vector<16xf32>
        %add3A_600 = arith.addf %add3A_587, %bitcast3A_599 : vector<16xf32>
        %bitcast3A_601 = vector.bitcast %bitcast3A_595 : vector<16xi32> to vector<16xf32>
        %add3A_602 = arith.addf %add3A_600, %bitcast3A_601 : vector<16xf32>
        %get3A_603 = arith.index_cast %add3A_555 : i32 to index
        %get3A_604 = arith.constant 96 : index
        %get3A_605 = tpu.vector_load %arg10[%get3A_603, %get3A_604] {strides = array<i32>} : memref<80x128xbf16, #tpu.memory_space<vmem>>, vector<32xbf16>,
        %get3A_606 = arith.index_cast %add3A_555 : i32 to index
        %get3A_607 = arith.constant 96 : index
        %get3A_608 = tpu.vector_load %arg12[%get3A_606, %get3A_607] {strides = array<i32>} : memref<80x128xbf16, #tpu.memory_space<vmem>>, vector<32xbf16>,
        %mul3A_609 = arith.mulf %get3A_605, %get3A_608 : vector<32xbf16>
        %bitcast3A_610 = vector.bitcast %mul3A_609 : vector<32xbf16> to vector<16xi32>
        %shift_left3A_611 = arith.constant 16 : i32
        %shift_left3A_612 = vector.broadcast %shift_left3A_611 : i32 to vector<16xi32>
        %shift_left3A_613 = arith.shli %bitcast3A_610, %shift_left3A_612 : vector<16xi32>
        %bitcast3A_614 = vector.bitcast %shift_left3A_613 : vector<16xi32> to vector<16xf32>
        %add3A_615 = arith.addf %add3A_602, %bitcast3A_614 : vector<16xf32>
        %bitcast3A_616 = vector.bitcast %bitcast3A_610 : vector<16xi32> to vector<16xf32>
        %add3A_617 = arith.addf %add3A_615, %bitcast3A_616 : vector<16xf32>
        %eq3A_618 = arith.constant 6 : i32
        %eq3A_619 = vector.broadcast %eq3A_618 : i32 to vector<16xi32>
        %eq3A_620 = arith.cmpi eq, %iota3A, %eq3A_619 : vector<16xi32>
        %reduce_sum3A_621 = arith.constant true
        %reduce_sum3A_622 = vector.broadcast %reduce_sum3A_621 : i1 to vector<16xi1>
        %reduce_sum3A_623 = tpu.scan <sum>, %add3A_617 masked %reduce_sum3A_622 : vector<16xf32>, vector<16xi1> -> vector<16xf32>
        %reduce_sum3A_624 = vector.extract %reduce_sum3A_623[15] : f32 from vector<16xf32>
        %broadcast_in_dim3A_625 = vector.broadcast %reduce_sum3A_624 : f32 to vector<16xf32>
        %select_n3A_626 = arith.select %eq3A_620, %broadcast_in_dim3A_625, %select_n3A_551 : vector<16xi1>, vector<16xf32>
        %mul3A_627 = arith.constant 16 : i32
        %mul3A_628 = arith.muli %scan3A_106, %mul3A_627 : i32
        %add3A_629 = arith.constant 7 : i32
        %add3A_630 = arith.addi %mul3A_628, %add3A_629 : i32
        %broadcast_in_dim3A_631 = arith.constant 0.000000e+00 : f32
        %broadcast_in_dim3A_632 = vector.broadcast %broadcast_in_dim3A_631 : f32 to vector<16xf32>
        %get3A_633 = arith.index_cast %add3A_630 : i32 to index
        %get3A_634 = arith.constant 0 : index
        %get3A_635 = tpu.vector_load %arg10[%get3A_633, %get3A_634] {strides = array<i32>} : memref<80x128xbf16, #tpu.memory_space<vmem>>, vector<32xbf16>,
        %get3A_636 = arith.index_cast %add3A_630 : i32 to index
        %get3A_637 = arith.constant 0 : index
        %get3A_638 = tpu.vector_load %arg12[%get3A_636, %get3A_637] {strides = array<i32>} : memref<80x128xbf16, #tpu.memory_space<vmem>>, vector<32xbf16>,
        %mul3A_639 = arith.mulf %get3A_635, %get3A_638 : vector<32xbf16>
        %bitcast3A_640 = vector.bitcast %mul3A_639 : vector<32xbf16> to vector<16xi32>
        %shift_left3A_641 = arith.constant 16 : i32
        %shift_left3A_642 = vector.broadcast %shift_left3A_641 : i32 to vector<16xi32>
        %shift_left3A_643 = arith.shli %bitcast3A_640, %shift_left3A_642 : vector<16xi32>
        %bitcast3A_644 = vector.bitcast %shift_left3A_643 : vector<16xi32> to vector<16xf32>
        %add3A_645 = arith.addf %broadcast_in_dim3A_632, %bitcast3A_644 : vector<16xf32>
        %bitcast3A_646 = vector.bitcast %bitcast3A_640 : vector<16xi32> to vector<16xf32>
        %add3A_647 = arith.addf %add3A_645, %bitcast3A_646 : vector<16xf32>
        %get3A_648 = arith.index_cast %add3A_630 : i32 to index
        %get3A_649 = arith.constant 32 : index
        %get3A_650 = tpu.vector_load %arg10[%get3A_648, %get3A_649] {strides = array<i32>} : memref<80x128xbf16, #tpu.memory_space<vmem>>, vector<32xbf16>,
        %get3A_651 = arith.index_cast %add3A_630 : i32 to index
        %get3A_652 = arith.constant 32 : index
        %get3A_653 = tpu.vector_load %arg12[%get3A_651, %get3A_652] {strides = array<i32>} : memref<80x128xbf16, #tpu.memory_space<vmem>>, vector<32xbf16>,
        %mul3A_654 = arith.mulf %get3A_650, %get3A_653 : vector<32xbf16>
        %bitcast3A_655 = vector.bitcast %mul3A_654 : vector<32xbf16> to vector<16xi32>
        %shift_left3A_656 = arith.constant 16 : i32
        %shift_left3A_657 = vector.broadcast %shift_left3A_656 : i32 to vector<16xi32>
        %shift_left3A_658 = arith.shli %bitcast3A_655, %shift_left3A_657 : vector<16xi32>
        %bitcast3A_659 = vector.bitcast %shift_left3A_658 : vector<16xi32> to vector<16xf32>
        %add3A_660 = arith.addf %add3A_647, %bitcast3A_659 : vector<16xf32>
        %bitcast3A_661 = vector.bitcast %bitcast3A_655 : vector<16xi32> to vector<16xf32>
        %add3A_662 = arith.addf %add3A_660, %bitcast3A_661 : vector<16xf32>
        %get3A_663 = arith.index_cast %add3A_630 : i32 to index
        %get3A_664 = arith.constant 64 : index
        %get3A_665 = tpu.vector_load %arg10[%get3A_663, %get3A_664] {strides = array<i32>} : memref<80x128xbf16, #tpu.memory_space<vmem>>, vector<32xbf16>,
        %get3A_666 = arith.index_cast %add3A_630 : i32 to index
        %get3A_667 = arith.constant 64 : index
        %get3A_668 = tpu.vector_load %arg12[%get3A_666, %get3A_667] {strides = array<i32>} : memref<80x128xbf16, #tpu.memory_space<vmem>>, vector<32xbf16>,
        %mul3A_669 = arith.mulf %get3A_665, %get3A_668 : vector<32xbf16>
        %bitcast3A_670 = vector.bitcast %mul3A_669 : vector<32xbf16> to vector<16xi32>
        %shift_left3A_671 = arith.constant 16 : i32
        %shift_left3A_672 = vector.broadcast %shift_left3A_671 : i32 to vector<16xi32>
        %shift_left3A_673 = arith.shli %bitcast3A_670, %shift_left3A_672 : vector<16xi32>
        %bitcast3A_674 = vector.bitcast %shift_left3A_673 : vector<16xi32> to vector<16xf32>
        %add3A_675 = arith.addf %add3A_662, %bitcast3A_674 : vector<16xf32>
        %bitcast3A_676 = vector.bitcast %bitcast3A_670 : vector<16xi32> to vector<16xf32>
        %add3A_677 = arith.addf %add3A_675, %bitcast3A_676 : vector<16xf32>
        %get3A_678 = arith.index_cast %add3A_630 : i32 to index
        %get3A_679 = arith.constant 96 : index
        %get3A_680 = tpu.vector_load %arg10[%get3A_678, %get3A_679] {strides = array<i32>} : memref<80x128xbf16, #tpu.memory_space<vmem>>, vector<32xbf16>,
        %get3A_681 = arith.index_cast %add3A_630 : i32 to index
        %get3A_682 = arith.constant 96 : index
        %get3A_683 = tpu.vector_load %arg12[%get3A_681, %get3A_682] {strides = array<i32>} : memref<80x128xbf16, #tpu.memory_space<vmem>>, vector<32xbf16>,
        %mul3A_684 = arith.mulf %get3A_680, %get3A_683 : vector<32xbf16>
        %bitcast3A_685 = vector.bitcast %mul3A_684 : vector<32xbf16> to vector<16xi32>
        %shift_left3A_686 = arith.constant 16 : i32
        %shift_left3A_687 = vector.broadcast %shift_left3A_686 : i32 to vector<16xi32>
        %shift_left3A_688 = arith.shli %bitcast3A_685, %shift_left3A_687 : vector<16xi32>
        %bitcast3A_689 = vector.bitcast %shift_left3A_688 : vector<16xi32> to vector<16xf32>
        %add3A_690 = arith.addf %add3A_677, %bitcast3A_689 : vector<16xf32>
        %bitcast3A_691 = vector.bitcast %bitcast3A_685 : vector<16xi32> to vector<16xf32>
        %add3A_692 = arith.addf %add3A_690, %bitcast3A_691 : vector<16xf32>
        %eq3A_693 = arith.constant 7 : i32
        %eq3A_694 = vector.broadcast %eq3A_693 : i32 to vector<16xi32>
        %eq3A_695 = arith.cmpi eq, %iota3A, %eq3A_694 : vector<16xi32>
        %reduce_sum3A_696 = arith.constant true
        %reduce_sum3A_697 = vector.broadcast %reduce_sum3A_696 : i1 to vector<16xi1>
        %reduce_sum3A_698 = tpu.scan <sum>, %add3A_692 masked %reduce_sum3A_697 : vector<16xf32>, vector<16xi1> -> vector<16xf32>
        %reduce_sum3A_699 = vector.extract %reduce_sum3A_698[15] : f32 from vector<16xf32>
        %broadcast_in_dim3A_700 = vector.broadcast %reduce_sum3A_699 : f32 to vector<16xf32>
        %select_n3A_701 = arith.select %eq3A_695, %broadcast_in_dim3A_700, %select_n3A_626 : vector<16xi1>, vector<16xf32>
        %mul3A_702 = arith.constant 16 : i32
        %mul3A_703 = arith.muli %scan3A_106, %mul3A_702 : i32
        %add3A_704 = arith.constant 8 : i32
        %add3A_705 = arith.addi %mul3A_703, %add3A_704 : i32
        %broadcast_in_dim3A_706 = arith.constant 0.000000e+00 : f32
        %broadcast_in_dim3A_707 = vector.broadcast %broadcast_in_dim3A_706 : f32 to vector<16xf32>
        %get3A_708 = arith.index_cast %add3A_705 : i32 to index
        %get3A_709 = arith.constant 0 : index
        %get3A_710 = tpu.vector_load %arg10[%get3A_708, %get3A_709] {strides = array<i32>} : memref<80x128xbf16, #tpu.memory_space<vmem>>, vector<32xbf16>,
        %get3A_711 = arith.index_cast %add3A_705 : i32 to index
        %get3A_712 = arith.constant 0 : index
        %get3A_713 = tpu.vector_load %arg12[%get3A_711, %get3A_712] {strides = array<i32>} : memref<80x128xbf16, #tpu.memory_space<vmem>>, vector<32xbf16>,
        %mul3A_714 = arith.mulf %get3A_710, %get3A_713 : vector<32xbf16>
        %bitcast3A_715 = vector.bitcast %mul3A_714 : vector<32xbf16> to vector<16xi32>
        %shift_left3A_716 = arith.constant 16 : i32
        %shift_left3A_717 = vector.broadcast %shift_left3A_716 : i32 to vector<16xi32>
        %shift_left3A_718 = arith.shli %bitcast3A_715, %shift_left3A_717 : vector<16xi32>
        %bitcast3A_719 = vector.bitcast %shift_left3A_718 : vector<16xi32> to vector<16xf32>
        %add3A_720 = arith.addf %broadcast_in_dim3A_707, %bitcast3A_719 : vector<16xf32>
        %bitcast3A_721 = vector.bitcast %bitcast3A_715 : vector<16xi32> to vector<16xf32>
        %add3A_722 = arith.addf %add3A_720, %bitcast3A_721 : vector<16xf32>
        %get3A_723 = arith.index_cast %add3A_705 : i32 to index
        %get3A_724 = arith.constant 32 : index
        %get3A_725 = tpu.vector_load %arg10[%get3A_723, %get3A_724] {strides = array<i32>} : memref<80x128xbf16, #tpu.memory_space<vmem>>, vector<32xbf16>,
        %get3A_726 = arith.index_cast %add3A_705 : i32 to index
        %get3A_727 = arith.constant 32 : index
        %get3A_728 = tpu.vector_load %arg12[%get3A_726, %get3A_727] {strides = array<i32>} : memref<80x128xbf16, #tpu.memory_space<vmem>>, vector<32xbf16>,
        %mul3A_729 = arith.mulf %get3A_725, %get3A_728 : vector<32xbf16>
        %bitcast3A_730 = vector.bitcast %mul3A_729 : vector<32xbf16> to vector<16xi32>
        %shift_left3A_731 = arith.constant 16 : i32
        %shift_left3A_732 = vector.broadcast %shift_left3A_731 : i32 to vector<16xi32>
        %shift_left3A_733 = arith.shli %bitcast3A_730, %shift_left3A_732 : vector<16xi32>
        %bitcast3A_734 = vector.bitcast %shift_left3A_733 : vector<16xi32> to vector<16xf32>
        %add3A_735 = arith.addf %add3A_722, %bitcast3A_734 : vector<16xf32>
        %bitcast3A_736 = vector.bitcast %bitcast3A_730 : vector<16xi32> to vector<16xf32>
        %add3A_737 = arith.addf %add3A_735, %bitcast3A_736 : vector<16xf32>
        %get3A_738 = arith.index_cast %add3A_705 : i32 to index
        %get3A_739 = arith.constant 64 : index
        %get3A_740 = tpu.vector_load %arg10[%get3A_738, %get3A_739] {strides = array<i32>} : memref<80x128xbf16, #tpu.memory_space<vmem>>, vector<32xbf16>,
        %get3A_741 = arith.index_cast %add3A_705 : i32 to index
        %get3A_742 = arith.constant 64 : index
        %get3A_743 = tpu.vector_load %arg12[%get3A_741, %get3A_742] {strides = array<i32>} : memref<80x128xbf16, #tpu.memory_space<vmem>>, vector<32xbf16>,
        %mul3A_744 = arith.mulf %get3A_740, %get3A_743 : vector<32xbf16>
        %bitcast3A_745 = vector.bitcast %mul3A_744 : vector<32xbf16> to vector<16xi32>
        %shift_left3A_746 = arith.constant 16 : i32
        %shift_left3A_747 = vector.broadcast %shift_left3A_746 : i32 to vector<16xi32>
        %shift_left3A_748 = arith.shli %bitcast3A_745, %shift_left3A_747 : vector<16xi32>
        %bitcast3A_749 = vector.bitcast %shift_left3A_748 : vector<16xi32> to vector<16xf32>
        %add3A_750 = arith.addf %add3A_737, %bitcast3A_749 : vector<16xf32>
        %bitcast3A_751 = vector.bitcast %bitcast3A_745 : vector<16xi32> to vector<16xf32>
        %add3A_752 = arith.addf %add3A_750, %bitcast3A_751 : vector<16xf32>
        %get3A_753 = arith.index_cast %add3A_705 : i32 to index
        %get3A_754 = arith.constant 96 : index
        %get3A_755 = tpu.vector_load %arg10[%get3A_753, %get3A_754] {strides = array<i32>} : memref<80x128xbf16, #tpu.memory_space<vmem>>, vector<32xbf16>,
        %get3A_756 = arith.index_cast %add3A_705 : i32 to index
        %get3A_757 = arith.constant 96 : index
        %get3A_758 = tpu.vector_load %arg12[%get3A_756, %get3A_757] {strides = array<i32>} : memref<80x128xbf16, #tpu.memory_space<vmem>>, vector<32xbf16>,
        %mul3A_759 = arith.mulf %get3A_755, %get3A_758 : vector<32xbf16>
        %bitcast3A_760 = vector.bitcast %mul3A_759 : vector<32xbf16> to vector<16xi32>
        %shift_left3A_761 = arith.constant 16 : i32
        %shift_left3A_762 = vector.broadcast %shift_left3A_761 : i32 to vector<16xi32>
        %shift_left3A_763 = arith.shli %bitcast3A_760, %shift_left3A_762 : vector<16xi32>
        %bitcast3A_764 = vector.bitcast %shift_left3A_763 : vector<16xi32> to vector<16xf32>
        %add3A_765 = arith.addf %add3A_752, %bitcast3A_764 : vector<16xf32>
        %bitcast3A_766 = vector.bitcast %bitcast3A_760 : vector<16xi32> to vector<16xf32>
        %add3A_767 = arith.addf %add3A_765, %bitcast3A_766 : vector<16xf32>
        %eq3A_768 = arith.constant 8 : i32
        %eq3A_769 = vector.broadcast %eq3A_768 : i32 to vector<16xi32>
        %eq3A_770 = arith.cmpi eq, %iota3A, %eq3A_769 : vector<16xi32>
        %reduce_sum3A_771 = arith.constant true
        %reduce_sum3A_772 = vector.broadcast %reduce_sum3A_771 : i1 to vector<16xi1>
        %reduce_sum3A_773 = tpu.scan <sum>, %add3A_767 masked %reduce_sum3A_772 : vector<16xf32>, vector<16xi1> -> vector<16xf32>
        %reduce_sum3A_774 = vector.extract %reduce_sum3A_773[15] : f32 from vector<16xf32>
        %broadcast_in_dim3A_775 = vector.broadcast %reduce_sum3A_774 : f32 to vector<16xf32>
        %select_n3A_776 = arith.select %eq3A_770, %broadcast_in_dim3A_775, %select_n3A_701 : vector<16xi1>, vector<16xf32>
        %mul3A_777 = arith.constant 16 : i32
        %mul3A_778 = arith.muli %scan3A_106, %mul3A_777 : i32
        %add3A_779 = arith.constant 9 : i32
        %add3A_780 = arith.addi %mul3A_778, %add3A_779 : i32
        %broadcast_in_dim3A_781 = arith.constant 0.000000e+00 : f32
        %broadcast_in_dim3A_782 = vector.broadcast %broadcast_in_dim3A_781 : f32 to vector<16xf32>
        %get3A_783 = arith.index_cast %add3A_780 : i32 to index
        %get3A_784 = arith.constant 0 : index
        %get3A_785 = tpu.vector_load %arg10[%get3A_783, %get3A_784] {strides = array<i32>} : memref<80x128xbf16, #tpu.memory_space<vmem>>, vector<32xbf16>,
        %get3A_786 = arith.index_cast %add3A_780 : i32 to index
        %get3A_787 = arith.constant 0 : index
        %get3A_788 = tpu.vector_load %arg12[%get3A_786, %get3A_787] {strides = array<i32>} : memref<80x128xbf16, #tpu.memory_space<vmem>>, vector<32xbf16>,
        %mul3A_789 = arith.mulf %get3A_785, %get3A_788 : vector<32xbf16>
        %bitcast3A_790 = vector.bitcast %mul3A_789 : vector<32xbf16> to vector<16xi32>
        %shift_left3A_791 = arith.constant 16 : i32
        %shift_left3A_792 = vector.broadcast %shift_left3A_791 : i32 to vector<16xi32>
        %shift_left3A_793 = arith.shli %bitcast3A_790, %shift_left3A_792 : vector<16xi32>
        %bitcast3A_794 = vector.bitcast %shift_left3A_793 : vector<16xi32> to vector<16xf32>
        %add3A_795 = arith.addf %broadcast_in_dim3A_782, %bitcast3A_794 : vector<16xf32>
        %bitcast3A_796 = vector.bitcast %bitcast3A_790 : vector<16xi32> to vector<16xf32>
        %add3A_797 = arith.addf %add3A_795, %bitcast3A_796 : vector<16xf32>
        %get3A_798 = arith.index_cast %add3A_780 : i32 to index
        %get3A_799 = arith.constant 32 : index
        %get3A_800 = tpu.vector_load %arg10[%get3A_798, %get3A_799] {strides = array<i32>} : memref<80x128xbf16, #tpu.memory_space<vmem>>, vector<32xbf16>,
        %get3A_801 = arith.index_cast %add3A_780 : i32 to index
        %get3A_802 = arith.constant 32 : index
        %get3A_803 = tpu.vector_load %arg12[%get3A_801, %get3A_802] {strides = array<i32>} : memref<80x128xbf16, #tpu.memory_space<vmem>>, vector<32xbf16>,
        %mul3A_804 = arith.mulf %get3A_800, %get3A_803 : vector<32xbf16>
        %bitcast3A_805 = vector.bitcast %mul3A_804 : vector<32xbf16> to vector<16xi32>
        %shift_left3A_806 = arith.constant 16 : i32
        %shift_left3A_807 = vector.broadcast %shift_left3A_806 : i32 to vector<16xi32>
        %shift_left3A_808 = arith.shli %bitcast3A_805, %shift_left3A_807 : vector<16xi32>
        %bitcast3A_809 = vector.bitcast %shift_left3A_808 : vector<16xi32> to vector<16xf32>
        %add3A_810 = arith.addf %add3A_797, %bitcast3A_809 : vector<16xf32>
        %bitcast3A_811 = vector.bitcast %bitcast3A_805 : vector<16xi32> to vector<16xf32>
        %add3A_812 = arith.addf %add3A_810, %bitcast3A_811 : vector<16xf32>
        %get3A_813 = arith.index_cast %add3A_780 : i32 to index
        %get3A_814 = arith.constant 64 : index
        %get3A_815 = tpu.vector_load %arg10[%get3A_813, %get3A_814] {strides = array<i32>} : memref<80x128xbf16, #tpu.memory_space<vmem>>, vector<32xbf16>,
        %get3A_816 = arith.index_cast %add3A_780 : i32 to index
        %get3A_817 = arith.constant 64 : index
        %get3A_818 = tpu.vector_load %arg12[%get3A_816, %get3A_817] {strides = array<i32>} : memref<80x128xbf16, #tpu.memory_space<vmem>>, vector<32xbf16>,
        %mul3A_819 = arith.mulf %get3A_815, %get3A_818 : vector<32xbf16>
        %bitcast3A_820 = vector.bitcast %mul3A_819 : vector<32xbf16> to vector<16xi32>
        %shift_left3A_821 = arith.constant 16 : i32
        %shift_left3A_822 = vector.broadcast %shift_left3A_821 : i32 to vector<16xi32>
        %shift_left3A_823 = arith.shli %bitcast3A_820, %shift_left3A_822 : vector<16xi32>
        %bitcast3A_824 = vector.bitcast %shift_left3A_823 : vector<16xi32> to vector<16xf32>
        %add3A_825 = arith.addf %add3A_812, %bitcast3A_824 : vector<16xf32>
        %bitcast3A_826 = vector.bitcast %bitcast3A_820 : vector<16xi32> to vector<16xf32>
        %add3A_827 = arith.addf %add3A_825, %bitcast3A_826 : vector<16xf32>
        %get3A_828 = arith.index_cast %add3A_780 : i32 to index
        %get3A_829 = arith.constant 96 : index
        %get3A_830 = tpu.vector_load %arg10[%get3A_828, %get3A_829] {strides = array<i32>} : memref<80x128xbf16, #tpu.memory_space<vmem>>, vector<32xbf16>,
        %get3A_831 = arith.index_cast %add3A_780 : i32 to index
        %get3A_832 = arith.constant 96 : index
        %get3A_833 = tpu.vector_load %arg12[%get3A_831, %get3A_832] {strides = array<i32>} : memref<80x128xbf16, #tpu.memory_space<vmem>>, vector<32xbf16>,
        %mul3A_834 = arith.mulf %get3A_830, %get3A_833 : vector<32xbf16>
        %bitcast3A_835 = vector.bitcast %mul3A_834 : vector<32xbf16> to vector<16xi32>
        %shift_left3A_836 = arith.constant 16 : i32
        %shift_left3A_837 = vector.broadcast %shift_left3A_836 : i32 to vector<16xi32>
        %shift_left3A_838 = arith.shli %bitcast3A_835, %shift_left3A_837 : vector<16xi32>
        %bitcast3A_839 = vector.bitcast %shift_left3A_838 : vector<16xi32> to vector<16xf32>
        %add3A_840 = arith.addf %add3A_827, %bitcast3A_839 : vector<16xf32>
        %bitcast3A_841 = vector.bitcast %bitcast3A_835 : vector<16xi32> to vector<16xf32>
        %add3A_842 = arith.addf %add3A_840, %bitcast3A_841 : vector<16xf32>
        %eq3A_843 = arith.constant 9 : i32
        %eq3A_844 = vector.broadcast %eq3A_843 : i32 to vector<16xi32>
        %eq3A_845 = arith.cmpi eq, %iota3A, %eq3A_844 : vector<16xi32>
        %reduce_sum3A_846 = arith.constant true
        %reduce_sum3A_847 = vector.broadcast %reduce_sum3A_846 : i1 to vector<16xi1>
        %reduce_sum3A_848 = tpu.scan <sum>, %add3A_842 masked %reduce_sum3A_847 : vector<16xf32>, vector<16xi1> -> vector<16xf32>
        %reduce_sum3A_849 = vector.extract %reduce_sum3A_848[15] : f32 from vector<16xf32>
        %broadcast_in_dim3A_850 = vector.broadcast %reduce_sum3A_849 : f32 to vector<16xf32>
        %select_n3A_851 = arith.select %eq3A_845, %broadcast_in_dim3A_850, %select_n3A_776 : vector<16xi1>, vector<16xf32>
        %mul3A_852 = arith.constant 16 : i32
        %mul3A_853 = arith.muli %scan3A_106, %mul3A_852 : i32
        %add3A_854 = arith.constant 10 : i32
        %add3A_855 = arith.addi %mul3A_853, %add3A_854 : i32
        %broadcast_in_dim3A_856 = arith.constant 0.000000e+00 : f32
        %broadcast_in_dim3A_857 = vector.broadcast %broadcast_in_dim3A_856 : f32 to vector<16xf32>
        %get3A_858 = arith.index_cast %add3A_855 : i32 to index
        %get3A_859 = arith.constant 0 : index
        %get3A_860 = tpu.vector_load %arg10[%get3A_858, %get3A_859] {strides = array<i32>} : memref<80x128xbf16, #tpu.memory_space<vmem>>, vector<32xbf16>,
        %get3A_861 = arith.index_cast %add3A_855 : i32 to index
        %get3A_862 = arith.constant 0 : index
        %get3A_863 = tpu.vector_load %arg12[%get3A_861, %get3A_862] {strides = array<i32>} : memref<80x128xbf16, #tpu.memory_space<vmem>>, vector<32xbf16>,
        %mul3A_864 = arith.mulf %get3A_860, %get3A_863 : vector<32xbf16>
        %bitcast3A_865 = vector.bitcast %mul3A_864 : vector<32xbf16> to vector<16xi32>
        %shift_left3A_866 = arith.constant 16 : i32
        %shift_left3A_867 = vector.broadcast %shift_left3A_866 : i32 to vector<16xi32>
        %shift_left3A_868 = arith.shli %bitcast3A_865, %shift_left3A_867 : vector<16xi32>
        %bitcast3A_869 = vector.bitcast %shift_left3A_868 : vector<16xi32> to vector<16xf32>
        %add3A_870 = arith.addf %broadcast_in_dim3A_857, %bitcast3A_869 : vector<16xf32>
        %bitcast3A_871 = vector.bitcast %bitcast3A_865 : vector<16xi32> to vector<16xf32>
        %add3A_872 = arith.addf %add3A_870, %bitcast3A_871 : vector<16xf32>
        %get3A_873 = arith.index_cast %add3A_855 : i32 to index
        %get3A_874 = arith.constant 32 : index
        %get3A_875 = tpu.vector_load %arg10[%get3A_873, %get3A_874] {strides = array<i32>} : memref<80x128xbf16, #tpu.memory_space<vmem>>, vector<32xbf16>,
        %get3A_876 = arith.index_cast %add3A_855 : i32 to index
        %get3A_877 = arith.constant 32 : index
        %get3A_878 = tpu.vector_load %arg12[%get3A_876, %get3A_877] {strides = array<i32>} : memref<80x128xbf16, #tpu.memory_space<vmem>>, vector<32xbf16>,
        %mul3A_879 = arith.mulf %get3A_875, %get3A_878 : vector<32xbf16>
        %bitcast3A_880 = vector.bitcast %mul3A_879 : vector<32xbf16> to vector<16xi32>
        %shift_left3A_881 = arith.constant 16 : i32
        %shift_left3A_882 = vector.broadcast %shift_left3A_881 : i32 to vector<16xi32>
        %shift_left3A_883 = arith.shli %bitcast3A_880, %shift_left3A_882 : vector<16xi32>
        %bitcast3A_884 = vector.bitcast %shift_left3A_883 : vector<16xi32> to vector<16xf32>
        %add3A_885 = arith.addf %add3A_872, %bitcast3A_884 : vector<16xf32>
        %bitcast3A_886 = vector.bitcast %bitcast3A_880 : vector<16xi32> to vector<16xf32>
        %add3A_887 = arith.addf %add3A_885, %bitcast3A_886 : vector<16xf32>
        %get3A_888 = arith.index_cast %add3A_855 : i32 to index
        %get3A_889 = arith.constant 64 : index
        %get3A_890 = tpu.vector_load %arg10[%get3A_888, %get3A_889] {strides = array<i32>} : memref<80x128xbf16, #tpu.memory_space<vmem>>, vector<32xbf16>,
        %get3A_891 = arith.index_cast %add3A_855 : i32 to index
        %get3A_892 = arith.constant 64 : index
        %get3A_893 = tpu.vector_load %arg12[%get3A_891, %get3A_892] {strides = array<i32>} : memref<80x128xbf16, #tpu.memory_space<vmem>>, vector<32xbf16>,
        %mul3A_894 = arith.mulf %get3A_890, %get3A_893 : vector<32xbf16>
        %bitcast3A_895 = vector.bitcast %mul3A_894 : vector<32xbf16> to vector<16xi32>
        %shift_left3A_896 = arith.constant 16 : i32
        %shift_left3A_897 = vector.broadcast %shift_left3A_896 : i32 to vector<16xi32>
        %shift_left3A_898 = arith.shli %bitcast3A_895, %shift_left3A_897 : vector<16xi32>
        %bitcast3A_899 = vector.bitcast %shift_left3A_898 : vector<16xi32> to vector<16xf32>
        %add3A_900 = arith.addf %add3A_887, %bitcast3A_899 : vector<16xf32>
        %bitcast3A_901 = vector.bitcast %bitcast3A_895 : vector<16xi32> to vector<16xf32>
        %add3A_902 = arith.addf %add3A_900, %bitcast3A_901 : vector<16xf32>
        %get3A_903 = arith.index_cast %add3A_855 : i32 to index
        %get3A_904 = arith.constant 96 : index
        %get3A_905 = tpu.vector_load %arg10[%get3A_903, %get3A_904] {strides = array<i32>} : memref<80x128xbf16, #tpu.memory_space<vmem>>, vector<32xbf16>,
        %get3A_906 = arith.index_cast %add3A_855 : i32 to index
        %get3A_907 = arith.constant 96 : index
        %get3A_908 = tpu.vector_load %arg12[%get3A_906, %get3A_907] {strides = array<i32>} : memref<80x128xbf16, #tpu.memory_space<vmem>>, vector<32xbf16>,
        %mul3A_909 = arith.mulf %get3A_905, %get3A_908 : vector<32xbf16>
        %bitcast3A_910 = vector.bitcast %mul3A_909 : vector<32xbf16> to vector<16xi32>
        %shift_left3A_911 = arith.constant 16 : i32
        %shift_left3A_912 = vector.broadcast %shift_left3A_911 : i32 to vector<16xi32>
        %shift_left3A_913 = arith.shli %bitcast3A_910, %shift_left3A_912 : vector<16xi32>
        %bitcast3A_914 = vector.bitcast %shift_left3A_913 : vector<16xi32> to vector<16xf32>
        %add3A_915 = arith.addf %add3A_902, %bitcast3A_914 : vector<16xf32>
        %bitcast3A_916 = vector.bitcast %bitcast3A_910 : vector<16xi32> to vector<16xf32>
        %add3A_917 = arith.addf %add3A_915, %bitcast3A_916 : vector<16xf32>
        %eq3A_918 = arith.constant 10 : i32
        %eq3A_919 = vector.broadcast %eq3A_918 : i32 to vector<16xi32>
        %eq3A_920 = arith.cmpi eq, %iota3A, %eq3A_919 : vector<16xi32>
        %reduce_sum3A_921 = arith.constant true
        %reduce_sum3A_922 = vector.broadcast %reduce_sum3A_921 : i1 to vector<16xi1>
        %reduce_sum3A_923 = tpu.scan <sum>, %add3A_917 masked %reduce_sum3A_922 : vector<16xf32>, vector<16xi1> -> vector<16xf32>
        %reduce_sum3A_924 = vector.extract %reduce_sum3A_923[15] : f32 from vector<16xf32>
        %broadcast_in_dim3A_925 = vector.broadcast %reduce_sum3A_924 : f32 to vector<16xf32>
        %select_n3A_926 = arith.select %eq3A_920, %broadcast_in_dim3A_925, %select_n3A_851 : vector<16xi1>, vector<16xf32>
        %mul3A_927 = arith.constant 16 : i32
        %mul3A_928 = arith.muli %scan3A_106, %mul3A_927 : i32
        %add3A_929 = arith.constant 11 : i32
        %add3A_930 = arith.addi %mul3A_928, %add3A_929 : i32
        %broadcast_in_dim3A_931 = arith.constant 0.000000e+00 : f32
        %broadcast_in_dim3A_932 = vector.broadcast %broadcast_in_dim3A_931 : f32 to vector<16xf32>
        %get3A_933 = arith.index_cast %add3A_930 : i32 to index
        %get3A_934 = arith.constant 0 : index
        %get3A_935 = tpu.vector_load %arg10[%get3A_933, %get3A_934] {strides = array<i32>} : memref<80x128xbf16, #tpu.memory_space<vmem>>, vector<32xbf16>,
        %get3A_936 = arith.index_cast %add3A_930 : i32 to index
        %get3A_937 = arith.constant 0 : index
        %get3A_938 = tpu.vector_load %arg12[%get3A_936, %get3A_937] {strides = array<i32>} : memref<80x128xbf16, #tpu.memory_space<vmem>>, vector<32xbf16>,
        %mul3A_939 = arith.mulf %get3A_935, %get3A_938 : vector<32xbf16>
        %bitcast3A_940 = vector.bitcast %mul3A_939 : vector<32xbf16> to vector<16xi32>
        %shift_left3A_941 = arith.constant 16 : i32
        %shift_left3A_942 = vector.broadcast %shift_left3A_941 : i32 to vector<16xi32>
        %shift_left3A_943 = arith.shli %bitcast3A_940, %shift_left3A_942 : vector<16xi32>
        %bitcast3A_944 = vector.bitcast %shift_left3A_943 : vector<16xi32> to vector<16xf32>
        %add3A_945 = arith.addf %broadcast_in_dim3A_932, %bitcast3A_944 : vector<16xf32>
        %bitcast3A_946 = vector.bitcast %bitcast3A_940 : vector<16xi32> to vector<16xf32>
        %add3A_947 = arith.addf %add3A_945, %bitcast3A_946 : vector<16xf32>
        %get3A_948 = arith.index_cast %add3A_930 : i32 to index
        %get3A_949 = arith.constant 32 : index
        %get3A_950 = tpu.vector_load %arg10[%get3A_948, %get3A_949] {strides = array<i32>} : memref<80x128xbf16, #tpu.memory_space<vmem>>, vector<32xbf16>,
        %get3A_951 = arith.index_cast %add3A_930 : i32 to index
        %get3A_952 = arith.constant 32 : index
        %get3A_953 = tpu.vector_load %arg12[%get3A_951, %get3A_952] {strides = array<i32>} : memref<80x128xbf16, #tpu.memory_space<vmem>>, vector<32xbf16>,
        %mul3A_954 = arith.mulf %get3A_950, %get3A_953 : vector<32xbf16>
        %bitcast3A_955 = vector.bitcast %mul3A_954 : vector<32xbf16> to vector<16xi32>
        %shift_left3A_956 = arith.constant 16 : i32
        %shift_left3A_957 = vector.broadcast %shift_left3A_956 : i32 to vector<16xi32>
        %shift_left3A_958 = arith.shli %bitcast3A_955, %shift_left3A_957 : vector<16xi32>
        %bitcast3A_959 = vector.bitcast %shift_left3A_958 : vector<16xi32> to vector<16xf32>
        %add3A_960 = arith.addf %add3A_947, %bitcast3A_959 : vector<16xf32>
        %bitcast3A_961 = vector.bitcast %bitcast3A_955 : vector<16xi32> to vector<16xf32>
        %add3A_962 = arith.addf %add3A_960, %bitcast3A_961 : vector<16xf32>
        %get3A_963 = arith.index_cast %add3A_930 : i32 to index
        %get3A_964 = arith.constant 64 : index
        %get3A_965 = tpu.vector_load %arg10[%get3A_963, %get3A_964] {strides = array<i32>} : memref<80x128xbf16, #tpu.memory_space<vmem>>, vector<32xbf16>,
        %get3A_966 = arith.index_cast %add3A_930 : i32 to index
        %get3A_967 = arith.constant 64 : index
        %get3A_968 = tpu.vector_load %arg12[%get3A_966, %get3A_967] {strides = array<i32>} : memref<80x128xbf16, #tpu.memory_space<vmem>>, vector<32xbf16>,
        %mul3A_969 = arith.mulf %get3A_965, %get3A_968 : vector<32xbf16>
        %bitcast3A_970 = vector.bitcast %mul3A_969 : vector<32xbf16> to vector<16xi32>
        %shift_left3A_971 = arith.constant 16 : i32
        %shift_left3A_972 = vector.broadcast %shift_left3A_971 : i32 to vector<16xi32>
        %shift_left3A_973 = arith.shli %bitcast3A_970, %shift_left3A_972 : vector<16xi32>
        %bitcast3A_974 = vector.bitcast %shift_left3A_973 : vector<16xi32> to vector<16xf32>
        %add3A_975 = arith.addf %add3A_962, %bitcast3A_974 : vector<16xf32>
        %bitcast3A_976 = vector.bitcast %bitcast3A_970 : vector<16xi32> to vector<16xf32>
        %add3A_977 = arith.addf %add3A_975, %bitcast3A_976 : vector<16xf32>
        %get3A_978 = arith.index_cast %add3A_930 : i32 to index
        %get3A_979 = arith.constant 96 : index
        %get3A_980 = tpu.vector_load %arg10[%get3A_978, %get3A_979] {strides = array<i32>} : memref<80x128xbf16, #tpu.memory_space<vmem>>, vector<32xbf16>,
        %get3A_981 = arith.index_cast %add3A_930 : i32 to index
        %get3A_982 = arith.constant 96 : index
        %get3A_983 = tpu.vector_load %arg12[%get3A_981, %get3A_982] {strides = array<i32>} : memref<80x128xbf16, #tpu.memory_space<vmem>>, vector<32xbf16>,
        %mul3A_984 = arith.mulf %get3A_980, %get3A_983 : vector<32xbf16>
        %bitcast3A_985 = vector.bitcast %mul3A_984 : vector<32xbf16> to vector<16xi32>
        %shift_left3A_986 = arith.constant 16 : i32
        %shift_left3A_987 = vector.broadcast %shift_left3A_986 : i32 to vector<16xi32>
        %shift_left3A_988 = arith.shli %bitcast3A_985, %shift_left3A_987 : vector<16xi32>
        %bitcast3A_989 = vector.bitcast %shift_left3A_988 : vector<16xi32> to vector<16xf32>
        %add3A_990 = arith.addf %add3A_977, %bitcast3A_989 : vector<16xf32>
        %bitcast3A_991 = vector.bitcast %bitcast3A_985 : vector<16xi32> to vector<16xf32>
        %add3A_992 = arith.addf %add3A_990, %bitcast3A_991 : vector<16xf32>
        %eq3A_993 = arith.constant 11 : i32
        %eq3A_994 = vector.broadcast %eq3A_993 : i32 to vector<16xi32>
        %eq3A_995 = arith.cmpi eq, %iota3A, %eq3A_994 : vector<16xi32>
        %reduce_sum3A_996 = arith.constant true
        %reduce_sum3A_997 = vector.broadcast %reduce_sum3A_996 : i1 to vector<16xi1>
        %reduce_sum3A_998 = tpu.scan <sum>, %add3A_992 masked %reduce_sum3A_997 : vector<16xf32>, vector<16xi1> -> vector<16xf32>
        %reduce_sum3A_999 = vector.extract %reduce_sum3A_998[15] : f32 from vector<16xf32>
        %broadcast_in_dim3A_1000 = vector.broadcast %reduce_sum3A_999 : f32 to vector<16xf32>
        %select_n3A_1001 = arith.select %eq3A_995, %broadcast_in_dim3A_1000, %select_n3A_926 : vector<16xi1>, vector<16xf32>
        %mul3A_1002 = arith.constant 16 : i32
        %mul3A_1003 = arith.muli %scan3A_106, %mul3A_1002 : i32
        %add3A_1004 = arith.constant 12 : i32
        %add3A_1005 = arith.addi %mul3A_1003, %add3A_1004 : i32
        %broadcast_in_dim3A_1006 = arith.constant 0.000000e+00 : f32
        %broadcast_in_dim3A_1007 = vector.broadcast %broadcast_in_dim3A_1006 : f32 to vector<16xf32>
        %get3A_1008 = arith.index_cast %add3A_1005 : i32 to index
        %get3A_1009 = arith.constant 0 : index
        %get3A_1010 = tpu.vector_load %arg10[%get3A_1008, %get3A_1009] {strides = array<i32>} : memref<80x128xbf16, #tpu.memory_space<vmem>>, vector<32xbf16>,
        %get3A_1011 = arith.index_cast %add3A_1005 : i32 to index
        %get3A_1012 = arith.constant 0 : index
        %get3A_1013 = tpu.vector_load %arg12[%get3A_1011, %get3A_1012] {strides = array<i32>} : memref<80x128xbf16, #tpu.memory_space<vmem>>, vector<32xbf16>,
        %mul3A_1014 = arith.mulf %get3A_1010, %get3A_1013 : vector<32xbf16>
        %bitcast3A_1015 = vector.bitcast %mul3A_1014 : vector<32xbf16> to vector<16xi32>
        %shift_left3A_1016 = arith.constant 16 : i32
        %shift_left3A_1017 = vector.broadcast %shift_left3A_1016 : i32 to vector<16xi32>
        %shift_left3A_1018 = arith.shli %bitcast3A_1015, %shift_left3A_1017 : vector<16xi32>
        %bitcast3A_1019 = vector.bitcast %shift_left3A_1018 : vector<16xi32> to vector<16xf32>
        %add3A_1020 = arith.addf %broadcast_in_dim3A_1007, %bitcast3A_1019 : vector<16xf32>
        %bitcast3A_1021 = vector.bitcast %bitcast3A_1015 : vector<16xi32> to vector<16xf32>
        %add3A_1022 = arith.addf %add3A_1020, %bitcast3A_1021 : vector<16xf32>
        %get3A_1023 = arith.index_cast %add3A_1005 : i32 to index
        %get3A_1024 = arith.constant 32 : index
        %get3A_1025 = tpu.vector_load %arg10[%get3A_1023, %get3A_1024] {strides = array<i32>} : memref<80x128xbf16, #tpu.memory_space<vmem>>, vector<32xbf16>,
        %get3A_1026 = arith.index_cast %add3A_1005 : i32 to index
        %get3A_1027 = arith.constant 32 : index
        %get3A_1028 = tpu.vector_load %arg12[%get3A_1026, %get3A_1027] {strides = array<i32>} : memref<80x128xbf16, #tpu.memory_space<vmem>>, vector<32xbf16>,
        %mul3A_1029 = arith.mulf %get3A_1025, %get3A_1028 : vector<32xbf16>
        %bitcast3A_1030 = vector.bitcast %mul3A_1029 : vector<32xbf16> to vector<16xi32>
        %shift_left3A_1031 = arith.constant 16 : i32
        %shift_left3A_1032 = vector.broadcast %shift_left3A_1031 : i32 to vector<16xi32>
        %shift_left3A_1033 = arith.shli %bitcast3A_1030, %shift_left3A_1032 : vector<16xi32>
        %bitcast3A_1034 = vector.bitcast %shift_left3A_1033 : vector<16xi32> to vector<16xf32>
        %add3A_1035 = arith.addf %add3A_1022, %bitcast3A_1034 : vector<16xf32>
        %bitcast3A_1036 = vector.bitcast %bitcast3A_1030 : vector<16xi32> to vector<16xf32>
        %add3A_1037 = arith.addf %add3A_1035, %bitcast3A_1036 : vector<16xf32>
        %get3A_1038 = arith.index_cast %add3A_1005 : i32 to index
        %get3A_1039 = arith.constant 64 : index
        %get3A_1040 = tpu.vector_load %arg10[%get3A_1038, %get3A_1039] {strides = array<i32>} : memref<80x128xbf16, #tpu.memory_space<vmem>>, vector<32xbf16>,
        %get3A_1041 = arith.index_cast %add3A_1005 : i32 to index
        %get3A_1042 = arith.constant 64 : index
        %get3A_1043 = tpu.vector_load %arg12[%get3A_1041, %get3A_1042] {strides = array<i32>} : memref<80x128xbf16, #tpu.memory_space<vmem>>, vector<32xbf16>,
        %mul3A_1044 = arith.mulf %get3A_1040, %get3A_1043 : vector<32xbf16>
        %bitcast3A_1045 = vector.bitcast %mul3A_1044 : vector<32xbf16> to vector<16xi32>
        %shift_left3A_1046 = arith.constant 16 : i32
        %shift_left3A_1047 = vector.broadcast %shift_left3A_1046 : i32 to vector<16xi32>
        %shift_left3A_1048 = arith.shli %bitcast3A_1045, %shift_left3A_1047 : vector<16xi32>
        %bitcast3A_1049 = vector.bitcast %shift_left3A_1048 : vector<16xi32> to vector<16xf32>
        %add3A_1050 = arith.addf %add3A_1037, %bitcast3A_1049 : vector<16xf32>
        %bitcast3A_1051 = vector.bitcast %bitcast3A_1045 : vector<16xi32> to vector<16xf32>
        %add3A_1052 = arith.addf %add3A_1050, %bitcast3A_1051 : vector<16xf32>
        %get3A_1053 = arith.index_cast %add3A_1005 : i32 to index
        %get3A_1054 = arith.constant 96 : index
        %get3A_1055 = tpu.vector_load %arg10[%get3A_1053, %get3A_1054] {strides = array<i32>} : memref<80x128xbf16, #tpu.memory_space<vmem>>, vector<32xbf16>,
        %get3A_1056 = arith.index_cast %add3A_1005 : i32 to index
        %get3A_1057 = arith.constant 96 : index
        %get3A_1058 = tpu.vector_load %arg12[%get3A_1056, %get3A_1057] {strides = array<i32>} : memref<80x128xbf16, #tpu.memory_space<vmem>>, vector<32xbf16>,
        %mul3A_1059 = arith.mulf %get3A_1055, %get3A_1058 : vector<32xbf16>
        %bitcast3A_1060 = vector.bitcast %mul3A_1059 : vector<32xbf16> to vector<16xi32>
        %shift_left3A_1061 = arith.constant 16 : i32
        %shift_left3A_1062 = vector.broadcast %shift_left3A_1061 : i32 to vector<16xi32>
        %shift_left3A_1063 = arith.shli %bitcast3A_1060, %shift_left3A_1062 : vector<16xi32>
        %bitcast3A_1064 = vector.bitcast %shift_left3A_1063 : vector<16xi32> to vector<16xf32>
        %add3A_1065 = arith.addf %add3A_1052, %bitcast3A_1064 : vector<16xf32>
        %bitcast3A_1066 = vector.bitcast %bitcast3A_1060 : vector<16xi32> to vector<16xf32>
        %add3A_1067 = arith.addf %add3A_1065, %bitcast3A_1066 : vector<16xf32>
        %eq3A_1068 = arith.constant 12 : i32
        %eq3A_1069 = vector.broadcast %eq3A_1068 : i32 to vector<16xi32>
        %eq3A_1070 = arith.cmpi eq, %iota3A, %eq3A_1069 : vector<16xi32>
        %reduce_sum3A_1071 = arith.constant true
        %reduce_sum3A_1072 = vector.broadcast %reduce_sum3A_1071 : i1 to vector<16xi1>
        %reduce_sum3A_1073 = tpu.scan <sum>, %add3A_1067 masked %reduce_sum3A_1072 : vector<16xf32>, vector<16xi1> -> vector<16xf32>
        %reduce_sum3A_1074 = vector.extract %reduce_sum3A_1073[15] : f32 from vector<16xf32>
        %broadcast_in_dim3A_1075 = vector.broadcast %reduce_sum3A_1074 : f32 to vector<16xf32>
        %select_n3A_1076 = arith.select %eq3A_1070, %broadcast_in_dim3A_1075, %select_n3A_1001 : vector<16xi1>, vector<16xf32>
        %mul3A_1077 = arith.constant 16 : i32
        %mul3A_1078 = arith.muli %scan3A_106, %mul3A_1077 : i32
        %add3A_1079 = arith.constant 13 : i32
        %add3A_1080 = arith.addi %mul3A_1078, %add3A_1079 : i32
        %broadcast_in_dim3A_1081 = arith.constant 0.000000e+00 : f32
        %broadcast_in_dim3A_1082 = vector.broadcast %broadcast_in_dim3A_1081 : f32 to vector<16xf32>
        %get3A_1083 = arith.index_cast %add3A_1080 : i32 to index
        %get3A_1084 = arith.constant 0 : index
        %get3A_1085 = tpu.vector_load %arg10[%get3A_1083, %get3A_1084] {strides = array<i32>} : memref<80x128xbf16, #tpu.memory_space<vmem>>, vector<32xbf16>,
        %get3A_1086 = arith.index_cast %add3A_1080 : i32 to index
        %get3A_1087 = arith.constant 0 : index
        %get3A_1088 = tpu.vector_load %arg12[%get3A_1086, %get3A_1087] {strides = array<i32>} : memref<80x128xbf16, #tpu.memory_space<vmem>>, vector<32xbf16>,
        %mul3A_1089 = arith.mulf %get3A_1085, %get3A_1088 : vector<32xbf16>
        %bitcast3A_1090 = vector.bitcast %mul3A_1089 : vector<32xbf16> to vector<16xi32>
        %shift_left3A_1091 = arith.constant 16 : i32
        %shift_left3A_1092 = vector.broadcast %shift_left3A_1091 : i32 to vector<16xi32>
        %shift_left3A_1093 = arith.shli %bitcast3A_1090, %shift_left3A_1092 : vector<16xi32>
        %bitcast3A_1094 = vector.bitcast %shift_left3A_1093 : vector<16xi32> to vector<16xf32>
        %add3A_1095 = arith.addf %broadcast_in_dim3A_1082, %bitcast3A_1094 : vector<16xf32>
        %bitcast3A_1096 = vector.bitcast %bitcast3A_1090 : vector<16xi32> to vector<16xf32>
        %add3A_1097 = arith.addf %add3A_1095, %bitcast3A_1096 : vector<16xf32>
        %get3A_1098 = arith.index_cast %add3A_1080 : i32 to index
        %get3A_1099 = arith.constant 32 : index
        %get3A_1100 = tpu.vector_load %arg10[%get3A_1098, %get3A_1099] {strides = array<i32>} : memref<80x128xbf16, #tpu.memory_space<vmem>>, vector<32xbf16>,
        %get3A_1101 = arith.index_cast %add3A_1080 : i32 to index
        %get3A_1102 = arith.constant 32 : index
        %get3A_1103 = tpu.vector_load %arg12[%get3A_1101, %get3A_1102] {strides = array<i32>} : memref<80x128xbf16, #tpu.memory_space<vmem>>, vector<32xbf16>,
        %mul3A_1104 = arith.mulf %get3A_1100, %get3A_1103 : vector<32xbf16>
        %bitcast3A_1105 = vector.bitcast %mul3A_1104 : vector<32xbf16> to vector<16xi32>
        %shift_left3A_1106 = arith.constant 16 : i32
        %shift_left3A_1107 = vector.broadcast %shift_left3A_1106 : i32 to vector<16xi32>
        %shift_left3A_1108 = arith.shli %bitcast3A_1105, %shift_left3A_1107 : vector<16xi32>
        %bitcast3A_1109 = vector.bitcast %shift_left3A_1108 : vector<16xi32> to vector<16xf32>
        %add3A_1110 = arith.addf %add3A_1097, %bitcast3A_1109 : vector<16xf32>
        %bitcast3A_1111 = vector.bitcast %bitcast3A_1105 : vector<16xi32> to vector<16xf32>
        %add3A_1112 = arith.addf %add3A_1110, %bitcast3A_1111 : vector<16xf32>
        %get3A_1113 = arith.index_cast %add3A_1080 : i32 to index
        %get3A_1114 = arith.constant 64 : index
        %get3A_1115 = tpu.vector_load %arg10[%get3A_1113, %get3A_1114] {strides = array<i32>} : memref<80x128xbf16, #tpu.memory_space<vmem>>, vector<32xbf16>,
        %get3A_1116 = arith.index_cast %add3A_1080 : i32 to index
        %get3A_1117 = arith.constant 64 : index
        %get3A_1118 = tpu.vector_load %arg12[%get3A_1116, %get3A_1117] {strides = array<i32>} : memref<80x128xbf16, #tpu.memory_space<vmem>>, vector<32xbf16>,
        %mul3A_1119 = arith.mulf %get3A_1115, %get3A_1118 : vector<32xbf16>
        %bitcast3A_1120 = vector.bitcast %mul3A_1119 : vector<32xbf16> to vector<16xi32>
        %shift_left3A_1121 = arith.constant 16 : i32
        %shift_left3A_1122 = vector.broadcast %shift_left3A_1121 : i32 to vector<16xi32>
        %shift_left3A_1123 = arith.shli %bitcast3A_1120, %shift_left3A_1122 : vector<16xi32>
        %bitcast3A_1124 = vector.bitcast %shift_left3A_1123 : vector<16xi32> to vector<16xf32>
        %add3A_1125 = arith.addf %add3A_1112, %bitcast3A_1124 : vector<16xf32>
        %bitcast3A_1126 = vector.bitcast %bitcast3A_1120 : vector<16xi32> to vector<16xf32>
        %add3A_1127 = arith.addf %add3A_1125, %bitcast3A_1126 : vector<16xf32>
        %get3A_1128 = arith.index_cast %add3A_1080 : i32 to index
        %get3A_1129 = arith.constant 96 : index
        %get3A_1130 = tpu.vector_load %arg10[%get3A_1128, %get3A_1129] {strides = array<i32>} : memref<80x128xbf16, #tpu.memory_space<vmem>>, vector<32xbf16>,
        %get3A_1131 = arith.index_cast %add3A_1080 : i32 to index
        %get3A_1132 = arith.constant 96 : index
        %get3A_1133 = tpu.vector_load %arg12[%get3A_1131, %get3A_1132] {strides = array<i32>} : memref<80x128xbf16, #tpu.memory_space<vmem>>, vector<32xbf16>,
        %mul3A_1134 = arith.mulf %get3A_1130, %get3A_1133 : vector<32xbf16>
        %bitcast3A_1135 = vector.bitcast %mul3A_1134 : vector<32xbf16> to vector<16xi32>
        %shift_left3A_1136 = arith.constant 16 : i32
        %shift_left3A_1137 = vector.broadcast %shift_left3A_1136 : i32 to vector<16xi32>
        %shift_left3A_1138 = arith.shli %bitcast3A_1135, %shift_left3A_1137 : vector<16xi32>
        %bitcast3A_1139 = vector.bitcast %shift_left3A_1138 : vector<16xi32> to vector<16xf32>
        %add3A_1140 = arith.addf %add3A_1127, %bitcast3A_1139 : vector<16xf32>
        %bitcast3A_1141 = vector.bitcast %bitcast3A_1135 : vector<16xi32> to vector<16xf32>
        %add3A_1142 = arith.addf %add3A_1140, %bitcast3A_1141 : vector<16xf32>
        %eq3A_1143 = arith.constant 13 : i32
        %eq3A_1144 = vector.broadcast %eq3A_1143 : i32 to vector<16xi32>
        %eq3A_1145 = arith.cmpi eq, %iota3A, %eq3A_1144 : vector<16xi32>
        %reduce_sum3A_1146 = arith.constant true
        %reduce_sum3A_1147 = vector.broadcast %reduce_sum3A_1146 : i1 to vector<16xi1>
        %reduce_sum3A_1148 = tpu.scan <sum>, %add3A_1142 masked %reduce_sum3A_1147 : vector<16xf32>, vector<16xi1> -> vector<16xf32>
        %reduce_sum3A_1149 = vector.extract %reduce_sum3A_1148[15] : f32 from vector<16xf32>
        %broadcast_in_dim3A_1150 = vector.broadcast %reduce_sum3A_1149 : f32 to vector<16xf32>
        %select_n3A_1151 = arith.select %eq3A_1145, %broadcast_in_dim3A_1150, %select_n3A_1076 : vector<16xi1>, vector<16xf32>
        %mul3A_1152 = arith.constant 16 : i32
        %mul3A_1153 = arith.muli %scan3A_106, %mul3A_1152 : i32
        %add3A_1154 = arith.constant 14 : i32
        %add3A_1155 = arith.addi %mul3A_1153, %add3A_1154 : i32
        %broadcast_in_dim3A_1156 = arith.constant 0.000000e+00 : f32
        %broadcast_in_dim3A_1157 = vector.broadcast %broadcast_in_dim3A_1156 : f32 to vector<16xf32>
        %get3A_1158 = arith.index_cast %add3A_1155 : i32 to index
        %get3A_1159 = arith.constant 0 : index
        %get3A_1160 = tpu.vector_load %arg10[%get3A_1158, %get3A_1159] {strides = array<i32>} : memref<80x128xbf16, #tpu.memory_space<vmem>>, vector<32xbf16>,
        %get3A_1161 = arith.index_cast %add3A_1155 : i32 to index
        %get3A_1162 = arith.constant 0 : index
        %get3A_1163 = tpu.vector_load %arg12[%get3A_1161, %get3A_1162] {strides = array<i32>} : memref<80x128xbf16, #tpu.memory_space<vmem>>, vector<32xbf16>,
        %mul3A_1164 = arith.mulf %get3A_1160, %get3A_1163 : vector<32xbf16>
        %bitcast3A_1165 = vector.bitcast %mul3A_1164 : vector<32xbf16> to vector<16xi32>
        %shift_left3A_1166 = arith.constant 16 : i32
        %shift_left3A_1167 = vector.broadcast %shift_left3A_1166 : i32 to vector<16xi32>
        %shift_left3A_1168 = arith.shli %bitcast3A_1165, %shift_left3A_1167 : vector<16xi32>
        %bitcast3A_1169 = vector.bitcast %shift_left3A_1168 : vector<16xi32> to vector<16xf32>
        %add3A_1170 = arith.addf %broadcast_in_dim3A_1157, %bitcast3A_1169 : vector<16xf32>
        %bitcast3A_1171 = vector.bitcast %bitcast3A_1165 : vector<16xi32> to vector<16xf32>
        %add3A_1172 = arith.addf %add3A_1170, %bitcast3A_1171 : vector<16xf32>
        %get3A_1173 = arith.index_cast %add3A_1155 : i32 to index
        %get3A_1174 = arith.constant 32 : index
        %get3A_1175 = tpu.vector_load %arg10[%get3A_1173, %get3A_1174] {strides = array<i32>} : memref<80x128xbf16, #tpu.memory_space<vmem>>, vector<32xbf16>,
        %get3A_1176 = arith.index_cast %add3A_1155 : i32 to index
        %get3A_1177 = arith.constant 32 : index
        %get3A_1178 = tpu.vector_load %arg12[%get3A_1176, %get3A_1177] {strides = array<i32>} : memref<80x128xbf16, #tpu.memory_space<vmem>>, vector<32xbf16>,
        %mul3A_1179 = arith.mulf %get3A_1175, %get3A_1178 : vector<32xbf16>
        %bitcast3A_1180 = vector.bitcast %mul3A_1179 : vector<32xbf16> to vector<16xi32>
        %shift_left3A_1181 = arith.constant 16 : i32
        %shift_left3A_1182 = vector.broadcast %shift_left3A_1181 : i32 to vector<16xi32>
        %shift_left3A_1183 = arith.shli %bitcast3A_1180, %shift_left3A_1182 : vector<16xi32>
        %bitcast3A_1184 = vector.bitcast %shift_left3A_1183 : vector<16xi32> to vector<16xf32>
        %add3A_1185 = arith.addf %add3A_1172, %bitcast3A_1184 : vector<16xf32>
        %bitcast3A_1186 = vector.bitcast %bitcast3A_1180 : vector<16xi32> to vector<16xf32>
        %add3A_1187 = arith.addf %add3A_1185, %bitcast3A_1186 : vector<16xf32>
        %get3A_1188 = arith.index_cast %add3A_1155 : i32 to index
        %get3A_1189 = arith.constant 64 : index
        %get3A_1190 = tpu.vector_load %arg10[%get3A_1188, %get3A_1189] {strides = array<i32>} : memref<80x128xbf16, #tpu.memory_space<vmem>>, vector<32xbf16>,
        %get3A_1191 = arith.index_cast %add3A_1155 : i32 to index
        %get3A_1192 = arith.constant 64 : index
        %get3A_1193 = tpu.vector_load %arg12[%get3A_1191, %get3A_1192] {strides = array<i32>} : memref<80x128xbf16, #tpu.memory_space<vmem>>, vector<32xbf16>,
        %mul3A_1194 = arith.mulf %get3A_1190, %get3A_1193 : vector<32xbf16>
        %bitcast3A_1195 = vector.bitcast %mul3A_1194 : vector<32xbf16> to vector<16xi32>
        %shift_left3A_1196 = arith.constant 16 : i32
        %shift_left3A_1197 = vector.broadcast %shift_left3A_1196 : i32 to vector<16xi32>
        %shift_left3A_1198 = arith.shli %bitcast3A_1195, %shift_left3A_1197 : vector<16xi32>
        %bitcast3A_1199 = vector.bitcast %shift_left3A_1198 : vector<16xi32> to vector<16xf32>
        %add3A_1200 = arith.addf %add3A_1187, %bitcast3A_1199 : vector<16xf32>
        %bitcast3A_1201 = vector.bitcast %bitcast3A_1195 : vector<16xi32> to vector<16xf32>
        %add3A_1202 = arith.addf %add3A_1200, %bitcast3A_1201 : vector<16xf32>
        %get3A_1203 = arith.index_cast %add3A_1155 : i32 to index
        %get3A_1204 = arith.constant 96 : index
        %get3A_1205 = tpu.vector_load %arg10[%get3A_1203, %get3A_1204] {strides = array<i32>} : memref<80x128xbf16, #tpu.memory_space<vmem>>, vector<32xbf16>,
        %get3A_1206 = arith.index_cast %add3A_1155 : i32 to index
        %get3A_1207 = arith.constant 96 : index
        %get3A_1208 = tpu.vector_load %arg12[%get3A_1206, %get3A_1207] {strides = array<i32>} : memref<80x128xbf16, #tpu.memory_space<vmem>>, vector<32xbf16>,
        %mul3A_1209 = arith.mulf %get3A_1205, %get3A_1208 : vector<32xbf16>
        %bitcast3A_1210 = vector.bitcast %mul3A_1209 : vector<32xbf16> to vector<16xi32>
        %shift_left3A_1211 = arith.constant 16 : i32
        %shift_left3A_1212 = vector.broadcast %shift_left3A_1211 : i32 to vector<16xi32>
        %shift_left3A_1213 = arith.shli %bitcast3A_1210, %shift_left3A_1212 : vector<16xi32>
        %bitcast3A_1214 = vector.bitcast %shift_left3A_1213 : vector<16xi32> to vector<16xf32>
        %add3A_1215 = arith.addf %add3A_1202, %bitcast3A_1214 : vector<16xf32>
        %bitcast3A_1216 = vector.bitcast %bitcast3A_1210 : vector<16xi32> to vector<16xf32>
        %add3A_1217 = arith.addf %add3A_1215, %bitcast3A_1216 : vector<16xf32>
        %eq3A_1218 = arith.constant 14 : i32
        %eq3A_1219 = vector.broadcast %eq3A_1218 : i32 to vector<16xi32>
        %eq3A_1220 = arith.cmpi eq, %iota3A, %eq3A_1219 : vector<16xi32>
        %reduce_sum3A_1221 = arith.constant true
        %reduce_sum3A_1222 = vector.broadcast %reduce_sum3A_1221 : i1 to vector<16xi1>
        %reduce_sum3A_1223 = tpu.scan <sum>, %add3A_1217 masked %reduce_sum3A_1222 : vector<16xf32>, vector<16xi1> -> vector<16xf32>
        %reduce_sum3A_1224 = vector.extract %reduce_sum3A_1223[15] : f32 from vector<16xf32>
        %broadcast_in_dim3A_1225 = vector.broadcast %reduce_sum3A_1224 : f32 to vector<16xf32>
        %select_n3A_1226 = arith.select %eq3A_1220, %broadcast_in_dim3A_1225, %select_n3A_1151 : vector<16xi1>, vector<16xf32>
        %mul3A_1227 = arith.constant 16 : i32
        %mul3A_1228 = arith.muli %scan3A_106, %mul3A_1227 : i32
        %add3A_1229 = arith.constant 15 : i32
        %add3A_1230 = arith.addi %mul3A_1228, %add3A_1229 : i32
        %broadcast_in_dim3A_1231 = arith.constant 0.000000e+00 : f32
        %broadcast_in_dim3A_1232 = vector.broadcast %broadcast_in_dim3A_1231 : f32 to vector<16xf32>
        %get3A_1233 = arith.index_cast %add3A_1230 : i32 to index
        %get3A_1234 = arith.constant 0 : index
        %get3A_1235 = tpu.vector_load %arg10[%get3A_1233, %get3A_1234] {strides = array<i32>} : memref<80x128xbf16, #tpu.memory_space<vmem>>, vector<32xbf16>,
        %get3A_1236 = arith.index_cast %add3A_1230 : i32 to index
        %get3A_1237 = arith.constant 0 : index
        %get3A_1238 = tpu.vector_load %arg12[%get3A_1236, %get3A_1237] {strides = array<i32>} : memref<80x128xbf16, #tpu.memory_space<vmem>>, vector<32xbf16>,
        %mul3A_1239 = arith.mulf %get3A_1235, %get3A_1238 : vector<32xbf16>
        %bitcast3A_1240 = vector.bitcast %mul3A_1239 : vector<32xbf16> to vector<16xi32>
        %shift_left3A_1241 = arith.constant 16 : i32
        %shift_left3A_1242 = vector.broadcast %shift_left3A_1241 : i32 to vector<16xi32>
        %shift_left3A_1243 = arith.shli %bitcast3A_1240, %shift_left3A_1242 : vector<16xi32>
        %bitcast3A_1244 = vector.bitcast %shift_left3A_1243 : vector<16xi32> to vector<16xf32>
        %add3A_1245 = arith.addf %broadcast_in_dim3A_1232, %bitcast3A_1244 : vector<16xf32>
        %bitcast3A_1246 = vector.bitcast %bitcast3A_1240 : vector<16xi32> to vector<16xf32>
        %add3A_1247 = arith.addf %add3A_1245, %bitcast3A_1246 : vector<16xf32>
        %get3A_1248 = arith.index_cast %add3A_1230 : i32 to index
        %get3A_1249 = arith.constant 32 : index
        %get3A_1250 = tpu.vector_load %arg10[%get3A_1248, %get3A_1249] {strides = array<i32>} : memref<80x128xbf16, #tpu.memory_space<vmem>>, vector<32xbf16>,
        %get3A_1251 = arith.index_cast %add3A_1230 : i32 to index
        %get3A_1252 = arith.constant 32 : index
        %get3A_1253 = tpu.vector_load %arg12[%get3A_1251, %get3A_1252] {strides = array<i32>} : memref<80x128xbf16, #tpu.memory_space<vmem>>, vector<32xbf16>,
        %mul3A_1254 = arith.mulf %get3A_1250, %get3A_1253 : vector<32xbf16>
        %bitcast3A_1255 = vector.bitcast %mul3A_1254 : vector<32xbf16> to vector<16xi32>
        %shift_left3A_1256 = arith.constant 16 : i32
        %shift_left3A_1257 = vector.broadcast %shift_left3A_1256 : i32 to vector<16xi32>
        %shift_left3A_1258 = arith.shli %bitcast3A_1255, %shift_left3A_1257 : vector<16xi32>
        %bitcast3A_1259 = vector.bitcast %shift_left3A_1258 : vector<16xi32> to vector<16xf32>
        %add3A_1260 = arith.addf %add3A_1247, %bitcast3A_1259 : vector<16xf32>
        %bitcast3A_1261 = vector.bitcast %bitcast3A_1255 : vector<16xi32> to vector<16xf32>
        %add3A_1262 = arith.addf %add3A_1260, %bitcast3A_1261 : vector<16xf32>
        %get3A_1263 = arith.index_cast %add3A_1230 : i32 to index
        %get3A_1264 = arith.constant 64 : index
        %get3A_1265 = tpu.vector_load %arg10[%get3A_1263, %get3A_1264] {strides = array<i32>} : memref<80x128xbf16, #tpu.memory_space<vmem>>, vector<32xbf16>,
        %get3A_1266 = arith.index_cast %add3A_1230 : i32 to index
        %get3A_1267 = arith.constant 64 : index
        %get3A_1268 = tpu.vector_load %arg12[%get3A_1266, %get3A_1267] {strides = array<i32>} : memref<80x128xbf16, #tpu.memory_space<vmem>>, vector<32xbf16>,
        %mul3A_1269 = arith.mulf %get3A_1265, %get3A_1268 : vector<32xbf16>
        %bitcast3A_1270 = vector.bitcast %mul3A_1269 : vector<32xbf16> to vector<16xi32>
        %shift_left3A_1271 = arith.constant 16 : i32
        %shift_left3A_1272 = vector.broadcast %shift_left3A_1271 : i32 to vector<16xi32>
        %shift_left3A_1273 = arith.shli %bitcast3A_1270, %shift_left3A_1272 : vector<16xi32>
        %bitcast3A_1274 = vector.bitcast %shift_left3A_1273 : vector<16xi32> to vector<16xf32>
        %add3A_1275 = arith.addf %add3A_1262, %bitcast3A_1274 : vector<16xf32>
        %bitcast3A_1276 = vector.bitcast %bitcast3A_1270 : vector<16xi32> to vector<16xf32>
        %add3A_1277 = arith.addf %add3A_1275, %bitcast3A_1276 : vector<16xf32>
        %get3A_1278 = arith.index_cast %add3A_1230 : i32 to index
        %get3A_1279 = arith.constant 96 : index
        %get3A_1280 = tpu.vector_load %arg10[%get3A_1278, %get3A_1279] {strides = array<i32>} : memref<80x128xbf16, #tpu.memory_space<vmem>>, vector<32xbf16>,
        %get3A_1281 = arith.index_cast %add3A_1230 : i32 to index
        %get3A_1282 = arith.constant 96 : index
        %get3A_1283 = tpu.vector_load %arg12[%get3A_1281, %get3A_1282] {strides = array<i32>} : memref<80x128xbf16, #tpu.memory_space<vmem>>, vector<32xbf16>,
        %mul3A_1284 = arith.mulf %get3A_1280, %get3A_1283 : vector<32xbf16>
        %bitcast3A_1285 = vector.bitcast %mul3A_1284 : vector<32xbf16> to vector<16xi32>
        %shift_left3A_1286 = arith.constant 16 : i32
        %shift_left3A_1287 = vector.broadcast %shift_left3A_1286 : i32 to vector<16xi32>
        %shift_left3A_1288 = arith.shli %bitcast3A_1285, %shift_left3A_1287 : vector<16xi32>
        %bitcast3A_1289 = vector.bitcast %shift_left3A_1288 : vector<16xi32> to vector<16xf32>
        %add3A_1290 = arith.addf %add3A_1277, %bitcast3A_1289 : vector<16xf32>
        %bitcast3A_1291 = vector.bitcast %bitcast3A_1285 : vector<16xi32> to vector<16xf32>
        %add3A_1292 = arith.addf %add3A_1290, %bitcast3A_1291 : vector<16xf32>
        %eq3A_1293 = arith.constant 15 : i32
        %eq3A_1294 = vector.broadcast %eq3A_1293 : i32 to vector<16xi32>
        %eq3A_1295 = arith.cmpi eq, %iota3A, %eq3A_1294 : vector<16xi32>
        %reduce_sum3A_1296 = arith.constant true
        %reduce_sum3A_1297 = vector.broadcast %reduce_sum3A_1296 : i1 to vector<16xi1>
        %reduce_sum3A_1298 = tpu.scan <sum>, %add3A_1292 masked %reduce_sum3A_1297 : vector<16xf32>, vector<16xi1> -> vector<16xf32>
        %reduce_sum3A_1299 = vector.extract %reduce_sum3A_1298[15] : f32 from vector<16xf32>
        %broadcast_in_dim3A_1300 = vector.broadcast %reduce_sum3A_1299 : f32 to vector<16xf32>
        %select_n3A_1301 = arith.select %eq3A_1295, %broadcast_in_dim3A_1300, %select_n3A_1226 : vector<16xi1>, vector<16xf32>
        %mul3A_1302 = arith.constant 16 : i32
        %mul3A_1303 = arith.muli %scan3A_106, %mul3A_1302 : i32
        %swap3A = arith.index_cast %mul3A_1303 : i32 to index
        %swap3A_1304 = tpu.vector_load %arg14[%swap3A] {strides = array<i32>} : memref<80xf32, #tpu.memory_space<vmem>>, vector<16xf32>,
        tpu.vector_store %arg14[%swap3A], %select_n3A_1301 {strides = array<i32>} : memref<80xf32, #tpu.memory_space<vmem>>, vector<16xf32>,
      }
      %scan3A_95 = arith.constant 5 : i32
      %mul3A_96 = arith.constant 80 : i32
      %mul3A_97 = arith.muli %add3A_79, %mul3A_96 : i32
      %add3A_98 = arith.addi %mul3A_2, %mul3A_97 : i32
      "tpu.region"() ({
        %run_scoped3A = tpu.sem_alloc : memref<!tpu.dma_semaphore, #tpu.memory_space<semaphore_mem>>
        %dma_start3A_106 = tpu.memref_slice %arg5[%add3A_98] : memref<320000xf32, #tpu.memory_space<hbm>> -> memref<80xf32, #tpu.memory_space<hbm>>
        %dma_start3A_107 = tpu.memref_slice %arg5[%add3A_98] : memref<320000xf32, #tpu.memory_space<hbm>> -> memref<80xf32, #tpu.memory_space<hbm>>
        tpu.enqueue_dma source(%arg14 : memref<80xf32, #tpu.memory_space<vmem>>) target(%dma_start3A_107 : memref<80xf32, #tpu.memory_space<hbm>>) target_semaphore(%run_scoped3A : memref<!tpu.dma_semaphore, #tpu.memory_space<semaphore_mem>>)
        %dma_wait3A_108 = tpu.memref_slice %arg5[%add3A_98] : memref<320000xf32, #tpu.memory_space<hbm>> -> memref<80xf32, #tpu.memory_space<hbm>>
        %dma_wait3A_109 = tpu.memref_slice %arg5[%add3A_98] : memref<320000xf32, #tpu.memory_space<hbm>> -> memref<80xf32, #tpu.memory_space<hbm>>
        tpu.wait_dma2 semaphore(%run_scoped3A : memref<!tpu.dma_semaphore, #tpu.memory_space<semaphore_mem>>) src(%arg14 : memref<80xf32, #tpu.memory_space<vmem>>) dst(%dma_wait3A_109 : memref<80xf32, #tpu.memory_space<hbm>>)
        tpu.yield
      }) : () -> ()
      %add3A_99 = arith.constant 2 : i32
      %add3A_100 = arith.addi %add3A_79, %add3A_99 : i32
      %lt3A_101 = arith.constant 125 : i32
      %lt3A_102 = arith.cmpi slt, %add3A_100, %lt3A_101 : i32
      %convert_element_type3A_103 = arith.extui %lt3A_102 : i1 to i32
      %cond3A_104 = arith.constant 0 : i32
      %cond3A_105 = arith.cmpi ne, %convert_element_type3A_103, %cond3A_104 : i32
      scf.if %cond3A_105 {
        %add3A_106 = arith.constant 2 : i32
        %add3A_107 = arith.addi %add3A_79, %add3A_106 : i32
        %mul3A_108 = arith.constant 80 : i32
        %mul3A_109 = arith.muli %add3A_107, %mul3A_108 : i32
        %dma_start3A_110 = tpu.memref_slice %arg7[%mul3A_109] : memref<10000xi32, #tpu.memory_space<vmem>> -> memref<80xi32, #tpu.memory_space<vmem>>
        %dma_start3A_111 = arith.constant 0 : i32
        %dma_start3A_112 = arith.constant 0 : i32
        %dma_start3A_113 = tpu.memref_slice %arg6[%dma_start3A_111, %dma_start3A_112] : memref<10000x128xbf16, #tpu.memory_space<vmem_shared>> -> memref<10000x128xbf16, #tpu.memory_space<vmem_shared>>
        tpu.enqueue_indirect_dma source(%dma_start3A_113 : memref<10000x128xbf16, #tpu.memory_space<vmem_shared>>) target(%arg10 : memref<80x128xbf16, #tpu.memory_space<vmem>>) offsets(%dma_start3A_110 : memref<80xi32, #tpu.memory_space<vmem>>) semaphore(%arg16 : memref<!tpu.dma_semaphore, #tpu.memory_space<semaphore_mem>>)
        %mul3A_114 = arith.constant 80 : i32
        %mul3A_115 = arith.muli %add3A_107, %mul3A_114 : i32
        %dma_start3A_116 = tpu.memref_slice %arg8[%mul3A_115] : memref<10000xi32, #tpu.memory_space<vmem>> -> memref<80xi32, #tpu.memory_space<vmem>>
        %dma_start3A_117 = arith.constant 0 : i32
        %dma_start3A_118 = arith.constant 0 : i32
        %dma_start3A_119 = tpu.memref_slice %arg6[%dma_start3A_117, %dma_start3A_118] : memref<10000x128xbf16, #tpu.memory_space<vmem_shared>> -> memref<10000x128xbf16, #tpu.memory_space<vmem_shared>>
        tpu.enqueue_indirect_dma source(%dma_start3A_119 : memref<10000x128xbf16, #tpu.memory_space<vmem_shared>>) target(%arg12 : memref<80x128xbf16, #tpu.memory_space<vmem>>) offsets(%dma_start3A_116 : memref<80xi32, #tpu.memory_space<vmem>>) semaphore(%arg18 : memref<!tpu.dma_semaphore, #tpu.memory_space<semaphore_mem>>)
      } else {
      }
    }
    %scan3A_30 = arith.constant 62 : i32
    %dma_wait3A = arith.constant 0 : i32
    %dma_wait3A_31 = tpu.memref_slice %arg7[%dma_wait3A] : memref<10000xi32, #tpu.memory_space<vmem>> -> memref<80xi32, #tpu.memory_space<vmem>>
    %dma_wait3A_32 = arith.constant 0 : i32
    %dma_wait3A_33 = arith.constant 0 : i32
    %dma_wait3A_34 = tpu.memref_slice %arg6[%dma_wait3A_32, %dma_wait3A_33] : memref<10000x128xbf16, #tpu.memory_space<vmem_shared>> -> memref<10000x128xbf16, #tpu.memory_space<vmem_shared>>
    tpu.wait_indirect_dma semaphore(%arg15 : memref<!tpu.dma_semaphore, #tpu.memory_space<semaphore_mem>>) src(%dma_wait3A_34 : memref<10000x128xbf16, #tpu.memory_space<vmem_shared>>) dst(%arg9 : memref<80x128xbf16, #tpu.memory_space<vmem>>)
    %dma_wait3A_35 = arith.constant 0 : i32
    %dma_wait3A_36 = tpu.memref_slice %arg8[%dma_wait3A_35] : memref<10000xi32, #tpu.memory_space<vmem>> -> memref<80xi32, #tpu.memory_space<vmem>>
    %dma_wait3A_37 = arith.constant 0 : i32
    %dma_wait3A_38 = arith.constant 0 : i32
    %dma_wait3A_39 = tpu.memref_slice %arg6[%dma_wait3A_37, %dma_wait3A_38] : memref<10000x128xbf16, #tpu.memory_space<vmem_shared>> -> memref<10000x128xbf16, #tpu.memory_space<vmem_shared>>
    tpu.wait_indirect_dma semaphore(%arg17 : memref<!tpu.dma_semaphore, #tpu.memory_space<semaphore_mem>>) src(%dma_wait3A_39 : memref<10000x128xbf16, #tpu.memory_space<vmem_shared>>) dst(%arg11 : memref<80x128xbf16, #tpu.memory_space<vmem>>)
    %scan3A_40 = arith.constant 0 : i32
    %scan3A_41 = arith.constant 0 : i32
    %scan3A_42 = arith.constant 5 : i32
    %scan3A_43 = arith.addi %scan3A_41, %scan3A_42 : i32
    %scan3A_44 = arith.constant 1 : i32
    scf.for %scan3A_48 = %scan3A_41 to %scan3A_43 step %scan3A_44  : i32 {
      %iota3A = tpu.iota {dimensions = array<i32: 0>} : vector<16xi32>
      %broadcast_in_dim3A = arith.constant 0.000000e+00 : f32
      %broadcast_in_dim3A_49 = vector.broadcast %broadcast_in_dim3A : f32 to vector<16xf32>
      %mul3A_50 = arith.constant 16 : i32
      %mul3A_51 = arith.muli %scan3A_48, %mul3A_50 : i32
      %add3A_52 = arith.constant 0 : i32
      %add3A_53 = arith.addi %mul3A_51, %add3A_52 : i32
      %broadcast_in_dim3A_54 = arith.constant 0.000000e+00 : f32
      %broadcast_in_dim3A_55 = vector.broadcast %broadcast_in_dim3A_54 : f32 to vector<16xf32>
      %get3A = arith.index_cast %add3A_53 : i32 to index
      %get3A_56 = arith.constant 0 : index
      %get3A_57 = tpu.vector_load %arg9[%get3A, %get3A_56] {strides = array<i32>} : memref<80x128xbf16, #tpu.memory_space<vmem>>, vector<32xbf16>,
      %get3A_58 = arith.index_cast %add3A_53 : i32 to index
      %get3A_59 = arith.constant 0 : index
      %get3A_60 = tpu.vector_load %arg11[%get3A_58, %get3A_59] {strides = array<i32>} : memref<80x128xbf16, #tpu.memory_space<vmem>>, vector<32xbf16>,
      %mul3A_61 = arith.mulf %get3A_57, %get3A_60 : vector<32xbf16>
      %bitcast3A = vector.bitcast %mul3A_61 : vector<32xbf16> to vector<16xi32>
      %shift_left3A = arith.constant 16 : i32
      %shift_left3A_62 = vector.broadcast %shift_left3A : i32 to vector<16xi32>
      %shift_left3A_63 = arith.shli %bitcast3A, %shift_left3A_62 : vector<16xi32>
      %bitcast3A_64 = vector.bitcast %shift_left3A_63 : vector<16xi32> to vector<16xf32>
      %add3A_65 = arith.addf %broadcast_in_dim3A_55, %bitcast3A_64 : vector<16xf32>
      %bitcast3A_66 = vector.bitcast %bitcast3A : vector<16xi32> to vector<16xf32>
      %add3A_67 = arith.addf %add3A_65, %bitcast3A_66 : vector<16xf32>
      %get3A_68 = arith.index_cast %add3A_53 : i32 to index
      %get3A_69 = arith.constant 32 : index
      %get3A_70 = tpu.vector_load %arg9[%get3A_68, %get3A_69] {strides = array<i32>} : memref<80x128xbf16, #tpu.memory_space<vmem>>, vector<32xbf16>,
      %get3A_71 = arith.index_cast %add3A_53 : i32 to index
      %get3A_72 = arith.constant 32 : index
      %get3A_73 = tpu.vector_load %arg11[%get3A_71, %get3A_72] {strides = array<i32>} : memref<80x128xbf16, #tpu.memory_space<vmem>>, vector<32xbf16>,
      %mul3A_74 = arith.mulf %get3A_70, %get3A_73 : vector<32xbf16>
      %bitcast3A_75 = vector.bitcast %mul3A_74 : vector<32xbf16> to vector<16xi32>
      %shift_left3A_76 = arith.constant 16 : i32
      %shift_left3A_77 = vector.broadcast %shift_left3A_76 : i32 to vector<16xi32>
      %shift_left3A_78 = arith.shli %bitcast3A_75, %shift_left3A_77 : vector<16xi32>
      %bitcast3A_79 = vector.bitcast %shift_left3A_78 : vector<16xi32> to vector<16xf32>
      %add3A_80 = arith.addf %add3A_67, %bitcast3A_79 : vector<16xf32>
      %bitcast3A_81 = vector.bitcast %bitcast3A_75 : vector<16xi32> to vector<16xf32>
      %add3A_82 = arith.addf %add3A_80, %bitcast3A_81 : vector<16xf32>
      %get3A_83 = arith.index_cast %add3A_53 : i32 to index
      %get3A_84 = arith.constant 64 : index
      %get3A_85 = tpu.vector_load %arg9[%get3A_83, %get3A_84] {strides = array<i32>} : memref<80x128xbf16, #tpu.memory_space<vmem>>, vector<32xbf16>,
      %get3A_86 = arith.index_cast %add3A_53 : i32 to index
      %get3A_87 = arith.constant 64 : index
      %get3A_88 = tpu.vector_load %arg11[%get3A_86, %get3A_87] {strides = array<i32>} : memref<80x128xbf16, #tpu.memory_space<vmem>>, vector<32xbf16>,
      %mul3A_89 = arith.mulf %get3A_85, %get3A_88 : vector<32xbf16>
      %bitcast3A_90 = vector.bitcast %mul3A_89 : vector<32xbf16> to vector<16xi32>
      %shift_left3A_91 = arith.constant 16 : i32
      %shift_left3A_92 = vector.broadcast %shift_left3A_91 : i32 to vector<16xi32>
      %shift_left3A_93 = arith.shli %bitcast3A_90, %shift_left3A_92 : vector<16xi32>
      %bitcast3A_94 = vector.bitcast %shift_left3A_93 : vector<16xi32> to vector<16xf32>
      %add3A_95 = arith.addf %add3A_82, %bitcast3A_94 : vector<16xf32>
      %bitcast3A_96 = vector.bitcast %bitcast3A_90 : vector<16xi32> to vector<16xf32>
      %add3A_97 = arith.addf %add3A_95, %bitcast3A_96 : vector<16xf32>
      %get3A_98 = arith.index_cast %add3A_53 : i32 to index
      %get3A_99 = arith.constant 96 : index
      %get3A_100 = tpu.vector_load %arg9[%get3A_98, %get3A_99] {strides = array<i32>} : memref<80x128xbf16, #tpu.memory_space<vmem>>, vector<32xbf16>,
      %get3A_101 = arith.index_cast %add3A_53 : i32 to index
      %get3A_102 = arith.constant 96 : index
      %get3A_103 = tpu.vector_load %arg11[%get3A_101, %get3A_102] {strides = array<i32>} : memref<80x128xbf16, #tpu.memory_space<vmem>>, vector<32xbf16>,
      %mul3A_104 = arith.mulf %get3A_100, %get3A_103 : vector<32xbf16>
      %bitcast3A_105 = vector.bitcast %mul3A_104 : vector<32xbf16> to vector<16xi32>
      %shift_left3A_106 = arith.constant 16 : i32
      %shift_left3A_107 = vector.broadcast %shift_left3A_106 : i32 to vector<16xi32>
      %shift_left3A_108 = arith.shli %bitcast3A_105, %shift_left3A_107 : vector<16xi32>
      %bitcast3A_109 = vector.bitcast %shift_left3A_108 : vector<16xi32> to vector<16xf32>
      %add3A_110 = arith.addf %add3A_97, %bitcast3A_109 : vector<16xf32>
      %bitcast3A_111 = vector.bitcast %bitcast3A_105 : vector<16xi32> to vector<16xf32>
      %add3A_112 = arith.addf %add3A_110, %bitcast3A_111 : vector<16xf32>
      %eq3A = arith.constant 0 : i32
      %eq3A_113 = vector.broadcast %eq3A : i32 to vector<16xi32>
      %eq3A_114 = arith.cmpi eq, %iota3A, %eq3A_113 : vector<16xi32>
      %reduce_sum3A = arith.constant true
      %reduce_sum3A_115 = vector.broadcast %reduce_sum3A : i1 to vector<16xi1>
      %reduce_sum3A_116 = tpu.scan <sum>, %add3A_112 masked %reduce_sum3A_115 : vector<16xf32>, vector<16xi1> -> vector<16xf32>
      %reduce_sum3A_117 = vector.extract %reduce_sum3A_116[15] : f32 from vector<16xf32>
      %broadcast_in_dim3A_118 = vector.broadcast %reduce_sum3A_117 : f32 to vector<16xf32>
      %select_n3A = arith.select %eq3A_114, %broadcast_in_dim3A_118, %broadcast_in_dim3A_49 : vector<16xi1>, vector<16xf32>
      %mul3A_119 = arith.constant 16 : i32
      %mul3A_120 = arith.muli %scan3A_48, %mul3A_119 : i32
      %add3A_121 = arith.constant 1 : i32
      %add3A_122 = arith.addi %mul3A_120, %add3A_121 : i32
      %broadcast_in_dim3A_123 = arith.constant 0.000000e+00 : f32
      %broadcast_in_dim3A_124 = vector.broadcast %broadcast_in_dim3A_123 : f32 to vector<16xf32>
      %get3A_125 = arith.index_cast %add3A_122 : i32 to index
      %get3A_126 = arith.constant 0 : index
      %get3A_127 = tpu.vector_load %arg9[%get3A_125, %get3A_126] {strides = array<i32>} : memref<80x128xbf16, #tpu.memory_space<vmem>>, vector<32xbf16>,
      %get3A_128 = arith.index_cast %add3A_122 : i32 to index
      %get3A_129 = arith.constant 0 : index
      %get3A_130 = tpu.vector_load %arg11[%get3A_128, %get3A_129] {strides = array<i32>} : memref<80x128xbf16, #tpu.memory_space<vmem>>, vector<32xbf16>,
      %mul3A_131 = arith.mulf %get3A_127, %get3A_130 : vector<32xbf16>
      %bitcast3A_132 = vector.bitcast %mul3A_131 : vector<32xbf16> to vector<16xi32>
      %shift_left3A_133 = arith.constant 16 : i32
      %shift_left3A_134 = vector.broadcast %shift_left3A_133 : i32 to vector<16xi32>
      %shift_left3A_135 = arith.shli %bitcast3A_132, %shift_left3A_134 : vector<16xi32>
      %bitcast3A_136 = vector.bitcast %shift_left3A_135 : vector<16xi32> to vector<16xf32>
      %add3A_137 = arith.addf %broadcast_in_dim3A_124, %bitcast3A_136 : vector<16xf32>
      %bitcast3A_138 = vector.bitcast %bitcast3A_132 : vector<16xi32> to vector<16xf32>
      %add3A_139 = arith.addf %add3A_137, %bitcast3A_138 : vector<16xf32>
      %get3A_140 = arith.index_cast %add3A_122 : i32 to index
      %get3A_141 = arith.constant 32 : index
      %get3A_142 = tpu.vector_load %arg9[%get3A_140, %get3A_141] {strides = array<i32>} : memref<80x128xbf16, #tpu.memory_space<vmem>>, vector<32xbf16>,
      %get3A_143 = arith.index_cast %add3A_122 : i32 to index
      %get3A_144 = arith.constant 32 : index
      %get3A_145 = tpu.vector_load %arg11[%get3A_143, %get3A_144] {strides = array<i32>} : memref<80x128xbf16, #tpu.memory_space<vmem>>, vector<32xbf16>,
      %mul3A_146 = arith.mulf %get3A_142, %get3A_145 : vector<32xbf16>
      %bitcast3A_147 = vector.bitcast %mul3A_146 : vector<32xbf16> to vector<16xi32>
      %shift_left3A_148 = arith.constant 16 : i32
      %shift_left3A_149 = vector.broadcast %shift_left3A_148 : i32 to vector<16xi32>
      %shift_left3A_150 = arith.shli %bitcast3A_147, %shift_left3A_149 : vector<16xi32>
      %bitcast3A_151 = vector.bitcast %shift_left3A_150 : vector<16xi32> to vector<16xf32>
      %add3A_152 = arith.addf %add3A_139, %bitcast3A_151 : vector<16xf32>
      %bitcast3A_153 = vector.bitcast %bitcast3A_147 : vector<16xi32> to vector<16xf32>
      %add3A_154 = arith.addf %add3A_152, %bitcast3A_153 : vector<16xf32>
      %get3A_155 = arith.index_cast %add3A_122 : i32 to index
      %get3A_156 = arith.constant 64 : index
      %get3A_157 = tpu.vector_load %arg9[%get3A_155, %get3A_156] {strides = array<i32>} : memref<80x128xbf16, #tpu.memory_space<vmem>>, vector<32xbf16>,
      %get3A_158 = arith.index_cast %add3A_122 : i32 to index
      %get3A_159 = arith.constant 64 : index
      %get3A_160 = tpu.vector_load %arg11[%get3A_158, %get3A_159] {strides = array<i32>} : memref<80x128xbf16, #tpu.memory_space<vmem>>, vector<32xbf16>,
      %mul3A_161 = arith.mulf %get3A_157, %get3A_160 : vector<32xbf16>
      %bitcast3A_162 = vector.bitcast %mul3A_161 : vector<32xbf16> to vector<16xi32>
      %shift_left3A_163 = arith.constant 16 : i32
      %shift_left3A_164 = vector.broadcast %shift_left3A_163 : i32 to vector<16xi32>
      %shift_left3A_165 = arith.shli %bitcast3A_162, %shift_left3A_164 : vector<16xi32>
      %bitcast3A_166 = vector.bitcast %shift_left3A_165 : vector<16xi32> to vector<16xf32>
      %add3A_167 = arith.addf %add3A_154, %bitcast3A_166 : vector<16xf32>
      %bitcast3A_168 = vector.bitcast %bitcast3A_162 : vector<16xi32> to vector<16xf32>
      %add3A_169 = arith.addf %add3A_167, %bitcast3A_168 : vector<16xf32>
      %get3A_170 = arith.index_cast %add3A_122 : i32 to index
      %get3A_171 = arith.constant 96 : index
      %get3A_172 = tpu.vector_load %arg9[%get3A_170, %get3A_171] {strides = array<i32>} : memref<80x128xbf16, #tpu.memory_space<vmem>>, vector<32xbf16>,
      %get3A_173 = arith.index_cast %add3A_122 : i32 to index
      %get3A_174 = arith.constant 96 : index
      %get3A_175 = tpu.vector_load %arg11[%get3A_173, %get3A_174] {strides = array<i32>} : memref<80x128xbf16, #tpu.memory_space<vmem>>, vector<32xbf16>,
      %mul3A_176 = arith.mulf %get3A_172, %get3A_175 : vector<32xbf16>
      %bitcast3A_177 = vector.bitcast %mul3A_176 : vector<32xbf16> to vector<16xi32>
      %shift_left3A_178 = arith.constant 16 : i32
      %shift_left3A_179 = vector.broadcast %shift_left3A_178 : i32 to vector<16xi32>
      %shift_left3A_180 = arith.shli %bitcast3A_177, %shift_left3A_179 : vector<16xi32>
      %bitcast3A_181 = vector.bitcast %shift_left3A_180 : vector<16xi32> to vector<16xf32>
      %add3A_182 = arith.addf %add3A_169, %bitcast3A_181 : vector<16xf32>
      %bitcast3A_183 = vector.bitcast %bitcast3A_177 : vector<16xi32> to vector<16xf32>
      %add3A_184 = arith.addf %add3A_182, %bitcast3A_183 : vector<16xf32>
      %eq3A_185 = arith.constant 1 : i32
      %eq3A_186 = vector.broadcast %eq3A_185 : i32 to vector<16xi32>
      %eq3A_187 = arith.cmpi eq, %iota3A, %eq3A_186 : vector<16xi32>
      %reduce_sum3A_188 = arith.constant true
      %reduce_sum3A_189 = vector.broadcast %reduce_sum3A_188 : i1 to vector<16xi1>
      %reduce_sum3A_190 = tpu.scan <sum>, %add3A_184 masked %reduce_sum3A_189 : vector<16xf32>, vector<16xi1> -> vector<16xf32>
      %reduce_sum3A_191 = vector.extract %reduce_sum3A_190[15] : f32 from vector<16xf32>
      %broadcast_in_dim3A_192 = vector.broadcast %reduce_sum3A_191 : f32 to vector<16xf32>
      %select_n3A_193 = arith.select %eq3A_187, %broadcast_in_dim3A_192, %select_n3A : vector<16xi1>, vector<16xf32>
      %mul3A_194 = arith.constant 16 : i32
      %mul3A_195 = arith.muli %scan3A_48, %mul3A_194 : i32
      %add3A_196 = arith.constant 2 : i32
      %add3A_197 = arith.addi %mul3A_195, %add3A_196 : i32
      %broadcast_in_dim3A_198 = arith.constant 0.000000e+00 : f32
      %broadcast_in_dim3A_199 = vector.broadcast %broadcast_in_dim3A_198 : f32 to vector<16xf32>
      %get3A_200 = arith.index_cast %add3A_197 : i32 to index
      %get3A_201 = arith.constant 0 : index
      %get3A_202 = tpu.vector_load %arg9[%get3A_200, %get3A_201] {strides = array<i32>} : memref<80x128xbf16, #tpu.memory_space<vmem>>, vector<32xbf16>,
      %get3A_203 = arith.index_cast %add3A_197 : i32 to index
      %get3A_204 = arith.constant 0 : index
      %get3A_205 = tpu.vector_load %arg11[%get3A_203, %get3A_204] {strides = array<i32>} : memref<80x128xbf16, #tpu.memory_space<vmem>>, vector<32xbf16>,
      %mul3A_206 = arith.mulf %get3A_202, %get3A_205 : vector<32xbf16>
      %bitcast3A_207 = vector.bitcast %mul3A_206 : vector<32xbf16> to vector<16xi32>
      %shift_left3A_208 = arith.constant 16 : i32
      %shift_left3A_209 = vector.broadcast %shift_left3A_208 : i32 to vector<16xi32>
      %shift_left3A_210 = arith.shli %bitcast3A_207, %shift_left3A_209 : vector<16xi32>
      %bitcast3A_211 = vector.bitcast %shift_left3A_210 : vector<16xi32> to vector<16xf32>
      %add3A_212 = arith.addf %broadcast_in_dim3A_199, %bitcast3A_211 : vector<16xf32>
      %bitcast3A_213 = vector.bitcast %bitcast3A_207 : vector<16xi32> to vector<16xf32>
      %add3A_214 = arith.addf %add3A_212, %bitcast3A_213 : vector<16xf32>
      %get3A_215 = arith.index_cast %add3A_197 : i32 to index
      %get3A_216 = arith.constant 32 : index
      %get3A_217 = tpu.vector_load %arg9[%get3A_215, %get3A_216] {strides = array<i32>} : memref<80x128xbf16, #tpu.memory_space<vmem>>, vector<32xbf16>,
      %get3A_218 = arith.index_cast %add3A_197 : i32 to index
      %get3A_219 = arith.constant 32 : index
      %get3A_220 = tpu.vector_load %arg11[%get3A_218, %get3A_219] {strides = array<i32>} : memref<80x128xbf16, #tpu.memory_space<vmem>>, vector<32xbf16>,
      %mul3A_221 = arith.mulf %get3A_217, %get3A_220 : vector<32xbf16>
      %bitcast3A_222 = vector.bitcast %mul3A_221 : vector<32xbf16> to vector<16xi32>
      %shift_left3A_223 = arith.constant 16 : i32
      %shift_left3A_224 = vector.broadcast %shift_left3A_223 : i32 to vector<16xi32>
      %shift_left3A_225 = arith.shli %bitcast3A_222, %shift_left3A_224 : vector<16xi32>
      %bitcast3A_226 = vector.bitcast %shift_left3A_225 : vector<16xi32> to vector<16xf32>
      %add3A_227 = arith.addf %add3A_214, %bitcast3A_226 : vector<16xf32>
      %bitcast3A_228 = vector.bitcast %bitcast3A_222 : vector<16xi32> to vector<16xf32>
      %add3A_229 = arith.addf %add3A_227, %bitcast3A_228 : vector<16xf32>
      %get3A_230 = arith.index_cast %add3A_197 : i32 to index
      %get3A_231 = arith.constant 64 : index
      %get3A_232 = tpu.vector_load %arg9[%get3A_230, %get3A_231] {strides = array<i32>} : memref<80x128xbf16, #tpu.memory_space<vmem>>, vector<32xbf16>,
      %get3A_233 = arith.index_cast %add3A_197 : i32 to index
      %get3A_234 = arith.constant 64 : index
      %get3A_235 = tpu.vector_load %arg11[%get3A_233, %get3A_234] {strides = array<i32>} : memref<80x128xbf16, #tpu.memory_space<vmem>>, vector<32xbf16>,
      %mul3A_236 = arith.mulf %get3A_232, %get3A_235 : vector<32xbf16>
      %bitcast3A_237 = vector.bitcast %mul3A_236 : vector<32xbf16> to vector<16xi32>
      %shift_left3A_238 = arith.constant 16 : i32
      %shift_left3A_239 = vector.broadcast %shift_left3A_238 : i32 to vector<16xi32>
      %shift_left3A_240 = arith.shli %bitcast3A_237, %shift_left3A_239 : vector<16xi32>
      %bitcast3A_241 = vector.bitcast %shift_left3A_240 : vector<16xi32> to vector<16xf32>
      %add3A_242 = arith.addf %add3A_229, %bitcast3A_241 : vector<16xf32>
      %bitcast3A_243 = vector.bitcast %bitcast3A_237 : vector<16xi32> to vector<16xf32>
      %add3A_244 = arith.addf %add3A_242, %bitcast3A_243 : vector<16xf32>
      %get3A_245 = arith.index_cast %add3A_197 : i32 to index
      %get3A_246 = arith.constant 96 : index
      %get3A_247 = tpu.vector_load %arg9[%get3A_245, %get3A_246] {strides = array<i32>} : memref<80x128xbf16, #tpu.memory_space<vmem>>, vector<32xbf16>,
      %get3A_248 = arith.index_cast %add3A_197 : i32 to index
      %get3A_249 = arith.constant 96 : index
      %get3A_250 = tpu.vector_load %arg11[%get3A_248, %get3A_249] {strides = array<i32>} : memref<80x128xbf16, #tpu.memory_space<vmem>>, vector<32xbf16>,
      %mul3A_251 = arith.mulf %get3A_247, %get3A_250 : vector<32xbf16>
      %bitcast3A_252 = vector.bitcast %mul3A_251 : vector<32xbf16> to vector<16xi32>
      %shift_left3A_253 = arith.constant 16 : i32
      %shift_left3A_254 = vector.broadcast %shift_left3A_253 : i32 to vector<16xi32>
      %shift_left3A_255 = arith.shli %bitcast3A_252, %shift_left3A_254 : vector<16xi32>
      %bitcast3A_256 = vector.bitcast %shift_left3A_255 : vector<16xi32> to vector<16xf32>
      %add3A_257 = arith.addf %add3A_244, %bitcast3A_256 : vector<16xf32>
      %bitcast3A_258 = vector.bitcast %bitcast3A_252 : vector<16xi32> to vector<16xf32>
      %add3A_259 = arith.addf %add3A_257, %bitcast3A_258 : vector<16xf32>
      %eq3A_260 = arith.constant 2 : i32
      %eq3A_261 = vector.broadcast %eq3A_260 : i32 to vector<16xi32>
      %eq3A_262 = arith.cmpi eq, %iota3A, %eq3A_261 : vector<16xi32>
      %reduce_sum3A_263 = arith.constant true
      %reduce_sum3A_264 = vector.broadcast %reduce_sum3A_263 : i1 to vector<16xi1>
      %reduce_sum3A_265 = tpu.scan <sum>, %add3A_259 masked %reduce_sum3A_264 : vector<16xf32>, vector<16xi1> -> vector<16xf32>
      %reduce_sum3A_266 = vector.extract %reduce_sum3A_265[15] : f32 from vector<16xf32>
      %broadcast_in_dim3A_267 = vector.broadcast %reduce_sum3A_266 : f32 to vector<16xf32>
      %select_n3A_268 = arith.select %eq3A_262, %broadcast_in_dim3A_267, %select_n3A_193 : vector<16xi1>, vector<16xf32>
      %mul3A_269 = arith.constant 16 : i32
      %mul3A_270 = arith.muli %scan3A_48, %mul3A_269 : i32
      %add3A_271 = arith.constant 3 : i32
      %add3A_272 = arith.addi %mul3A_270, %add3A_271 : i32
      %broadcast_in_dim3A_273 = arith.constant 0.000000e+00 : f32
      %broadcast_in_dim3A_274 = vector.broadcast %broadcast_in_dim3A_273 : f32 to vector<16xf32>
      %get3A_275 = arith.index_cast %add3A_272 : i32 to index
      %get3A_276 = arith.constant 0 : index
      %get3A_277 = tpu.vector_load %arg9[%get3A_275, %get3A_276] {strides = array<i32>} : memref<80x128xbf16, #tpu.memory_space<vmem>>, vector<32xbf16>,
      %get3A_278 = arith.index_cast %add3A_272 : i32 to index
      %get3A_279 = arith.constant 0 : index
      %get3A_280 = tpu.vector_load %arg11[%get3A_278, %get3A_279] {strides = array<i32>} : memref<80x128xbf16, #tpu.memory_space<vmem>>, vector<32xbf16>,
      %mul3A_281 = arith.mulf %get3A_277, %get3A_280 : vector<32xbf16>
      %bitcast3A_282 = vector.bitcast %mul3A_281 : vector<32xbf16> to vector<16xi32>
      %shift_left3A_283 = arith.constant 16 : i32
      %shift_left3A_284 = vector.broadcast %shift_left3A_283 : i32 to vector<16xi32>
      %shift_left3A_285 = arith.shli %bitcast3A_282, %shift_left3A_284 : vector<16xi32>
      %bitcast3A_286 = vector.bitcast %shift_left3A_285 : vector<16xi32> to vector<16xf32>
      %add3A_287 = arith.addf %broadcast_in_dim3A_274, %bitcast3A_286 : vector<16xf32>
      %bitcast3A_288 = vector.bitcast %bitcast3A_282 : vector<16xi32> to vector<16xf32>
      %add3A_289 = arith.addf %add3A_287, %bitcast3A_288 : vector<16xf32>
      %get3A_290 = arith.index_cast %add3A_272 : i32 to index
      %get3A_291 = arith.constant 32 : index
      %get3A_292 = tpu.vector_load %arg9[%get3A_290, %get3A_291] {strides = array<i32>} : memref<80x128xbf16, #tpu.memory_space<vmem>>, vector<32xbf16>,
      %get3A_293 = arith.index_cast %add3A_272 : i32 to index
      %get3A_294 = arith.constant 32 : index
      %get3A_295 = tpu.vector_load %arg11[%get3A_293, %get3A_294] {strides = array<i32>} : memref<80x128xbf16, #tpu.memory_space<vmem>>, vector<32xbf16>,
      %mul3A_296 = arith.mulf %get3A_292, %get3A_295 : vector<32xbf16>
      %bitcast3A_297 = vector.bitcast %mul3A_296 : vector<32xbf16> to vector<16xi32>
      %shift_left3A_298 = arith.constant 16 : i32
      %shift_left3A_299 = vector.broadcast %shift_left3A_298 : i32 to vector<16xi32>
      %shift_left3A_300 = arith.shli %bitcast3A_297, %shift_left3A_299 : vector<16xi32>
      %bitcast3A_301 = vector.bitcast %shift_left3A_300 : vector<16xi32> to vector<16xf32>
      %add3A_302 = arith.addf %add3A_289, %bitcast3A_301 : vector<16xf32>
      %bitcast3A_303 = vector.bitcast %bitcast3A_297 : vector<16xi32> to vector<16xf32>
      %add3A_304 = arith.addf %add3A_302, %bitcast3A_303 : vector<16xf32>
      %get3A_305 = arith.index_cast %add3A_272 : i32 to index
      %get3A_306 = arith.constant 64 : index
      %get3A_307 = tpu.vector_load %arg9[%get3A_305, %get3A_306] {strides = array<i32>} : memref<80x128xbf16, #tpu.memory_space<vmem>>, vector<32xbf16>,
      %get3A_308 = arith.index_cast %add3A_272 : i32 to index
      %get3A_309 = arith.constant 64 : index
      %get3A_310 = tpu.vector_load %arg11[%get3A_308, %get3A_309] {strides = array<i32>} : memref<80x128xbf16, #tpu.memory_space<vmem>>, vector<32xbf16>,
      %mul3A_311 = arith.mulf %get3A_307, %get3A_310 : vector<32xbf16>
      %bitcast3A_312 = vector.bitcast %mul3A_311 : vector<32xbf16> to vector<16xi32>
      %shift_left3A_313 = arith.constant 16 : i32
      %shift_left3A_314 = vector.broadcast %shift_left3A_313 : i32 to vector<16xi32>
      %shift_left3A_315 = arith.shli %bitcast3A_312, %shift_left3A_314 : vector<16xi32>
      %bitcast3A_316 = vector.bitcast %shift_left3A_315 : vector<16xi32> to vector<16xf32>
      %add3A_317 = arith.addf %add3A_304, %bitcast3A_316 : vector<16xf32>
      %bitcast3A_318 = vector.bitcast %bitcast3A_312 : vector<16xi32> to vector<16xf32>
      %add3A_319 = arith.addf %add3A_317, %bitcast3A_318 : vector<16xf32>
      %get3A_320 = arith.index_cast %add3A_272 : i32 to index
      %get3A_321 = arith.constant 96 : index
      %get3A_322 = tpu.vector_load %arg9[%get3A_320, %get3A_321] {strides = array<i32>} : memref<80x128xbf16, #tpu.memory_space<vmem>>, vector<32xbf16>,
      %get3A_323 = arith.index_cast %add3A_272 : i32 to index
      %get3A_324 = arith.constant 96 : index
      %get3A_325 = tpu.vector_load %arg11[%get3A_323, %get3A_324] {strides = array<i32>} : memref<80x128xbf16, #tpu.memory_space<vmem>>, vector<32xbf16>,
      %mul3A_326 = arith.mulf %get3A_322, %get3A_325 : vector<32xbf16>
      %bitcast3A_327 = vector.bitcast %mul3A_326 : vector<32xbf16> to vector<16xi32>
      %shift_left3A_328 = arith.constant 16 : i32
      %shift_left3A_329 = vector.broadcast %shift_left3A_328 : i32 to vector<16xi32>
      %shift_left3A_330 = arith.shli %bitcast3A_327, %shift_left3A_329 : vector<16xi32>
      %bitcast3A_331 = vector.bitcast %shift_left3A_330 : vector<16xi32> to vector<16xf32>
      %add3A_332 = arith.addf %add3A_319, %bitcast3A_331 : vector<16xf32>
      %bitcast3A_333 = vector.bitcast %bitcast3A_327 : vector<16xi32> to vector<16xf32>
      %add3A_334 = arith.addf %add3A_332, %bitcast3A_333 : vector<16xf32>
      %eq3A_335 = arith.constant 3 : i32
      %eq3A_336 = vector.broadcast %eq3A_335 : i32 to vector<16xi32>
      %eq3A_337 = arith.cmpi eq, %iota3A, %eq3A_336 : vector<16xi32>
      %reduce_sum3A_338 = arith.constant true
      %reduce_sum3A_339 = vector.broadcast %reduce_sum3A_338 : i1 to vector<16xi1>
      %reduce_sum3A_340 = tpu.scan <sum>, %add3A_334 masked %reduce_sum3A_339 : vector<16xf32>, vector<16xi1> -> vector<16xf32>
      %reduce_sum3A_341 = vector.extract %reduce_sum3A_340[15] : f32 from vector<16xf32>
      %broadcast_in_dim3A_342 = vector.broadcast %reduce_sum3A_341 : f32 to vector<16xf32>
      %select_n3A_343 = arith.select %eq3A_337, %broadcast_in_dim3A_342, %select_n3A_268 : vector<16xi1>, vector<16xf32>
      %mul3A_344 = arith.constant 16 : i32
      %mul3A_345 = arith.muli %scan3A_48, %mul3A_344 : i32
      %add3A_346 = arith.constant 4 : i32
      %add3A_347 = arith.addi %mul3A_345, %add3A_346 : i32
      %broadcast_in_dim3A_348 = arith.constant 0.000000e+00 : f32
      %broadcast_in_dim3A_349 = vector.broadcast %broadcast_in_dim3A_348 : f32 to vector<16xf32>
      %get3A_350 = arith.index_cast %add3A_347 : i32 to index
      %get3A_351 = arith.constant 0 : index
      %get3A_352 = tpu.vector_load %arg9[%get3A_350, %get3A_351] {strides = array<i32>} : memref<80x128xbf16, #tpu.memory_space<vmem>>, vector<32xbf16>,
      %get3A_353 = arith.index_cast %add3A_347 : i32 to index
      %get3A_354 = arith.constant 0 : index
      %get3A_355 = tpu.vector_load %arg11[%get3A_353, %get3A_354] {strides = array<i32>} : memref<80x128xbf16, #tpu.memory_space<vmem>>, vector<32xbf16>,
      %mul3A_356 = arith.mulf %get3A_352, %get3A_355 : vector<32xbf16>
      %bitcast3A_357 = vector.bitcast %mul3A_356 : vector<32xbf16> to vector<16xi32>
      %shift_left3A_358 = arith.constant 16 : i32
      %shift_left3A_359 = vector.broadcast %shift_left3A_358 : i32 to vector<16xi32>
      %shift_left3A_360 = arith.shli %bitcast3A_357, %shift_left3A_359 : vector<16xi32>
      %bitcast3A_361 = vector.bitcast %shift_left3A_360 : vector<16xi32> to vector<16xf32>
      %add3A_362 = arith.addf %broadcast_in_dim3A_349, %bitcast3A_361 : vector<16xf32>
      %bitcast3A_363 = vector.bitcast %bitcast3A_357 : vector<16xi32> to vector<16xf32>
      %add3A_364 = arith.addf %add3A_362, %bitcast3A_363 : vector<16xf32>
      %get3A_365 = arith.index_cast %add3A_347 : i32 to index
      %get3A_366 = arith.constant 32 : index
      %get3A_367 = tpu.vector_load %arg9[%get3A_365, %get3A_366] {strides = array<i32>} : memref<80x128xbf16, #tpu.memory_space<vmem>>, vector<32xbf16>,
      %get3A_368 = arith.index_cast %add3A_347 : i32 to index
      %get3A_369 = arith.constant 32 : index
      %get3A_370 = tpu.vector_load %arg11[%get3A_368, %get3A_369] {strides = array<i32>} : memref<80x128xbf16, #tpu.memory_space<vmem>>, vector<32xbf16>,
      %mul3A_371 = arith.mulf %get3A_367, %get3A_370 : vector<32xbf16>
      %bitcast3A_372 = vector.bitcast %mul3A_371 : vector<32xbf16> to vector<16xi32>
      %shift_left3A_373 = arith.constant 16 : i32
      %shift_left3A_374 = vector.broadcast %shift_left3A_373 : i32 to vector<16xi32>
      %shift_left3A_375 = arith.shli %bitcast3A_372, %shift_left3A_374 : vector<16xi32>
      %bitcast3A_376 = vector.bitcast %shift_left3A_375 : vector<16xi32> to vector<16xf32>
      %add3A_377 = arith.addf %add3A_364, %bitcast3A_376 : vector<16xf32>
      %bitcast3A_378 = vector.bitcast %bitcast3A_372 : vector<16xi32> to vector<16xf32>
      %add3A_379 = arith.addf %add3A_377, %bitcast3A_378 : vector<16xf32>
      %get3A_380 = arith.index_cast %add3A_347 : i32 to index
      %get3A_381 = arith.constant 64 : index
      %get3A_382 = tpu.vector_load %arg9[%get3A_380, %get3A_381] {strides = array<i32>} : memref<80x128xbf16, #tpu.memory_space<vmem>>, vector<32xbf16>,
      %get3A_383 = arith.index_cast %add3A_347 : i32 to index
      %get3A_384 = arith.constant 64 : index
      %get3A_385 = tpu.vector_load %arg11[%get3A_383, %get3A_384] {strides = array<i32>} : memref<80x128xbf16, #tpu.memory_space<vmem>>, vector<32xbf16>,
      %mul3A_386 = arith.mulf %get3A_382, %get3A_385 : vector<32xbf16>
      %bitcast3A_387 = vector.bitcast %mul3A_386 : vector<32xbf16> to vector<16xi32>
      %shift_left3A_388 = arith.constant 16 : i32
      %shift_left3A_389 = vector.broadcast %shift_left3A_388 : i32 to vector<16xi32>
      %shift_left3A_390 = arith.shli %bitcast3A_387, %shift_left3A_389 : vector<16xi32>
      %bitcast3A_391 = vector.bitcast %shift_left3A_390 : vector<16xi32> to vector<16xf32>
      %add3A_392 = arith.addf %add3A_379, %bitcast3A_391 : vector<16xf32>
      %bitcast3A_393 = vector.bitcast %bitcast3A_387 : vector<16xi32> to vector<16xf32>
      %add3A_394 = arith.addf %add3A_392, %bitcast3A_393 : vector<16xf32>
      %get3A_395 = arith.index_cast %add3A_347 : i32 to index
      %get3A_396 = arith.constant 96 : index
      %get3A_397 = tpu.vector_load %arg9[%get3A_395, %get3A_396] {strides = array<i32>} : memref<80x128xbf16, #tpu.memory_space<vmem>>, vector<32xbf16>,
      %get3A_398 = arith.index_cast %add3A_347 : i32 to index
      %get3A_399 = arith.constant 96 : index
      %get3A_400 = tpu.vector_load %arg11[%get3A_398, %get3A_399] {strides = array<i32>} : memref<80x128xbf16, #tpu.memory_space<vmem>>, vector<32xbf16>,
      %mul3A_401 = arith.mulf %get3A_397, %get3A_400 : vector<32xbf16>
      %bitcast3A_402 = vector.bitcast %mul3A_401 : vector<32xbf16> to vector<16xi32>
      %shift_left3A_403 = arith.constant 16 : i32
      %shift_left3A_404 = vector.broadcast %shift_left3A_403 : i32 to vector<16xi32>
      %shift_left3A_405 = arith.shli %bitcast3A_402, %shift_left3A_404 : vector<16xi32>
      %bitcast3A_406 = vector.bitcast %shift_left3A_405 : vector<16xi32> to vector<16xf32>
      %add3A_407 = arith.addf %add3A_394, %bitcast3A_406 : vector<16xf32>
      %bitcast3A_408 = vector.bitcast %bitcast3A_402 : vector<16xi32> to vector<16xf32>
      %add3A_409 = arith.addf %add3A_407, %bitcast3A_408 : vector<16xf32>
      %eq3A_410 = arith.constant 4 : i32
      %eq3A_411 = vector.broadcast %eq3A_410 : i32 to vector<16xi32>
      %eq3A_412 = arith.cmpi eq, %iota3A, %eq3A_411 : vector<16xi32>
      %reduce_sum3A_413 = arith.constant true
      %reduce_sum3A_414 = vector.broadcast %reduce_sum3A_413 : i1 to vector<16xi1>
      %reduce_sum3A_415 = tpu.scan <sum>, %add3A_409 masked %reduce_sum3A_414 : vector<16xf32>, vector<16xi1> -> vector<16xf32>
      %reduce_sum3A_416 = vector.extract %reduce_sum3A_415[15] : f32 from vector<16xf32>
      %broadcast_in_dim3A_417 = vector.broadcast %reduce_sum3A_416 : f32 to vector<16xf32>
      %select_n3A_418 = arith.select %eq3A_412, %broadcast_in_dim3A_417, %select_n3A_343 : vector<16xi1>, vector<16xf32>
      %mul3A_419 = arith.constant 16 : i32
      %mul3A_420 = arith.muli %scan3A_48, %mul3A_419 : i32
      %add3A_421 = arith.constant 5 : i32
      %add3A_422 = arith.addi %mul3A_420, %add3A_421 : i32
      %broadcast_in_dim3A_423 = arith.constant 0.000000e+00 : f32
      %broadcast_in_dim3A_424 = vector.broadcast %broadcast_in_dim3A_423 : f32 to vector<16xf32>
      %get3A_425 = arith.index_cast %add3A_422 : i32 to index
      %get3A_426 = arith.constant 0 : index
      %get3A_427 = tpu.vector_load %arg9[%get3A_425, %get3A_426] {strides = array<i32>} : memref<80x128xbf16, #tpu.memory_space<vmem>>, vector<32xbf16>,
      %get3A_428 = arith.index_cast %add3A_422 : i32 to index
      %get3A_429 = arith.constant 0 : index
      %get3A_430 = tpu.vector_load %arg11[%get3A_428, %get3A_429] {strides = array<i32>} : memref<80x128xbf16, #tpu.memory_space<vmem>>, vector<32xbf16>,
      %mul3A_431 = arith.mulf %get3A_427, %get3A_430 : vector<32xbf16>
      %bitcast3A_432 = vector.bitcast %mul3A_431 : vector<32xbf16> to vector<16xi32>
      %shift_left3A_433 = arith.constant 16 : i32
      %shift_left3A_434 = vector.broadcast %shift_left3A_433 : i32 to vector<16xi32>
      %shift_left3A_435 = arith.shli %bitcast3A_432, %shift_left3A_434 : vector<16xi32>
      %bitcast3A_436 = vector.bitcast %shift_left3A_435 : vector<16xi32> to vector<16xf32>
      %add3A_437 = arith.addf %broadcast_in_dim3A_424, %bitcast3A_436 : vector<16xf32>
      %bitcast3A_438 = vector.bitcast %bitcast3A_432 : vector<16xi32> to vector<16xf32>
      %add3A_439 = arith.addf %add3A_437, %bitcast3A_438 : vector<16xf32>
      %get3A_440 = arith.index_cast %add3A_422 : i32 to index
      %get3A_441 = arith.constant 32 : index
      %get3A_442 = tpu.vector_load %arg9[%get3A_440, %get3A_441] {strides = array<i32>} : memref<80x128xbf16, #tpu.memory_space<vmem>>, vector<32xbf16>,
      %get3A_443 = arith.index_cast %add3A_422 : i32 to index
      %get3A_444 = arith.constant 32 : index
      %get3A_445 = tpu.vector_load %arg11[%get3A_443, %get3A_444] {strides = array<i32>} : memref<80x128xbf16, #tpu.memory_space<vmem>>, vector<32xbf16>,
      %mul3A_446 = arith.mulf %get3A_442, %get3A_445 : vector<32xbf16>
      %bitcast3A_447 = vector.bitcast %mul3A_446 : vector<32xbf16> to vector<16xi32>
      %shift_left3A_448 = arith.constant 16 : i32
      %shift_left3A_449 = vector.broadcast %shift_left3A_448 : i32 to vector<16xi32>
      %shift_left3A_450 = arith.shli %bitcast3A_447, %shift_left3A_449 : vector<16xi32>
      %bitcast3A_451 = vector.bitcast %shift_left3A_450 : vector<16xi32> to vector<16xf32>
      %add3A_452 = arith.addf %add3A_439, %bitcast3A_451 : vector<16xf32>
      %bitcast3A_453 = vector.bitcast %bitcast3A_447 : vector<16xi32> to vector<16xf32>
      %add3A_454 = arith.addf %add3A_452, %bitcast3A_453 : vector<16xf32>
      %get3A_455 = arith.index_cast %add3A_422 : i32 to index
      %get3A_456 = arith.constant 64 : index
      %get3A_457 = tpu.vector_load %arg9[%get3A_455, %get3A_456] {strides = array<i32>} : memref<80x128xbf16, #tpu.memory_space<vmem>>, vector<32xbf16>,
      %get3A_458 = arith.index_cast %add3A_422 : i32 to index
      %get3A_459 = arith.constant 64 : index
      %get3A_460 = tpu.vector_load %arg11[%get3A_458, %get3A_459] {strides = array<i32>} : memref<80x128xbf16, #tpu.memory_space<vmem>>, vector<32xbf16>,
      %mul3A_461 = arith.mulf %get3A_457, %get3A_460 : vector<32xbf16>
      %bitcast3A_462 = vector.bitcast %mul3A_461 : vector<32xbf16> to vector<16xi32>
      %shift_left3A_463 = arith.constant 16 : i32
      %shift_left3A_464 = vector.broadcast %shift_left3A_463 : i32 to vector<16xi32>
      %shift_left3A_465 = arith.shli %bitcast3A_462, %shift_left3A_464 : vector<16xi32>
      %bitcast3A_466 = vector.bitcast %shift_left3A_465 : vector<16xi32> to vector<16xf32>
      %add3A_467 = arith.addf %add3A_454, %bitcast3A_466 : vector<16xf32>
      %bitcast3A_468 = vector.bitcast %bitcast3A_462 : vector<16xi32> to vector<16xf32>
      %add3A_469 = arith.addf %add3A_467, %bitcast3A_468 : vector<16xf32>
      %get3A_470 = arith.index_cast %add3A_422 : i32 to index
      %get3A_471 = arith.constant 96 : index
      %get3A_472 = tpu.vector_load %arg9[%get3A_470, %get3A_471] {strides = array<i32>} : memref<80x128xbf16, #tpu.memory_space<vmem>>, vector<32xbf16>,
      %get3A_473 = arith.index_cast %add3A_422 : i32 to index
      %get3A_474 = arith.constant 96 : index
      %get3A_475 = tpu.vector_load %arg11[%get3A_473, %get3A_474] {strides = array<i32>} : memref<80x128xbf16, #tpu.memory_space<vmem>>, vector<32xbf16>,
      %mul3A_476 = arith.mulf %get3A_472, %get3A_475 : vector<32xbf16>
      %bitcast3A_477 = vector.bitcast %mul3A_476 : vector<32xbf16> to vector<16xi32>
      %shift_left3A_478 = arith.constant 16 : i32
      %shift_left3A_479 = vector.broadcast %shift_left3A_478 : i32 to vector<16xi32>
      %shift_left3A_480 = arith.shli %bitcast3A_477, %shift_left3A_479 : vector<16xi32>
      %bitcast3A_481 = vector.bitcast %shift_left3A_480 : vector<16xi32> to vector<16xf32>
      %add3A_482 = arith.addf %add3A_469, %bitcast3A_481 : vector<16xf32>
      %bitcast3A_483 = vector.bitcast %bitcast3A_477 : vector<16xi32> to vector<16xf32>
      %add3A_484 = arith.addf %add3A_482, %bitcast3A_483 : vector<16xf32>
      %eq3A_485 = arith.constant 5 : i32
      %eq3A_486 = vector.broadcast %eq3A_485 : i32 to vector<16xi32>
      %eq3A_487 = arith.cmpi eq, %iota3A, %eq3A_486 : vector<16xi32>
      %reduce_sum3A_488 = arith.constant true
      %reduce_sum3A_489 = vector.broadcast %reduce_sum3A_488 : i1 to vector<16xi1>
      %reduce_sum3A_490 = tpu.scan <sum>, %add3A_484 masked %reduce_sum3A_489 : vector<16xf32>, vector<16xi1> -> vector<16xf32>
      %reduce_sum3A_491 = vector.extract %reduce_sum3A_490[15] : f32 from vector<16xf32>
      %broadcast_in_dim3A_492 = vector.broadcast %reduce_sum3A_491 : f32 to vector<16xf32>
      %select_n3A_493 = arith.select %eq3A_487, %broadcast_in_dim3A_492, %select_n3A_418 : vector<16xi1>, vector<16xf32>
      %mul3A_494 = arith.constant 16 : i32
      %mul3A_495 = arith.muli %scan3A_48, %mul3A_494 : i32
      %add3A_496 = arith.constant 6 : i32
      %add3A_497 = arith.addi %mul3A_495, %add3A_496 : i32
      %broadcast_in_dim3A_498 = arith.constant 0.000000e+00 : f32
      %broadcast_in_dim3A_499 = vector.broadcast %broadcast_in_dim3A_498 : f32 to vector<16xf32>
      %get3A_500 = arith.index_cast %add3A_497 : i32 to index
      %get3A_501 = arith.constant 0 : index
      %get3A_502 = tpu.vector_load %arg9[%get3A_500, %get3A_501] {strides = array<i32>} : memref<80x128xbf16, #tpu.memory_space<vmem>>, vector<32xbf16>,
      %get3A_503 = arith.index_cast %add3A_497 : i32 to index
      %get3A_504 = arith.constant 0 : index
      %get3A_505 = tpu.vector_load %arg11[%get3A_503, %get3A_504] {strides = array<i32>} : memref<80x128xbf16, #tpu.memory_space<vmem>>, vector<32xbf16>,
      %mul3A_506 = arith.mulf %get3A_502, %get3A_505 : vector<32xbf16>
      %bitcast3A_507 = vector.bitcast %mul3A_506 : vector<32xbf16> to vector<16xi32>
      %shift_left3A_508 = arith.constant 16 : i32
      %shift_left3A_509 = vector.broadcast %shift_left3A_508 : i32 to vector<16xi32>
      %shift_left3A_510 = arith.shli %bitcast3A_507, %shift_left3A_509 : vector<16xi32>
      %bitcast3A_511 = vector.bitcast %shift_left3A_510 : vector<16xi32> to vector<16xf32>
      %add3A_512 = arith.addf %broadcast_in_dim3A_499, %bitcast3A_511 : vector<16xf32>
      %bitcast3A_513 = vector.bitcast %bitcast3A_507 : vector<16xi32> to vector<16xf32>
      %add3A_514 = arith.addf %add3A_512, %bitcast3A_513 : vector<16xf32>
      %get3A_515 = arith.index_cast %add3A_497 : i32 to index
      %get3A_516 = arith.constant 32 : index
      %get3A_517 = tpu.vector_load %arg9[%get3A_515, %get3A_516] {strides = array<i32>} : memref<80x128xbf16, #tpu.memory_space<vmem>>, vector<32xbf16>,
      %get3A_518 = arith.index_cast %add3A_497 : i32 to index
      %get3A_519 = arith.constant 32 : index
      %get3A_520 = tpu.vector_load %arg11[%get3A_518, %get3A_519] {strides = array<i32>} : memref<80x128xbf16, #tpu.memory_space<vmem>>, vector<32xbf16>,
      %mul3A_521 = arith.mulf %get3A_517, %get3A_520 : vector<32xbf16>
      %bitcast3A_522 = vector.bitcast %mul3A_521 : vector<32xbf16> to vector<16xi32>
      %shift_left3A_523 = arith.constant 16 : i32
      %shift_left3A_524 = vector.broadcast %shift_left3A_523 : i32 to vector<16xi32>
      %shift_left3A_525 = arith.shli %bitcast3A_522, %shift_left3A_524 : vector<16xi32>
      %bitcast3A_526 = vector.bitcast %shift_left3A_525 : vector<16xi32> to vector<16xf32>
      %add3A_527 = arith.addf %add3A_514, %bitcast3A_526 : vector<16xf32>
      %bitcast3A_528 = vector.bitcast %bitcast3A_522 : vector<16xi32> to vector<16xf32>
      %add3A_529 = arith.addf %add3A_527, %bitcast3A_528 : vector<16xf32>
      %get3A_530 = arith.index_cast %add3A_497 : i32 to index
      %get3A_531 = arith.constant 64 : index
      %get3A_532 = tpu.vector_load %arg9[%get3A_530, %get3A_531] {strides = array<i32>} : memref<80x128xbf16, #tpu.memory_space<vmem>>, vector<32xbf16>,
      %get3A_533 = arith.index_cast %add3A_497 : i32 to index
      %get3A_534 = arith.constant 64 : index
      %get3A_535 = tpu.vector_load %arg11[%get3A_533, %get3A_534] {strides = array<i32>} : memref<80x128xbf16, #tpu.memory_space<vmem>>, vector<32xbf16>,
      %mul3A_536 = arith.mulf %get3A_532, %get3A_535 : vector<32xbf16>
      %bitcast3A_537 = vector.bitcast %mul3A_536 : vector<32xbf16> to vector<16xi32>
      %shift_left3A_538 = arith.constant 16 : i32
      %shift_left3A_539 = vector.broadcast %shift_left3A_538 : i32 to vector<16xi32>
      %shift_left3A_540 = arith.shli %bitcast3A_537, %shift_left3A_539 : vector<16xi32>
      %bitcast3A_541 = vector.bitcast %shift_left3A_540 : vector<16xi32> to vector<16xf32>
      %add3A_542 = arith.addf %add3A_529, %bitcast3A_541 : vector<16xf32>
      %bitcast3A_543 = vector.bitcast %bitcast3A_537 : vector<16xi32> to vector<16xf32>
      %add3A_544 = arith.addf %add3A_542, %bitcast3A_543 : vector<16xf32>
      %get3A_545 = arith.index_cast %add3A_497 : i32 to index
      %get3A_546 = arith.constant 96 : index
      %get3A_547 = tpu.vector_load %arg9[%get3A_545, %get3A_546] {strides = array<i32>} : memref<80x128xbf16, #tpu.memory_space<vmem>>, vector<32xbf16>,
      %get3A_548 = arith.index_cast %add3A_497 : i32 to index
      %get3A_549 = arith.constant 96 : index
      %get3A_550 = tpu.vector_load %arg11[%get3A_548, %get3A_549] {strides = array<i32>} : memref<80x128xbf16, #tpu.memory_space<vmem>>, vector<32xbf16>,
      %mul3A_551 = arith.mulf %get3A_547, %get3A_550 : vector<32xbf16>
      %bitcast3A_552 = vector.bitcast %mul3A_551 : vector<32xbf16> to vector<16xi32>
      %shift_left3A_553 = arith.constant 16 : i32
      %shift_left3A_554 = vector.broadcast %shift_left3A_553 : i32 to vector<16xi32>
      %shift_left3A_555 = arith.shli %bitcast3A_552, %shift_left3A_554 : vector<16xi32>
      %bitcast3A_556 = vector.bitcast %shift_left3A_555 : vector<16xi32> to vector<16xf32>
      %add3A_557 = arith.addf %add3A_544, %bitcast3A_556 : vector<16xf32>
      %bitcast3A_558 = vector.bitcast %bitcast3A_552 : vector<16xi32> to vector<16xf32>
      %add3A_559 = arith.addf %add3A_557, %bitcast3A_558 : vector<16xf32>
      %eq3A_560 = arith.constant 6 : i32
      %eq3A_561 = vector.broadcast %eq3A_560 : i32 to vector<16xi32>
      %eq3A_562 = arith.cmpi eq, %iota3A, %eq3A_561 : vector<16xi32>
      %reduce_sum3A_563 = arith.constant true
      %reduce_sum3A_564 = vector.broadcast %reduce_sum3A_563 : i1 to vector<16xi1>
      %reduce_sum3A_565 = tpu.scan <sum>, %add3A_559 masked %reduce_sum3A_564 : vector<16xf32>, vector<16xi1> -> vector<16xf32>
      %reduce_sum3A_566 = vector.extract %reduce_sum3A_565[15] : f32 from vector<16xf32>
      %broadcast_in_dim3A_567 = vector.broadcast %reduce_sum3A_566 : f32 to vector<16xf32>
      %select_n3A_568 = arith.select %eq3A_562, %broadcast_in_dim3A_567, %select_n3A_493 : vector<16xi1>, vector<16xf32>
      %mul3A_569 = arith.constant 16 : i32
      %mul3A_570 = arith.muli %scan3A_48, %mul3A_569 : i32
      %add3A_571 = arith.constant 7 : i32
      %add3A_572 = arith.addi %mul3A_570, %add3A_571 : i32
      %broadcast_in_dim3A_573 = arith.constant 0.000000e+00 : f32
      %broadcast_in_dim3A_574 = vector.broadcast %broadcast_in_dim3A_573 : f32 to vector<16xf32>
      %get3A_575 = arith.index_cast %add3A_572 : i32 to index
      %get3A_576 = arith.constant 0 : index
      %get3A_577 = tpu.vector_load %arg9[%get3A_575, %get3A_576] {strides = array<i32>} : memref<80x128xbf16, #tpu.memory_space<vmem>>, vector<32xbf16>,
      %get3A_578 = arith.index_cast %add3A_572 : i32 to index
      %get3A_579 = arith.constant 0 : index
      %get3A_580 = tpu.vector_load %arg11[%get3A_578, %get3A_579] {strides = array<i32>} : memref<80x128xbf16, #tpu.memory_space<vmem>>, vector<32xbf16>,
      %mul3A_581 = arith.mulf %get3A_577, %get3A_580 : vector<32xbf16>
      %bitcast3A_582 = vector.bitcast %mul3A_581 : vector<32xbf16> to vector<16xi32>
      %shift_left3A_583 = arith.constant 16 : i32
      %shift_left3A_584 = vector.broadcast %shift_left3A_583 : i32 to vector<16xi32>
      %shift_left3A_585 = arith.shli %bitcast3A_582, %shift_left3A_584 : vector<16xi32>
      %bitcast3A_586 = vector.bitcast %shift_left3A_585 : vector<16xi32> to vector<16xf32>
      %add3A_587 = arith.addf %broadcast_in_dim3A_574, %bitcast3A_586 : vector<16xf32>
      %bitcast3A_588 = vector.bitcast %bitcast3A_582 : vector<16xi32> to vector<16xf32>
      %add3A_589 = arith.addf %add3A_587, %bitcast3A_588 : vector<16xf32>
      %get3A_590 = arith.index_cast %add3A_572 : i32 to index
      %get3A_591 = arith.constant 32 : index
      %get3A_592 = tpu.vector_load %arg9[%get3A_590, %get3A_591] {strides = array<i32>} : memref<80x128xbf16, #tpu.memory_space<vmem>>, vector<32xbf16>,
      %get3A_593 = arith.index_cast %add3A_572 : i32 to index
      %get3A_594 = arith.constant 32 : index
      %get3A_595 = tpu.vector_load %arg11[%get3A_593, %get3A_594] {strides = array<i32>} : memref<80x128xbf16, #tpu.memory_space<vmem>>, vector<32xbf16>,
      %mul3A_596 = arith.mulf %get3A_592, %get3A_595 : vector<32xbf16>
      %bitcast3A_597 = vector.bitcast %mul3A_596 : vector<32xbf16> to vector<16xi32>
      %shift_left3A_598 = arith.constant 16 : i32
      %shift_left3A_599 = vector.broadcast %shift_left3A_598 : i32 to vector<16xi32>
      %shift_left3A_600 = arith.shli %bitcast3A_597, %shift_left3A_599 : vector<16xi32>
      %bitcast3A_601 = vector.bitcast %shift_left3A_600 : vector<16xi32> to vector<16xf32>
      %add3A_602 = arith.addf %add3A_589, %bitcast3A_601 : vector<16xf32>
      %bitcast3A_603 = vector.bitcast %bitcast3A_597 : vector<16xi32> to vector<16xf32>
      %add3A_604 = arith.addf %add3A_602, %bitcast3A_603 : vector<16xf32>
      %get3A_605 = arith.index_cast %add3A_572 : i32 to index
      %get3A_606 = arith.constant 64 : index
      %get3A_607 = tpu.vector_load %arg9[%get3A_605, %get3A_606] {strides = array<i32>} : memref<80x128xbf16, #tpu.memory_space<vmem>>, vector<32xbf16>,
      %get3A_608 = arith.index_cast %add3A_572 : i32 to index
      %get3A_609 = arith.constant 64 : index
      %get3A_610 = tpu.vector_load %arg11[%get3A_608, %get3A_609] {strides = array<i32>} : memref<80x128xbf16, #tpu.memory_space<vmem>>, vector<32xbf16>,
      %mul3A_611 = arith.mulf %get3A_607, %get3A_610 : vector<32xbf16>
      %bitcast3A_612 = vector.bitcast %mul3A_611 : vector<32xbf16> to vector<16xi32>
      %shift_left3A_613 = arith.constant 16 : i32
      %shift_left3A_614 = vector.broadcast %shift_left3A_613 : i32 to vector<16xi32>
      %shift_left3A_615 = arith.shli %bitcast3A_612, %shift_left3A_614 : vector<16xi32>
      %bitcast3A_616 = vector.bitcast %shift_left3A_615 : vector<16xi32> to vector<16xf32>
      %add3A_617 = arith.addf %add3A_604, %bitcast3A_616 : vector<16xf32>
      %bitcast3A_618 = vector.bitcast %bitcast3A_612 : vector<16xi32> to vector<16xf32>
      %add3A_619 = arith.addf %add3A_617, %bitcast3A_618 : vector<16xf32>
      %get3A_620 = arith.index_cast %add3A_572 : i32 to index
      %get3A_621 = arith.constant 96 : index
      %get3A_622 = tpu.vector_load %arg9[%get3A_620, %get3A_621] {strides = array<i32>} : memref<80x128xbf16, #tpu.memory_space<vmem>>, vector<32xbf16>,
      %get3A_623 = arith.index_cast %add3A_572 : i32 to index
      %get3A_624 = arith.constant 96 : index
      %get3A_625 = tpu.vector_load %arg11[%get3A_623, %get3A_624] {strides = array<i32>} : memref<80x128xbf16, #tpu.memory_space<vmem>>, vector<32xbf16>,
      %mul3A_626 = arith.mulf %get3A_622, %get3A_625 : vector<32xbf16>
      %bitcast3A_627 = vector.bitcast %mul3A_626 : vector<32xbf16> to vector<16xi32>
      %shift_left3A_628 = arith.constant 16 : i32
      %shift_left3A_629 = vector.broadcast %shift_left3A_628 : i32 to vector<16xi32>
      %shift_left3A_630 = arith.shli %bitcast3A_627, %shift_left3A_629 : vector<16xi32>
      %bitcast3A_631 = vector.bitcast %shift_left3A_630 : vector<16xi32> to vector<16xf32>
      %add3A_632 = arith.addf %add3A_619, %bitcast3A_631 : vector<16xf32>
      %bitcast3A_633 = vector.bitcast %bitcast3A_627 : vector<16xi32> to vector<16xf32>
      %add3A_634 = arith.addf %add3A_632, %bitcast3A_633 : vector<16xf32>
      %eq3A_635 = arith.constant 7 : i32
      %eq3A_636 = vector.broadcast %eq3A_635 : i32 to vector<16xi32>
      %eq3A_637 = arith.cmpi eq, %iota3A, %eq3A_636 : vector<16xi32>
      %reduce_sum3A_638 = arith.constant true
      %reduce_sum3A_639 = vector.broadcast %reduce_sum3A_638 : i1 to vector<16xi1>
      %reduce_sum3A_640 = tpu.scan <sum>, %add3A_634 masked %reduce_sum3A_639 : vector<16xf32>, vector<16xi1> -> vector<16xf32>
      %reduce_sum3A_641 = vector.extract %reduce_sum3A_640[15] : f32 from vector<16xf32>
      %broadcast_in_dim3A_642 = vector.broadcast %reduce_sum3A_641 : f32 to vector<16xf32>
      %select_n3A_643 = arith.select %eq3A_637, %broadcast_in_dim3A_642, %select_n3A_568 : vector<16xi1>, vector<16xf32>
      %mul3A_644 = arith.constant 16 : i32
      %mul3A_645 = arith.muli %scan3A_48, %mul3A_644 : i32
      %add3A_646 = arith.constant 8 : i32
      %add3A_647 = arith.addi %mul3A_645, %add3A_646 : i32
      %broadcast_in_dim3A_648 = arith.constant 0.000000e+00 : f32
      %broadcast_in_dim3A_649 = vector.broadcast %broadcast_in_dim3A_648 : f32 to vector<16xf32>
      %get3A_650 = arith.index_cast %add3A_647 : i32 to index
      %get3A_651 = arith.constant 0 : index
      %get3A_652 = tpu.vector_load %arg9[%get3A_650, %get3A_651] {strides = array<i32>} : memref<80x128xbf16, #tpu.memory_space<vmem>>, vector<32xbf16>,
      %get3A_653 = arith.index_cast %add3A_647 : i32 to index
      %get3A_654 = arith.constant 0 : index
      %get3A_655 = tpu.vector_load %arg11[%get3A_653, %get3A_654] {strides = array<i32>} : memref<80x128xbf16, #tpu.memory_space<vmem>>, vector<32xbf16>,
      %mul3A_656 = arith.mulf %get3A_652, %get3A_655 : vector<32xbf16>
      %bitcast3A_657 = vector.bitcast %mul3A_656 : vector<32xbf16> to vector<16xi32>
      %shift_left3A_658 = arith.constant 16 : i32
      %shift_left3A_659 = vector.broadcast %shift_left3A_658 : i32 to vector<16xi32>
      %shift_left3A_660 = arith.shli %bitcast3A_657, %shift_left3A_659 : vector<16xi32>
      %bitcast3A_661 = vector.bitcast %shift_left3A_660 : vector<16xi32> to vector<16xf32>
      %add3A_662 = arith.addf %broadcast_in_dim3A_649, %bitcast3A_661 : vector<16xf32>
      %bitcast3A_663 = vector.bitcast %bitcast3A_657 : vector<16xi32> to vector<16xf32>
      %add3A_664 = arith.addf %add3A_662, %bitcast3A_663 : vector<16xf32>
      %get3A_665 = arith.index_cast %add3A_647 : i32 to index
      %get3A_666 = arith.constant 32 : index
      %get3A_667 = tpu.vector_load %arg9[%get3A_665, %get3A_666] {strides = array<i32>} : memref<80x128xbf16, #tpu.memory_space<vmem>>, vector<32xbf16>,
      %get3A_668 = arith.index_cast %add3A_647 : i32 to index
      %get3A_669 = arith.constant 32 : index
      %get3A_670 = tpu.vector_load %arg11[%get3A_668, %get3A_669] {strides = array<i32>} : memref<80x128xbf16, #tpu.memory_space<vmem>>, vector<32xbf16>,
      %mul3A_671 = arith.mulf %get3A_667, %get3A_670 : vector<32xbf16>
      %bitcast3A_672 = vector.bitcast %mul3A_671 : vector<32xbf16> to vector<16xi32>
      %shift_left3A_673 = arith.constant 16 : i32
      %shift_left3A_674 = vector.broadcast %shift_left3A_673 : i32 to vector<16xi32>
      %shift_left3A_675 = arith.shli %bitcast3A_672, %shift_left3A_674 : vector<16xi32>
      %bitcast3A_676 = vector.bitcast %shift_left3A_675 : vector<16xi32> to vector<16xf32>
      %add3A_677 = arith.addf %add3A_664, %bitcast3A_676 : vector<16xf32>
      %bitcast3A_678 = vector.bitcast %bitcast3A_672 : vector<16xi32> to vector<16xf32>
      %add3A_679 = arith.addf %add3A_677, %bitcast3A_678 : vector<16xf32>
      %get3A_680 = arith.index_cast %add3A_647 : i32 to index
      %get3A_681 = arith.constant 64 : index
      %get3A_682 = tpu.vector_load %arg9[%get3A_680, %get3A_681] {strides = array<i32>} : memref<80x128xbf16, #tpu.memory_space<vmem>>, vector<32xbf16>,
      %get3A_683 = arith.index_cast %add3A_647 : i32 to index
      %get3A_684 = arith.constant 64 : index
      %get3A_685 = tpu.vector_load %arg11[%get3A_683, %get3A_684] {strides = array<i32>} : memref<80x128xbf16, #tpu.memory_space<vmem>>, vector<32xbf16>,
      %mul3A_686 = arith.mulf %get3A_682, %get3A_685 : vector<32xbf16>
      %bitcast3A_687 = vector.bitcast %mul3A_686 : vector<32xbf16> to vector<16xi32>
      %shift_left3A_688 = arith.constant 16 : i32
      %shift_left3A_689 = vector.broadcast %shift_left3A_688 : i32 to vector<16xi32>
      %shift_left3A_690 = arith.shli %bitcast3A_687, %shift_left3A_689 : vector<16xi32>
      %bitcast3A_691 = vector.bitcast %shift_left3A_690 : vector<16xi32> to vector<16xf32>
      %add3A_692 = arith.addf %add3A_679, %bitcast3A_691 : vector<16xf32>
      %bitcast3A_693 = vector.bitcast %bitcast3A_687 : vector<16xi32> to vector<16xf32>
      %add3A_694 = arith.addf %add3A_692, %bitcast3A_693 : vector<16xf32>
      %get3A_695 = arith.index_cast %add3A_647 : i32 to index
      %get3A_696 = arith.constant 96 : index
      %get3A_697 = tpu.vector_load %arg9[%get3A_695, %get3A_696] {strides = array<i32>} : memref<80x128xbf16, #tpu.memory_space<vmem>>, vector<32xbf16>,
      %get3A_698 = arith.index_cast %add3A_647 : i32 to index
      %get3A_699 = arith.constant 96 : index
      %get3A_700 = tpu.vector_load %arg11[%get3A_698, %get3A_699] {strides = array<i32>} : memref<80x128xbf16, #tpu.memory_space<vmem>>, vector<32xbf16>,
      %mul3A_701 = arith.mulf %get3A_697, %get3A_700 : vector<32xbf16>
      %bitcast3A_702 = vector.bitcast %mul3A_701 : vector<32xbf16> to vector<16xi32>
      %shift_left3A_703 = arith.constant 16 : i32
      %shift_left3A_704 = vector.broadcast %shift_left3A_703 : i32 to vector<16xi32>
      %shift_left3A_705 = arith.shli %bitcast3A_702, %shift_left3A_704 : vector<16xi32>
      %bitcast3A_706 = vector.bitcast %shift_left3A_705 : vector<16xi32> to vector<16xf32>
      %add3A_707 = arith.addf %add3A_694, %bitcast3A_706 : vector<16xf32>
      %bitcast3A_708 = vector.bitcast %bitcast3A_702 : vector<16xi32> to vector<16xf32>
      %add3A_709 = arith.addf %add3A_707, %bitcast3A_708 : vector<16xf32>
      %eq3A_710 = arith.constant 8 : i32
      %eq3A_711 = vector.broadcast %eq3A_710 : i32 to vector<16xi32>
      %eq3A_712 = arith.cmpi eq, %iota3A, %eq3A_711 : vector<16xi32>
      %reduce_sum3A_713 = arith.constant true
      %reduce_sum3A_714 = vector.broadcast %reduce_sum3A_713 : i1 to vector<16xi1>
      %reduce_sum3A_715 = tpu.scan <sum>, %add3A_709 masked %reduce_sum3A_714 : vector<16xf32>, vector<16xi1> -> vector<16xf32>
      %reduce_sum3A_716 = vector.extract %reduce_sum3A_715[15] : f32 from vector<16xf32>
      %broadcast_in_dim3A_717 = vector.broadcast %reduce_sum3A_716 : f32 to vector<16xf32>
      %select_n3A_718 = arith.select %eq3A_712, %broadcast_in_dim3A_717, %select_n3A_643 : vector<16xi1>, vector<16xf32>
      %mul3A_719 = arith.constant 16 : i32
      %mul3A_720 = arith.muli %scan3A_48, %mul3A_719 : i32
      %add3A_721 = arith.constant 9 : i32
      %add3A_722 = arith.addi %mul3A_720, %add3A_721 : i32
      %broadcast_in_dim3A_723 = arith.constant 0.000000e+00 : f32
      %broadcast_in_dim3A_724 = vector.broadcast %broadcast_in_dim3A_723 : f32 to vector<16xf32>
      %get3A_725 = arith.index_cast %add3A_722 : i32 to index
      %get3A_726 = arith.constant 0 : index
      %get3A_727 = tpu.vector_load %arg9[%get3A_725, %get3A_726] {strides = array<i32>} : memref<80x128xbf16, #tpu.memory_space<vmem>>, vector<32xbf16>,
      %get3A_728 = arith.index_cast %add3A_722 : i32 to index
      %get3A_729 = arith.constant 0 : index
      %get3A_730 = tpu.vector_load %arg11[%get3A_728, %get3A_729] {strides = array<i32>} : memref<80x128xbf16, #tpu.memory_space<vmem>>, vector<32xbf16>,
      %mul3A_731 = arith.mulf %get3A_727, %get3A_730 : vector<32xbf16>
      %bitcast3A_732 = vector.bitcast %mul3A_731 : vector<32xbf16> to vector<16xi32>
      %shift_left3A_733 = arith.constant 16 : i32
      %shift_left3A_734 = vector.broadcast %shift_left3A_733 : i32 to vector<16xi32>
      %shift_left3A_735 = arith.shli %bitcast3A_732, %shift_left3A_734 : vector<16xi32>
      %bitcast3A_736 = vector.bitcast %shift_left3A_735 : vector<16xi32> to vector<16xf32>
      %add3A_737 = arith.addf %broadcast_in_dim3A_724, %bitcast3A_736 : vector<16xf32>
      %bitcast3A_738 = vector.bitcast %bitcast3A_732 : vector<16xi32> to vector<16xf32>
      %add3A_739 = arith.addf %add3A_737, %bitcast3A_738 : vector<16xf32>
      %get3A_740 = arith.index_cast %add3A_722 : i32 to index
      %get3A_741 = arith.constant 32 : index
      %get3A_742 = tpu.vector_load %arg9[%get3A_740, %get3A_741] {strides = array<i32>} : memref<80x128xbf16, #tpu.memory_space<vmem>>, vector<32xbf16>,
      %get3A_743 = arith.index_cast %add3A_722 : i32 to index
      %get3A_744 = arith.constant 32 : index
      %get3A_745 = tpu.vector_load %arg11[%get3A_743, %get3A_744] {strides = array<i32>} : memref<80x128xbf16, #tpu.memory_space<vmem>>, vector<32xbf16>,
      %mul3A_746 = arith.mulf %get3A_742, %get3A_745 : vector<32xbf16>
      %bitcast3A_747 = vector.bitcast %mul3A_746 : vector<32xbf16> to vector<16xi32>
      %shift_left3A_748 = arith.constant 16 : i32
      %shift_left3A_749 = vector.broadcast %shift_left3A_748 : i32 to vector<16xi32>
      %shift_left3A_750 = arith.shli %bitcast3A_747, %shift_left3A_749 : vector<16xi32>
      %bitcast3A_751 = vector.bitcast %shift_left3A_750 : vector<16xi32> to vector<16xf32>
      %add3A_752 = arith.addf %add3A_739, %bitcast3A_751 : vector<16xf32>
      %bitcast3A_753 = vector.bitcast %bitcast3A_747 : vector<16xi32> to vector<16xf32>
      %add3A_754 = arith.addf %add3A_752, %bitcast3A_753 : vector<16xf32>
      %get3A_755 = arith.index_cast %add3A_722 : i32 to index
      %get3A_756 = arith.constant 64 : index
      %get3A_757 = tpu.vector_load %arg9[%get3A_755, %get3A_756] {strides = array<i32>} : memref<80x128xbf16, #tpu.memory_space<vmem>>, vector<32xbf16>,
      %get3A_758 = arith.index_cast %add3A_722 : i32 to index
      %get3A_759 = arith.constant 64 : index
      %get3A_760 = tpu.vector_load %arg11[%get3A_758, %get3A_759] {strides = array<i32>} : memref<80x128xbf16, #tpu.memory_space<vmem>>, vector<32xbf16>,
      %mul3A_761 = arith.mulf %get3A_757, %get3A_760 : vector<32xbf16>
      %bitcast3A_762 = vector.bitcast %mul3A_761 : vector<32xbf16> to vector<16xi32>
      %shift_left3A_763 = arith.constant 16 : i32
      %shift_left3A_764 = vector.broadcast %shift_left3A_763 : i32 to vector<16xi32>
      %shift_left3A_765 = arith.shli %bitcast3A_762, %shift_left3A_764 : vector<16xi32>
      %bitcast3A_766 = vector.bitcast %shift_left3A_765 : vector<16xi32> to vector<16xf32>
      %add3A_767 = arith.addf %add3A_754, %bitcast3A_766 : vector<16xf32>
      %bitcast3A_768 = vector.bitcast %bitcast3A_762 : vector<16xi32> to vector<16xf32>
      %add3A_769 = arith.addf %add3A_767, %bitcast3A_768 : vector<16xf32>
      %get3A_770 = arith.index_cast %add3A_722 : i32 to index
      %get3A_771 = arith.constant 96 : index
      %get3A_772 = tpu.vector_load %arg9[%get3A_770, %get3A_771] {strides = array<i32>} : memref<80x128xbf16, #tpu.memory_space<vmem>>, vector<32xbf16>,
      %get3A_773 = arith.index_cast %add3A_722 : i32 to index
      %get3A_774 = arith.constant 96 : index
      %get3A_775 = tpu.vector_load %arg11[%get3A_773, %get3A_774] {strides = array<i32>} : memref<80x128xbf16, #tpu.memory_space<vmem>>, vector<32xbf16>,
      %mul3A_776 = arith.mulf %get3A_772, %get3A_775 : vector<32xbf16>
      %bitcast3A_777 = vector.bitcast %mul3A_776 : vector<32xbf16> to vector<16xi32>
      %shift_left3A_778 = arith.constant 16 : i32
      %shift_left3A_779 = vector.broadcast %shift_left3A_778 : i32 to vector<16xi32>
      %shift_left3A_780 = arith.shli %bitcast3A_777, %shift_left3A_779 : vector<16xi32>
      %bitcast3A_781 = vector.bitcast %shift_left3A_780 : vector<16xi32> to vector<16xf32>
      %add3A_782 = arith.addf %add3A_769, %bitcast3A_781 : vector<16xf32>
      %bitcast3A_783 = vector.bitcast %bitcast3A_777 : vector<16xi32> to vector<16xf32>
      %add3A_784 = arith.addf %add3A_782, %bitcast3A_783 : vector<16xf32>
      %eq3A_785 = arith.constant 9 : i32
      %eq3A_786 = vector.broadcast %eq3A_785 : i32 to vector<16xi32>
      %eq3A_787 = arith.cmpi eq, %iota3A, %eq3A_786 : vector<16xi32>
      %reduce_sum3A_788 = arith.constant true
      %reduce_sum3A_789 = vector.broadcast %reduce_sum3A_788 : i1 to vector<16xi1>
      %reduce_sum3A_790 = tpu.scan <sum>, %add3A_784 masked %reduce_sum3A_789 : vector<16xf32>, vector<16xi1> -> vector<16xf32>
      %reduce_sum3A_791 = vector.extract %reduce_sum3A_790[15] : f32 from vector<16xf32>
      %broadcast_in_dim3A_792 = vector.broadcast %reduce_sum3A_791 : f32 to vector<16xf32>
      %select_n3A_793 = arith.select %eq3A_787, %broadcast_in_dim3A_792, %select_n3A_718 : vector<16xi1>, vector<16xf32>
      %mul3A_794 = arith.constant 16 : i32
      %mul3A_795 = arith.muli %scan3A_48, %mul3A_794 : i32
      %add3A_796 = arith.constant 10 : i32
      %add3A_797 = arith.addi %mul3A_795, %add3A_796 : i32
      %broadcast_in_dim3A_798 = arith.constant 0.000000e+00 : f32
      %broadcast_in_dim3A_799 = vector.broadcast %broadcast_in_dim3A_798 : f32 to vector<16xf32>
      %get3A_800 = arith.index_cast %add3A_797 : i32 to index
      %get3A_801 = arith.constant 0 : index
      %get3A_802 = tpu.vector_load %arg9[%get3A_800, %get3A_801] {strides = array<i32>} : memref<80x128xbf16, #tpu.memory_space<vmem>>, vector<32xbf16>,
      %get3A_803 = arith.index_cast %add3A_797 : i32 to index
      %get3A_804 = arith.constant 0 : index
      %get3A_805 = tpu.vector_load %arg11[%get3A_803, %get3A_804] {strides = array<i32>} : memref<80x128xbf16, #tpu.memory_space<vmem>>, vector<32xbf16>,
      %mul3A_806 = arith.mulf %get3A_802, %get3A_805 : vector<32xbf16>
      %bitcast3A_807 = vector.bitcast %mul3A_806 : vector<32xbf16> to vector<16xi32>
      %shift_left3A_808 = arith.constant 16 : i32
      %shift_left3A_809 = vector.broadcast %shift_left3A_808 : i32 to vector<16xi32>
      %shift_left3A_810 = arith.shli %bitcast3A_807, %shift_left3A_809 : vector<16xi32>
      %bitcast3A_811 = vector.bitcast %shift_left3A_810 : vector<16xi32> to vector<16xf32>
      %add3A_812 = arith.addf %broadcast_in_dim3A_799, %bitcast3A_811 : vector<16xf32>
      %bitcast3A_813 = vector.bitcast %bitcast3A_807 : vector<16xi32> to vector<16xf32>
      %add3A_814 = arith.addf %add3A_812, %bitcast3A_813 : vector<16xf32>
      %get3A_815 = arith.index_cast %add3A_797 : i32 to index
      %get3A_816 = arith.constant 32 : index
      %get3A_817 = tpu.vector_load %arg9[%get3A_815, %get3A_816] {strides = array<i32>} : memref<80x128xbf16, #tpu.memory_space<vmem>>, vector<32xbf16>,
      %get3A_818 = arith.index_cast %add3A_797 : i32 to index
      %get3A_819 = arith.constant 32 : index
      %get3A_820 = tpu.vector_load %arg11[%get3A_818, %get3A_819] {strides = array<i32>} : memref<80x128xbf16, #tpu.memory_space<vmem>>, vector<32xbf16>,
      %mul3A_821 = arith.mulf %get3A_817, %get3A_820 : vector<32xbf16>
      %bitcast3A_822 = vector.bitcast %mul3A_821 : vector<32xbf16> to vector<16xi32>
      %shift_left3A_823 = arith.constant 16 : i32
      %shift_left3A_824 = vector.broadcast %shift_left3A_823 : i32 to vector<16xi32>
      %shift_left3A_825 = arith.shli %bitcast3A_822, %shift_left3A_824 : vector<16xi32>
      %bitcast3A_826 = vector.bitcast %shift_left3A_825 : vector<16xi32> to vector<16xf32>
      %add3A_827 = arith.addf %add3A_814, %bitcast3A_826 : vector<16xf32>
      %bitcast3A_828 = vector.bitcast %bitcast3A_822 : vector<16xi32> to vector<16xf32>
      %add3A_829 = arith.addf %add3A_827, %bitcast3A_828 : vector<16xf32>
      %get3A_830 = arith.index_cast %add3A_797 : i32 to index
      %get3A_831 = arith.constant 64 : index
      %get3A_832 = tpu.vector_load %arg9[%get3A_830, %get3A_831] {strides = array<i32>} : memref<80x128xbf16, #tpu.memory_space<vmem>>, vector<32xbf16>,
      %get3A_833 = arith.index_cast %add3A_797 : i32 to index
      %get3A_834 = arith.constant 64 : index
      %get3A_835 = tpu.vector_load %arg11[%get3A_833, %get3A_834] {strides = array<i32>} : memref<80x128xbf16, #tpu.memory_space<vmem>>, vector<32xbf16>,
      %mul3A_836 = arith.mulf %get3A_832, %get3A_835 : vector<32xbf16>
      %bitcast3A_837 = vector.bitcast %mul3A_836 : vector<32xbf16> to vector<16xi32>
      %shift_left3A_838 = arith.constant 16 : i32
      %shift_left3A_839 = vector.broadcast %shift_left3A_838 : i32 to vector<16xi32>
      %shift_left3A_840 = arith.shli %bitcast3A_837, %shift_left3A_839 : vector<16xi32>
      %bitcast3A_841 = vector.bitcast %shift_left3A_840 : vector<16xi32> to vector<16xf32>
      %add3A_842 = arith.addf %add3A_829, %bitcast3A_841 : vector<16xf32>
      %bitcast3A_843 = vector.bitcast %bitcast3A_837 : vector<16xi32> to vector<16xf32>
      %add3A_844 = arith.addf %add3A_842, %bitcast3A_843 : vector<16xf32>
      %get3A_845 = arith.index_cast %add3A_797 : i32 to index
      %get3A_846 = arith.constant 96 : index
      %get3A_847 = tpu.vector_load %arg9[%get3A_845, %get3A_846] {strides = array<i32>} : memref<80x128xbf16, #tpu.memory_space<vmem>>, vector<32xbf16>,
      %get3A_848 = arith.index_cast %add3A_797 : i32 to index
      %get3A_849 = arith.constant 96 : index
      %get3A_850 = tpu.vector_load %arg11[%get3A_848, %get3A_849] {strides = array<i32>} : memref<80x128xbf16, #tpu.memory_space<vmem>>, vector<32xbf16>,
      %mul3A_851 = arith.mulf %get3A_847, %get3A_850 : vector<32xbf16>
      %bitcast3A_852 = vector.bitcast %mul3A_851 : vector<32xbf16> to vector<16xi32>
      %shift_left3A_853 = arith.constant 16 : i32
      %shift_left3A_854 = vector.broadcast %shift_left3A_853 : i32 to vector<16xi32>
      %shift_left3A_855 = arith.shli %bitcast3A_852, %shift_left3A_854 : vector<16xi32>
      %bitcast3A_856 = vector.bitcast %shift_left3A_855 : vector<16xi32> to vector<16xf32>
      %add3A_857 = arith.addf %add3A_844, %bitcast3A_856 : vector<16xf32>
      %bitcast3A_858 = vector.bitcast %bitcast3A_852 : vector<16xi32> to vector<16xf32>
      %add3A_859 = arith.addf %add3A_857, %bitcast3A_858 : vector<16xf32>
      %eq3A_860 = arith.constant 10 : i32
      %eq3A_861 = vector.broadcast %eq3A_860 : i32 to vector<16xi32>
      %eq3A_862 = arith.cmpi eq, %iota3A, %eq3A_861 : vector<16xi32>
      %reduce_sum3A_863 = arith.constant true
      %reduce_sum3A_864 = vector.broadcast %reduce_sum3A_863 : i1 to vector<16xi1>
      %reduce_sum3A_865 = tpu.scan <sum>, %add3A_859 masked %reduce_sum3A_864 : vector<16xf32>, vector<16xi1> -> vector<16xf32>
      %reduce_sum3A_866 = vector.extract %reduce_sum3A_865[15] : f32 from vector<16xf32>
      %broadcast_in_dim3A_867 = vector.broadcast %reduce_sum3A_866 : f32 to vector<16xf32>
      %select_n3A_868 = arith.select %eq3A_862, %broadcast_in_dim3A_867, %select_n3A_793 : vector<16xi1>, vector<16xf32>
      %mul3A_869 = arith.constant 16 : i32
      %mul3A_870 = arith.muli %scan3A_48, %mul3A_869 : i32
      %add3A_871 = arith.constant 11 : i32
      %add3A_872 = arith.addi %mul3A_870, %add3A_871 : i32
      %broadcast_in_dim3A_873 = arith.constant 0.000000e+00 : f32
      %broadcast_in_dim3A_874 = vector.broadcast %broadcast_in_dim3A_873 : f32 to vector<16xf32>
      %get3A_875 = arith.index_cast %add3A_872 : i32 to index
      %get3A_876 = arith.constant 0 : index
      %get3A_877 = tpu.vector_load %arg9[%get3A_875, %get3A_876] {strides = array<i32>} : memref<80x128xbf16, #tpu.memory_space<vmem>>, vector<32xbf16>,
      %get3A_878 = arith.index_cast %add3A_872 : i32 to index
      %get3A_879 = arith.constant 0 : index
      %get3A_880 = tpu.vector_load %arg11[%get3A_878, %get3A_879] {strides = array<i32>} : memref<80x128xbf16, #tpu.memory_space<vmem>>, vector<32xbf16>,
      %mul3A_881 = arith.mulf %get3A_877, %get3A_880 : vector<32xbf16>
      %bitcast3A_882 = vector.bitcast %mul3A_881 : vector<32xbf16> to vector<16xi32>
      %shift_left3A_883 = arith.constant 16 : i32
      %shift_left3A_884 = vector.broadcast %shift_left3A_883 : i32 to vector<16xi32>
      %shift_left3A_885 = arith.shli %bitcast3A_882, %shift_left3A_884 : vector<16xi32>
      %bitcast3A_886 = vector.bitcast %shift_left3A_885 : vector<16xi32> to vector<16xf32>
      %add3A_887 = arith.addf %broadcast_in_dim3A_874, %bitcast3A_886 : vector<16xf32>
      %bitcast3A_888 = vector.bitcast %bitcast3A_882 : vector<16xi32> to vector<16xf32>
      %add3A_889 = arith.addf %add3A_887, %bitcast3A_888 : vector<16xf32>
      %get3A_890 = arith.index_cast %add3A_872 : i32 to index
      %get3A_891 = arith.constant 32 : index
      %get3A_892 = tpu.vector_load %arg9[%get3A_890, %get3A_891] {strides = array<i32>} : memref<80x128xbf16, #tpu.memory_space<vmem>>, vector<32xbf16>,
      %get3A_893 = arith.index_cast %add3A_872 : i32 to index
      %get3A_894 = arith.constant 32 : index
      %get3A_895 = tpu.vector_load %arg11[%get3A_893, %get3A_894] {strides = array<i32>} : memref<80x128xbf16, #tpu.memory_space<vmem>>, vector<32xbf16>,
      %mul3A_896 = arith.mulf %get3A_892, %get3A_895 : vector<32xbf16>
      %bitcast3A_897 = vector.bitcast %mul3A_896 : vector<32xbf16> to vector<16xi32>
      %shift_left3A_898 = arith.constant 16 : i32
      %shift_left3A_899 = vector.broadcast %shift_left3A_898 : i32 to vector<16xi32>
      %shift_left3A_900 = arith.shli %bitcast3A_897, %shift_left3A_899 : vector<16xi32>
      %bitcast3A_901 = vector.bitcast %shift_left3A_900 : vector<16xi32> to vector<16xf32>
      %add3A_902 = arith.addf %add3A_889, %bitcast3A_901 : vector<16xf32>
      %bitcast3A_903 = vector.bitcast %bitcast3A_897 : vector<16xi32> to vector<16xf32>
      %add3A_904 = arith.addf %add3A_902, %bitcast3A_903 : vector<16xf32>
      %get3A_905 = arith.index_cast %add3A_872 : i32 to index
      %get3A_906 = arith.constant 64 : index
      %get3A_907 = tpu.vector_load %arg9[%get3A_905, %get3A_906] {strides = array<i32>} : memref<80x128xbf16, #tpu.memory_space<vmem>>, vector<32xbf16>,
      %get3A_908 = arith.index_cast %add3A_872 : i32 to index
      %get3A_909 = arith.constant 64 : index
      %get3A_910 = tpu.vector_load %arg11[%get3A_908, %get3A_909] {strides = array<i32>} : memref<80x128xbf16, #tpu.memory_space<vmem>>, vector<32xbf16>,
      %mul3A_911 = arith.mulf %get3A_907, %get3A_910 : vector<32xbf16>
      %bitcast3A_912 = vector.bitcast %mul3A_911 : vector<32xbf16> to vector<16xi32>
      %shift_left3A_913 = arith.constant 16 : i32
      %shift_left3A_914 = vector.broadcast %shift_left3A_913 : i32 to vector<16xi32>
      %shift_left3A_915 = arith.shli %bitcast3A_912, %shift_left3A_914 : vector<16xi32>
      %bitcast3A_916 = vector.bitcast %shift_left3A_915 : vector<16xi32> to vector<16xf32>
      %add3A_917 = arith.addf %add3A_904, %bitcast3A_916 : vector<16xf32>
      %bitcast3A_918 = vector.bitcast %bitcast3A_912 : vector<16xi32> to vector<16xf32>
      %add3A_919 = arith.addf %add3A_917, %bitcast3A_918 : vector<16xf32>
      %get3A_920 = arith.index_cast %add3A_872 : i32 to index
      %get3A_921 = arith.constant 96 : index
      %get3A_922 = tpu.vector_load %arg9[%get3A_920, %get3A_921] {strides = array<i32>} : memref<80x128xbf16, #tpu.memory_space<vmem>>, vector<32xbf16>,
      %get3A_923 = arith.index_cast %add3A_872 : i32 to index
      %get3A_924 = arith.constant 96 : index
      %get3A_925 = tpu.vector_load %arg11[%get3A_923, %get3A_924] {strides = array<i32>} : memref<80x128xbf16, #tpu.memory_space<vmem>>, vector<32xbf16>,
      %mul3A_926 = arith.mulf %get3A_922, %get3A_925 : vector<32xbf16>
      %bitcast3A_927 = vector.bitcast %mul3A_926 : vector<32xbf16> to vector<16xi32>
      %shift_left3A_928 = arith.constant 16 : i32
      %shift_left3A_929 = vector.broadcast %shift_left3A_928 : i32 to vector<16xi32>
      %shift_left3A_930 = arith.shli %bitcast3A_927, %shift_left3A_929 : vector<16xi32>
      %bitcast3A_931 = vector.bitcast %shift_left3A_930 : vector<16xi32> to vector<16xf32>
      %add3A_932 = arith.addf %add3A_919, %bitcast3A_931 : vector<16xf32>
      %bitcast3A_933 = vector.bitcast %bitcast3A_927 : vector<16xi32> to vector<16xf32>
      %add3A_934 = arith.addf %add3A_932, %bitcast3A_933 : vector<16xf32>
      %eq3A_935 = arith.constant 11 : i32
      %eq3A_936 = vector.broadcast %eq3A_935 : i32 to vector<16xi32>
      %eq3A_937 = arith.cmpi eq, %iota3A, %eq3A_936 : vector<16xi32>
      %reduce_sum3A_938 = arith.constant true
      %reduce_sum3A_939 = vector.broadcast %reduce_sum3A_938 : i1 to vector<16xi1>
      %reduce_sum3A_940 = tpu.scan <sum>, %add3A_934 masked %reduce_sum3A_939 : vector<16xf32>, vector<16xi1> -> vector<16xf32>
      %reduce_sum3A_941 = vector.extract %reduce_sum3A_940[15] : f32 from vector<16xf32>
      %broadcast_in_dim3A_942 = vector.broadcast %reduce_sum3A_941 : f32 to vector<16xf32>
      %select_n3A_943 = arith.select %eq3A_937, %broadcast_in_dim3A_942, %select_n3A_868 : vector<16xi1>, vector<16xf32>
      %mul3A_944 = arith.constant 16 : i32
      %mul3A_945 = arith.muli %scan3A_48, %mul3A_944 : i32
      %add3A_946 = arith.constant 12 : i32
      %add3A_947 = arith.addi %mul3A_945, %add3A_946 : i32
      %broadcast_in_dim3A_948 = arith.constant 0.000000e+00 : f32
      %broadcast_in_dim3A_949 = vector.broadcast %broadcast_in_dim3A_948 : f32 to vector<16xf32>
      %get3A_950 = arith.index_cast %add3A_947 : i32 to index
      %get3A_951 = arith.constant 0 : index
      %get3A_952 = tpu.vector_load %arg9[%get3A_950, %get3A_951] {strides = array<i32>} : memref<80x128xbf16, #tpu.memory_space<vmem>>, vector<32xbf16>,
      %get3A_953 = arith.index_cast %add3A_947 : i32 to index
      %get3A_954 = arith.constant 0 : index
      %get3A_955 = tpu.vector_load %arg11[%get3A_953, %get3A_954] {strides = array<i32>} : memref<80x128xbf16, #tpu.memory_space<vmem>>, vector<32xbf16>,
      %mul3A_956 = arith.mulf %get3A_952, %get3A_955 : vector<32xbf16>
      %bitcast3A_957 = vector.bitcast %mul3A_956 : vector<32xbf16> to vector<16xi32>
      %shift_left3A_958 = arith.constant 16 : i32
      %shift_left3A_959 = vector.broadcast %shift_left3A_958 : i32 to vector<16xi32>
      %shift_left3A_960 = arith.shli %bitcast3A_957, %shift_left3A_959 : vector<16xi32>
      %bitcast3A_961 = vector.bitcast %shift_left3A_960 : vector<16xi32> to vector<16xf32>
      %add3A_962 = arith.addf %broadcast_in_dim3A_949, %bitcast3A_961 : vector<16xf32>
      %bitcast3A_963 = vector.bitcast %bitcast3A_957 : vector<16xi32> to vector<16xf32>
      %add3A_964 = arith.addf %add3A_962, %bitcast3A_963 : vector<16xf32>
      %get3A_965 = arith.index_cast %add3A_947 : i32 to index
      %get3A_966 = arith.constant 32 : index
      %get3A_967 = tpu.vector_load %arg9[%get3A_965, %get3A_966] {strides = array<i32>} : memref<80x128xbf16, #tpu.memory_space<vmem>>, vector<32xbf16>,
      %get3A_968 = arith.index_cast %add3A_947 : i32 to index
      %get3A_969 = arith.constant 32 : index
      %get3A_970 = tpu.vector_load %arg11[%get3A_968, %get3A_969] {strides = array<i32>} : memref<80x128xbf16, #tpu.memory_space<vmem>>, vector<32xbf16>,
      %mul3A_971 = arith.mulf %get3A_967, %get3A_970 : vector<32xbf16>
      %bitcast3A_972 = vector.bitcast %mul3A_971 : vector<32xbf16> to vector<16xi32>
      %shift_left3A_973 = arith.constant 16 : i32
      %shift_left3A_974 = vector.broadcast %shift_left3A_973 : i32 to vector<16xi32>
      %shift_left3A_975 = arith.shli %bitcast3A_972, %shift_left3A_974 : vector<16xi32>
      %bitcast3A_976 = vector.bitcast %shift_left3A_975 : vector<16xi32> to vector<16xf32>
      %add3A_977 = arith.addf %add3A_964, %bitcast3A_976 : vector<16xf32>
      %bitcast3A_978 = vector.bitcast %bitcast3A_972 : vector<16xi32> to vector<16xf32>
      %add3A_979 = arith.addf %add3A_977, %bitcast3A_978 : vector<16xf32>
      %get3A_980 = arith.index_cast %add3A_947 : i32 to index
      %get3A_981 = arith.constant 64 : index
      %get3A_982 = tpu.vector_load %arg9[%get3A_980, %get3A_981] {strides = array<i32>} : memref<80x128xbf16, #tpu.memory_space<vmem>>, vector<32xbf16>,
      %get3A_983 = arith.index_cast %add3A_947 : i32 to index
      %get3A_984 = arith.constant 64 : index
      %get3A_985 = tpu.vector_load %arg11[%get3A_983, %get3A_984] {strides = array<i32>} : memref<80x128xbf16, #tpu.memory_space<vmem>>, vector<32xbf16>,
      %mul3A_986 = arith.mulf %get3A_982, %get3A_985 : vector<32xbf16>
      %bitcast3A_987 = vector.bitcast %mul3A_986 : vector<32xbf16> to vector<16xi32>
      %shift_left3A_988 = arith.constant 16 : i32
      %shift_left3A_989 = vector.broadcast %shift_left3A_988 : i32 to vector<16xi32>
      %shift_left3A_990 = arith.shli %bitcast3A_987, %shift_left3A_989 : vector<16xi32>
      %bitcast3A_991 = vector.bitcast %shift_left3A_990 : vector<16xi32> to vector<16xf32>
      %add3A_992 = arith.addf %add3A_979, %bitcast3A_991 : vector<16xf32>
      %bitcast3A_993 = vector.bitcast %bitcast3A_987 : vector<16xi32> to vector<16xf32>
      %add3A_994 = arith.addf %add3A_992, %bitcast3A_993 : vector<16xf32>
      %get3A_995 = arith.index_cast %add3A_947 : i32 to index
      %get3A_996 = arith.constant 96 : index
      %get3A_997 = tpu.vector_load %arg9[%get3A_995, %get3A_996] {strides = array<i32>} : memref<80x128xbf16, #tpu.memory_space<vmem>>, vector<32xbf16>,
      %get3A_998 = arith.index_cast %add3A_947 : i32 to index
      %get3A_999 = arith.constant 96 : index
      %get3A_1000 = tpu.vector_load %arg11[%get3A_998, %get3A_999] {strides = array<i32>} : memref<80x128xbf16, #tpu.memory_space<vmem>>, vector<32xbf16>,
      %mul3A_1001 = arith.mulf %get3A_997, %get3A_1000 : vector<32xbf16>
      %bitcast3A_1002 = vector.bitcast %mul3A_1001 : vector<32xbf16> to vector<16xi32>
      %shift_left3A_1003 = arith.constant 16 : i32
      %shift_left3A_1004 = vector.broadcast %shift_left3A_1003 : i32 to vector<16xi32>
      %shift_left3A_1005 = arith.shli %bitcast3A_1002, %shift_left3A_1004 : vector<16xi32>
      %bitcast3A_1006 = vector.bitcast %shift_left3A_1005 : vector<16xi32> to vector<16xf32>
      %add3A_1007 = arith.addf %add3A_994, %bitcast3A_1006 : vector<16xf32>
      %bitcast3A_1008 = vector.bitcast %bitcast3A_1002 : vector<16xi32> to vector<16xf32>
      %add3A_1009 = arith.addf %add3A_1007, %bitcast3A_1008 : vector<16xf32>
      %eq3A_1010 = arith.constant 12 : i32
      %eq3A_1011 = vector.broadcast %eq3A_1010 : i32 to vector<16xi32>
      %eq3A_1012 = arith.cmpi eq, %iota3A, %eq3A_1011 : vector<16xi32>
      %reduce_sum3A_1013 = arith.constant true
      %reduce_sum3A_1014 = vector.broadcast %reduce_sum3A_1013 : i1 to vector<16xi1>
      %reduce_sum3A_1015 = tpu.scan <sum>, %add3A_1009 masked %reduce_sum3A_1014 : vector<16xf32>, vector<16xi1> -> vector<16xf32>
      %reduce_sum3A_1016 = vector.extract %reduce_sum3A_1015[15] : f32 from vector<16xf32>
      %broadcast_in_dim3A_1017 = vector.broadcast %reduce_sum3A_1016 : f32 to vector<16xf32>
      %select_n3A_1018 = arith.select %eq3A_1012, %broadcast_in_dim3A_1017, %select_n3A_943 : vector<16xi1>, vector<16xf32>
      %mul3A_1019 = arith.constant 16 : i32
      %mul3A_1020 = arith.muli %scan3A_48, %mul3A_1019 : i32
      %add3A_1021 = arith.constant 13 : i32
      %add3A_1022 = arith.addi %mul3A_1020, %add3A_1021 : i32
      %broadcast_in_dim3A_1023 = arith.constant 0.000000e+00 : f32
      %broadcast_in_dim3A_1024 = vector.broadcast %broadcast_in_dim3A_1023 : f32 to vector<16xf32>
      %get3A_1025 = arith.index_cast %add3A_1022 : i32 to index
      %get3A_1026 = arith.constant 0 : index
      %get3A_1027 = tpu.vector_load %arg9[%get3A_1025, %get3A_1026] {strides = array<i32>} : memref<80x128xbf16, #tpu.memory_space<vmem>>, vector<32xbf16>,
      %get3A_1028 = arith.index_cast %add3A_1022 : i32 to index
      %get3A_1029 = arith.constant 0 : index
      %get3A_1030 = tpu.vector_load %arg11[%get3A_1028, %get3A_1029] {strides = array<i32>} : memref<80x128xbf16, #tpu.memory_space<vmem>>, vector<32xbf16>,
      %mul3A_1031 = arith.mulf %get3A_1027, %get3A_1030 : vector<32xbf16>
      %bitcast3A_1032 = vector.bitcast %mul3A_1031 : vector<32xbf16> to vector<16xi32>
      %shift_left3A_1033 = arith.constant 16 : i32
      %shift_left3A_1034 = vector.broadcast %shift_left3A_1033 : i32 to vector<16xi32>
      %shift_left3A_1035 = arith.shli %bitcast3A_1032, %shift_left3A_1034 : vector<16xi32>
      %bitcast3A_1036 = vector.bitcast %shift_left3A_1035 : vector<16xi32> to vector<16xf32>
      %add3A_1037 = arith.addf %broadcast_in_dim3A_1024, %bitcast3A_1036 : vector<16xf32>
      %bitcast3A_1038 = vector.bitcast %bitcast3A_1032 : vector<16xi32> to vector<16xf32>
      %add3A_1039 = arith.addf %add3A_1037, %bitcast3A_1038 : vector<16xf32>
      %get3A_1040 = arith.index_cast %add3A_1022 : i32 to index
      %get3A_1041 = arith.constant 32 : index
      %get3A_1042 = tpu.vector_load %arg9[%get3A_1040, %get3A_1041] {strides = array<i32>} : memref<80x128xbf16, #tpu.memory_space<vmem>>, vector<32xbf16>,
      %get3A_1043 = arith.index_cast %add3A_1022 : i32 to index
      %get3A_1044 = arith.constant 32 : index
      %get3A_1045 = tpu.vector_load %arg11[%get3A_1043, %get3A_1044] {strides = array<i32>} : memref<80x128xbf16, #tpu.memory_space<vmem>>, vector<32xbf16>,
      %mul3A_1046 = arith.mulf %get3A_1042, %get3A_1045 : vector<32xbf16>
      %bitcast3A_1047 = vector.bitcast %mul3A_1046 : vector<32xbf16> to vector<16xi32>
      %shift_left3A_1048 = arith.constant 16 : i32
      %shift_left3A_1049 = vector.broadcast %shift_left3A_1048 : i32 to vector<16xi32>
      %shift_left3A_1050 = arith.shli %bitcast3A_1047, %shift_left3A_1049 : vector<16xi32>
      %bitcast3A_1051 = vector.bitcast %shift_left3A_1050 : vector<16xi32> to vector<16xf32>
      %add3A_1052 = arith.addf %add3A_1039, %bitcast3A_1051 : vector<16xf32>
      %bitcast3A_1053 = vector.bitcast %bitcast3A_1047 : vector<16xi32> to vector<16xf32>
      %add3A_1054 = arith.addf %add3A_1052, %bitcast3A_1053 : vector<16xf32>
      %get3A_1055 = arith.index_cast %add3A_1022 : i32 to index
      %get3A_1056 = arith.constant 64 : index
      %get3A_1057 = tpu.vector_load %arg9[%get3A_1055, %get3A_1056] {strides = array<i32>} : memref<80x128xbf16, #tpu.memory_space<vmem>>, vector<32xbf16>,
      %get3A_1058 = arith.index_cast %add3A_1022 : i32 to index
      %get3A_1059 = arith.constant 64 : index
      %get3A_1060 = tpu.vector_load %arg11[%get3A_1058, %get3A_1059] {strides = array<i32>} : memref<80x128xbf16, #tpu.memory_space<vmem>>, vector<32xbf16>,
      %mul3A_1061 = arith.mulf %get3A_1057, %get3A_1060 : vector<32xbf16>
      %bitcast3A_1062 = vector.bitcast %mul3A_1061 : vector<32xbf16> to vector<16xi32>
      %shift_left3A_1063 = arith.constant 16 : i32
      %shift_left3A_1064 = vector.broadcast %shift_left3A_1063 : i32 to vector<16xi32>
      %shift_left3A_1065 = arith.shli %bitcast3A_1062, %shift_left3A_1064 : vector<16xi32>
      %bitcast3A_1066 = vector.bitcast %shift_left3A_1065 : vector<16xi32> to vector<16xf32>
      %add3A_1067 = arith.addf %add3A_1054, %bitcast3A_1066 : vector<16xf32>
      %bitcast3A_1068 = vector.bitcast %bitcast3A_1062 : vector<16xi32> to vector<16xf32>
      %add3A_1069 = arith.addf %add3A_1067, %bitcast3A_1068 : vector<16xf32>
      %get3A_1070 = arith.index_cast %add3A_1022 : i32 to index
      %get3A_1071 = arith.constant 96 : index
      %get3A_1072 = tpu.vector_load %arg9[%get3A_1070, %get3A_1071] {strides = array<i32>} : memref<80x128xbf16, #tpu.memory_space<vmem>>, vector<32xbf16>,
      %get3A_1073 = arith.index_cast %add3A_1022 : i32 to index
      %get3A_1074 = arith.constant 96 : index
      %get3A_1075 = tpu.vector_load %arg11[%get3A_1073, %get3A_1074] {strides = array<i32>} : memref<80x128xbf16, #tpu.memory_space<vmem>>, vector<32xbf16>,
      %mul3A_1076 = arith.mulf %get3A_1072, %get3A_1075 : vector<32xbf16>
      %bitcast3A_1077 = vector.bitcast %mul3A_1076 : vector<32xbf16> to vector<16xi32>
      %shift_left3A_1078 = arith.constant 16 : i32
      %shift_left3A_1079 = vector.broadcast %shift_left3A_1078 : i32 to vector<16xi32>
      %shift_left3A_1080 = arith.shli %bitcast3A_1077, %shift_left3A_1079 : vector<16xi32>
      %bitcast3A_1081 = vector.bitcast %shift_left3A_1080 : vector<16xi32> to vector<16xf32>
      %add3A_1082 = arith.addf %add3A_1069, %bitcast3A_1081 : vector<16xf32>
      %bitcast3A_1083 = vector.bitcast %bitcast3A_1077 : vector<16xi32> to vector<16xf32>
      %add3A_1084 = arith.addf %add3A_1082, %bitcast3A_1083 : vector<16xf32>
      %eq3A_1085 = arith.constant 13 : i32
      %eq3A_1086 = vector.broadcast %eq3A_1085 : i32 to vector<16xi32>
      %eq3A_1087 = arith.cmpi eq, %iota3A, %eq3A_1086 : vector<16xi32>
      %reduce_sum3A_1088 = arith.constant true
      %reduce_sum3A_1089 = vector.broadcast %reduce_sum3A_1088 : i1 to vector<16xi1>
      %reduce_sum3A_1090 = tpu.scan <sum>, %add3A_1084 masked %reduce_sum3A_1089 : vector<16xf32>, vector<16xi1> -> vector<16xf32>
      %reduce_sum3A_1091 = vector.extract %reduce_sum3A_1090[15] : f32 from vector<16xf32>
      %broadcast_in_dim3A_1092 = vector.broadcast %reduce_sum3A_1091 : f32 to vector<16xf32>
      %select_n3A_1093 = arith.select %eq3A_1087, %broadcast_in_dim3A_1092, %select_n3A_1018 : vector<16xi1>, vector<16xf32>
      %mul3A_1094 = arith.constant 16 : i32
      %mul3A_1095 = arith.muli %scan3A_48, %mul3A_1094 : i32
      %add3A_1096 = arith.constant 14 : i32
      %add3A_1097 = arith.addi %mul3A_1095, %add3A_1096 : i32
      %broadcast_in_dim3A_1098 = arith.constant 0.000000e+00 : f32
      %broadcast_in_dim3A_1099 = vector.broadcast %broadcast_in_dim3A_1098 : f32 to vector<16xf32>
      %get3A_1100 = arith.index_cast %add3A_1097 : i32 to index
      %get3A_1101 = arith.constant 0 : index
      %get3A_1102 = tpu.vector_load %arg9[%get3A_1100, %get3A_1101] {strides = array<i32>} : memref<80x128xbf16, #tpu.memory_space<vmem>>, vector<32xbf16>,
      %get3A_1103 = arith.index_cast %add3A_1097 : i32 to index
      %get3A_1104 = arith.constant 0 : index
      %get3A_1105 = tpu.vector_load %arg11[%get3A_1103, %get3A_1104] {strides = array<i32>} : memref<80x128xbf16, #tpu.memory_space<vmem>>, vector<32xbf16>,
      %mul3A_1106 = arith.mulf %get3A_1102, %get3A_1105 : vector<32xbf16>
      %bitcast3A_1107 = vector.bitcast %mul3A_1106 : vector<32xbf16> to vector<16xi32>
      %shift_left3A_1108 = arith.constant 16 : i32
      %shift_left3A_1109 = vector.broadcast %shift_left3A_1108 : i32 to vector<16xi32>
      %shift_left3A_1110 = arith.shli %bitcast3A_1107, %shift_left3A_1109 : vector<16xi32>
      %bitcast3A_1111 = vector.bitcast %shift_left3A_1110 : vector<16xi32> to vector<16xf32>
      %add3A_1112 = arith.addf %broadcast_in_dim3A_1099, %bitcast3A_1111 : vector<16xf32>
      %bitcast3A_1113 = vector.bitcast %bitcast3A_1107 : vector<16xi32> to vector<16xf32>
      %add3A_1114 = arith.addf %add3A_1112, %bitcast3A_1113 : vector<16xf32>
      %get3A_1115 = arith.index_cast %add3A_1097 : i32 to index
      %get3A_1116 = arith.constant 32 : index
      %get3A_1117 = tpu.vector_load %arg9[%get3A_1115, %get3A_1116] {strides = array<i32>} : memref<80x128xbf16, #tpu.memory_space<vmem>>, vector<32xbf16>,
      %get3A_1118 = arith.index_cast %add3A_1097 : i32 to index
      %get3A_1119 = arith.constant 32 : index
      %get3A_1120 = tpu.vector_load %arg11[%get3A_1118, %get3A_1119] {strides = array<i32>} : memref<80x128xbf16, #tpu.memory_space<vmem>>, vector<32xbf16>,
      %mul3A_1121 = arith.mulf %get3A_1117, %get3A_1120 : vector<32xbf16>
      %bitcast3A_1122 = vector.bitcast %mul3A_1121 : vector<32xbf16> to vector<16xi32>
      %shift_left3A_1123 = arith.constant 16 : i32
      %shift_left3A_1124 = vector.broadcast %shift_left3A_1123 : i32 to vector<16xi32>
      %shift_left3A_1125 = arith.shli %bitcast3A_1122, %shift_left3A_1124 : vector<16xi32>
      %bitcast3A_1126 = vector.bitcast %shift_left3A_1125 : vector<16xi32> to vector<16xf32>
      %add3A_1127 = arith.addf %add3A_1114, %bitcast3A_1126 : vector<16xf32>
      %bitcast3A_1128 = vector.bitcast %bitcast3A_1122 : vector<16xi32> to vector<16xf32>
      %add3A_1129 = arith.addf %add3A_1127, %bitcast3A_1128 : vector<16xf32>
      %get3A_1130 = arith.index_cast %add3A_1097 : i32 to index
      %get3A_1131 = arith.constant 64 : index
      %get3A_1132 = tpu.vector_load %arg9[%get3A_1130, %get3A_1131] {strides = array<i32>} : memref<80x128xbf16, #tpu.memory_space<vmem>>, vector<32xbf16>,
      %get3A_1133 = arith.index_cast %add3A_1097 : i32 to index
      %get3A_1134 = arith.constant 64 : index
      %get3A_1135 = tpu.vector_load %arg11[%get3A_1133, %get3A_1134] {strides = array<i32>} : memref<80x128xbf16, #tpu.memory_space<vmem>>, vector<32xbf16>,
      %mul3A_1136 = arith.mulf %get3A_1132, %get3A_1135 : vector<32xbf16>
      %bitcast3A_1137 = vector.bitcast %mul3A_1136 : vector<32xbf16> to vector<16xi32>
      %shift_left3A_1138 = arith.constant 16 : i32
      %shift_left3A_1139 = vector.broadcast %shift_left3A_1138 : i32 to vector<16xi32>
      %shift_left3A_1140 = arith.shli %bitcast3A_1137, %shift_left3A_1139 : vector<16xi32>
      %bitcast3A_1141 = vector.bitcast %shift_left3A_1140 : vector<16xi32> to vector<16xf32>
      %add3A_1142 = arith.addf %add3A_1129, %bitcast3A_1141 : vector<16xf32>
      %bitcast3A_1143 = vector.bitcast %bitcast3A_1137 : vector<16xi32> to vector<16xf32>
      %add3A_1144 = arith.addf %add3A_1142, %bitcast3A_1143 : vector<16xf32>
      %get3A_1145 = arith.index_cast %add3A_1097 : i32 to index
      %get3A_1146 = arith.constant 96 : index
      %get3A_1147 = tpu.vector_load %arg9[%get3A_1145, %get3A_1146] {strides = array<i32>} : memref<80x128xbf16, #tpu.memory_space<vmem>>, vector<32xbf16>,
      %get3A_1148 = arith.index_cast %add3A_1097 : i32 to index
      %get3A_1149 = arith.constant 96 : index
      %get3A_1150 = tpu.vector_load %arg11[%get3A_1148, %get3A_1149] {strides = array<i32>} : memref<80x128xbf16, #tpu.memory_space<vmem>>, vector<32xbf16>,
      %mul3A_1151 = arith.mulf %get3A_1147, %get3A_1150 : vector<32xbf16>
      %bitcast3A_1152 = vector.bitcast %mul3A_1151 : vector<32xbf16> to vector<16xi32>
      %shift_left3A_1153 = arith.constant 16 : i32
      %shift_left3A_1154 = vector.broadcast %shift_left3A_1153 : i32 to vector<16xi32>
      %shift_left3A_1155 = arith.shli %bitcast3A_1152, %shift_left3A_1154 : vector<16xi32>
      %bitcast3A_1156 = vector.bitcast %shift_left3A_1155 : vector<16xi32> to vector<16xf32>
      %add3A_1157 = arith.addf %add3A_1144, %bitcast3A_1156 : vector<16xf32>
      %bitcast3A_1158 = vector.bitcast %bitcast3A_1152 : vector<16xi32> to vector<16xf32>
      %add3A_1159 = arith.addf %add3A_1157, %bitcast3A_1158 : vector<16xf32>
      %eq3A_1160 = arith.constant 14 : i32
      %eq3A_1161 = vector.broadcast %eq3A_1160 : i32 to vector<16xi32>
      %eq3A_1162 = arith.cmpi eq, %iota3A, %eq3A_1161 : vector<16xi32>
      %reduce_sum3A_1163 = arith.constant true
      %reduce_sum3A_1164 = vector.broadcast %reduce_sum3A_1163 : i1 to vector<16xi1>
      %reduce_sum3A_1165 = tpu.scan <sum>, %add3A_1159 masked %reduce_sum3A_1164 : vector<16xf32>, vector<16xi1> -> vector<16xf32>
      %reduce_sum3A_1166 = vector.extract %reduce_sum3A_1165[15] : f32 from vector<16xf32>
      %broadcast_in_dim3A_1167 = vector.broadcast %reduce_sum3A_1166 : f32 to vector<16xf32>
      %select_n3A_1168 = arith.select %eq3A_1162, %broadcast_in_dim3A_1167, %select_n3A_1093 : vector<16xi1>, vector<16xf32>
      %mul3A_1169 = arith.constant 16 : i32
      %mul3A_1170 = arith.muli %scan3A_48, %mul3A_1169 : i32
      %add3A_1171 = arith.constant 15 : i32
      %add3A_1172 = arith.addi %mul3A_1170, %add3A_1171 : i32
      %broadcast_in_dim3A_1173 = arith.constant 0.000000e+00 : f32
      %broadcast_in_dim3A_1174 = vector.broadcast %broadcast_in_dim3A_1173 : f32 to vector<16xf32>
      %get3A_1175 = arith.index_cast %add3A_1172 : i32 to index
      %get3A_1176 = arith.constant 0 : index
      %get3A_1177 = tpu.vector_load %arg9[%get3A_1175, %get3A_1176] {strides = array<i32>} : memref<80x128xbf16, #tpu.memory_space<vmem>>, vector<32xbf16>,
      %get3A_1178 = arith.index_cast %add3A_1172 : i32 to index
      %get3A_1179 = arith.constant 0 : index
      %get3A_1180 = tpu.vector_load %arg11[%get3A_1178, %get3A_1179] {strides = array<i32>} : memref<80x128xbf16, #tpu.memory_space<vmem>>, vector<32xbf16>,
      %mul3A_1181 = arith.mulf %get3A_1177, %get3A_1180 : vector<32xbf16>
      %bitcast3A_1182 = vector.bitcast %mul3A_1181 : vector<32xbf16> to vector<16xi32>
      %shift_left3A_1183 = arith.constant 16 : i32
      %shift_left3A_1184 = vector.broadcast %shift_left3A_1183 : i32 to vector<16xi32>
      %shift_left3A_1185 = arith.shli %bitcast3A_1182, %shift_left3A_1184 : vector<16xi32>
      %bitcast3A_1186 = vector.bitcast %shift_left3A_1185 : vector<16xi32> to vector<16xf32>
      %add3A_1187 = arith.addf %broadcast_in_dim3A_1174, %bitcast3A_1186 : vector<16xf32>
      %bitcast3A_1188 = vector.bitcast %bitcast3A_1182 : vector<16xi32> to vector<16xf32>
      %add3A_1189 = arith.addf %add3A_1187, %bitcast3A_1188 : vector<16xf32>
      %get3A_1190 = arith.index_cast %add3A_1172 : i32 to index
      %get3A_1191 = arith.constant 32 : index
      %get3A_1192 = tpu.vector_load %arg9[%get3A_1190, %get3A_1191] {strides = array<i32>} : memref<80x128xbf16, #tpu.memory_space<vmem>>, vector<32xbf16>,
      %get3A_1193 = arith.index_cast %add3A_1172 : i32 to index
      %get3A_1194 = arith.constant 32 : index
      %get3A_1195 = tpu.vector_load %arg11[%get3A_1193, %get3A_1194] {strides = array<i32>} : memref<80x128xbf16, #tpu.memory_space<vmem>>, vector<32xbf16>,
      %mul3A_1196 = arith.mulf %get3A_1192, %get3A_1195 : vector<32xbf16>
      %bitcast3A_1197 = vector.bitcast %mul3A_1196 : vector<32xbf16> to vector<16xi32>
      %shift_left3A_1198 = arith.constant 16 : i32
      %shift_left3A_1199 = vector.broadcast %shift_left3A_1198 : i32 to vector<16xi32>
      %shift_left3A_1200 = arith.shli %bitcast3A_1197, %shift_left3A_1199 : vector<16xi32>
      %bitcast3A_1201 = vector.bitcast %shift_left3A_1200 : vector<16xi32> to vector<16xf32>
      %add3A_1202 = arith.addf %add3A_1189, %bitcast3A_1201 : vector<16xf32>
      %bitcast3A_1203 = vector.bitcast %bitcast3A_1197 : vector<16xi32> to vector<16xf32>
      %add3A_1204 = arith.addf %add3A_1202, %bitcast3A_1203 : vector<16xf32>
      %get3A_1205 = arith.index_cast %add3A_1172 : i32 to index
      %get3A_1206 = arith.constant 64 : index
      %get3A_1207 = tpu.vector_load %arg9[%get3A_1205, %get3A_1206] {strides = array<i32>} : memref<80x128xbf16, #tpu.memory_space<vmem>>, vector<32xbf16>,
      %get3A_1208 = arith.index_cast %add3A_1172 : i32 to index
      %get3A_1209 = arith.constant 64 : index
      %get3A_1210 = tpu.vector_load %arg11[%get3A_1208, %get3A_1209] {strides = array<i32>} : memref<80x128xbf16, #tpu.memory_space<vmem>>, vector<32xbf16>,
      %mul3A_1211 = arith.mulf %get3A_1207, %get3A_1210 : vector<32xbf16>
      %bitcast3A_1212 = vector.bitcast %mul3A_1211 : vector<32xbf16> to vector<16xi32>
      %shift_left3A_1213 = arith.constant 16 : i32
      %shift_left3A_1214 = vector.broadcast %shift_left3A_1213 : i32 to vector<16xi32>
      %shift_left3A_1215 = arith.shli %bitcast3A_1212, %shift_left3A_1214 : vector<16xi32>
      %bitcast3A_1216 = vector.bitcast %shift_left3A_1215 : vector<16xi32> to vector<16xf32>
      %add3A_1217 = arith.addf %add3A_1204, %bitcast3A_1216 : vector<16xf32>
      %bitcast3A_1218 = vector.bitcast %bitcast3A_1212 : vector<16xi32> to vector<16xf32>
      %add3A_1219 = arith.addf %add3A_1217, %bitcast3A_1218 : vector<16xf32>
      %get3A_1220 = arith.index_cast %add3A_1172 : i32 to index
      %get3A_1221 = arith.constant 96 : index
      %get3A_1222 = tpu.vector_load %arg9[%get3A_1220, %get3A_1221] {strides = array<i32>} : memref<80x128xbf16, #tpu.memory_space<vmem>>, vector<32xbf16>,
      %get3A_1223 = arith.index_cast %add3A_1172 : i32 to index
      %get3A_1224 = arith.constant 96 : index
      %get3A_1225 = tpu.vector_load %arg11[%get3A_1223, %get3A_1224] {strides = array<i32>} : memref<80x128xbf16, #tpu.memory_space<vmem>>, vector<32xbf16>,
      %mul3A_1226 = arith.mulf %get3A_1222, %get3A_1225 : vector<32xbf16>
      %bitcast3A_1227 = vector.bitcast %mul3A_1226 : vector<32xbf16> to vector<16xi32>
      %shift_left3A_1228 = arith.constant 16 : i32
      %shift_left3A_1229 = vector.broadcast %shift_left3A_1228 : i32 to vector<16xi32>
      %shift_left3A_1230 = arith.shli %bitcast3A_1227, %shift_left3A_1229 : vector<16xi32>
      %bitcast3A_1231 = vector.bitcast %shift_left3A_1230 : vector<16xi32> to vector<16xf32>
      %add3A_1232 = arith.addf %add3A_1219, %bitcast3A_1231 : vector<16xf32>
      %bitcast3A_1233 = vector.bitcast %bitcast3A_1227 : vector<16xi32> to vector<16xf32>
      %add3A_1234 = arith.addf %add3A_1232, %bitcast3A_1233 : vector<16xf32>
      %eq3A_1235 = arith.constant 15 : i32
      %eq3A_1236 = vector.broadcast %eq3A_1235 : i32 to vector<16xi32>
      %eq3A_1237 = arith.cmpi eq, %iota3A, %eq3A_1236 : vector<16xi32>
      %reduce_sum3A_1238 = arith.constant true
      %reduce_sum3A_1239 = vector.broadcast %reduce_sum3A_1238 : i1 to vector<16xi1>
      %reduce_sum3A_1240 = tpu.scan <sum>, %add3A_1234 masked %reduce_sum3A_1239 : vector<16xf32>, vector<16xi1> -> vector<16xf32>
      %reduce_sum3A_1241 = vector.extract %reduce_sum3A_1240[15] : f32 from vector<16xf32>
      %broadcast_in_dim3A_1242 = vector.broadcast %reduce_sum3A_1241 : f32 to vector<16xf32>
      %select_n3A_1243 = arith.select %eq3A_1237, %broadcast_in_dim3A_1242, %select_n3A_1168 : vector<16xi1>, vector<16xf32>
      %mul3A_1244 = arith.constant 16 : i32
      %mul3A_1245 = arith.muli %scan3A_48, %mul3A_1244 : i32
      %swap3A = arith.index_cast %mul3A_1245 : i32 to index
      %swap3A_1246 = tpu.vector_load %arg13[%swap3A] {strides = array<i32>} : memref<80xf32, #tpu.memory_space<vmem>>, vector<16xf32>,
      tpu.vector_store %arg13[%swap3A], %select_n3A_1243 {strides = array<i32>} : memref<80xf32, #tpu.memory_space<vmem>>, vector<16xf32>,
    }
    %scan3A_45 = arith.constant 5 : i32
    %add3A_46 = arith.constant 9920 : i32
    %add3A_47 = arith.addi %mul3A_2, %add3A_46 : i32
    "tpu.region"() ({
      %run_scoped3A = tpu.sem_alloc : memref<!tpu.dma_semaphore, #tpu.memory_space<semaphore_mem>>
      %dma_start3A_48 = tpu.memref_slice %arg5[%add3A_47] : memref<320000xf32, #tpu.memory_space<hbm>> -> memref<80xf32, #tpu.memory_space<hbm>>
      %dma_start3A_49 = tpu.memref_slice %arg5[%add3A_47] : memref<320000xf32, #tpu.memory_space<hbm>> -> memref<80xf32, #tpu.memory_space<hbm>>
      tpu.enqueue_dma source(%arg13 : memref<80xf32, #tpu.memory_space<vmem>>) target(%dma_start3A_49 : memref<80xf32, #tpu.memory_space<hbm>>) target_semaphore(%run_scoped3A : memref<!tpu.dma_semaphore, #tpu.memory_space<semaphore_mem>>)
      %dma_wait3A_50 = tpu.memref_slice %arg5[%add3A_47] : memref<320000xf32, #tpu.memory_space<hbm>> -> memref<80xf32, #tpu.memory_space<hbm>>
      %dma_wait3A_51 = tpu.memref_slice %arg5[%add3A_47] : memref<320000xf32, #tpu.memory_space<hbm>> -> memref<80xf32, #tpu.memory_space<hbm>>
      tpu.wait_dma2 semaphore(%run_scoped3A : memref<!tpu.dma_semaphore, #tpu.memory_space<semaphore_mem>>) src(%arg13 : memref<80xf32, #tpu.memory_space<vmem>>) dst(%dma_wait3A_51 : memref<80xf32, #tpu.memory_space<hbm>>)
      tpu.yield
    }) : () -> ()
    return
  }
}

</mosaic_0001>

<sc_bundles>
// kernel: _score.3.cloned.1.call-start
scs
__scs_entry_jumppad:
0x0: {  	(pc) =	sbr.rel $0x88, $3  }
0x1: {  	(tag) =	ssettag $0x0;
	lr =	simm.s32 $0x1  }
0x2: {  	[smem:$0x3F9E] =	sst lr;
	_ =	strace $0xD0000000  }
0x3: {  	_ = 	snop  }
0x4: {  	_ = 	snop  }
0x5: {  	_ = 	snop  }
0x6: {  	_ = 	snop  }
0x7: {  	_ = 	snop  }
__scs_overlays_trampoline_lowered:
0x8: {  	[smem:$0x3FAD] =	sst s0  }
0x9: {  	[smem:$0x3FAE] =	sst s1  }
0xa: {  	[smem:$0x3FAF] =	sst s2  }
0xb: {  	[smem:$0x3FB0] =	sst s3  }
0xc: {  	[smem:$0x3FB1] =	sst s4  }
0xd: {  	[smem:$0x3FB2] =	sst s5  }
0xe: {  	[smem:$0x3FB3] =	sst s6  }
0xf: {  	[smem:$0x3FB4] =	sst s7  }
0x10: {  	[smem:$0x3FB5] =	sst s8  }
0x11: {  	[smem:$0x3FB6] =	sst s9;
	s0 =	simm.s32 @!p0 $0x0  }
0x12: {  	s1 =	sld [smem:$0x3F9C];
	s0 =	simm.s32 @p0 $0x1  }
0x13: {  	[smem:$0x3FB7] =	sst s0;
	s0 =	simm.s32 @!p1 $0x0  }
0x14: {  	s2 =	sld [smem:$0x3F9B];
	s0 =	simm.s32 @p1 $0x1  }
0x15: {  	[smem:$0x3FB8] =	sst s0;
	s0 =	simm.s32 @!p2 $0x0  }
0x16: {  	s3 =	sld [smem:$0x3FDB];
	s0 =	simm.s32 @p2 $0x1  }
0x17: {  	s4 =	simm.s32 $0x1BF5;
	[smem:$0x3FBA] =	sst s0  }
0x18: {  	s0 =	sld [smem:$0x3F9D];
	_ =	swait.ge [sflag:s4], $0x0  }
0x19: {  	s7 =	sld [smem:$0x3F9E]  }
0x1a: {  	s8 =	sadd.s32 $0xFFFFE003, lr  }
0x1b: {  	s9 =	sadd.s32 $0xFFFFFEF7, lr;
	s5 =	simm.s32 $0xFFFFFFFF;
	p2 =	slt.u32 s8, $0xFFFFF086  }
0x1c: {  	p1 =	slt.u32 s9, $0xF7A;
	s5 =	simm.s32 @!p2 $0x0  }
0x1d: {  	s5 =	simm.s32 @p1 $0x1;
	p0 =	seq.s32 s7, s2  }
0x1e: {  	s7 =	smul.u32 @!p0 $0xF7A, s2;
	p2 =	seq.s32 @!p0 s5, $0x0  }
0x1f: {  	s9 =	smul.u32 $0xF7A, s1;
	s8 =	simm.s32 @!p0 $0x1BF5;
	p2 =	por !p2, p0  }
0x20: {  	[sflag:s8] =	ssyncset.s32 @!p0 $0xFFFFF086;
	s6 =	sadd.s32 @!p0 s3, s7;
	s7 =	simm.s32 @!p0 $0x108  }
0x21: {  	s3 =	sadd.s32 s3, s9;
	s6 =	sadd.s32 @!p0 $0x88, s6;
	s7 =	simm.s32 @p2 $0x1082  }
0x22: {  	[simem:s7], [sflag:s8] =	dma.local @!p0 [hbm:s6], $0xF7A  }
0x23: {  	s9 =	sor.u32 $0xD0000000, s2;
	s6 =	simm.s32 $0x108;
	_ =	swait.ge @!p0 [sflag:s8], $0x0  }
0x24: {  	s3 =	sadd.s32 $0x88, s3;
	s6 =	simm.s32 @!p1 $0x1082;
	[sflag:s4] =	ssyncset.s32 $0xFFFFF086  }
0x25: {  	[simem:s6], [sflag:s4] =	dma.local [hbm:s3], $0xF7A  }
0x26: {  	[smem:$0x3F9E] =	sst s1;
	(tag) =	ssettag s2;
	_ =	strace s9  }
0x27: {  	s1 =	sld [smem:$0x3FAE]  }
0x28: {  	s2 =	sld [smem:$0x3FAF]  }
0x29: {  	s4 =	sld [smem:$0x3FB1]  }
0x2a: {  	p0 =	seq.s32 s5, $0x0;
	s5 =	sld [smem:$0x3FB2]  }
0x2b: {  	s6 =	sld [smem:$0x3FB3]  }
0x2c: {  	s7 =	sld [smem:$0x3FB4]  }
0x2d: {  	s3 =	simm.s32 $0x108;
	s8 =	sld [smem:$0x3FB5]  }
0x2e: {  	s3 =	simm.s32 @!p0 $0x1082;
	s9 =	sld [smem:$0x3FB6]  }
0x2f: {  	lr =	sadd.s32 s0, s3;
	s0 =	sld [smem:$0x3FAD]  }
0x30: {  	s3 =	sld [smem:$0x3FB0]  }
0x31: {  	[smem:$0x3FB9] =	sst s10  }
0x32: {  	s10 =	sld [smem:$0x3FB7];
	_ =	sdelay $0x3  }
0x33: {  	p0 =	seq.s32 s10, $0x1;
	s10 =	sld [smem:$0x3FB9];
	_ =	sdelay $0x3  }
0x34: {  	[smem:$0x3FB9] =	sst s10  }
0x35: {  	s10 =	sld [smem:$0x3FB8];
	_ =	sdelay $0x3  }
0x36: {  	p1 =	seq.s32 s10, $0x1;
	s10 =	sld [smem:$0x3FB9];
	_ =	sdelay $0x3  }
0x37: {  	[smem:$0x3FB9] =	sst s10  }
0x38: {  	s10 =	sld [smem:$0x3FBA]  }
0x39: {  	_ = 	snop;
	(pc) =	sbr.ind lr, $3  }
0x3a: {  	_ = 	snop  }
0x3b: {  	_ = 	snop  }
0x3c: {  	p2 =	seq.s32 s10, $0x1;
	s10 =	sld [smem:$0x3FB9]  }
0x3d: {  	_ =	shalt  }
0x3e: {  	_ =	shalt  }
0x3f: {  	_ =	shalt  }
0x40: {  	_ =	shalt  }
0x41: {  	_ =	shalt  }
0x42: {  	_ =	shalt  }
0x43: {  	_ =	shalt  }
0x44: {  	_ =	shalt  }
0x45: {  	_ =	shalt  }
0x46: {  	_ =	shalt  }
0x47: {  	_ =	shalt  }
0x48: {  	_ =	shalt  }
0x49: {  	_ =	shalt  }
0x4a: {  	_ =	shalt  }
0x4b: {  	_ =	shalt  }
0x4c: {  	_ =	shalt  }
0x4d: {  	_ =	shalt  }
0x4e: {  	_ =	shalt  }
0x4f: {  	_ =	shalt  }
0x50: {  	_ =	shalt  }
0x51: {  	_ =	shalt  }
0x52: {  	_ =	shalt  }
0x53: {  	_ =	shalt  }
0x54: {  	_ =	shalt  }
0x55: {  	_ =	shalt  }
0x56: {  	_ =	shalt  }
0x57: {  	_ =	shalt  }
0x58: {  	_ =	shalt  }
0x59: {  	_ =	shalt  }
0x5a: {  	_ =	shalt  }
0x5b: {  	_ =	shalt  }
0x5c: {  	_ =	shalt  }
0x5d: {  	_ =	shalt  }
0x5e: {  	_ =	shalt  }
0x5f: {  	_ =	shalt  }
0x60: {  	_ =	shalt  }
0x61: {  	_ =	shalt  }
0x62: {  	_ =	shalt  }
0x63: {  	_ =	shalt  }
0x64: {  	_ =	shalt  }
0x65: {  	_ =	shalt  }
0x66: {  	_ =	shalt  }
0x67: {  	_ =	shalt  }
0x68: {  	_ =	shalt  }
0x69: {  	_ =	shalt  }
0x6a: {  	_ =	shalt  }
0x6b: {  	_ =	shalt  }
0x6c: {  	_ =	shalt  }
0x6d: {  	_ =	shalt  }
0x6e: {  	_ =	shalt  }
0x6f: {  	_ =	shalt  }
0x70: {  	_ =	shalt  }
0x71: {  	_ =	shalt  }
0x72: {  	_ =	shalt  }
0x73: {  	_ =	shalt  }
0x74: {  	_ =	shalt  }
0x75: {  	_ =	shalt  }
0x76: {  	_ =	shalt  }
0x77: {  	_ =	shalt  }
0x78: {  	_ =	shalt  }
0x79: {  	_ =	shalt  }
0x7a: {  	_ =	shalt  }
0x7b: {  	_ =	shalt  }
0x7c: {  	_ =	shalt  }
0x7d: {  	_ =	shalt  }
0x7e: {  	_ =	shalt  }
0x7f: {  	_ =	shalt  }
0x80: {  	_ =	shalt  }
0x81: {  	_ =	shalt  }
0x82: {  	_ =	shalt  }
0x83: {  	_ =	shalt  }
0x84: {  	_ =	shalt  }
0x85: {  	_ =	shalt  }
0x86: {  	_ =	shalt  }
0x87: {  	_ =	shalt  }
.Lfunc_end0:
.L_simem_size_0:
called_computation_lowered:
.L_overlay_start_0:
0x88: {  	s2 =	sld [smem:$0x3FD9]  }
0x89: {  	s3 =	sld [smem:$0x3FFE];
	_ =	sdelay $0x1  }
0x8a: {  	s1 =	srdreg.scid  }
0x8b: {  	s0 =	sand.u32 $0x1, s1  }
0x8c: {  	s17 =	sshll.u32 s0, $0xA;
	s2 =	sadd.s32 s3, s2  }
0x8d: {  	s2 =	sadd.s32 s2, s17  }
0x8e: {  	[smem:$0x3FC5] =	sst s2  }
0x8f: {  	_ = 	snop  }
0x90: {  	s2 =	sld [smem:$0x3FC8]  }
0x91: {  	s18 =	sld [smem:$0x3FC7]  }
0x92: {  	s4 =	sld [smem:$0x3FD0];
	(tm) =	ssettm $0x1  }
0x93: {  	s5 =	sld [smem:$0x3FFB];
	_ =	sdelay $0x3  }
0x94: {  	_ =	strace s5  }
0x95: {  	s5 =	sld [smem:$0x3FFC];
	_ =	sdelay $0x3  }
0x96: {  	_ =	strace s5  }
0x97: {  	s5 =	sld [smem:$0x3FFD];
	_ =	sdelay $0x3  }
0x98: {  	_ =	strace s5  }
0x99: {  	_ =	strace $0x8FFFFFFF  }
0x9a: {  	s19 =	sld [smem:$0x3FDB];
	_ =	sdelay $0x1  }
0x9b: {  	s6 =	simm.s32 $_scs_section_size  }
0x9c: {  	s7 =	simm.s32 $_size__tile_overlayer_lowered;
	s8 =	simm.s32 $_tile_overlayer_lowered  }
0x9d: {  	s22 =	simm.s32 $0x1BFF;
	s21 =	sshll.u32 s8, $0x1;
	s5 =	sadd.s32 s6, s19  }
0x9e: {  	s9 =	simm.s32 $0x0;
	s20 =	sshll.u32 s7, $0x1;
	s7 =	sadd.s32 s21, s5  }
0x9f: {  	[timem:s9], [sflag:s22] =	dma.local [hbm:s7], s20  }
0xa0: {  	_ =	swait.ge [sflag:s22], s20  }
0xa1: {  	s6 =	ssub.s32 $0x0, s20;
	[sflag:s22] =	ssyncset.done $0x0  }
0xa2: {  	[sflag:s22] =	ssyncadd.s32 s6;
	_ =	sdelay $0x1  }
0xa3: {  	s23 =	simm.s32 $0x1B8B  }
0xa4: {  	_ =	swait.ge [sflag:s23], $0x1  }
0xa5: {  	[sflag:s23] =	ssyncset.done $0x0  }
0xa6: {  	s25 =	simm.s32 $0x1B8E;
	s24 =	sld [smem:$0x3FFE];
	[sflag:s23] =	ssyncadd.s32 $0xFFFFFFFF  }
0xa7: {  	s26 =	simm.s32 $execute0_lowered;
	[smem:$0x3FD2] =	sst s25  }
0xa8: {  	s7 =	sshll.u32 s26, $0x1;
	_ =	strace $0x80000046;
	[dreg:$0x1] =	wrdreg $0xFFFFFFFF  }
0xa9: {  	s28 =	simm.s32 $_size_execute0_lowered;
	s5 =	sadd.s32 s5, s7;
	[dreg:$0x0] =	wrdreg $0x0  }
0xaa: {  	s7 =	sshll.u32 s28, $0x1;
	[dreg:$0x2] =	wrdreg s5  }
0xab: {  	[dreg:$0x3] =	wrdreg s7  }
0xac: {  	[dreg:$0x4] =	wrdreg $0xC0  }
0xad: {  	_ =	task [dreg:s9], $0x5FFFF  }
0xae: {  	[dreg:$0x1] =	wrdreg $0xFFFFFFFF  }
0xaf: {  	[dreg:$0x0] =	wrdreg $0x60  }
0xb0: {  	[dreg:$0x2] =	wrdreg s24  }
0xb1: {  	[dreg:$0x3] =	wrdreg s2  }
0xb2: {  	[dreg:$0x4] =	wrdreg s18  }
0xb3: {  	[dreg:$0x5] =	wrdreg s4  }
0xb4: {  	[dreg:$0x6] =	wrdreg $0x0  }
0xb5: {  	[dreg:$0x7] =	wrdreg $0x9  }
0xb6: {  	_ =	task.clear_ibuf [dreg:s9], $0x8FFFF;
	_ =	strace $0x90000046  }
0xb7: {  	s29 =	simm.s32 $0x9;
	_ =	strace $0x80000048  }
0xb8: {  	_ =	swait.ge [sflag:s29], $0x1  }
0xb9: {  	[sflag:s29] =	ssyncadd.s32 $0xFFFFFFFF  }
0xba: {  	_ =	strace $0x90000048  }
0xbb: {  	_ =	sfence  }
0xbc: {  	s30 =	sld [smem:$0x0];
	_ =	sdelay $0x2  }
0xbd: {  	s31 =	sshll.u32 s1, $0xD;
	s1 =	sshrl.u32 s1, $0x2  }
0xbe: {  	s3 =	sand.u32 $0x4000, s31;
	s1 =	sadd.s32 s1, s30  }
0xbf: {  	s0 =	sor.u32 s3, s0;
	s1 =	sshll.u32 s1, $0x11  }
0xc0: {  	s0 =	sor.u32 s1, s0  }
0xc1: {  	s0 =	sadd.s32 $0x8F2B, s0  }
0xc2: {  	[sflag:s0] =	ssyncadd.remote.s32 $0x1  }
0xc3: {  	_ =	sfence.sel $0xFFFF  }
0xc4: {  	[dreg:$0x0] =	wrdreg $0xFFFFFFFF;
	(pc) =	sbr.abs _section_cstart, $3  }
0xc5: {  	[dreg:$0x1] =	wrdreg $0xFFFFFFFF  }
0xc6: {  	_ =	task.clear_ibuf [dreg:s9], $0x2FFFF;
	_ =	strace $0x9FFFFFFF  }
0xc7: {  	(tm) =	ssettm $0x7FFFFFFF  }
tec
execute0_lowered:
.L_overlay_start_1:
0x0: {  	(tag) =	ssettag $0x1  }
0x1: {  	s0 =	rddreg [dreg:$0x0]  }
0x2: {  	s1 =	rddreg [dreg:$0x1]  }
0x3: {  	s9 =	rddreg [dreg:$0x2]  }
0x4: {  	s2 =	rddreg [dreg:$0x3]  }
0x5: {  	s3 =	rddreg [dreg:$0x4]  }
0x6: {  	s4 =	simm.s32 $0x0;
	s10 =	stileid.u32;
	s5 =	srdreg.scid  }
0x7: {  	s14 =	simm.s32 $0x5;
	s16 =	simm.s32 $0xC350;
	s17 =	simm.s32 $0x50  }
0x8: {  	s18 =	simm.s32 $0xEA60;
	s19 =	simm.s32 $0x11260;
	s21 =	simm.s32 $0xFE60  }
0x9: {  	s28 =	simm.s32 $0x2;
	s29 =	simm.s32 $0x4;
	s30 =	simm.s32 $0x13AB0  }
0xa: {  	s31 =	simm.s32 $0x0;
	[smem:$0x7FF] =	sst s4;
	s6 =	smul.u32 $0x13880, s10  }
0xb: {  	s5 =	sand.u32 $0x1, s5;
	s8 =	sshll.u32 s10, $0x1;
	s25 =	sshll.u32 s10, $0x6  }
0xc: {  	_ =	strace $0x80000047;
	s23 =	ssub.s32 $0x2, s5;
	s5 =	sor.u32 s5, s8  }
0xd: {  	s7 =	sshrl.u32 s6, $0x4;
	s24 =	sshrl.u32 s23, $0x1;
	s5 =	smul.u32 $0x2710, s5  }
0xe: {  	s6 =	sshrl.u32 s6, $0x1;
	s0 =	sadd.s32 s7, s0;
	s12 =	ssub.s32 s23, s24  }
0xf: {  	vm0 =	vmmov $0x1;
	vm1 =	vmmov $0x3;
	vm2 =	vmmov $0x7;
	s13 =	sadd.s32 s6, s3;
	s7 =	sor.u32 $0x1C05, s25;
	s23 =	simm.s32 $0x12660  }
0x10: {  	vm3 =	vmmov $0xf;
	vm4 =	vmmov $0x1f;
	vm5 =	vmmov $0x3f;
	s24 =	simm.s32 $0x1;
	s25 =	simm.s32 $0x3;
	s6 =	sadd.s32 $0x400, s0  }
0x11: {  	vm6 =	vmmov $0x7f;
	vm7 =	vmmov $0xff;
	vm8 =	vmmov $0x1ff;
	s26 =	sshrl.u32 s5, $0x3;
	s10 =	sadd.s32 $0x50, s5;
	s12 =	smax.u32 s12, $0x1  }
0x12: {  	vm9 =	vmmov $0x3ff;
	vm10 =	vmmov $0x7ff;
	vm11 =	vmmov $0xfff;
	s13 =	sshrl.u32 s13, $0x3;
	s8 =	sadd.s32 s1, s26;
	s0 =	sadd.s32 s2, s26  }
0x13: {  	vm12 =	vmmov $0x1fff;
	vm13 =	vmmov $0x3fff;
	vm14 =	vmmov $0x7fff;
	s9 =	sadd.s32 s9, s26;
	s26 =	simm.s32 $0x13A60;
	s11 =	sadd.s32 $0x4D8, s0  }
.LBB2_1:
0x14: {  	[spmem:s13], [sflag:s7] =	dma.local [hbm:s6], $0x1388  }
0x15: {  	_ =	swait.ge [sflag:s14], $0x1388  }
0x16: {  	[sflag:s14] =	ssyncset.done $0x0  }
0x17: {  	s0 =	simm.s32 $0x9C40;
	[sflag:s14] =	ssyncadd.s32 $0xFFFFEC78  }
0x18: {  	[tilespmem:s0], [sflag:$0x5] =	stream.linear.gather [hbm4b:s8+s4], $0x2710, $0x38;
	[tilespmem:$0x13B00] =	vst v63  }
0x19: {  	_ =	swait.ge [sflag:s14], $0x2710  }
0x1a: {  	[sflag:s14] =	ssyncset.done $0x0  }
0x1b: {  	[sflag:s14] =	ssyncadd.s32 $0xFFFFD8F0  }
0x1c: {  	[tilespmem:s16], [sflag:$0x5] =	stream.linear.gather [hbm4b:s9+s4], $0x2710, $0x38;
	[tilespmem:$0x13B00] =	vst v63  }
0x1d: {  	_ =	swait.ge [sflag:s14], $0x2710  }
0x1e: {  	[sflag:s14] =	ssyncset.done $0x0  }
0x1f: {  	[sflag:s14] =	ssyncadd.s32 $0xFFFFD8F0  }
0x20: {  	[bflag:$0x0] =	sbarrier.arrive $0xFFFF  }
0x21: {  	[tilespmem:s18], [sflag:$0x1] =	stream.indirect.gather [spmem:s3], $0x40, s0, s17, $0xb8;
	[tilespmem:$0x13B00] =	vst v63  }
0x22: {  	_ = 	snop  }
0x23: {  	[tilespmem:s19], [sflag:$0x3] =	stream.indirect.gather [spmem:s3], $0x40, s16, s17, $0xb8;
	[tilespmem:$0x13B00] =	vst v63  }
0x24: {  	s20 =	simm.s32 $0x9C90  }
0x25: {  	[tilespmem:s21], [sflag:$0x2] =	stream.indirect.gather [spmem:s3], $0x40, s20, s17, $0xb8;
	[tilespmem:$0x13B00] =	vst v63  }
0x26: {  	s22 =	simm.s32 $0xC3A0;
	s0 =	simm.s32 $0x0  }
0x27: {  	[tilespmem:s23], [sflag:$0x4] =	stream.indirect.gather [spmem:s3], $0x40, s22, s17, $0xb8;
	[tilespmem:$0x13B00] =	vst v63  }
.LBB2_2:
0x28: {  	_ =	swait.ge [sflag:s24], $0x1400  }
0x29: {  	[sflag:s24] =	ssyncset.done $0x0  }
0x2a: {  	[sflag:s24] =	ssyncadd.s32 $0xFFFFEC00  }
0x2b: {  	_ =	swait.ge [sflag:s25], $0x1400  }
0x2c: {  	[sflag:s25] =	ssyncset.done $0x0  }
0x2d: {  	s1 =	simm.s32 $0x3F0;
	[sflag:s25] =	ssyncadd.s32 $0xFFFFEC00  }
0x2e: {  	v0 =	vld [tilespmem:s1+$0xEA20]  }
0x2f: {  	v1 =	vld [tilespmem:s1+$0x11220]  }
0x30: {  	v2 =	vld [tilespmem:s1+$0xE9A0]  }
0x31: {  	v3 =	vld [tilespmem:s1+$0x111A0]  }
0x32: {  	v4 =	vld [tilespmem:s1+$0xEA10]  }
0x33: {  	v5 =	vld [tilespmem:s1+$0x11210]  }
0x34: {  	v6 =	vld [tilespmem:s1+$0xEA40]  }
0x35: {  	v7 =	vld [tilespmem:s1+$0x11240]  }
0x36: {  	v8 =	vld [tilespmem:s1+$0xE960]  }
0x37: {  	v9 =	vld [tilespmem:s1+$0x11160]  }
0x38: {  	v10 =	vld [tilespmem:s1+$0xE9D0]  }
0x39: {  	v11 =	vld [tilespmem:s1+$0x111D0]  }
0x3a: {  	v12 =	vld [tilespmem:s1+$0xE990]  }
0x3b: {  	v13 =	vld [tilespmem:s1+$0x11190]  }
0x3c: {  	v14 =	vld [tilespmem:s1+$0xEA00]  }
0x3d: {  	v15 =	vld [tilespmem:s1+$0x11200]  }
0x3e: {  	v16 =	vld [tilespmem:s1+$0xEA30]  }
0x3f: {  	v17 =	vld [tilespmem:s1+$0x11230]  }
0x40: {  	v18 =	vld [tilespmem:s1+$0xE8E0]  }
0x41: {  	v19 =	vld [tilespmem:s1+$0x110E0]  }
0x42: {  	v20 =	vld [tilespmem:s1+$0xE950]  }
0x43: {  	v21 =	vld [tilespmem:s1+$0x11150]  }
0x44: {  	v22 =	vld [tilespmem:s1+$0xE9C0]  }
0x45: {  	v23 =	vld [tilespmem:s1+$0x111C0]  }
0x46: {  	v24 =	vld [tilespmem:s1+$0xE8A0]  }
0x47: {  	v25 =	vld [tilespmem:s1+$0x110A0]  }
0x48: {  	v26 =	vld [tilespmem:s1+$0xE910]  }
0x49: {  	v27 =	vld [tilespmem:s1+$0x11110]  }
0x4a: {  	v28 =	vld [tilespmem:s1+$0xE980]  }
0x4b: {  	v29 =	vld [tilespmem:s1+$0x11180]  }
0x4c: {  	v30 =	vld [tilespmem:s1+$0xE9F0]  }
0x4d: {  	v31 =	vld [tilespmem:s1+$0x111F0]  }
0x4e: {  	v32 =	vld [tilespmem:s1+$0xE8D0]  }
0x4f: {  	v33 =	vld [tilespmem:s1+$0x110D0]  }
0x50: {  	v34 =	vld [tilespmem:s1+$0xE940]  }
0x51: {  	v35 =	vld [tilespmem:s1+$0x11140]  }
0x52: {  	v36 =	vld [tilespmem:s1+$0xE9B0]  }
0x53: {  	v37 =	vld [tilespmem:s1+$0x111B0]  }
0x54: {  	v38 =	vld [tilespmem:s1+$0xE820]  }
0x55: {  	v39 =	vld [tilespmem:s1+$0x11020]  }
0x56: {  	v40 =	vld [tilespmem:s1+$0xE890]  }
0x57: {  	v41 =	vld [tilespmem:s1+$0x11090]  }
0x58: {  	v42 =	vld [tilespmem:s1+$0xE900]  }
0x59: {  	v43 =	vld [tilespmem:s1+$0x11100]  }
0x5a: {  	v44 =	vld [tilespmem:s1+$0xE970]  }
0x5b: {  	v45 =	vld [tilespmem:s1+$0x11170]  }
0x5c: {  	v46 =	vld [tilespmem:s1+$0xE7E0]  }
0x5d: {  	v47 =	vld [tilespmem:s1+$0x10FE0]  }
0x5e: {  	v48 =	vld [tilespmem:s1+$0xE850]  }
0x5f: {  	v49 =	vld [tilespmem:s1+$0x11050]  }
0x60: {  	v50 =	vld [tilespmem:s1+$0xE8C0]  }
0x61: {  	v51 =	vld [tilespmem:s1+$0x110C0]  }
0x62: {  	v52 =	vld [tilespmem:s1+$0xE930]  }
0x63: {  	v53 =	vld [tilespmem:s1+$0x11130];
	v30 =	vmul.bf16 v31, v30;
	v31 =	vmul.bf16 v1, v0  }
0x64: {  	v54 =	vld [tilespmem:s1+$0xE810];
	v56 =	vmul.bf16 v3, v2;
	v5 =	vmul.bf16 v5, v4  }
0x65: {  	v55 =	vld [tilespmem:s1+$0x11010];
	v3 =	vmul.bf16 v15, v14;
	v4 =	vmul.bf16 v17, v16  }
0x66: {  	v57 =	vld [tilespmem:s1+$0xE880];
	v15 =	vmul.bf16 v9, v8;
	v16 =	vmul.bf16 v19, v18  }
0x67: {  	v59 =	vld [tilespmem:s1+$0x11080];
	v20 =	vmul.bf16 v21, v20;
	v17 =	vmul.bf16 v25, v24  }
0x68: {  	v61 =	vld [tilespmem:s1+$0xE8F0];
	v25 =	vmul.bf16 v53, v52;
	v34 =	vmul.bf16 v35, v34  }
0x69: {  	v62 =	vld [tilespmem:s1+$0x10F60];
	v32 =	vmul.bf16 v33, v32;
	v33 =	vmul.bf16 v39, v38;
	v0 =	vshll.u32 v30, $0x10  }
0x6a: {  	v14 =	vld [tilespmem:s1+$0x110F0];
	v38 =	vmul.bf16 v41, v40;
	v41 =	vmul.bf16 v47, v46;
	v1 =	vadd.f32 $0.0e+00, v0  }
0x6b: {  	v19 =	vld [tilespmem:s1+$0x10FD0];
	v58 =	vshll.u32 v31, $0x10;
	v60 =	vshll.u32 v56, $0x10;
	v8 =	vshll.u32 v3, $0x10  }
0x6c: {  	v21 =	vld [tilespmem:s1+$0x11040];
	v9 =	vshll.u32 v4, $0x10;
	v0 =	vmul.bf16 v7, v6;
	v7 =	vadd.f32 v30, v1  }
0x6d: {  	v24 =	vld [tilespmem:s1+$0x110B0];
	v18 =	vshll.u32 v15, $0x10;
	v39 =	vshll.u32 v33, $0x10;
	v1 =	vmul.bf16 v11, v10  }
0x6e: {  	v52 =	vld [tilespmem:s1+$0x10F20];
	v7 =	vadd.f32 v8, v7;
	v8 =	vadd.f32 $0.0e+00, v9;
	v9 =	vmul.bf16 v45, v44  }
0x6f: {  	v53 =	vld [tilespmem:s1+$0xE790];
	v40 =	vshll.u32 v38, $0x10;
	v10 =	vmul.bf16 v13, v12;
	v14 =	vmul.bf16 v14, v61  }
0x70: {  	v13 =	vld [tilespmem:s1+$0xE7D0];
	v7 =	vadd.f32 v3, v7;
	v3 =	vadd.f32 v4, v8;
	v4 =	vshll.u32 v9, $0x10  }
0x71: {  	v46 =	vld [tilespmem:s1+$0xE7C0];
	v47 =	vshll.u32 v41, $0x10;
	v6 =	vshll.u32 v5, $0x10;
	v8 =	vadd.f32 $0.0e+00, v4  }
0x72: {  	v44 =	vld [tilespmem:s1+$0xE840];
	v61 =	vshll.u32 v14, $0x10;
	v6 =	vadd.f32 v6, v7;
	v7 =	vmul.bf16 v29, v28  }
0x73: {  	v30 =	vld [tilespmem:s1+$0xE760];
	v11 =	vshll.u32 v25, $0x10;
	v35 =	vadd.f32 $0.0e+00, v61;
	v8 =	vadd.f32 v9, v8  }
0x74: {  	v4 =	vmul.bf16 v23, v22;
	v22 =	vld [tilespmem:s1+$0xE8B0];
	v5 =	vadd.f32 v5, v6;
	v9 =	vshll.u32 v7, $0x10  }
0x75: {  	v19 =	vmul.bf16 v19, v13;
	v13 =	vadd.f32 v14, v35;
	v35 =	vld [tilespmem:s1+$0xE710];
	v8 =	vadd.f32 v9, v8  }
0x76: {  	v28 =	vld [tilespmem:s1+$0xE720];
	v9 =	vadd.f32 v58, v5;
	v5 =	vmul.bf16 v27, v26;
	v26 =	vadd.f32 $0.0e+00, v11  }
0x77: {  	v14 =	vmul.bf16 v21, v44;
	v21 =	vld [tilespmem:s1+$0xE780];
	v27 =	vmul.bf16 v37, v36;
	v7 =	vadd.f32 v7, v8  }
0x78: {  	v12 =	vshll.u32 v10, $0x10;
	v36 =	vld [tilespmem:s1+$0x10F90];
	v11 =	vadd.f32 v31, v9;
	v8 =	vadd.f32 v25, v26  }
0x79: {  	v58 =	vld [tilespmem:s1+$0xE870];
	v9 =	vshll.u32 v27, $0x10;
	v26 =	vshll.u32 v34, $0x10;
	v7 =	vadd.f32 v12, v7  }
0x7a: {  	v22 =	vmul.bf16 v24, v22;
	v24 =	vld [tilespmem:s1+$0xE750];
	v9 =	vadd.f32 $0.0e+00, v9;
	v12 =	vadd.f32 v26, v8  }
0x7b: {  	v45 =	vshll.u32 v16, $0x10;
	v23 =	vshll.u32 v20, $0x10;
	v26 =	vld [tilespmem:s1+$0x11070];
	v10 =	vadd.f32 v10, v7  }
0x7c: {  	v30 =	vmul.bf16 v62, v30;
	v31 =	vld [tilespmem:s1+$0xE800];
	v7 =	vadd.f32 v27, v9;
	v9 =	vadd.f32 v34, v12  }
0x7d: {  	v29 =	vshll.u32 v17, $0x10;
	v6 =	vshll.u32 v4, $0x10;
	v25 =	vld [tilespmem:s1+$0x11000];
	v63 =	vshll.u32 v22, $0x10  }
0x7e: {  	v8 =	vmul.bf16 v43, v42;
	v43 =	vmul.bf16 v51, v50;
	v50 =	vld [tilespmem:s1+$0x10FC0];
	v9 =	vadd.f32 v23, v9  }
0x7f: {  	v37 =	vshll.u32 v32, $0x10;
	v28 =	vmul.bf16 v52, v28;
	v42 =	vadd.f32 $0.0e+00, v63;
	v63 =	vld [tilespmem:s1+$0xE7B0]  }
0x80: {  	v51 =	vmul.bf16 v59, v57;
	v27 =	vld [tilespmem:s1+$0xE6A0];
	v26 =	vmul.bf16 v26, v58;
	v20 =	vadd.f32 v20, v9  }
0x81: {  	v36 =	vmul.bf16 v36, v53;
	v22 =	vadd.f32 v22, v42;
	v9 =	vmul.bf16 v49, v48;
	v48 =	vld [tilespmem:s1+$0xE7F0]  }
0x82: {  	v12 =	vadd.f32 v60, v10;
	v60 =	vshll.u32 v26, $0x10;
	v18 =	vadd.f32 v18, v20;
	v20 =	vld [tilespmem:s1+$0x10FF0]  }
0x83: {  	v34 =	vld [tilespmem:s1+$0x10EA0];
	v42 =	vmul.bf16 v55, v54;
	v10 =	vshll.u32 v8, $0x10;
	v49 =	vadd.f32 $0.0e+00, v60  }
0x84: {  	v59 =	vshll.u32 v51, $0x10;
	v55 =	vld [tilespmem:s1+$0xE740];
	v6 =	vadd.f32 v6, v7;
	v10 =	vadd.f32 v10, v13  }
0x85: {  	v58 =	vshll.u32 v43, $0x10;
	v15 =	vadd.f32 v15, v18;
	v18 =	vld [tilespmem:s1+$0x10FB0];
	v26 =	vadd.f32 v26, v49  }
0x86: {  	v25 =	vmul.bf16 v25, v31;
	v31 =	vld [tilespmem:s1+$0x10F40];
	v12 =	vadd.f32 v56, v12;
	v22 =	vadd.f32 v58, v22  }
0x87: {  	v52 =	vld [tilespmem:s1+$0xE700];
	v46 =	vmul.bf16 v50, v46;
	v26 =	vadd.f32 v59, v26;
	v20 =	vmul.bf16 v20, v48  }
0x88: {  	v23 =	vld [tilespmem:s1+$0x10F50];
	v56 =	vshll.u32 v42, $0x10;
	v57 =	vshll.u32 v25, $0x10;
	v22 =	vadd.f32 v43, v22  }
0x89: {  	v54 =	vld [tilespmem:s1+$0xE830];
	v50 =	vshll.u32 v46, $0x10;
	v26 =	vadd.f32 v51, v26;
	v61 =	vshll.u32 v20, $0x10  }
0x8a: {  	v58 =	vld [tilespmem:s1+$0x10F00];
	v22 =	vadd.f32 v37, v22;
	v62 =	vmul.bf16 v18, v63;
	v44 =	vadd.f32 $0.0e+00, v61  }
0x8b: {  	v27 =	vmul.bf16 v34, v27;
	v60 =	vld [tilespmem:s1+$0x11030];
	v31 =	vmul.bf16 v31, v55;
	v26 =	vadd.f32 v40, v26  }
0x8c: {  	v37 =	vld [tilespmem:s1+$0x10F10];
	v22 =	vadd.f32 v32, v22;
	v63 =	vshll.u32 v62, $0x10;
	v20 =	vadd.f32 v20, v44  }
0x8d: {  	v23 =	vmul.bf16 v23, v24;
	v32 =	vld [tilespmem:s1+$0x10F80];
	v40 =	vadd.f32 $0.0e+00, v63;
	v26 =	vadd.f32 v38, v26  }
0x8e: {  	v49 =	vshll.u32 v19, $0x10;
	v59 =	vld [tilespmem:s1+$0xE730];
	v22 =	vadd.f32 v45, v22;
	v20 =	vadd.f32 v57, v20  }
0x8f: {  	v48 =	vshll.u32 v30, $0x10;
	v40 =	vadd.f32 v62, v40;
	v26 =	vadd.f32 v29, v26;
	v29 =	vld [tilespmem:s1+$0x10F30]  }
0x90: {  	v51 =	vshll.u32 v31, $0x10;
	v61 =	vld [tilespmem:s1+$0x10EF0];
	v20 =	vadd.f32 v25, v20;
	v25 =	vmul.bf16 v60, v54  }
0x91: {  	v18 =	vshll.u32 v14, $0x10;
	v35 =	vmul.bf16 v37, v35;
	v63 =	vld [tilespmem:s1+$0x10E70];
	v40 =	vadd.f32 v50, v40  }
0x92: {  	v17 =	vadd.f32 v17, v26;
	v26 =	vld [tilespmem:s1+$0xE6F0];
	v20 =	vadd.f32 v56, v20;
	v24 =	vshll.u32 v25, $0x10  }
0x93: {  	v37 =	vshll.u32 v23, $0x10;
	v62 =	vld [tilespmem:s1+$0x10F70];
	v40 =	vadd.f32 v46, v40;
	v24 =	vadd.f32 $0.0e+00, v24  }
0x94: {  	v16 =	vadd.f32 v16, v22;
	v60 =	vld [tilespmem:s1+$0xE770];
	v29 =	vmul.bf16 v29, v59;
	v20 =	vadd.f32 v42, v20  }
0x95: {  	v22 =	vshll.u32 v28, $0x10;
	v40 =	vadd.f32 v49, v40;
	v24 =	vadd.f32 v25, v24;
	v25 =	vld [tilespmem:s1+$0xE670]  }
0x96: {  	v21 =	vmul.bf16 v32, v21;
	v32 =	vld [tilespmem:s1+$0xE680];
	v49 =	vshll.u32 v29, $0x10;
	v20 =	vadd.f32 v39, v20  }
0x97: {  	v26 =	vmul.bf16 v61, v26;
	v19 =	vadd.f32 v19, v40;
	v40 =	vld [tilespmem:s1+$0xE6B0];
	v50 =	vadd.f32 $0.0e+00, v49  }
0x98: {  	v45 =	vshll.u32 v35, $0x10;
	v38 =	vmul.bf16 v58, v52;
	v20 =	vadd.f32 v33, v20;
	v33 =	vld [tilespmem:s1+$0x10EB0]  }
0x99: {  	v52 =	vld [tilespmem:s1+$0x10E80];
	v54 =	vmul.bf16 v62, v60;
	v53 =	vshll.u32 v26, $0x10;
	v29 =	vadd.f32 v29, v50  }
0x9a: {  	v55 =	vld [tilespmem:s1+$0xE690];
	v58 =	vshll.u32 v38, $0x10;
	v56 =	vadd.f32 $0.0e+00, v53;
	v25 =	vmul.bf16 v63, v25  }
0x9b: {  	v57 =	vld [tilespmem:s1+$0xE6C0];
	v59 =	vshll.u32 v54, $0x10;
	v18 =	vadd.f32 v18, v24;
	v29 =	vadd.f32 v51, v29  }
0x9c: {  	v61 =	vld [tilespmem:s1+$0x10EC0];
	v39 =	vadd.f32 $0.0e+00, v59;
	v26 =	vadd.f32 v26, v56;
	v60 =	vshll.u32 v25, $0x10  }
0x9d: {  	v63 =	vld [tilespmem:s1+$0x10E90];
	v29 =	vadd.f32 v31, v29;
	v62 =	vadd.f32 $0.0e+00, v60;
	v33 =	vmul.bf16 v33, v40  }
0x9e: {  	v44 =	vadd.f32 v54, v39;
	v31 =	vmul.bf16 v52, v32;
	v26 =	vadd.f32 v58, v26  }
0x9f: {  	v50 =	vld [tilespmem:s1+$0xE6D0];
	v29 =	vadd.f32 v37, v29;
	v25 =	vadd.f32 v25, v62;
	v46 =	vshll.u32 v33, $0x10  }
0xa0: {  	v52 =	vld [tilespmem:s1+$0x10ED0];
	v51 =	vshll.u32 v31, $0x10;
	v26 =	vadd.f32 v38, v26;
	v34 =	vadd.f32 $0.0e+00, v46  }
0xa1: {  	v53 =	vmul.bf16 v61, v57;
	v23 =	vadd.f32 v23, v29;
	v25 =	vadd.f32 v51, v25  }
0xa2: {  	v29 =	vmul.bf16 v63, v55;
	v26 =	vadd.f32 v45, v26;
	v33 =	vadd.f32 v33, v34  }
0xa3: {  	v54 =	vld [tilespmem:s1+$0xE6E0];
	v23 =	vadd.f32 v48, v23;
	v25 =	vadd.f32 v31, v25;
	v31 =	vshll.u32 v53, $0x10  }
0xa4: {  	v56 =	vld [tilespmem:s1+$0x10EE0];
	v55 =	vshll.u32 v29, $0x10;
	v26 =	vadd.f32 v35, v26;
	v31 =	vadd.f32 v31, v33  }
0xa5: {  	v57 =	vmul.bf16 v52, v50;
	v23 =	vadd.f32 v30, v23;
	v25 =	vadd.f32 v55, v25  }
0xa6: {  	(xrf2) =	vadd.scan.msk.f32 $0xffff, v11;
	v22 =	vadd.f32 v22, v26;
	v26 =	vshll.u32 v21, $0x10;
	v30 =	vld [tilespmem:s1+$0xE7A0];
	v11 =	vadd.f32 v53, v31  }
0xa7: {  	(xrf2) =	vadd.scan.msk.f32 $0xffff, v12;
	v26 =	vadd.f32 v26, v44;
	v12 =	vadd.f32 v29, v25;
	v25 =	vshll.u32 v57, $0x10;
	v29 =	vld [tilespmem:s1+$0x10FA0]  }
0xa8: {  	(xrf2) =	vadd.scan.msk.f32 $0xffff, v15;
	v15 =	vshll.u32 v27, $0x10;
	v19 =	vadd.f32 v47, v19;
	v11 =	vadd.f32 v25, v11  }
0xa9: {  	(xrf2) =	vadd.scan.msk.f32 $0xffff, v16;
	v24 =	vld [tilespmem:s1+$0x11060];
	v16 =	vadd.f32 v21, v26;
	v12 =	vadd.f32 v15, v12;
	v15 =	vmul.bf16 v56, v54  }
0xaa: {  	(xrf2) =	vadd.scan.msk.f32 $0xffff, v17;
	v17 =	vshll.u32 v36, $0x10;
	v19 =	vadd.f32 v41, v19;
	v21 =	vld [tilespmem:s1+$0xE860];
	v11 =	vadd.f32 v57, v11  }
0xab: {  	v14 =	vadd.f32 v14, v18;
	(xrf2) =	vadd.scan.msk.f32 $0xffff, v20;
	v16 =	vadd.f32 v17, v16;
	v20 =	vshll.u32 v15, $0x10  }
0xac: {  	v13 =	vld [tilespmem:s1+$0x11120];
	(xrf2) =	vadd.scan.msk.f32 $0xffff, v19;
	v22 =	vadd.f32 v28, v22;
	v11 =	vadd.f32 v20, v11;
	v19 =	vmul.bf16 v29, v30  }
0xad: {  	v18 =	vld [tilespmem:s1+$0xE920];
	(xrf2) =	vadd.scan.msk.f32 $0xffff, v23;
	v12 =	vadd.f32 v27, v12;
	v16 =	vadd.f32 v36, v16;
	v20 =	vshll.u32 v9, $0x10  }
0xae: {  	(xrf2) =	vadd.scan.msk.f32 $0xffff, v22;
	v14 =	vadd.f32 v20, v14;
	v11 =	vadd.f32 v15, v11;
	v15 =	vshll.u32 v19, $0x10  }
0xaf: {  	v7 =	vld [tilespmem:s1+$0x111E0];
	v8 =	vadd.f32 v8, v10;
	(xrf2) =	vadd.scan.msk.f32 $0xffff, v12;
	v12 =	vadd.f32 v15, v16;
	v15 =	vmul.bf16 v24, v21  }
0xb0: {  	v2 =	vshll.u32 v0, $0x10;
	v10 =	vld [tilespmem:s1+$0xE9E0];
	v9 =	vadd.f32 v9, v14;
	v14 =	vshll.u32 v5, $0x10  }
0xb1: {  	v16, _, _ =	vpop (xrf2);
	(xrf2) =	vadd.scan.msk.f32 $0xffff, v11;
	v8 =	vadd.f32 v14, v8;
	v12 =	vadd.f32 v19, v12;
	v19 =	vshll.u32 v15, $0x10  }
0xb2: {  	v2 =	vadd.f32 v2, v3;
	v13 =	vmul.bf16 v13, v18;
	v11, _, _ =	vpop (xrf2);
	v9 =	vadd.f32 v19, v9  }
0xb3: {  	v4 =	vadd.f32 v4, v6;
	v5 =	vadd.f32 v5, v8;
	v14, _, _ =	vpop (xrf2)  }
0xb4: {  	v17 =	vld [tilespmem:s1+$0xEA50];
	v8 =	vshll.u32 v1, $0x10;
	v6, _, _ =	vpop (xrf2);
	v9 =	vadd.f32 v15, v9;
	v15 =	vshll.u32 v13, $0x10  }
0xb5: {  	v7 =	vmul.bf16 v7, v10;
	v20 =	vld [tilespmem:s1+$0x11250];
	(xrf2) =	vadd.scan.msk.f32 $0xffff, v12;
	v4 =	vadd.f32 v8, v4;
	v12, _, _ =	vpop (xrf2);
	v5 =	vadd.f32 v15, v5  }
0xb6: {  	v18, _, _ =	vpop (xrf2)  }
0xb7: {  	v1 =	vadd.f32 v1, v4;
	v15, _, _ =	vpop (xrf2);
	v4 =	vadd.f32 v13, v5;
	v5 =	vshll.u32 v7, $0x10  }
0xb8: {  	v3 =	vld [tilespmem:s1+$0xEA60];
	v0 =	vadd.f32 v0, v2;
	v2, _, _ =	vpop (xrf2)  }
0xb9: {  	v8 =	vld [tilespmem:s1+$0x11260];
	v13, _, _ =	vpop (xrf2)  }
0xba: {  	v10 =	vmul.bf16 v20, v17;
	(xrf2) =	vadd.scan.msk.f32 $0xffff, v9;
	v1 =	vadd.f32 v5, v1;
	v5, _, _ =	vpop (xrf2)  }
0xbb: {  	(xrf2) =	vadd.scan.msk.f32 $0xffff, v4;
	v4, _, _ =	vpop (xrf2)  }
0xbc: {  	v9 =	vshll.u32 v10, $0x10;
	v4 =	vbroadcast v4, $0xF  }
0xbd: {  	v0 =	vadd.f32 v9, v0  }
0xbe: {  	v3 =	vmul.bf16 v8, v3;
	v1 =	vadd.f32 v7, v1;
	v5 =	vbroadcast v5, $0xF  }
0xbf: {  	v0 =	vadd.f32 v10, v0  }
0xc0: {  	v7 =	vshll.u32 v3, $0x10;
	(xrf2) =	vadd.scan.msk.f32 $0xffff, v1;
	v1 =	vsel vm0, v5, v4;
	v4, _, _ =	vpop (xrf2)  }
0xc1: {  	v8 =	vbroadcast v13, $0xF;
	v0 =	vadd.f32 v7, v0;
	v4 =	vbroadcast v4, $0xF  }
0xc2: {  	v2 =	vbroadcast v2, $0xF  }
0xc3: {  	v0 =	vadd.f32 v3, v0;
	v1 =	vsel vm1, v1, v8  }
0xc4: {  	v3 =	vbroadcast v18, $0xF;
	v1 =	vsel vm2, v1, v2;
	v2 =	vbroadcast v15, $0xF  }
0xc5: {  	v1 =	vsel vm3, v1, v4;
	v4, _, _ =	vpop (xrf2)  }
0xc6: {  	(xrf2) =	vadd.scan.msk.f32 $0xffff, v0;
	v0 =	vsel vm4, v1, v2;
	v1 =	vbroadcast v4, $0xF  }
0xc7: {  	v2 =	vbroadcast v12, $0xF;
	v0 =	vsel vm5, v0, v3  }
0xc8: {  	v3, _, _ =	vpop (xrf2);
	v0 =	vsel vm6, v0, v1;
	v1 =	vbroadcast v6, $0xF  }
0xc9: {  	v0 =	vsel vm7, v0, v2;
	v2 =	vbroadcast v3, $0xF  }
0xca: {  	v0 =	vsel vm8, v0, v1;
	v1 =	vbroadcast v14, $0xF  }
0xcb: {  	v3, _, _ =	vpop (xrf2);
	v0 =	vsel vm9, v0, v2  }
0xcc: {  	v2 =	vbroadcast v11, $0xF;
	v0 =	vsel vm10, v0, v1;
	v1 =	vbroadcast v3, $0xF;
	_ =	sdelay $0x1  }
0xcd: {  	v0 =	vsel vm11, v0, v2;
	v2 =	vbroadcast v16, $0xF  }
0xce: {  	v0 =	vsel vm12, v0, v1  }
0xcf: {  	v0 =	vsel vm13, v0, v2;
	v1, _, _ =	vpop (xrf2)  }
0xd0: {  	s20 =	simm.s32 $0x13A60;
	v0 =	vsel vm14, v0, v1  }
0xd1: {  	s1 =	simm.s32 $0x7F0;
	[tilespmem:s20+$0x0] =	vst v0  }
0xd2: {  	v0 =	vld [tilespmem:s1+$0xEA20]  }
0xd3: {  	v1 =	vld [tilespmem:s1+$0x11220]  }
0xd4: {  	v2 =	vld [tilespmem:s1+$0xE9A0]  }
0xd5: {  	v3 =	vld [tilespmem:s1+$0x111A0]  }
0xd6: {  	v4 =	vld [tilespmem:s1+$0xEA10]  }
0xd7: {  	v5 =	vld [tilespmem:s1+$0x11210]  }
0xd8: {  	v6 =	vld [tilespmem:s1+$0xEA40]  }
0xd9: {  	v7 =	vld [tilespmem:s1+$0x11240]  }
0xda: {  	v8 =	vld [tilespmem:s1+$0xE960]  }
0xdb: {  	v9 =	vld [tilespmem:s1+$0x11160]  }
0xdc: {  	v10 =	vld [tilespmem:s1+$0xE9D0]  }
0xdd: {  	v11 =	vld [tilespmem:s1+$0x111D0]  }
0xde: {  	v12 =	vld [tilespmem:s1+$0xE990]  }
0xdf: {  	v13 =	vld [tilespmem:s1+$0x11190]  }
0xe0: {  	v14 =	vld [tilespmem:s1+$0xEA00]  }
0xe1: {  	v15 =	vld [tilespmem:s1+$0x11200]  }
0xe2: {  	v16 =	vld [tilespmem:s1+$0xEA30]  }
0xe3: {  	v17 =	vld [tilespmem:s1+$0x11230]  }
0xe4: {  	v18 =	vld [tilespmem:s1+$0xE8E0]  }
0xe5: {  	v19 =	vld [tilespmem:s1+$0x110E0]  }
0xe6: {  	v20 =	vld [tilespmem:s1+$0xE950]  }
0xe7: {  	v21 =	vld [tilespmem:s1+$0x11150]  }
0xe8: {  	v22 =	vld [tilespmem:s1+$0xE9C0]  }
0xe9: {  	v23 =	vld [tilespmem:s1+$0x111C0]  }
0xea: {  	v24 =	vld [tilespmem:s1+$0xE8A0]  }
0xeb: {  	v25 =	vld [tilespmem:s1+$0x110A0]  }
0xec: {  	v26 =	vld [tilespmem:s1+$0xE910]  }
0xed: {  	v27 =	vld [tilespmem:s1+$0x11110]  }
0xee: {  	v28 =	vld [tilespmem:s1+$0xE980]  }
0xef: {  	v29 =	vld [tilespmem:s1+$0x11180]  }
0xf0: {  	v30 =	vld [tilespmem:s1+$0xE9F0]  }
0xf1: {  	v31 =	vld [tilespmem:s1+$0x111F0]  }
0xf2: {  	v32 =	vld [tilespmem:s1+$0xE8D0]  }
0xf3: {  	v33 =	vld [tilespmem:s1+$0x110D0]  }
0xf4: {  	v34 =	vld [tilespmem:s1+$0xE940]  }
0xf5: {  	v35 =	vld [tilespmem:s1+$0x11140]  }
0xf6: {  	v36 =	vld [tilespmem:s1+$0xE9B0]  }
0xf7: {  	v37 =	vld [tilespmem:s1+$0x111B0]  }
0xf8: {  	v38 =	vld [tilespmem:s1+$0xE820]  }
0xf9: {  	v39 =	vld [tilespmem:s1+$0x11020]  }
0xfa: {  	v40 =	vld [tilespmem:s1+$0xE890]  }
0xfb: {  	v41 =	vld [tilespmem:s1+$0x11090]  }
0xfc: {  	v42 =	vld [tilespmem:s1+$0xE900]  }
0xfd: {  	v43 =	vld [tilespmem:s1+$0x11100]  }
0xfe: {  	v44 =	vld [tilespmem:s1+$0xE970]  }
0xff: {  	v45 =	vld [tilespmem:s1+$0x11170]  }
0x100: {  	v46 =	vld [tilespmem:s1+$0xE7E0]  }
0x101: {  	v47 =	vld [tilespmem:s1+$0x10FE0]  }
0x102: {  	v48 =	vld [tilespmem:s1+$0xE850]  }
0x103: {  	v49 =	vld [tilespmem:s1+$0x11050]  }
0x104: {  	v50 =	vld [tilespmem:s1+$0xE8C0]  }
0x105: {  	v51 =	vld [tilespmem:s1+$0x110C0]  }
0x106: {  	v52 =	vld [tilespmem:s1+$0xE930]  }
0x107: {  	v53 =	vld [tilespmem:s1+$0x11130];
	v30 =	vmul.bf16 v31, v30  }
0x108: {  	v54 =	vld [tilespmem:s1+$0xE810];
	v31 =	vmul.bf16 v1, v0;
	v56 =	vmul.bf16 v3, v2  }
0x109: {  	v55 =	vld [tilespmem:s1+$0x11010];
	v5 =	vmul.bf16 v5, v4;
	v3 =	vmul.bf16 v15, v14  }
0x10a: {  	v57 =	vld [tilespmem:s1+$0xE880];
	v4 =	vmul.bf16 v17, v16;
	v16 =	vmul.bf16 v9, v8  }
0x10b: {  	v59 =	vld [tilespmem:s1+$0x11080];
	v17 =	vmul.bf16 v19, v18;
	v19 =	vmul.bf16 v21, v20  }
0x10c: {  	v61 =	vld [tilespmem:s1+$0xE8F0];
	v21 =	vmul.bf16 v25, v24;
	v24 =	vmul.bf16 v53, v52;
	v0 =	vshll.u32 v30, $0x10  }
0x10d: {  	v62 =	vld [tilespmem:s1+$0xE760];
	v34 =	vmul.bf16 v35, v34;
	v32 =	vmul.bf16 v33, v32;
	v1 =	vadd.f32 $0.0e+00, v0  }
0x10e: {  	v63 =	vld [tilespmem:s1+$0x11040];
	v58 =	vshll.u32 v31, $0x10;
	v60 =	vshll.u32 v56, $0x10;
	v0 =	vmul.bf16 v7, v6  }
0x10f: {  	v14 =	vld [tilespmem:s1+$0x110F0];
	v8 =	vshll.u32 v3, $0x10;
	v9 =	vshll.u32 v4, $0x10;
	v7 =	vadd.f32 v30, v1  }
0x110: {  	v18 =	vld [tilespmem:s1+$0x10FD0];
	v35 =	vshll.u32 v32, $0x10;
	v6 =	vshll.u32 v5, $0x10;
	v2 =	vshll.u32 v0, $0x10  }
0x111: {  	v20 =	vld [tilespmem:s1+$0xE8B0];
	v7 =	vadd.f32 v8, v7;
	v8 =	vadd.f32 $0.0e+00, v9;
	v9 =	vmul.bf16 v45, v44  }
0x112: {  	v25 =	vld [tilespmem:s1+$0xE720];
	v1 =	vmul.bf16 v11, v10;
	v10 =	vmul.bf16 v13, v12;
	v13 =	vshll.u32 v16, $0x10  }
0x113: {  	v52 =	vld [tilespmem:s1+$0x10F20];
	v7 =	vadd.f32 v3, v7;
	v3 =	vadd.f32 v4, v8;
	v4 =	vshll.u32 v9, $0x10  }
0x114: {  	v53 =	vld [tilespmem:s1+$0xE790];
	v30 =	vmul.bf16 v39, v38;
	v15 =	vshll.u32 v10, $0x10;
	v8 =	vadd.f32 $0.0e+00, v4  }
0x115: {  	v33 =	vld [tilespmem:s1+$0xE700];
	v45 =	vshll.u32 v17, $0x10;
	v6 =	vadd.f32 v6, v7;
	v7 =	vmul.bf16 v29, v28  }
0x116: {  	v11 =	vld [tilespmem:s1+$0x10F60];
	v38 =	vshll.u32 v30, $0x10;
	v4 =	vmul.bf16 v23, v22;
	v8 =	vadd.f32 v9, v8  }
0x117: {  	v12 =	vld [tilespmem:s1+$0xE7D0];
	v22 =	vshll.u32 v19, $0x10;
	v5 =	vadd.f32 v5, v6;
	v9 =	vshll.u32 v7, $0x10  }
0x118: {  	v23 =	vld [tilespmem:s1+$0x110B0];
	v29 =	vshll.u32 v21, $0x10;
	v28 =	vshll.u32 v24, $0x10;
	v8 =	vadd.f32 v9, v8  }
0x119: {  	v39 =	vld [tilespmem:s1+$0x10EA0];
	v9 =	vadd.f32 v58, v5;
	v5 =	vmul.bf16 v27, v26;
	v26 =	vadd.f32 $0.0e+00, v28  }
0x11a: {  	v44 =	vld [tilespmem:s1+$0xE840];
	v6 =	vshll.u32 v4, $0x10;
	v27 =	vmul.bf16 v37, v36;
	v7 =	vadd.f32 v7, v8  }
0x11b: {  	v58 =	vld [tilespmem:s1+$0xE870];
	v37 =	vmul.bf16 v41, v40;
	v28 =	vadd.f32 v31, v9;
	v8 =	vadd.f32 v24, v26  }
0x11c: {  	v31 =	vld [tilespmem:s1+$0xE800];
	v9 =	vshll.u32 v27, $0x10;
	v26 =	vshll.u32 v34, $0x10;
	v7 =	vadd.f32 v15, v7  }
0x11d: {  	v23 =	vmul.bf16 v23, v20;
	v24 =	vld [tilespmem:s1+$0x11000];
	v9 =	vadd.f32 $0.0e+00, v9;
	v15 =	vadd.f32 v26, v8  }
0x11e: {  	v26 =	vld [tilespmem:s1+$0x11070];
	v8 =	vmul.bf16 v43, v42;
	v42 =	vmul.bf16 v51, v50;
	v10 =	vadd.f32 v10, v7  }
0x11f: {  	v36 =	vld [tilespmem:s1+$0x10F90];
	v50 =	vmul.bf16 v55, v54;
	v7 =	vadd.f32 v27, v9;
	v9 =	vadd.f32 v34, v15  }
0x120: {  	v40 =	vld [tilespmem:s1+$0xE750];
	v51 =	vmul.bf16 v59, v57;
	v34 =	vshll.u32 v37, $0x10;
	v15 =	vmul.bf16 v47, v46  }
0x121: {  	v41 =	vld [tilespmem:s1+$0x10F50];
	v55 =	vshll.u32 v50, $0x10;
	v9 =	vadd.f32 v22, v9;
	v22 =	vshll.u32 v23, $0x10  }
0x122: {  	v43 =	vld [tilespmem:s1+$0xE7C0];
	v20 =	vadd.f32 v60, v10;
	v10 =	vshll.u32 v8, $0x10;
	v22 =	vadd.f32 $0.0e+00, v22  }
0x123: {  	v54 =	vld [tilespmem:s1+$0xE830];
	v24 =	vmul.bf16 v24, v31;
	v26 =	vmul.bf16 v26, v58;
	v19 =	vadd.f32 v19, v9  }
0x124: {  	v9 =	vmul.bf16 v49, v48;
	v48 =	vld [tilespmem:s1+$0xE7F0];
	v22 =	vadd.f32 v23, v22;
	v23 =	vmul.bf16 v14, v61  }
0x125: {  	v46 =	vadd.f32 v56, v20;
	v58 =	vshll.u32 v42, $0x10;
	v49 =	vld [tilespmem:s1+$0x10FF0];
	v14 =	vshll.u32 v26, $0x10  }
0x126: {  	v47 =	vld [tilespmem:s1+$0x10FC0];
	v13 =	vadd.f32 v13, v19;
	v14 =	vadd.f32 $0.0e+00, v14;
	v19 =	vshll.u32 v23, $0x10  }
0x127: {  	v60 =	vld [tilespmem:s1+$0xE7B0];
	v20 =	vshll.u32 v15, $0x10;
	v22 =	vadd.f32 v58, v22;
	v61 =	vadd.f32 $0.0e+00, v19  }
0x128: {  	v19 =	vadd.f32 v16, v13;
	v13 =	vld [tilespmem:s1+$0x10FB0];
	v16 =	vadd.f32 v26, v14;
	v26 =	vshll.u32 v51, $0x10  }
0x129: {  	v57 =	vld [tilespmem:s1+$0x11030];
	v14 =	vmul.bf16 v11, v62;
	v22 =	vadd.f32 v42, v22;
	v42 =	vmul.bf16 v18, v12  }
0x12a: {  	v27 =	vld [tilespmem:s1+$0xE6A0];
	v48 =	vmul.bf16 v49, v48;
	v12 =	vmul.bf16 v63, v44;
	v16 =	vadd.f32 v26, v16  }
0x12b: {  	v58 =	vld [tilespmem:s1+$0xE740];
	v11 =	vadd.f32 v23, v61;
	v18 =	vshll.u32 v14, $0x10;
	v22 =	vadd.f32 v35, v22  }
0x12c: {  	v62 =	vld [tilespmem:s1+$0xE730];
	v61 =	vmul.bf16 v47, v43;
	v26 =	vshll.u32 v48, $0x10;
	v16 =	vadd.f32 v51, v16  }
0x12d: {  	v49 =	vld [tilespmem:s1+$0x10F10];
	v26 =	vadd.f32 $0.0e+00, v26;
	v22 =	vadd.f32 v32, v22;
	v63 =	vmul.bf16 v13, v60  }
0x12e: {  	v44 =	vld [tilespmem:s1+$0xE780];
	v56 =	vshll.u32 v42, $0x10;
	v31 =	vadd.f32 v34, v16;
	v16 =	vmul.bf16 v52, v25  }
0x12f: {  	v23 =	vld [tilespmem:s1+$0xE710];
	v26 =	vadd.f32 v48, v26;
	v22 =	vadd.f32 v45, v22;
	v25 =	vshll.u32 v63, $0x10  }
0x130: {  	v43 =	vld [tilespmem:s1+$0xE670];
	v60 =	vadd.f32 $0.0e+00, v25;
	v25 =	vshll.u32 v24, $0x10;
	v31 =	vadd.f32 v37, v31  }
0x131: {  	v35 =	vld [tilespmem:s1+$0xE770];
	v47 =	vshll.u32 v61, $0x10;
	v26 =	vadd.f32 v25, v26;
	v25 =	vadd.f32 v17, v22  }
0x132: {  	v51 =	vld [tilespmem:s1+$0x10F80];
	v13 =	vshll.u32 v12, $0x10;
	v32 =	vadd.f32 v63, v60;
	v29 =	vadd.f32 v29, v31  }
0x133: {  	v22 =	vshll.u32 v16, $0x10;
	v31 =	vld [tilespmem:s1+$0x10F30];
	v63 =	vmul.bf16 v57, v54;
	v24 =	vadd.f32 v24, v26  }
0x134: {  	v45 =	vld [tilespmem:s1+$0x10F40];
	v17 =	vmul.bf16 v36, v53;
	v32 =	vadd.f32 v47, v32;
	v26 =	vadd.f32 v21, v29  }
0x135: {  	v57 =	vld [tilespmem:s1+$0xE6F0];
	v29 =	vmul.bf16 v41, v40;
	v59 =	vshll.u32 v63, $0x10;
	v24 =	vadd.f32 v55, v24  }
0x136: {  	(xrf2) =	vadd.scan.msk.f32 $0xffff, v28;
	v60 =	vld [tilespmem:s1+$0x10EF0];
	v21 =	vmul.bf16 v39, v27;
	v36 =	vadd.f32 $0.0e+00, v59;
	v37 =	vadd.f32 v61, v32  }
0x137: {  	v34 =	vld [tilespmem:s1+$0x10F00];
	v27 =	vmul.bf16 v49, v23;
	v32 =	vshll.u32 v29, $0x10;
	v61 =	vadd.f32 v50, v24  }
0x138: {  	v39 =	vld [tilespmem:s1+$0x10F70];
	v41 =	vmul.bf16 v31, v62;
	v23 =	vadd.f32 v63, v36;
	v62 =	vadd.f32 v56, v37  }
0x139: {  	(xrf2) =	vadd.scan.msk.f32 $0xffff, v46;
	v40 =	vld [tilespmem:s1+$0x10E70];
	v31 =	vshll.u32 v27, $0x10;
	v24 =	vmul.bf16 v51, v44;
	v63 =	vadd.f32 v38, v61  }
0x13a: {  	v36 =	vld [tilespmem:s1+$0xE680];
	v37 =	vmul.bf16 v45, v58;
	v28 =	vshll.u32 v41, $0x10;
	v44 =	vadd.f32 v42, v62  }
0x13b: {  	s22 =	simm.s32 $0x2FC0;
	v38 =	vld [tilespmem:s1+$0xE6B0];
	v42 =	vmul.bf16 v60, v57;
	v45 =	vadd.f32 $0.0e+00, v28;
	v28 =	vadd.f32 v30, v63  }
.LBB2_3:
0x13c: {  	p0 =	sne.s32 s22, $0x4FC0;
	v30 =	vld [tilespmem:s1+$0x10EB0];
	v33 =	vmul.bf16 v34, v33;
	v34 =	vshll.u32 v37, $0x10;
	v20 =	vadd.f32 v20, v44;
	(xrf2) =	vadd.scan.msk.f32 $0xffff, v19  }
0x13d: {  	v35 =	vmul.bf16 v39, v35;
	v19 =	vld [tilespmem:s1+$0x10E80];
	v44 =	vshll.u32 v42, $0x10;
	v41 =	vadd.f32 v41, v45  }
0x13e: {  	v39 =	vmul.bf16 v40, v43;
	v40 =	vld [tilespmem:s1+$0xE690];
	v43 =	vadd.f32 $0.0e+00, v44;
	v44 =	vadd.f32 v15, v20  }
0x13f: {  	v45 =	vshll.u32 v33, $0x10;
	v46 =	vshll.u32 v35, $0x10;
	v20 =	vld [tilespmem:s1+$0xE6C0];
	v34 =	vadd.f32 v34, v41;
	(xrf2) =	vadd.scan.msk.f32 $0xffff, v25  }
0x140: {  	v25 =	vshll.u32 v39, $0x10;
	v41 =	vld [tilespmem:s1+$0x10EC0];
	v42 =	vadd.f32 v42, v43;
	v43 =	vadd.f32 $0.0e+00, v46;
	v15, _, _ =	vpop (xrf2)  }
0x141: {  	v25 =	vadd.f32 $0.0e+00, v25;
	v46 =	vld [tilespmem:s1+$0x10E90];
	v30 =	vmul.bf16 v30, v38;
	v34 =	vadd.f32 v37, v34  }
0x142: {  	v36 =	vmul.bf16 v19, v36;
	v37 =	vadd.f32 v45, v42;
	v35 =	vadd.f32 v35, v43;
	(xrf2) =	vadd.scan.msk.f32 $0xffff, v26  }
0x143: {  	v25 =	vadd.f32 v39, v25;
	v26 =	vshll.u32 v30, $0x10;
	v38 =	vld [tilespmem:s1+$0xE6D0];
	v32 =	vadd.f32 v32, v34;
	v19, _, _ =	vpop (xrf2)  }
0x144: {  	v34 =	vshll.u32 v36, $0x10;
	v26 =	vadd.f32 $0.0e+00, v26;
	v39 =	vld [tilespmem:s1+$0x10ED0];
	v33 =	vadd.f32 v33, v37  }
0x145: {  	v25 =	vadd.f32 v34, v25;
	v34 =	vmul.bf16 v41, v20;
	v29 =	vadd.f32 v29, v32;
	(xrf2) =	vadd.scan.msk.f32 $0xffff, v28  }
0x146: {  	v28 =	vmul.bf16 v46, v40;
	v26 =	vadd.f32 v30, v26;
	v30 =	vadd.f32 v31, v33;
	v20, _, _ =	vpop (xrf2)  }
0x147: {  	v25 =	vadd.f32 v36, v25;
	v31 =	vshll.u32 v34, $0x10;
	v32 =	vld [tilespmem:s1+$0xE6E0];
	v18 =	vadd.f32 v18, v29  }
0x148: {  	v29 =	vshll.u32 v28, $0x10;
	v26 =	vadd.f32 v31, v26;
	v31 =	vld [tilespmem:s1+$0x10EE0];
	v27 =	vadd.f32 v27, v30;
	(xrf2) =	vadd.scan.msk.f32 $0xffff, v44  }
0x149: {  	v25 =	vadd.f32 v29, v25;
	v29 =	vmul.bf16 v39, v38;
	v18 =	vadd.f32 v14, v18;
	v14, _, _ =	vpop (xrf2)  }
0x14a: {  	v26 =	vadd.f32 v34, v26;
	v34 =	vadd.f32 v22, v27;
	v27 =	vshll.u32 v24, $0x10;
	v30 =	vld [tilespmem:s1+$0xE7A0]  }
0x14b: {  	v25 =	vadd.f32 v28, v25;
	v28 =	vshll.u32 v29, $0x10;
	v27 =	vadd.f32 v27, v35;
	v33 =	vld [tilespmem:s1+$0x10FA0];
	(xrf2) =	vadd.scan.msk.f32 $0xffff, v18  }
0x14c: {  	v18 =	vshll.u32 v21, $0x10;
	v26 =	vadd.f32 v28, v26;
	v16 =	vadd.f32 v16, v34;
	v22, _, _ =	vpop (xrf2)  }
0x14d: {  	v18 =	vadd.f32 v18, v25;
	v25 =	vmul.bf16 v31, v32;
	v24 =	vadd.f32 v24, v27;
	v27 =	vld [tilespmem:s1+$0xE860]  }
0x14e: {  	v13 =	vadd.f32 v13, v23;
	v26 =	vadd.f32 v29, v26;
	v29 =	vshll.u32 v17, $0x10;
	v23 =	vld [tilespmem:s1+$0x11060];
	(xrf2) =	vadd.scan.msk.f32 $0xffff, v16  }
0x14f: {  	v16 =	vadd.f32 v21, v18;
	v18 =	vshll.u32 v25, $0x10;
	v21 =	vadd.f32 v29, v24;
	v24 =	vld [tilespmem:s1+$0xEA50];
	v28, _, _ =	vpop (xrf2)  }
0x150: {  	v12 =	vadd.f32 v12, v13;
	v18 =	vadd.f32 v18, v26;
	v26 =	vmul.bf16 v33, v30;
	v13 =	vld [tilespmem:s1+$0xE920]  }
0x151: {  	v10 =	vadd.f32 v10, v11;
	v17 =	vadd.f32 v17, v21;
	v21 =	vshll.u32 v9, $0x10;
	v11 =	vld [tilespmem:s1+$0x11120];
	(xrf2) =	vadd.scan.msk.f32 $0xffff, v16  }
0x152: {  	v16 =	vadd.f32 v25, v18;
	v18 =	vshll.u32 v26, $0x10;
	v29 =	vadd.f32 v21, v12;
	v21 =	vld [tilespmem:s1+$0x11250];
	v25, _, _ =	vpop (xrf2)  }
0x153: {  	v8 =	vadd.f32 v8, v10;
	v17 =	vadd.f32 v18, v17;
	v18 =	vmul.bf16 v23, v27;
	v10 =	vld [tilespmem:s1+$0xE9E0]  }
0x154: {  	v6 =	vadd.f32 v6, v7;
	v23 =	vshll.u32 v5, $0x10;
	v9 =	vadd.f32 v9, v29;
	v7 =	vld [tilespmem:s1+$0x111E0];
	(xrf2) =	vadd.scan.msk.f32 $0xffff, v16  }
0x155: {  	v8 =	vadd.f32 v23, v8;
	v16 =	vadd.f32 v26, v17;
	v17 =	vshll.u32 v18, $0x10;
	v12, _, _ =	vpop (xrf2)  }
0x156: {  	v4 =	vadd.f32 v4, v6;
	v9 =	vadd.f32 v17, v9;
	v11 =	vmul.bf16 v11, v13  }
0x157: {  	v2 =	vadd.f32 v2, v3;
	v6 =	vshll.u32 v1, $0x10;
	v5 =	vadd.f32 v5, v8;
	v3 =	vld [tilespmem:s1+$0xEA60];
	(xrf2) =	vadd.scan.msk.f32 $0xffff, v16  }
0x158: {  	v4 =	vadd.f32 v6, v4;
	v16 =	vadd.f32 v18, v9;
	v9 =	vshll.u32 v11, $0x10;
	v6 =	vld [tilespmem:s1+$0x11260];
	v13, _, _ =	vpop (xrf2)  }
0x159: {  	v5 =	vadd.f32 v9, v5;
	v7 =	vmul.bf16 v7, v10;
	v9 =	vmul.bf16 v21, v24  }
0x15a: {  	v0 =	vadd.f32 v0, v2;
	v1 =	vadd.f32 v1, v4;
	(xrf2) =	vadd.scan.msk.f32 $0xffff, v16  }
0x15b: {  	v10 =	vadd.f32 v11, v5;
	v4 =	vshll.u32 v7, $0x10;
	v5 =	vshll.u32 v9, $0x10;
	v8, _, _ =	vpop (xrf2)  }
0x15c: {  	v1 =	vadd.f32 v4, v1;
	v0 =	vadd.f32 v5, v0  }
0x15d: {  	v3 =	vmul.bf16 v6, v3;
	(xrf2) =	vadd.scan.msk.f32 $0xffff, v10  }
0x15e: {  	v1 =	vadd.f32 v7, v1;
	v0 =	vadd.f32 v9, v0;
	v2, _, _ =	vpop (xrf2)  }
0x15f: {  	v7 =	vbroadcast v8, $0xF;
	v2 =	vbroadcast v2, $0xF;
	v5 =	vshll.u32 v3, $0x10  }
0x160: {  	v6 =	vbroadcast v13, $0xF;
	v0 =	vadd.f32 v5, v0;
	(xrf2) =	vadd.scan.msk.f32 $0xffff, v1  }
0x161: {  	v1 =	vsel vm0, v7, v2;
	v2 =	vbroadcast v12, $0xF;
	v4, _, _ =	vpop (xrf2)  }
0x162: {  	v1 =	vsel vm1, v1, v6;
	v5 =	vbroadcast v4, $0xF;
	v0 =	vadd.f32 v3, v0  }
0x163: {  	v1 =	vsel vm2, v1, v2;
	v2 =	vbroadcast v25, $0xF  }
0x164: {  	v1 =	vsel vm3, v1, v5;
	v5 =	vbroadcast v28, $0xF;
	v4, _, _ =	vpop (xrf2);
	(xrf2) =	vadd.scan.msk.f32 $0xffff, v0  }
0x165: {  	v0 =	vsel vm4, v1, v2;
	v1 =	vbroadcast v4, $0xF  }
0x166: {  	v2 =	vbroadcast v22, $0xF;
	v0 =	vsel vm5, v0, v5  }
0x167: {  	v0 =	vsel vm6, v0, v1;
	v1 =	vbroadcast v14, $0xF;
	v3, _, _ =	vpop (xrf2)  }
0x168: {  	v0 =	vsel vm7, v0, v2;
	v2 =	vbroadcast v3, $0xF  }
0x169: {  	v0 =	vsel vm8, v0, v1;
	v1 =	vbroadcast v20, $0xF  }
0x16a: {  	v0 =	vsel vm9, v0, v2;
	v2 =	vbroadcast v19, $0xF;
	v3, _, _ =	vpop (xrf2)  }
0x16b: {  	v0 =	vsel vm10, v0, v1;
	v3 =	vbroadcast v3, $0xF  }
0x16c: {  	v0 =	vsel vm11, v0, v2;
	v2 =	vbroadcast v15, $0xF  }
0x16d: {  	v0 =	vsel vm12, v0, v3  }
0x16e: {  	v0 =	vsel vm13, v0, v2;
	v1, _, _ =	vpop (xrf2)  }
0x16f: {  	s20 =	sadd.s32 $0x10, s20;
	v0 =	vsel vm14, v0, v1  }
0x170: {  	s1 =	sshra.s32 s22, $0x2;
	[tilespmem:s20+$0x0] =	vst v0  }
0x171: {  	v0 =	vld [tilespmem:s1+$0xEA20]  }
0x172: {  	v1 =	vld [tilespmem:s1+$0x11220]  }
0x173: {  	v2 =	vld [tilespmem:s1+$0xE9A0]  }
0x174: {  	v3 =	vld [tilespmem:s1+$0x111A0]  }
0x175: {  	v4 =	vld [tilespmem:s1+$0xEA10]  }
0x176: {  	v6 =	vld [tilespmem:s1+$0x11210]  }
0x177: {  	v16 =	vld [tilespmem:s1+$0xEA40]  }
0x178: {  	v17 =	vld [tilespmem:s1+$0x11240]  }
0x179: {  	v18 =	vld [tilespmem:s1+$0xE960]  }
0x17a: {  	v21 =	vld [tilespmem:s1+$0x11160]  }
0x17b: {  	v23 =	vld [tilespmem:s1+$0xE9D0]  }
0x17c: {  	v24 =	vld [tilespmem:s1+$0x111D0]  }
0x17d: {  	v26 =	vld [tilespmem:s1+$0xE990]  }
0x17e: {  	v27 =	vld [tilespmem:s1+$0x11190]  }
0x17f: {  	v25 =	vld [tilespmem:s1+$0xEA00]  }
0x180: {  	v32 =	vld [tilespmem:s1+$0x11200]  }
0x181: {  	v35 =	vld [tilespmem:s1+$0xEA30]  }
0x182: {  	v36 =	vld [tilespmem:s1+$0x11230]  }
0x183: {  	v37 =	vld [tilespmem:s1+$0xE8E0]  }
0x184: {  	v38 =	vld [tilespmem:s1+$0x110E0]  }
0x185: {  	v39 =	vld [tilespmem:s1+$0xE950]  }
0x186: {  	v40 =	vld [tilespmem:s1+$0x11150]  }
0x187: {  	v41 =	vld [tilespmem:s1+$0xE9C0]  }
0x188: {  	v42 =	vld [tilespmem:s1+$0x111C0]  }
0x189: {  	v43 =	vld [tilespmem:s1+$0xE8A0]  }
0x18a: {  	v44 =	vld [tilespmem:s1+$0x110A0]  }
0x18b: {  	v5 =	vld [tilespmem:s1+$0xE910]  }
0x18c: {  	v22 =	vld [tilespmem:s1+$0x11110]  }
0x18d: {  	v45 =	vld [tilespmem:s1+$0xE980]  }
0x18e: {  	v46 =	vld [tilespmem:s1+$0x11180]  }
0x18f: {  	v13 =	vld [tilespmem:s1+$0xE9F0]  }
0x190: {  	v14 =	vld [tilespmem:s1+$0x111F0]  }
0x191: {  	v7 =	vld [tilespmem:s1+$0xE8D0]  }
0x192: {  	v28 =	vld [tilespmem:s1+$0x110D0]  }
0x193: {  	v47 =	vld [tilespmem:s1+$0xE940]  }
0x194: {  	v48 =	vld [tilespmem:s1+$0x11140]  }
0x195: {  	v49 =	vld [tilespmem:s1+$0xE9B0]  }
0x196: {  	v50 =	vld [tilespmem:s1+$0x111B0]  }
0x197: {  	v30 =	vld [tilespmem:s1+$0xE820]  }
0x198: {  	v51 =	vld [tilespmem:s1+$0x11020]  }
0x199: {  	v29 =	vld [tilespmem:s1+$0xE890]  }
0x19a: {  	v34 =	vld [tilespmem:s1+$0x11090]  }
0x19b: {  	v8 =	vld [tilespmem:s1+$0xE900]  }
0x19c: {  	v31 =	vld [tilespmem:s1+$0x11100]  }
0x19d: {  	v52 =	vld [tilespmem:s1+$0xE970]  }
0x19e: {  	v53 =	vld [tilespmem:s1+$0x11170]  }
0x19f: {  	v10 =	vld [tilespmem:s1+$0xE7E0]  }
0x1a0: {  	v15 =	vld [tilespmem:s1+$0x10FE0]  }
0x1a1: {  	v9 =	vld [tilespmem:s1+$0xE850]  }
0x1a2: {  	v12 =	vld [tilespmem:s1+$0x11050]  }
0x1a3: {  	v20 =	vld [tilespmem:s1+$0xE8C0]  }
0x1a4: {  	v33 =	vld [tilespmem:s1+$0x110C0]  }
0x1a5: {  	v54 =	vld [tilespmem:s1+$0xE930]  }
0x1a6: {  	v55 =	vld [tilespmem:s1+$0x11130]  }
0x1a7: {  	v57 =	vmul.bf16 v1, v0;
	v56 =	vmul.bf16 v14, v13;
	v11 =	vld [tilespmem:s1+$0xE810]  }
0x1a8: {  	v58 =	vmul.bf16 v3, v2;
	v13 =	vld [tilespmem:s1+$0x11010]  }
0x1a9: {  	v59 =	vshll.u32 v57, $0x10;
	v6 =	vmul.bf16 v6, v4;
	v0 =	vshll.u32 v56, $0x10;
	v14 =	vld [tilespmem:s1+$0xE880]  }
0x1aa: {  	v60 =	vshll.u32 v58, $0x10;
	v1 =	vadd.f32 $0.0e+00, v0;
	v0 =	vmul.bf16 v17, v16;
	v19 =	vld [tilespmem:s1+$0x11080]  }
0x1ab: {  	v62 =	vshll.u32 v6, $0x10;
	v3 =	vmul.bf16 v32, v25;
	v4 =	vmul.bf16 v36, v35;
	v61 =	vld [tilespmem:s1+$0xE8F0]  }
0x1ac: {  	v25 =	vmul.bf16 v21, v18;
	v16 =	vadd.f32 v56, v1;
	v2 =	vshll.u32 v0, $0x10;
	v35 =	vld [tilespmem:s1+$0x110F0]  }
0x1ad: {  	v21 =	vshll.u32 v4, $0x10;
	v17 =	vshll.u32 v3, $0x10;
	v1 =	vmul.bf16 v24, v23;
	v18 =	vld [tilespmem:s1+$0xE760]  }
0x1ae: {  	v36 =	vmul.bf16 v27, v26;
	v21 =	vadd.f32 $0.0e+00, v21;
	v16 =	vadd.f32 v17, v16;
	v32 =	vld [tilespmem:s1+$0x10F60]  }
0x1af: {  	v17 =	vmul.bf16 v38, v37;
	v37 =	vshll.u32 v25, $0x10;
	v23 =	vmul.bf16 v53, v52;
	v56 =	vld [tilespmem:s1+$0xE7D0]  }
0x1b0: {  	v24 =	vadd.f32 v3, v16;
	v3 =	vadd.f32 v4, v21;
	v52 =	vshll.u32 v36, $0x10;
	v38 =	vld [tilespmem:s1+$0x10FD0]  }
0x1b1: {  	v39 =	vmul.bf16 v40, v39;
	v16 =	vshll.u32 v17, $0x10;
	v4 =	vshll.u32 v23, $0x10;
	v53 =	vld [tilespmem:s1+$0xE840]  }
0x1b2: {  	v24 =	vadd.f32 v62, v24;
	v26 =	vadd.f32 $0.0e+00, v4;
	v4 =	vmul.bf16 v42, v41;
	v40 =	vld [tilespmem:s1+$0x11040]  }
0x1b3: {  	v21 =	vmul.bf16 v44, v43;
	v43 =	vmul.bf16 v46, v45;
	v42 =	vshll.u32 v39, $0x10;
	v41 =	vld [tilespmem:s1+$0xE8B0]  }
0x1b4: {  	v23 =	vadd.f32 v23, v26;
	v26 =	vadd.f32 v6, v24;
	v45 =	vmul.bf16 v55, v54;
	v44 =	vld [tilespmem:s1+$0x110B0]  }
0x1b5: {  	v27 =	vshll.u32 v43, $0x10;
	v24 =	vshll.u32 v21, $0x10;
	v6 =	vshll.u32 v4, $0x10;
	v46 =	vld [tilespmem:s1+$0xE720]  }
0x1b6: {  	v23 =	vadd.f32 v27, v23;
	v59 =	vadd.f32 v59, v26;
	v55 =	vshll.u32 v45, $0x10;
	v54 =	vld [tilespmem:s1+$0x10F20]  }
0x1b7: {  	v5 =	vmul.bf16 v22, v5;
	v49 =	vmul.bf16 v50, v49;
	v22 =	vadd.f32 $0.0e+00, v55;
	v26 =	vld [tilespmem:s1+$0xE790]  }
0x1b8: {  	v47 =	vmul.bf16 v48, v47;
	v43 =	vadd.f32 v43, v23;
	v23 =	vadd.f32 v57, v59;
	v27 =	vld [tilespmem:s1+$0x10F90]  }
0x1b9: {  	v50 =	vmul.bf16 v28, v7;
	v7 =	vadd.f32 v45, v22;
	v22 =	vshll.u32 v49, $0x10;
	v48 =	vld [tilespmem:s1+$0xE800]  }
0x1ba: {  	v55 =	vshll.u32 v47, $0x10;
	v43 =	vadd.f32 v52, v43;
	v22 =	vadd.f32 $0.0e+00, v22;
	v45 =	vld [tilespmem:s1+$0x11000]  }
0x1bb: {  	v28 =	vmul.bf16 v51, v30;
	v52 =	vshll.u32 v50, $0x10;
	v55 =	vadd.f32 v55, v7;
	v51 =	vld [tilespmem:s1+$0xE870]  }
0x1bc: {  	v29 =	vmul.bf16 v34, v29;
	v34 =	vadd.f32 v36, v43;
	v7 =	vadd.f32 v49, v22;
	v57 =	vld [tilespmem:s1+$0x11070]  }
0x1bd: {  	v30 =	vshll.u32 v28, $0x10;
	v8 =	vmul.bf16 v31, v8;
	v22 =	vadd.f32 v47, v55;
	v36 =	vld [tilespmem:s1+$0xE6A0]  }
0x1be: {  	v43 =	vshll.u32 v29, $0x10;
	v34 =	vadd.f32 v60, v34;
	v41 =	vmul.bf16 v44, v41;
	v31 =	vld [tilespmem:s1+$0x10EA0]  }
0x1bf: {  	v15 =	vmul.bf16 v15, v10;
	v10 =	vshll.u32 v8, $0x10;
	v22 =	vadd.f32 v42, v22;
	v44 =	vld [tilespmem:s1+$0xE750]  }
0x1c0: {  	v33 =	vmul.bf16 v33, v20;
	v49 =	vadd.f32 v58, v34;
	v47 =	vshll.u32 v41, $0x10;
	v42 =	vld [tilespmem:s1+$0x10F50]  }
0x1c1: {  	v20 =	vshll.u32 v15, $0x10;
	v22 =	vadd.f32 v39, v22;
	v34 =	vadd.f32 $0.0e+00, v47;
	v55 =	vld [tilespmem:s1+$0xE7C0]  }
0x1c2: {  	v9 =	vmul.bf16 v12, v9;
	v47 =	vshll.u32 v33, $0x10;
	v12 =	vmul.bf16 v57, v51;
	v39 =	vld [tilespmem:s1+$0x10FC0]  }
0x1c3: {  	v35 =	vmul.bf16 v35, v61;
	v22 =	vadd.f32 v37, v22;
	v34 =	vadd.f32 v41, v34;
	v51 =	vld [tilespmem:s1+$0xE7F0]  }
0x1c4: {  	v41 =	vmul.bf16 v13, v11;
	v13 =	vmul.bf16 v19, v14;
	v11 =	vshll.u32 v12, $0x10;
	v37 =	vld [tilespmem:s1+$0x10FF0]  }
0x1c5: {  	v19 =	vshll.u32 v35, $0x10;
	v14 =	vadd.f32 v47, v34;
	v11 =	vadd.f32 $0.0e+00, v11;
	v57 =	vld [tilespmem:s1+$0xE830]  }
0x1c6: {  	v58 =	vadd.f32 $0.0e+00, v19;
	v19 =	vadd.f32 v25, v22;
	v47 =	vshll.u32 v41, $0x10;
	v34 =	vld [tilespmem:s1+$0xE7B0]  }
0x1c7: {  	v25 =	vshll.u32 v13, $0x10;
	v33 =	vadd.f32 v33, v14;
	v12 =	vadd.f32 v12, v11;
	v22 =	vld [tilespmem:s1+$0x10FB0]  }
0x1c8: {  	v38 =	vmul.bf16 v38, v56;
	v14 =	vmul.bf16 v32, v18;
	v11 =	vadd.f32 v35, v58;
	v32 =	vld [tilespmem:s1+$0x11030]  }
0x1c9: {  	v33 =	vadd.f32 v52, v33;
	v25 =	vadd.f32 v25, v12;
	v56 =	vld [tilespmem:s1+$0xE710];
	v35 =	vmul.bf16 v37, v51  }
0x1ca: {  	v18 =	vshll.u32 v14, $0x10;
	v12 =	vmul.bf16 v40, v53;
	v51 =	vshll.u32 v38, $0x10;
	v37 =	vld [tilespmem:s1+$0x10F10]  }
0x1cb: {  	v33 =	vadd.f32 v50, v33;
	v25 =	vadd.f32 v13, v25;
	v52 =	vld [tilespmem:s1+$0xE780];
	v40 =	vshll.u32 v35, $0x10  }
0x1cc: {  	v13 =	vshll.u32 v12, $0x10;
	v50 =	vld [tilespmem:s1+$0x10F80];
	v53 =	vmul.bf16 v22, v34;
	v22 =	vadd.f32 $0.0e+00, v40  }
0x1cd: {  	v40 =	vmul.bf16 v45, v48;
	v25 =	vadd.f32 v43, v25;
	v43 =	vadd.f32 v16, v33;
	v58 =	vld [tilespmem:s1+$0xE740]  }
0x1ce: {  	v16 =	vmul.bf16 v54, v46;
	v45 =	vld [tilespmem:s1+$0x10F40];
	v34 =	vshll.u32 v53, $0x10;
	v22 =	vadd.f32 v35, v22  }
0x1cf: {  	v46 =	vshll.u32 v40, $0x10;
	v29 =	vadd.f32 v29, v25;
	v33 =	vld [tilespmem:s1+$0xE700];
	v35 =	vadd.f32 $0.0e+00, v34  }
0x1d0: {  	v39 =	vmul.bf16 v39, v55;
	v25 =	vadd.f32 v17, v43;
	v34 =	vld [tilespmem:s1+$0x10F00];
	v46 =	vadd.f32 v46, v22  }
0x1d1: {  	v22 =	vshll.u32 v16, $0x10;
	v24 =	vadd.f32 v24, v29;
	v43 =	vld [tilespmem:s1+$0xE730];
	v48 =	vadd.f32 v53, v35  }
0x1d2: {  	v29 =	vshll.u32 v39, $0x10;
	v53 =	vld [tilespmem:s1+$0x10F30];
	v40 =	vadd.f32 v40, v46;
	v46 =	vmul.bf16 v32, v57  }
0x1d3: {  	v17 =	vmul.bf16 v27, v26;
	v26 =	vadd.f32 v21, v24;
	v35 =	vld [tilespmem:s1+$0xE770];
	v27 =	vadd.f32 v29, v48  }
0x1d4: {  	v29 =	vmul.bf16 v42, v44;
	v48 =	vld [tilespmem:s1+$0xE6F0];
	v24 =	vadd.f32 v47, v40;
	v32 =	vshll.u32 v46, $0x10  }
0x1d5: {  	v21 =	vmul.bf16 v31, v36;
	v42 =	vld [tilespmem:s1+$0x10EF0];
	v31 =	vadd.f32 v39, v27;
	v36 =	vadd.f32 $0.0e+00, v32;
	(xrf2) =	vadd.scan.msk.f32 $0xffff, v23  }
.Ltmp0:
0x1d6: {  	v27 =	vmul.bf16 v37, v56;
	v32 =	vshll.u32 v29, $0x10;
	v39 =	vld [tilespmem:s1+$0x10F70];
	v37 =	vadd.f32 v41, v24;
	(pc) =	sbr.rel @p0 .LBB2_3-.Ltmp0, $4  }
0x1d7: {  	v40 =	vld [tilespmem:s1+$0x10E70];
	v41 =	vmul.bf16 v53, v43;
	v44 =	vadd.f32 v51, v31;
	v23 =	vadd.f32 v46, v36  }
0x1d8: {  	v24 =	vmul.bf16 v50, v52;
	v31 =	vshll.u32 v27, $0x10;
	v43 =	vld [tilespmem:s1+$0xE670];
	v30 =	vadd.f32 v30, v37;
	(xrf2) =	vadd.scan.msk.f32 $0xffff, v49  }
0x1d9: {  	v37 =	vmul.bf16 v45, v58;
	v36 =	vld [tilespmem:s1+$0xE680];
	v46 =	vshll.u32 v41, $0x10;
	v44 =	vadd.f32 v38, v44  }
0x1da: {  	s22 =	sadd.s32 $0x1000, s22;
	v38 =	vld [tilespmem:s1+$0xE6B0];
	v42 =	vmul.bf16 v42, v48;
	v45 =	vadd.f32 $0.0e+00, v46;
	v28 =	vadd.f32 v28, v30  }
0x1db: {  	v33 =	vmul.bf16 v34, v33  }
0x1dc: {  	v30 =	vld [tilespmem:s1+$0x10EB0];
	v52 =	vshll.u32 v37, $0x10;
	v20 =	vadd.f32 v20, v44;
	v35 =	vmul.bf16 v39, v35  }
0x1dd: {  	v53 =	vld [tilespmem:s1+$0x10E80];
	v13 =	vadd.f32 v13, v23;
	v46 =	vshll.u32 v42, $0x10;
	v41 =	vadd.f32 v41, v45  }
0x1de: {  	v55 =	vld [tilespmem:s1+$0xE690];
	v54 =	vmul.bf16 v40, v43;
	v56 =	vadd.f32 $0.0e+00, v46;
	v15 =	vadd.f32 v15, v20  }
0x1df: {  	v47 =	vld [tilespmem:s1+$0x10EC0];
	v57 =	vshll.u32 v33, $0x10;
	v58 =	vshll.u32 v35, $0x10;
	v34 =	vadd.f32 v52, v41  }
0x1e0: {  	v20 =	vld [tilespmem:s1+$0xE6C0];
	v41 =	vadd.f32 $0.0e+00, v58;
	v59 =	vshll.u32 v54, $0x10;
	v60 =	vadd.f32 v42, v56  }
0x1e1: {  	v62 =	vld [tilespmem:s1+$0x10E90];
	v61 =	vadd.f32 $0.0e+00, v59;
	v30 =	vmul.bf16 v30, v38;
	v34 =	vadd.f32 v37, v34  }
0x1e2: {  	v36 =	vmul.bf16 v53, v36;
	v35 =	vadd.f32 v35, v41;
	v63 =	vadd.f32 v57, v60  }
0x1e3: {  	v49 =	vld [tilespmem:s1+$0xE6D0];
	v45 =	vadd.f32 v54, v61;
	v48 =	vshll.u32 v30, $0x10;
	v32 =	vadd.f32 v32, v34  }
0x1e4: {  	v51 =	vld [tilespmem:s1+$0x10ED0];
	v50 =	vshll.u32 v36, $0x10;
	v39 =	vadd.f32 $0.0e+00, v48;
	v33 =	vadd.f32 v33, v63  }
0x1e5: {  	v20 =	vmul.bf16 v47, v20;
	v34 =	vadd.f32 v50, v45;
	v29 =	vadd.f32 v29, v32  }
0x1e6: {  	v52 =	vmul.bf16 v62, v55;
	v30 =	vadd.f32 v30, v39;
	v31 =	vadd.f32 v31, v33  }
0x1e7: {  	v56 =	vld [tilespmem:s1+$0x10EE0];
	v54 =	vshll.u32 v20, $0x10;
	v53 =	vadd.f32 v36, v34;
	v18 =	vadd.f32 v18, v29  }
0x1e8: {  	v55 =	vld [tilespmem:s1+$0xE6E0];
	v29 =	vshll.u32 v52, $0x10;
	v30 =	vadd.f32 v54, v30;
	v27 =	vadd.f32 v27, v31  }
0x1e9: {  	v31 =	vmul.bf16 v51, v49;
	v29 =	vadd.f32 v29, v53;
	v14 =	vadd.f32 v14, v18  }
0x1ea: {  	v18 =	vadd.f32 v20, v30;
	v20 =	vadd.f32 v22, v27;
	v22 =	vshll.u32 v24, $0x10  }
0x1eb: {  	v57 =	vld [tilespmem:s1+$0x10FA0];
	v30 =	vshll.u32 v31, $0x10;
	v29 =	vadd.f32 v52, v29;
	v22 =	vadd.f32 v22, v35  }
0x1ec: {  	(xrf2) =	vadd.scan.msk.f32 $0xffff, v19;
	v19 =	vshll.u32 v21, $0x10;
	v27 =	vld [tilespmem:s1+$0xE7A0];
	v18 =	vadd.f32 v30, v18;
	v16 =	vadd.f32 v16, v20  }
0x1ed: {  	(xrf2) =	vadd.scan.msk.f32 $0xffff, v25;
	v20 =	vmul.bf16 v56, v55;
	v19 =	vadd.f32 v19, v29;
	v22 =	vadd.f32 v24, v22  }
0x1ee: {  	v23 =	vld [tilespmem:s1+$0x11060];
	v10 =	vadd.f32 v10, v11;
	v25 =	vshll.u32 v17, $0x10;
	(xrf2) =	vadd.scan.msk.f32 $0xffff, v26;
	v18 =	vadd.f32 v31, v18  }
0x1ef: {  	v11 =	vld [tilespmem:s1+$0x11120];
	(xrf2) =	vadd.scan.msk.f32 $0xffff, v28;
	v19 =	vadd.f32 v21, v19;
	v21 =	vshll.u32 v20, $0x10;
	v22 =	vadd.f32 v25, v22  }
0x1f0: {  	v12 =	vadd.f32 v12, v13;
	(xrf2) =	vadd.scan.msk.f32 $0xffff, v15;
	v24 =	vld [tilespmem:s1+$0xE860];
	v15 =	vadd.f32 v21, v18  }
0x1f1: {  	v13 =	vld [tilespmem:s1+$0xE920];
	(xrf2) =	vadd.scan.msk.f32 $0xffff, v14;
	v18 =	vmul.bf16 v57, v27;
	v14 =	vadd.f32 v17, v22;
	v17 =	vshll.u32 v9, $0x10  }
0x1f2: {  	v15 =	vadd.f32 v20, v15;
	v12 =	vadd.f32 v17, v12  }
0x1f3: {  	v6 =	vadd.f32 v6, v7;
	v7 =	vld [tilespmem:s1+$0x111E0];
	v8 =	vadd.f32 v8, v10;
	(xrf2) =	vadd.scan.msk.f32 $0xffff, v16;
	v16 =	vshll.u32 v18, $0x10  }
0x1f4: {  	v10 =	vld [tilespmem:s1+$0xE9E0];
	(xrf2) =	vadd.scan.msk.f32 $0xffff, v19;
	v14 =	vadd.f32 v16, v14;
	v9 =	vadd.f32 v9, v12;
	v12 =	vshll.u32 v5, $0x10  }
0x1f5: {  	v16 =	vmul.bf16 v23, v24;
	v19, _, _ =	vpop (xrf2);
	(xrf2) =	vadd.scan.msk.f32 $0xffff, v15;
	v8 =	vadd.f32 v12, v8  }
0x1f6: {  	v2 =	vadd.f32 v2, v3;
	v11 =	vmul.bf16 v11, v13;
	v14 =	vadd.f32 v18, v14;
	v15, _, _ =	vpop (xrf2)  }
0x1f7: {  	v4 =	vadd.f32 v4, v6;
	v18 =	vshll.u32 v16, $0x10;
	v12, _, _ =	vpop (xrf2);
	v5 =	vadd.f32 v5, v8  }
0x1f8: {  	v25 =	vld [tilespmem:s1+$0xEA50];
	v9 =	vadd.f32 v18, v9;
	v8 =	vshll.u32 v1, $0x10;
	v6, _, _ =	vpop (xrf2);
	(xrf2) =	vadd.scan.msk.f32 $0xffff, v14;
	v14 =	vshll.u32 v11, $0x10  }
0x1f9: {  	v7 =	vmul.bf16 v7, v10;
	v17 =	vld [tilespmem:s1+$0x11250];
	v4 =	vadd.f32 v8, v4;
	v13, _, _ =	vpop (xrf2);
	v5 =	vadd.f32 v14, v5  }
0x1fa: {  	v9 =	vadd.f32 v16, v9;
	v16, _, _ =	vpop (xrf2)  }
0x1fb: {  	v1 =	vadd.f32 v1, v4;
	v14, _, _ =	vpop (xrf2);
	v4 =	vadd.f32 v11, v5;
	v5 =	vshll.u32 v7, $0x10  }
0x1fc: {  	v3 =	vld [tilespmem:s1+$0xEA60];
	v0 =	vadd.f32 v0, v2;
	v2, _, _ =	vpop (xrf2)  }
0x1fd: {  	v8 =	vld [tilespmem:s1+$0x11260];
	v11, _, _ =	vpop (xrf2)  }
0x1fe: {  	v10 =	vmul.bf16 v17, v25;
	(xrf2) =	vadd.scan.msk.f32 $0xffff, v9;
	v1 =	vadd.f32 v5, v1;
	v5, _, _ =	vpop (xrf2)  }
0x1ff: {  	(xrf2) =	vadd.scan.msk.f32 $0xffff, v4;
	v4, _, _ =	vpop (xrf2)  }
0x200: {  	v9 =	vshll.u32 v10, $0x10;
	v4 =	vbroadcast v4, $0xF  }
0x201: {  	v0 =	vadd.f32 v9, v0  }
0x202: {  	v3 =	vmul.bf16 v8, v3;
	v1 =	vadd.f32 v7, v1;
	v5 =	vbroadcast v5, $0xF  }
0x203: {  	v0 =	vadd.f32 v10, v0  }
0x204: {  	v7 =	vshll.u32 v3, $0x10;
	(xrf2) =	vadd.scan.msk.f32 $0xffff, v1;
	v1 =	vsel vm0, v5, v4;
	v4, _, _ =	vpop (xrf2)  }
0x205: {  	v8 =	vbroadcast v11, $0xF;
	v0 =	vadd.f32 v7, v0;
	v4 =	vbroadcast v4, $0xF  }
0x206: {  	v2 =	vbroadcast v2, $0xF  }
0x207: {  	v0 =	vadd.f32 v3, v0;
	v1 =	vsel vm1, v1, v8  }
0x208: {  	v3 =	vbroadcast v16, $0xF;
	v1 =	vsel vm2, v1, v2;
	v2 =	vbroadcast v14, $0xF  }
0x209: {  	v1 =	vsel vm3, v1, v4;
	v4, _, _ =	vpop (xrf2)  }
0x20a: {  	(xrf2) =	vadd.scan.msk.f32 $0xffff, v0;
	v0 =	vsel vm4, v1, v2;
	v1 =	vbroadcast v4, $0xF  }
0x20b: {  	v2 =	vbroadcast v13, $0xF;
	v0 =	vsel vm5, v0, v3  }
0x20c: {  	v3, _, _ =	vpop (xrf2);
	v0 =	vsel vm6, v0, v1;
	v1 =	vbroadcast v6, $0xF  }
0x20d: {  	v0 =	vsel vm7, v0, v2;
	v2 =	vbroadcast v3, $0xF  }
0x20e: {  	v0 =	vsel vm8, v0, v1;
	v1 =	vbroadcast v12, $0xF  }
0x20f: {  	v3, _, _ =	vpop (xrf2);
	v0 =	vsel vm9, v0, v2  }
0x210: {  	v2 =	vbroadcast v15, $0xF;
	v0 =	vsel vm10, v0, v1;
	v1 =	vbroadcast v3, $0xF;
	_ =	sdelay $0x1  }
0x211: {  	s1 =	smul.u32 $0xA0, s0;
	v0 =	vsel vm11, v0, v2;
	v2 =	vbroadcast v19, $0xF  }
0x212: {  	v0 =	vsel vm12, v0, v1  }
0x213: {  	s15 =	sadd.s32 s5, s1;
	v0 =	vsel vm13, v0, v2;
	v1, _, _ =	vpop (xrf2)  }
0x214: {  	s20 =	sadd.s32 $0x10, s20;
	s15 =	sshrl.u32 s15, $0x3;
	v0 =	vsel vm14, v0, v1  }
0x215: {  	s15 =	sadd.s32 s2, s15;
	[tilespmem:s20+$0x0] =	vst v0  }
0x216: {  	[hbm4b:s15+s4] =	stream.linear.scatter [tilespmem:s26], [sflag:$0x5], $0x50, $0x38;
	[tilespmem:$0x13B00] =	vst v63  }
0x217: {  	_ =	swait.ge [sflag:s14], $0x50  }
0x218: {  	[sflag:s14] =	ssyncset.done $0x0  }
0x219: {  	s22 =	sadd.s32 $0x9CE0, s1;
	[sflag:s14] =	ssyncadd.s32 $0xFFFFFFB0  }
0x21a: {  	[tilespmem:s18], [sflag:$0x1] =	stream.indirect.gather [spmem:s3], $0x40, s22, s17, $0xb8;
	[tilespmem:$0x13B00] =	vst v63  }
0x21b: {  	s20 =	sadd.s32 $0xC3F0, s1  }
0x21c: {  	[tilespmem:s19], [sflag:$0x3] =	stream.indirect.gather [spmem:s3], $0x40, s20, s17, $0xb8;
	[tilespmem:$0x13B00] =	vst v63  }
0x21d: {  	_ =	swait.ge [sflag:s28], $0x1400  }
0x21e: {  	[sflag:s28] =	ssyncset.done $0x0  }
0x21f: {  	[sflag:s28] =	ssyncadd.s32 $0xFFFFEC00  }
0x220: {  	_ =	swait.ge [sflag:s29], $0x1400  }
0x221: {  	[sflag:s29] =	ssyncset.done $0x0  }
0x222: {  	s22 =	simm.s32 $0x3F0;
	[sflag:s29] =	ssyncadd.s32 $0xFFFFEC00  }
0x223: {  	v0 =	vld [tilespmem:s22+$0xFE20]  }
0x224: {  	v1 =	vld [tilespmem:s22+$0x12620]  }
0x225: {  	v2 =	vld [tilespmem:s22+$0xFDA0]  }
0x226: {  	v3 =	vld [tilespmem:s22+$0x125A0]  }
0x227: {  	v4 =	vld [tilespmem:s22+$0xFE10]  }
0x228: {  	v5 =	vld [tilespmem:s22+$0x12610]  }
0x229: {  	v6 =	vld [tilespmem:s22+$0xFE40]  }
0x22a: {  	v7 =	vld [tilespmem:s22+$0x12640]  }
0x22b: {  	v8 =	vld [tilespmem:s22+$0xFD60]  }
0x22c: {  	v9 =	vld [tilespmem:s22+$0x12560]  }
0x22d: {  	v10 =	vld [tilespmem:s22+$0xFDD0]  }
0x22e: {  	v11 =	vld [tilespmem:s22+$0x125D0]  }
0x22f: {  	v12 =	vld [tilespmem:s22+$0xFD90]  }
0x230: {  	v13 =	vld [tilespmem:s22+$0x12590]  }
0x231: {  	v14 =	vld [tilespmem:s22+$0xFE00]  }
0x232: {  	v15 =	vld [tilespmem:s22+$0x12600]  }
0x233: {  	v16 =	vld [tilespmem:s22+$0xFE30]  }
0x234: {  	v17 =	vld [tilespmem:s22+$0x12630]  }
0x235: {  	v18 =	vld [tilespmem:s22+$0xFCE0]  }
0x236: {  	v19 =	vld [tilespmem:s22+$0x124E0]  }
0x237: {  	v20 =	vld [tilespmem:s22+$0xFD50]  }
0x238: {  	v21 =	vld [tilespmem:s22+$0x12550]  }
0x239: {  	v22 =	vld [tilespmem:s22+$0xFDC0]  }
0x23a: {  	v23 =	vld [tilespmem:s22+$0x125C0]  }
0x23b: {  	v24 =	vld [tilespmem:s22+$0xFCA0]  }
0x23c: {  	v25 =	vld [tilespmem:s22+$0x124A0]  }
0x23d: {  	v26 =	vld [tilespmem:s22+$0xFD10]  }
0x23e: {  	v27 =	vld [tilespmem:s22+$0x12510]  }
0x23f: {  	v28 =	vld [tilespmem:s22+$0xFD80]  }
0x240: {  	v29 =	vld [tilespmem:s22+$0x12580]  }
0x241: {  	v30 =	vld [tilespmem:s22+$0xFDF0]  }
0x242: {  	v31 =	vld [tilespmem:s22+$0x125F0]  }
0x243: {  	v32 =	vld [tilespmem:s22+$0xFCD0]  }
0x244: {  	v33 =	vld [tilespmem:s22+$0x124D0]  }
0x245: {  	v34 =	vld [tilespmem:s22+$0xFD40]  }
0x246: {  	v35 =	vld [tilespmem:s22+$0x12540]  }
0x247: {  	v36 =	vld [tilespmem:s22+$0xFDB0]  }
0x248: {  	v37 =	vld [tilespmem:s22+$0x125B0]  }
0x249: {  	v38 =	vld [tilespmem:s22+$0xFC20]  }
0x24a: {  	v39 =	vld [tilespmem:s22+$0x12420]  }
0x24b: {  	v40 =	vld [tilespmem:s22+$0xFC90]  }
0x24c: {  	v41 =	vld [tilespmem:s22+$0x12490]  }
0x24d: {  	v42 =	vld [tilespmem:s22+$0xFD00]  }
0x24e: {  	v43 =	vld [tilespmem:s22+$0x12500]  }
0x24f: {  	v44 =	vld [tilespmem:s22+$0xFD70]  }
0x250: {  	v45 =	vld [tilespmem:s22+$0x12570]  }
0x251: {  	v46 =	vld [tilespmem:s22+$0xFBE0]  }
0x252: {  	v47 =	vld [tilespmem:s22+$0x123E0]  }
0x253: {  	v48 =	vld [tilespmem:s22+$0xFC50]  }
0x254: {  	v49 =	vld [tilespmem:s22+$0x12450]  }
0x255: {  	v50 =	vld [tilespmem:s22+$0xFCC0]  }
0x256: {  	v51 =	vld [tilespmem:s22+$0x124C0]  }
0x257: {  	v52 =	vld [tilespmem:s22+$0xFD30]  }
0x258: {  	v53 =	vld [tilespmem:s22+$0x12530];
	v30 =	vmul.bf16 v31, v30;
	v31 =	vmul.bf16 v1, v0  }
0x259: {  	v54 =	vld [tilespmem:s22+$0xFC10];
	v56 =	vmul.bf16 v3, v2;
	v5 =	vmul.bf16 v5, v4  }
0x25a: {  	v55 =	vld [tilespmem:s22+$0x12410];
	v3 =	vmul.bf16 v15, v14;
	v4 =	vmul.bf16 v17, v16  }
0x25b: {  	v57 =	vld [tilespmem:s22+$0xFC80];
	v15 =	vmul.bf16 v9, v8;
	v16 =	vmul.bf16 v19, v18  }
0x25c: {  	v59 =	vld [tilespmem:s22+$0x12480];
	v20 =	vmul.bf16 v21, v20;
	v17 =	vmul.bf16 v25, v24  }
0x25d: {  	v61 =	vld [tilespmem:s22+$0xFCF0];
	v25 =	vmul.bf16 v53, v52;
	v34 =	vmul.bf16 v35, v34  }
0x25e: {  	v62 =	vld [tilespmem:s22+$0x12360];
	v32 =	vmul.bf16 v33, v32;
	v33 =	vmul.bf16 v39, v38;
	v0 =	vshll.u32 v30, $0x10  }
0x25f: {  	v14 =	vld [tilespmem:s22+$0x124F0];
	v38 =	vmul.bf16 v41, v40;
	v41 =	vmul.bf16 v47, v46;
	v1 =	vadd.f32 $0.0e+00, v0  }
0x260: {  	v19 =	vld [tilespmem:s22+$0x123D0];
	v58 =	vshll.u32 v31, $0x10;
	v60 =	vshll.u32 v56, $0x10;
	v8 =	vshll.u32 v3, $0x10  }
0x261: {  	v21 =	vld [tilespmem:s22+$0x12440];
	v9 =	vshll.u32 v4, $0x10;
	v0 =	vmul.bf16 v7, v6;
	v7 =	vadd.f32 v30, v1  }
0x262: {  	v24 =	vld [tilespmem:s22+$0x124B0];
	v18 =	vshll.u32 v15, $0x10;
	v39 =	vshll.u32 v33, $0x10;
	v1 =	vmul.bf16 v11, v10  }
0x263: {  	v52 =	vld [tilespmem:s22+$0x12320];
	v7 =	vadd.f32 v8, v7;
	v8 =	vadd.f32 $0.0e+00, v9;
	v9 =	vmul.bf16 v45, v44  }
0x264: {  	v53 =	vld [tilespmem:s22+$0xFB90];
	v40 =	vshll.u32 v38, $0x10;
	v10 =	vmul.bf16 v13, v12;
	v14 =	vmul.bf16 v14, v61  }
0x265: {  	v13 =	vld [tilespmem:s22+$0xFBD0];
	v7 =	vadd.f32 v3, v7;
	v3 =	vadd.f32 v4, v8;
	v4 =	vshll.u32 v9, $0x10  }
0x266: {  	v46 =	vld [tilespmem:s22+$0xFBC0];
	v47 =	vshll.u32 v41, $0x10;
	v6 =	vshll.u32 v5, $0x10;
	v8 =	vadd.f32 $0.0e+00, v4  }
0x267: {  	v44 =	vld [tilespmem:s22+$0xFC40];
	v61 =	vshll.u32 v14, $0x10;
	v6 =	vadd.f32 v6, v7;
	v7 =	vmul.bf16 v29, v28  }
0x268: {  	v30 =	vld [tilespmem:s22+$0xFB60];
	v11 =	vshll.u32 v25, $0x10;
	v35 =	vadd.f32 $0.0e+00, v61;
	v8 =	vadd.f32 v9, v8  }
0x269: {  	v4 =	vmul.bf16 v23, v22;
	v22 =	vld [tilespmem:s22+$0xFCB0];
	v5 =	vadd.f32 v5, v6;
	v9 =	vshll.u32 v7, $0x10  }
0x26a: {  	v19 =	vmul.bf16 v19, v13;
	v13 =	vadd.f32 v14, v35;
	v35 =	vld [tilespmem:s22+$0xFB10];
	v8 =	vadd.f32 v9, v8  }
0x26b: {  	v28 =	vld [tilespmem:s22+$0xFB20];
	v9 =	vadd.f32 v58, v5;
	v5 =	vmul.bf16 v27, v26;
	v26 =	vadd.f32 $0.0e+00, v11  }
0x26c: {  	v14 =	vmul.bf16 v21, v44;
	v21 =	vld [tilespmem:s22+$0xFB80];
	v27 =	vmul.bf16 v37, v36;
	v7 =	vadd.f32 v7, v8  }
0x26d: {  	v12 =	vshll.u32 v10, $0x10;
	v36 =	vld [tilespmem:s22+$0x12390];
	v11 =	vadd.f32 v31, v9;
	v8 =	vadd.f32 v25, v26  }
0x26e: {  	v58 =	vld [tilespmem:s22+$0xFC70];
	v9 =	vshll.u32 v27, $0x10;
	v26 =	vshll.u32 v34, $0x10;
	v7 =	vadd.f32 v12, v7  }
0x26f: {  	v22 =	vmul.bf16 v24, v22;
	v24 =	vld [tilespmem:s22+$0xFB50];
	v9 =	vadd.f32 $0.0e+00, v9;
	v12 =	vadd.f32 v26, v8  }
0x270: {  	v45 =	vshll.u32 v16, $0x10;
	v23 =	vshll.u32 v20, $0x10;
	v26 =	vld [tilespmem:s22+$0x12470];
	v10 =	vadd.f32 v10, v7  }
0x271: {  	v30 =	vmul.bf16 v62, v30;
	v31 =	vld [tilespmem:s22+$0xFC00];
	v7 =	vadd.f32 v27, v9;
	v9 =	vadd.f32 v34, v12  }
0x272: {  	v29 =	vshll.u32 v17, $0x10;
	v6 =	vshll.u32 v4, $0x10;
	v25 =	vld [tilespmem:s22+$0x12400];
	v63 =	vshll.u32 v22, $0x10  }
0x273: {  	v8 =	vmul.bf16 v43, v42;
	v43 =	vmul.bf16 v51, v50;
	v50 =	vld [tilespmem:s22+$0x123C0];
	v9 =	vadd.f32 v23, v9  }
0x274: {  	v37 =	vshll.u32 v32, $0x10;
	v28 =	vmul.bf16 v52, v28;
	v42 =	vadd.f32 $0.0e+00, v63;
	v63 =	vld [tilespmem:s22+$0xFBB0]  }
0x275: {  	v51 =	vmul.bf16 v59, v57;
	v27 =	vld [tilespmem:s22+$0xFAA0];
	v26 =	vmul.bf16 v26, v58;
	v20 =	vadd.f32 v20, v9  }
0x276: {  	v36 =	vmul.bf16 v36, v53;
	v22 =	vadd.f32 v22, v42;
	v9 =	vmul.bf16 v49, v48;
	v48 =	vld [tilespmem:s22+$0xFBF0]  }
0x277: {  	v12 =	vadd.f32 v60, v10;
	v60 =	vshll.u32 v26, $0x10;
	v18 =	vadd.f32 v18, v20;
	v20 =	vld [tilespmem:s22+$0x123F0]  }
0x278: {  	v34 =	vld [tilespmem:s22+$0x122A0];
	v42 =	vmul.bf16 v55, v54;
	v10 =	vshll.u32 v8, $0x10;
	v49 =	vadd.f32 $0.0e+00, v60  }
0x279: {  	v59 =	vshll.u32 v51, $0x10;
	v55 =	vld [tilespmem:s22+$0xFB40];
	v6 =	vadd.f32 v6, v7;
	v10 =	vadd.f32 v10, v13  }
0x27a: {  	v58 =	vshll.u32 v43, $0x10;
	v15 =	vadd.f32 v15, v18;
	v18 =	vld [tilespmem:s22+$0x123B0];
	v26 =	vadd.f32 v26, v49  }
0x27b: {  	v25 =	vmul.bf16 v25, v31;
	v31 =	vld [tilespmem:s22+$0x12340];
	v12 =	vadd.f32 v56, v12;
	v22 =	vadd.f32 v58, v22  }
0x27c: {  	v52 =	vld [tilespmem:s22+$0xFB00];
	v46 =	vmul.bf16 v50, v46;
	v26 =	vadd.f32 v59, v26;
	v20 =	vmul.bf16 v20, v48  }
0x27d: {  	v23 =	vld [tilespmem:s22+$0x12350];
	v56 =	vshll.u32 v42, $0x10;
	v57 =	vshll.u32 v25, $0x10;
	v22 =	vadd.f32 v43, v22  }
0x27e: {  	v54 =	vld [tilespmem:s22+$0xFC30];
	v50 =	vshll.u32 v46, $0x10;
	v26 =	vadd.f32 v51, v26;
	v61 =	vshll.u32 v20, $0x10  }
0x27f: {  	v58 =	vld [tilespmem:s22+$0x12300];
	v22 =	vadd.f32 v37, v22;
	v62 =	vmul.bf16 v18, v63;
	v44 =	vadd.f32 $0.0e+00, v61  }
0x280: {  	v27 =	vmul.bf16 v34, v27;
	v60 =	vld [tilespmem:s22+$0x12430];
	v31 =	vmul.bf16 v31, v55;
	v26 =	vadd.f32 v40, v26  }
0x281: {  	v37 =	vld [tilespmem:s22+$0x12310];
	v22 =	vadd.f32 v32, v22;
	v63 =	vshll.u32 v62, $0x10;
	v20 =	vadd.f32 v20, v44  }
0x282: {  	v23 =	vmul.bf16 v23, v24;
	v32 =	vld [tilespmem:s22+$0x12380];
	v40 =	vadd.f32 $0.0e+00, v63;
	v26 =	vadd.f32 v38, v26  }
0x283: {  	v49 =	vshll.u32 v19, $0x10;
	v59 =	vld [tilespmem:s22+$0xFB30];
	v22 =	vadd.f32 v45, v22;
	v20 =	vadd.f32 v57, v20  }
0x284: {  	v48 =	vshll.u32 v30, $0x10;
	v40 =	vadd.f32 v62, v40;
	v26 =	vadd.f32 v29, v26;
	v29 =	vld [tilespmem:s22+$0x12330]  }
0x285: {  	v51 =	vshll.u32 v31, $0x10;
	v61 =	vld [tilespmem:s22+$0x122F0];
	v20 =	vadd.f32 v25, v20;
	v25 =	vmul.bf16 v60, v54  }
0x286: {  	v18 =	vshll.u32 v14, $0x10;
	v35 =	vmul.bf16 v37, v35;
	v63 =	vld [tilespmem:s22+$0x12270];
	v40 =	vadd.f32 v50, v40  }
0x287: {  	v17 =	vadd.f32 v17, v26;
	v26 =	vld [tilespmem:s22+$0xFAF0];
	v20 =	vadd.f32 v56, v20;
	v24 =	vshll.u32 v25, $0x10  }
0x288: {  	v37 =	vshll.u32 v23, $0x10;
	v62 =	vld [tilespmem:s22+$0x12370];
	v40 =	vadd.f32 v46, v40;
	v24 =	vadd.f32 $0.0e+00, v24  }
0x289: {  	v16 =	vadd.f32 v16, v22;
	v60 =	vld [tilespmem:s22+$0xFB70];
	v29 =	vmul.bf16 v29, v59;
	v20 =	vadd.f32 v42, v20  }
0x28a: {  	v22 =	vshll.u32 v28, $0x10;
	v40 =	vadd.f32 v49, v40;
	v24 =	vadd.f32 v25, v24;
	v25 =	vld [tilespmem:s22+$0xFA70]  }
0x28b: {  	v21 =	vmul.bf16 v32, v21;
	v32 =	vld [tilespmem:s22+$0xFA80];
	v49 =	vshll.u32 v29, $0x10;
	v20 =	vadd.f32 v39, v20  }
0x28c: {  	v26 =	vmul.bf16 v61, v26;
	v19 =	vadd.f32 v19, v40;
	v40 =	vld [tilespmem:s22+$0xFAB0];
	v50 =	vadd.f32 $0.0e+00, v49  }
0x28d: {  	v45 =	vshll.u32 v35, $0x10;
	v38 =	vmul.bf16 v58, v52;
	v20 =	vadd.f32 v33, v20;
	v33 =	vld [tilespmem:s22+$0x122B0]  }
0x28e: {  	v52 =	vld [tilespmem:s22+$0x12280];
	v54 =	vmul.bf16 v62, v60;
	v53 =	vshll.u32 v26, $0x10;
	v29 =	vadd.f32 v29, v50  }
0x28f: {  	v55 =	vld [tilespmem:s22+$0xFA90];
	v58 =	vshll.u32 v38, $0x10;
	v56 =	vadd.f32 $0.0e+00, v53;
	v25 =	vmul.bf16 v63, v25  }
0x290: {  	v57 =	vld [tilespmem:s22+$0xFAC0];
	v59 =	vshll.u32 v54, $0x10;
	v18 =	vadd.f32 v18, v24;
	v29 =	vadd.f32 v51, v29  }
0x291: {  	v61 =	vld [tilespmem:s22+$0x122C0];
	v39 =	vadd.f32 $0.0e+00, v59;
	v26 =	vadd.f32 v26, v56;
	v60 =	vshll.u32 v25, $0x10  }
0x292: {  	v63 =	vld [tilespmem:s22+$0x12290];
	v29 =	vadd.f32 v31, v29;
	v62 =	vadd.f32 $0.0e+00, v60;
	v33 =	vmul.bf16 v33, v40  }
0x293: {  	v44 =	vadd.f32 v54, v39;
	v31 =	vmul.bf16 v52, v32;
	v26 =	vadd.f32 v58, v26  }
0x294: {  	v50 =	vld [tilespmem:s22+$0xFAD0];
	v29 =	vadd.f32 v37, v29;
	v25 =	vadd.f32 v25, v62;
	v46 =	vshll.u32 v33, $0x10  }
0x295: {  	v52 =	vld [tilespmem:s22+$0x122D0];
	v51 =	vshll.u32 v31, $0x10;
	v26 =	vadd.f32 v38, v26;
	v34 =	vadd.f32 $0.0e+00, v46  }
0x296: {  	v53 =	vmul.bf16 v61, v57;
	v23 =	vadd.f32 v23, v29;
	v25 =	vadd.f32 v51, v25  }
0x297: {  	v29 =	vmul.bf16 v63, v55;
	v26 =	vadd.f32 v45, v26;
	v33 =	vadd.f32 v33, v34  }
0x298: {  	v54 =	vld [tilespmem:s22+$0xFAE0];
	v23 =	vadd.f32 v48, v23;
	v25 =	vadd.f32 v31, v25;
	v31 =	vshll.u32 v53, $0x10  }
0x299: {  	v56 =	vld [tilespmem:s22+$0x122E0];
	v55 =	vshll.u32 v29, $0x10;
	v26 =	vadd.f32 v35, v26;
	v31 =	vadd.f32 v31, v33  }
0x29a: {  	v57 =	vmul.bf16 v52, v50;
	v23 =	vadd.f32 v30, v23;
	v25 =	vadd.f32 v55, v25  }
0x29b: {  	(xrf2) =	vadd.scan.msk.f32 $0xffff, v11;
	v22 =	vadd.f32 v22, v26;
	v26 =	vshll.u32 v21, $0x10;
	v30 =	vld [tilespmem:s22+$0xFBA0];
	v11 =	vadd.f32 v53, v31  }
0x29c: {  	(xrf2) =	vadd.scan.msk.f32 $0xffff, v12;
	v26 =	vadd.f32 v26, v44;
	v12 =	vadd.f32 v29, v25;
	v25 =	vshll.u32 v57, $0x10;
	v29 =	vld [tilespmem:s22+$0x123A0]  }
0x29d: {  	(xrf2) =	vadd.scan.msk.f32 $0xffff, v15;
	v15 =	vshll.u32 v27, $0x10;
	v19 =	vadd.f32 v47, v19;
	v11 =	vadd.f32 v25, v11  }
0x29e: {  	(xrf2) =	vadd.scan.msk.f32 $0xffff, v16;
	v24 =	vld [tilespmem:s22+$0x12460];
	v16 =	vadd.f32 v21, v26;
	v12 =	vadd.f32 v15, v12;
	v15 =	vmul.bf16 v56, v54  }
0x29f: {  	(xrf2) =	vadd.scan.msk.f32 $0xffff, v17;
	v17 =	vshll.u32 v36, $0x10;
	v19 =	vadd.f32 v41, v19;
	v21 =	vld [tilespmem:s22+$0xFC60];
	v11 =	vadd.f32 v57, v11  }
0x2a0: {  	v14 =	vadd.f32 v14, v18;
	(xrf2) =	vadd.scan.msk.f32 $0xffff, v20;
	v16 =	vadd.f32 v17, v16;
	v20 =	vshll.u32 v15, $0x10  }
0x2a1: {  	v13 =	vld [tilespmem:s22+$0x12520];
	(xrf2) =	vadd.scan.msk.f32 $0xffff, v19;
	v22 =	vadd.f32 v28, v22;
	v11 =	vadd.f32 v20, v11;
	v19 =	vmul.bf16 v29, v30  }
0x2a2: {  	v18 =	vld [tilespmem:s22+$0xFD20];
	(xrf2) =	vadd.scan.msk.f32 $0xffff, v23;
	v12 =	vadd.f32 v27, v12;
	v16 =	vadd.f32 v36, v16;
	v20 =	vshll.u32 v9, $0x10  }
0x2a3: {  	(xrf2) =	vadd.scan.msk.f32 $0xffff, v22;
	v14 =	vadd.f32 v20, v14;
	v11 =	vadd.f32 v15, v11;
	v15 =	vshll.u32 v19, $0x10  }
0x2a4: {  	v7 =	vld [tilespmem:s22+$0x125E0];
	v8 =	vadd.f32 v8, v10;
	(xrf2) =	vadd.scan.msk.f32 $0xffff, v12;
	v12 =	vadd.f32 v15, v16;
	v15 =	vmul.bf16 v24, v21  }
0x2a5: {  	v2 =	vshll.u32 v0, $0x10;
	v10 =	vld [tilespmem:s22+$0xFDE0];
	v9 =	vadd.f32 v9, v14;
	v14 =	vshll.u32 v5, $0x10  }
0x2a6: {  	v16, _, _ =	vpop (xrf2);
	(xrf2) =	vadd.scan.msk.f32 $0xffff, v11;
	v8 =	vadd.f32 v14, v8;
	v12 =	vadd.f32 v19, v12;
	v19 =	vshll.u32 v15, $0x10  }
0x2a7: {  	v2 =	vadd.f32 v2, v3;
	v13 =	vmul.bf16 v13, v18;
	v11, _, _ =	vpop (xrf2);
	v9 =	vadd.f32 v19, v9  }
0x2a8: {  	v4 =	vadd.f32 v4, v6;
	v5 =	vadd.f32 v5, v8;
	v14, _, _ =	vpop (xrf2)  }
0x2a9: {  	v17 =	vld [tilespmem:s22+$0xFE50];
	v8 =	vshll.u32 v1, $0x10;
	v6, _, _ =	vpop (xrf2);
	v9 =	vadd.f32 v15, v9;
	v15 =	vshll.u32 v13, $0x10  }
0x2aa: {  	v7 =	vmul.bf16 v7, v10;
	v20 =	vld [tilespmem:s22+$0x12650];
	(xrf2) =	vadd.scan.msk.f32 $0xffff, v12;
	v4 =	vadd.f32 v8, v4;
	v12, _, _ =	vpop (xrf2);
	v5 =	vadd.f32 v15, v5  }
0x2ab: {  	v18, _, _ =	vpop (xrf2)  }
0x2ac: {  	v1 =	vadd.f32 v1, v4;
	v15, _, _ =	vpop (xrf2);
	v4 =	vadd.f32 v13, v5;
	v5 =	vshll.u32 v7, $0x10  }
0x2ad: {  	v3 =	vld [tilespmem:s22+$0xFE60];
	v0 =	vadd.f32 v0, v2;
	v2, _, _ =	vpop (xrf2)  }
0x2ae: {  	v8 =	vld [tilespmem:s22+$0x12660];
	v13, _, _ =	vpop (xrf2)  }
0x2af: {  	v10 =	vmul.bf16 v20, v17;
	(xrf2) =	vadd.scan.msk.f32 $0xffff, v9;
	v1 =	vadd.f32 v5, v1;
	v5, _, _ =	vpop (xrf2)  }
0x2b0: {  	(xrf2) =	vadd.scan.msk.f32 $0xffff, v4;
	v4, _, _ =	vpop (xrf2)  }
0x2b1: {  	v9 =	vshll.u32 v10, $0x10;
	v4 =	vbroadcast v4, $0xF  }
0x2b2: {  	v0 =	vadd.f32 v9, v0  }
0x2b3: {  	v3 =	vmul.bf16 v8, v3;
	v1 =	vadd.f32 v7, v1;
	v5 =	vbroadcast v5, $0xF  }
0x2b4: {  	v0 =	vadd.f32 v10, v0  }
0x2b5: {  	v7 =	vshll.u32 v3, $0x10;
	(xrf2) =	vadd.scan.msk.f32 $0xffff, v1;
	v1 =	vsel vm0, v5, v4;
	v4, _, _ =	vpop (xrf2)  }
0x2b6: {  	v8 =	vbroadcast v13, $0xF;
	v0 =	vadd.f32 v7, v0;
	v4 =	vbroadcast v4, $0xF  }
0x2b7: {  	v2 =	vbroadcast v2, $0xF  }
0x2b8: {  	v0 =	vadd.f32 v3, v0;
	v1 =	vsel vm1, v1, v8  }
0x2b9: {  	v3 =	vbroadcast v18, $0xF;
	v1 =	vsel vm2, v1, v2;
	v2 =	vbroadcast v15, $0xF  }
0x2ba: {  	v1 =	vsel vm3, v1, v4;
	v4, _, _ =	vpop (xrf2)  }
0x2bb: {  	(xrf2) =	vadd.scan.msk.f32 $0xffff, v0;
	v0 =	vsel vm4, v1, v2;
	v1 =	vbroadcast v4, $0xF  }
0x2bc: {  	v2 =	vbroadcast v12, $0xF;
	v0 =	vsel vm5, v0, v3  }
0x2bd: {  	v3, _, _ =	vpop (xrf2);
	v0 =	vsel vm6, v0, v1;
	v1 =	vbroadcast v6, $0xF  }
0x2be: {  	v0 =	vsel vm7, v0, v2;
	v2 =	vbroadcast v3, $0xF  }
0x2bf: {  	v0 =	vsel vm8, v0, v1;
	v1 =	vbroadcast v14, $0xF  }
0x2c0: {  	v3, _, _ =	vpop (xrf2);
	v0 =	vsel vm9, v0, v2  }
0x2c1: {  	v2 =	vbroadcast v11, $0xF;
	v0 =	vsel vm10, v0, v1;
	v1 =	vbroadcast v3, $0xF;
	_ =	sdelay $0x1  }
0x2c2: {  	v0 =	vsel vm11, v0, v2;
	v2 =	vbroadcast v16, $0xF  }
0x2c3: {  	v0 =	vsel vm12, v0, v1  }
0x2c4: {  	v0 =	vsel vm13, v0, v2;
	v1, _, _ =	vpop (xrf2)  }
0x2c5: {  	s20 =	simm.s32 $0x13AB0;
	v0 =	vsel vm14, v0, v1  }
0x2c6: {  	s22 =	simm.s32 $0x7F0;
	[tilespmem:s20+$0x0] =	vst v0  }
0x2c7: {  	v0 =	vld [tilespmem:s22+$0xFE20]  }
0x2c8: {  	v1 =	vld [tilespmem:s22+$0x12620]  }
0x2c9: {  	v2 =	vld [tilespmem:s22+$0xFDA0]  }
0x2ca: {  	v3 =	vld [tilespmem:s22+$0x125A0]  }
0x2cb: {  	v4 =	vld [tilespmem:s22+$0xFE10]  }
0x2cc: {  	v5 =	vld [tilespmem:s22+$0x12610]  }
0x2cd: {  	v6 =	vld [tilespmem:s22+$0xFE40]  }
0x2ce: {  	v7 =	vld [tilespmem:s22+$0x12640]  }
0x2cf: {  	v8 =	vld [tilespmem:s22+$0xFD60]  }
0x2d0: {  	v9 =	vld [tilespmem:s22+$0x12560]  }
0x2d1: {  	v10 =	vld [tilespmem:s22+$0xFDD0]  }
0x2d2: {  	v11 =	vld [tilespmem:s22+$0x125D0]  }
0x2d3: {  	v12 =	vld [tilespmem:s22+$0xFD90]  }
0x2d4: {  	v13 =	vld [tilespmem:s22+$0x12590]  }
0x2d5: {  	v14 =	vld [tilespmem:s22+$0xFE00]  }
0x2d6: {  	v15 =	vld [tilespmem:s22+$0x12600]  }
0x2d7: {  	v16 =	vld [tilespmem:s22+$0xFE30]  }
0x2d8: {  	v17 =	vld [tilespmem:s22+$0x12630]  }
0x2d9: {  	v18 =	vld [tilespmem:s22+$0xFCE0]  }
0x2da: {  	v19 =	vld [tilespmem:s22+$0x124E0]  }
0x2db: {  	v20 =	vld [tilespmem:s22+$0xFD50]  }
0x2dc: {  	v21 =	vld [tilespmem:s22+$0x12550]  }
0x2dd: {  	v22 =	vld [tilespmem:s22+$0xFDC0]  }
0x2de: {  	v23 =	vld [tilespmem:s22+$0x125C0]  }
0x2df: {  	v24 =	vld [tilespmem:s22+$0xFCA0]  }
0x2e0: {  	v25 =	vld [tilespmem:s22+$0x124A0]  }
0x2e1: {  	v26 =	vld [tilespmem:s22+$0xFD10]  }
0x2e2: {  	v27 =	vld [tilespmem:s22+$0x12510]  }
0x2e3: {  	v28 =	vld [tilespmem:s22+$0xFD80]  }
0x2e4: {  	v29 =	vld [tilespmem:s22+$0x12580]  }
0x2e5: {  	v30 =	vld [tilespmem:s22+$0xFDF0]  }
0x2e6: {  	v31 =	vld [tilespmem:s22+$0x125F0]  }
0x2e7: {  	v32 =	vld [tilespmem:s22+$0xFCD0]  }
0x2e8: {  	v33 =	vld [tilespmem:s22+$0x124D0]  }
0x2e9: {  	v34 =	vld [tilespmem:s22+$0xFD40]  }
0x2ea: {  	v35 =	vld [tilespmem:s22+$0x12540]  }
0x2eb: {  	v36 =	vld [tilespmem:s22+$0xFDB0]  }
0x2ec: {  	v37 =	vld [tilespmem:s22+$0x125B0]  }
0x2ed: {  	v38 =	vld [tilespmem:s22+$0xFC20]  }
0x2ee: {  	v39 =	vld [tilespmem:s22+$0x12420]  }
0x2ef: {  	v40 =	vld [tilespmem:s22+$0xFC90]  }
0x2f0: {  	v41 =	vld [tilespmem:s22+$0x12490]  }
0x2f1: {  	v42 =	vld [tilespmem:s22+$0xFD00]  }
0x2f2: {  	v43 =	vld [tilespmem:s22+$0x12500]  }
0x2f3: {  	v44 =	vld [tilespmem:s22+$0xFD70]  }
0x2f4: {  	v45 =	vld [tilespmem:s22+$0x12570]  }
0x2f5: {  	v46 =	vld [tilespmem:s22+$0xFBE0]  }
0x2f6: {  	v47 =	vld [tilespmem:s22+$0x123E0]  }
0x2f7: {  	v48 =	vld [tilespmem:s22+$0xFC50]  }
0x2f8: {  	v49 =	vld [tilespmem:s22+$0x12450]  }
0x2f9: {  	v50 =	vld [tilespmem:s22+$0xFCC0]  }
0x2fa: {  	v51 =	vld [tilespmem:s22+$0x124C0]  }
0x2fb: {  	v52 =	vld [tilespmem:s22+$0xFD30]  }
0x2fc: {  	v53 =	vld [tilespmem:s22+$0x12530];
	v30 =	vmul.bf16 v31, v30  }
0x2fd: {  	v54 =	vld [tilespmem:s22+$0xFC10];
	v31 =	vmul.bf16 v1, v0;
	v56 =	vmul.bf16 v3, v2  }
0x2fe: {  	v55 =	vld [tilespmem:s22+$0x12410];
	v5 =	vmul.bf16 v5, v4;
	v3 =	vmul.bf16 v15, v14  }
0x2ff: {  	v57 =	vld [tilespmem:s22+$0xFC80];
	v4 =	vmul.bf16 v17, v16;
	v16 =	vmul.bf16 v9, v8  }
0x300: {  	v59 =	vld [tilespmem:s22+$0x12480];
	v17 =	vmul.bf16 v19, v18;
	v19 =	vmul.bf16 v21, v20  }
0x301: {  	v61 =	vld [tilespmem:s22+$0xFCF0];
	v21 =	vmul.bf16 v25, v24;
	v24 =	vmul.bf16 v53, v52;
	v0 =	vshll.u32 v30, $0x10  }
0x302: {  	v62 =	vld [tilespmem:s22+$0xFB60];
	v34 =	vmul.bf16 v35, v34;
	v32 =	vmul.bf16 v33, v32;
	v1 =	vadd.f32 $0.0e+00, v0  }
0x303: {  	v63 =	vld [tilespmem:s22+$0x12440];
	v58 =	vshll.u32 v31, $0x10;
	v60 =	vshll.u32 v56, $0x10;
	v0 =	vmul.bf16 v7, v6  }
0x304: {  	v14 =	vld [tilespmem:s22+$0x124F0];
	v8 =	vshll.u32 v3, $0x10;
	v9 =	vshll.u32 v4, $0x10;
	v7 =	vadd.f32 v30, v1  }
0x305: {  	v18 =	vld [tilespmem:s22+$0x123D0];
	v35 =	vshll.u32 v32, $0x10;
	v6 =	vshll.u32 v5, $0x10;
	v2 =	vshll.u32 v0, $0x10  }
0x306: {  	v20 =	vld [tilespmem:s22+$0xFCB0];
	v7 =	vadd.f32 v8, v7;
	v8 =	vadd.f32 $0.0e+00, v9;
	v9 =	vmul.bf16 v45, v44  }
0x307: {  	v25 =	vld [tilespmem:s22+$0xFB20];
	v1 =	vmul.bf16 v11, v10;
	v10 =	vmul.bf16 v13, v12;
	v13 =	vshll.u32 v16, $0x10  }
0x308: {  	v52 =	vld [tilespmem:s22+$0x12320];
	v7 =	vadd.f32 v3, v7;
	v3 =	vadd.f32 v4, v8;
	v4 =	vshll.u32 v9, $0x10  }
0x309: {  	v53 =	vld [tilespmem:s22+$0xFB90];
	v30 =	vmul.bf16 v39, v38;
	v15 =	vshll.u32 v10, $0x10;
	v8 =	vadd.f32 $0.0e+00, v4  }
0x30a: {  	v33 =	vld [tilespmem:s22+$0xFBB0];
	v45 =	vshll.u32 v17, $0x10;
	v6 =	vadd.f32 v6, v7;
	v7 =	vmul.bf16 v29, v28  }
0x30b: {  	v39 =	vshll.u32 v30, $0x10;
	v4 =	vmul.bf16 v23, v22;
	v23 =	vld [tilespmem:s22+$0x124B0];
	v8 =	vadd.f32 v9, v8  }
0x30c: {  	v11 =	vld [tilespmem:s22+$0x12360];
	v22 =	vshll.u32 v19, $0x10;
	v5 =	vadd.f32 v5, v6;
	v9 =	vshll.u32 v7, $0x10  }
0x30d: {  	v12 =	vld [tilespmem:s22+$0xFBD0];
	v29 =	vshll.u32 v21, $0x10;
	v28 =	vshll.u32 v24, $0x10;
	v8 =	vadd.f32 v9, v8  }
0x30e: {  	v38 =	vld [tilespmem:s22+$0x122A0];
	v9 =	vadd.f32 v58, v5;
	v5 =	vmul.bf16 v27, v26;
	v26 =	vadd.f32 $0.0e+00, v28  }
0x30f: {  	v44 =	vld [tilespmem:s22+$0xFC40];
	v27 =	vmul.bf16 v37, v36;
	v37 =	vmul.bf16 v41, v40;
	v7 =	vadd.f32 v7, v8  }
0x310: {  	v36 =	vld [tilespmem:s22+$0x12390];
	v23 =	vmul.bf16 v23, v20;
	v28 =	vadd.f32 v31, v9;
	v8 =	vadd.f32 v24, v26  }
0x311: {  	v58 =	vld [tilespmem:s22+$0xFC70];
	v9 =	vshll.u32 v27, $0x10;
	v26 =	vshll.u32 v34, $0x10;
	v7 =	vadd.f32 v15, v7  }
0x312: {  	v40 =	vld [tilespmem:s22+$0xFB50];
	v9 =	vadd.f32 $0.0e+00, v9;
	v15 =	vadd.f32 v26, v8;
	v8 =	vmul.bf16 v43, v42  }
0x313: {  	v26 =	vld [tilespmem:s22+$0x12470];
	v42 =	vmul.bf16 v51, v50;
	v50 =	vmul.bf16 v55, v54;
	v10 =	vadd.f32 v10, v7  }
0x314: {  	v41 =	vld [tilespmem:s22+$0x12350];
	v51 =	vmul.bf16 v59, v57;
	v7 =	vadd.f32 v27, v9;
	v9 =	vadd.f32 v34, v15  }
0x315: {  	v6 =	vshll.u32 v4, $0x10;
	v31 =	vld [tilespmem:s22+$0xFC00];
	v57 =	vmul.bf16 v18, v12;
	v12 =	vmul.bf16 v63, v44  }
0x316: {  	v24 =	vld [tilespmem:s22+$0x12400];
	v34 =	vshll.u32 v37, $0x10;
	v9 =	vadd.f32 v22, v9;
	v22 =	vshll.u32 v23, $0x10  }
0x317: {  	v15 =	vmul.bf16 v47, v46;
	v46 =	vld [tilespmem:s22+$0xFBC0];
	v55 =	vshll.u32 v50, $0x10;
	v22 =	vadd.f32 $0.0e+00, v22  }
0x318: {  	v47 =	vld [tilespmem:s22+$0x123C0];
	v20 =	vadd.f32 v60, v10;
	v26 =	vmul.bf16 v26, v58;
	v19 =	vadd.f32 v19, v9  }
0x319: {  	v9 =	vmul.bf16 v49, v48;
	v48 =	vld [tilespmem:s22+$0xFBF0];
	v22 =	vadd.f32 v23, v22;
	v23 =	vmul.bf16 v14, v61  }
0x31a: {  	v60 =	vshll.u32 v42, $0x10;
	v43 =	vadd.f32 v56, v20;
	v49 =	vld [tilespmem:s22+$0x123F0];
	v14 =	vshll.u32 v26, $0x10  }
0x31b: {  	v54 =	vld [tilespmem:s22+$0xFC30];
	v13 =	vadd.f32 v13, v19;
	v14 =	vadd.f32 $0.0e+00, v14;
	v19 =	vshll.u32 v23, $0x10  }
0x31c: {  	v44 =	vld [tilespmem:s22+$0xFB80];
	v10 =	vshll.u32 v8, $0x10;
	v22 =	vadd.f32 v60, v22;
	v61 =	vadd.f32 $0.0e+00, v19  }
0x31d: {  	v24 =	vmul.bf16 v24, v31;
	v19 =	vadd.f32 v16, v13;
	v13 =	vld [tilespmem:s22+$0x123B0];
	v16 =	vadd.f32 v26, v14  }
0x31e: {  	v59 =	vld [tilespmem:s22+$0xFAF0];
	v20 =	vshll.u32 v15, $0x10;
	v63 =	vmul.bf16 v47, v46;
	v26 =	vshll.u32 v51, $0x10  }
0x31f: {  	v27 =	vld [tilespmem:s22+$0xFAA0];
	v22 =	vadd.f32 v42, v22;
	v48 =	vmul.bf16 v49, v48;
	v16 =	vadd.f32 v26, v16  }
0x320: {  	v56 =	vshll.u32 v57, $0x10;
	v58 =	vld [tilespmem:s22+$0xFB40];
	v47 =	vshll.u32 v63, $0x10;
	v14 =	vmul.bf16 v11, v62  }
0x321: {  	v60 =	vld [tilespmem:s22+$0x12430];
	v22 =	vadd.f32 v35, v22;
	v26 =	vshll.u32 v48, $0x10;
	v16 =	vadd.f32 v51, v16  }
0x322: {  	v49 =	vld [tilespmem:s22+$0x12310];
	v11 =	vadd.f32 v23, v61;
	v26 =	vadd.f32 $0.0e+00, v26;
	v61 =	vmul.bf16 v13, v33  }
0x323: {  	v23 =	vld [tilespmem:s22+$0xFB10];
	v18 =	vshll.u32 v14, $0x10;
	v22 =	vadd.f32 v32, v22;
	v31 =	vadd.f32 v34, v16  }
0x324: {  	v35 =	vld [tilespmem:s22+$0xFB70];
	v16 =	vmul.bf16 v52, v25;
	v26 =	vadd.f32 v48, v26;
	v25 =	vshll.u32 v61, $0x10  }
0x325: {  	v51 =	vld [tilespmem:s22+$0x12380];
	v22 =	vadd.f32 v45, v22;
	v62 =	vadd.f32 $0.0e+00, v25;
	v25 =	vshll.u32 v24, $0x10  }
0x326: {  	v42 =	vmul.bf16 v60, v54;
	v33 =	vld [tilespmem:s22+$0xFB00];
	v31 =	vadd.f32 v37, v31;
	v26 =	vadd.f32 v25, v26  }
0x327: {  	v13 =	vshll.u32 v12, $0x10;
	v52 =	vld [tilespmem:s22+$0xFB30];
	v25 =	vadd.f32 v17, v22;
	v32 =	vadd.f32 v61, v62  }
0x328: {  	v60 =	vshll.u32 v42, $0x10;
	v29 =	vadd.f32 v29, v31;
	v31 =	vld [tilespmem:s22+$0x12330];
	v24 =	vadd.f32 v24, v26  }
0x329: {  	v34 =	vld [tilespmem:s22+$0x12300];
	v17 =	vmul.bf16 v36, v53;
	v36 =	vadd.f32 $0.0e+00, v60;
	v32 =	vadd.f32 v47, v32  }
0x32a: {  	v45 =	vld [tilespmem:s22+$0x12340];
	v22 =	vshll.u32 v16, $0x10;
	v26 =	vadd.f32 v21, v29;
	v24 =	vadd.f32 v55, v24  }
0x32b: {  	(xrf2) =	vadd.scan.msk.f32 $0xffff, v28;
	v61 =	vld [tilespmem:s22+$0x122F0];
	v29 =	vmul.bf16 v41, v40;
	v21 =	vmul.bf16 v38, v27;
	v37 =	vadd.f32 v63, v32  }
0x32c: {  	v27 =	vmul.bf16 v49, v23;
	v38 =	vld [tilespmem:s22+$0x12370];
	v23 =	vadd.f32 v42, v36;
	v62 =	vadd.f32 v50, v24  }
0x32d: {  	v40 =	vld [tilespmem:s22+$0x12270];
	v32 =	vshll.u32 v29, $0x10;
	v41 =	vmul.bf16 v31, v52;
	v63 =	vadd.f32 v56, v37  }
0x32e: {  	(xrf2) =	vadd.scan.msk.f32 $0xffff, v43;
	v42 =	vld [tilespmem:s22+$0xFA70];
	v31 =	vshll.u32 v27, $0x10;
	v24 =	vmul.bf16 v51, v44;
	v49 =	vadd.f32 v39, v62  }
0x32f: {  	v36 =	vld [tilespmem:s22+$0xFA80];
	v37 =	vmul.bf16 v45, v58;
	v28 =	vshll.u32 v41, $0x10;
	v44 =	vadd.f32 v57, v63  }
0x330: {  	s15 =	simm.s32 $0x2FC0;
	v43 =	vmul.bf16 v61, v59;
	v39 =	vld [tilespmem:s22+$0xFAB0];
	v45 =	vadd.f32 $0.0e+00, v28;
	v28 =	vadd.f32 v30, v49  }
.LBB2_5:
0x331: {  	p0 =	sne.s32 s15, $0x4FC0;
	v30 =	vld [tilespmem:s22+$0x122B0];
	v33 =	vmul.bf16 v34, v33;
	v34 =	vshll.u32 v37, $0x10;
	v20 =	vadd.f32 v20, v44;
	(xrf2) =	vadd.scan.msk.f32 $0xffff, v19  }
0x332: {  	v35 =	vmul.bf16 v38, v35;
	v19 =	vld [tilespmem:s22+$0x12280];
	v44 =	vshll.u32 v43, $0x10;
	v41 =	vadd.f32 v41, v45  }
0x333: {  	v38 =	vmul.bf16 v40, v42;
	v40 =	vld [tilespmem:s22+$0xFA90];
	v42 =	vadd.f32 $0.0e+00, v44;
	v44 =	vadd.f32 v15, v20  }
0x334: {  	v45 =	vshll.u32 v33, $0x10;
	v46 =	vshll.u32 v35, $0x10;
	v20 =	vld [tilespmem:s22+$0xFAC0];
	v34 =	vadd.f32 v34, v41;
	(xrf2) =	vadd.scan.msk.f32 $0xffff, v25  }
0x335: {  	v25 =	vshll.u32 v38, $0x10;
	v41 =	vld [tilespmem:s22+$0x122C0];
	v42 =	vadd.f32 v43, v42;
	v43 =	vadd.f32 $0.0e+00, v46;
	v15, _, _ =	vpop (xrf2)  }
0x336: {  	v25 =	vadd.f32 $0.0e+00, v25;
	v46 =	vld [tilespmem:s22+$0x12290];
	v30 =	vmul.bf16 v30, v39;
	v34 =	vadd.f32 v37, v34  }
0x337: {  	v36 =	vmul.bf16 v19, v36;
	v37 =	vadd.f32 v45, v42;
	v35 =	vadd.f32 v35, v43;
	(xrf2) =	vadd.scan.msk.f32 $0xffff, v26  }
0x338: {  	v25 =	vadd.f32 v38, v25;
	v26 =	vshll.u32 v30, $0x10;
	v38 =	vld [tilespmem:s22+$0xFAD0];
	v32 =	vadd.f32 v32, v34;
	v19, _, _ =	vpop (xrf2)  }
0x339: {  	v34 =	vshll.u32 v36, $0x10;
	v26 =	vadd.f32 $0.0e+00, v26;
	v39 =	vld [tilespmem:s22+$0x122D0];
	v33 =	vadd.f32 v33, v37  }
0x33a: {  	v25 =	vadd.f32 v34, v25;
	v34 =	vmul.bf16 v41, v20;
	v29 =	vadd.f32 v29, v32;
	(xrf2) =	vadd.scan.msk.f32 $0xffff, v28  }
0x33b: {  	v28 =	vmul.bf16 v46, v40;
	v26 =	vadd.f32 v30, v26;
	v30 =	vadd.f32 v31, v33;
	v20, _, _ =	vpop (xrf2)  }
0x33c: {  	v25 =	vadd.f32 v36, v25;
	v31 =	vshll.u32 v34, $0x10;
	v32 =	vld [tilespmem:s22+$0xFAE0];
	v18 =	vadd.f32 v18, v29  }
0x33d: {  	v29 =	vshll.u32 v28, $0x10;
	v26 =	vadd.f32 v31, v26;
	v31 =	vld [tilespmem:s22+$0x122E0];
	v27 =	vadd.f32 v27, v30;
	(xrf2) =	vadd.scan.msk.f32 $0xffff, v44  }
0x33e: {  	v25 =	vadd.f32 v29, v25;
	v29 =	vmul.bf16 v39, v38;
	v18 =	vadd.f32 v14, v18;
	v14, _, _ =	vpop (xrf2)  }
0x33f: {  	v26 =	vadd.f32 v34, v26;
	v34 =	vadd.f32 v22, v27;
	v27 =	vshll.u32 v24, $0x10;
	v30 =	vld [tilespmem:s22+$0xFBA0]  }
0x340: {  	v25 =	vadd.f32 v28, v25;
	v28 =	vshll.u32 v29, $0x10;
	v27 =	vadd.f32 v27, v35;
	v33 =	vld [tilespmem:s22+$0x123A0];
	(xrf2) =	vadd.scan.msk.f32 $0xffff, v18  }
0x341: {  	v18 =	vshll.u32 v21, $0x10;
	v26 =	vadd.f32 v28, v26;
	v16 =	vadd.f32 v16, v34;
	v22, _, _ =	vpop (xrf2)  }
0x342: {  	v18 =	vadd.f32 v18, v25;
	v25 =	vmul.bf16 v31, v32;
	v24 =	vadd.f32 v24, v27;
	v27 =	vld [tilespmem:s22+$0xFC60]  }
0x343: {  	v13 =	vadd.f32 v13, v23;
	v26 =	vadd.f32 v29, v26;
	v29 =	vshll.u32 v17, $0x10;
	v23 =	vld [tilespmem:s22+$0x12460];
	(xrf2) =	vadd.scan.msk.f32 $0xffff, v16  }
0x344: {  	v16 =	vadd.f32 v21, v18;
	v18 =	vshll.u32 v25, $0x10;
	v21 =	vadd.f32 v29, v24;
	v24 =	vld [tilespmem:s22+$0xFE50];
	v28, _, _ =	vpop (xrf2)  }
0x345: {  	v12 =	vadd.f32 v12, v13;
	v18 =	vadd.f32 v18, v26;
	v26 =	vmul.bf16 v33, v30;
	v13 =	vld [tilespmem:s22+$0xFD20]  }
0x346: {  	v10 =	vadd.f32 v10, v11;
	v17 =	vadd.f32 v17, v21;
	v21 =	vshll.u32 v9, $0x10;
	v11 =	vld [tilespmem:s22+$0x12520];
	(xrf2) =	vadd.scan.msk.f32 $0xffff, v16  }
0x347: {  	v16 =	vadd.f32 v25, v18;
	v18 =	vshll.u32 v26, $0x10;
	v29 =	vadd.f32 v21, v12;
	v21 =	vld [tilespmem:s22+$0x12650];
	v25, _, _ =	vpop (xrf2)  }
0x348: {  	v8 =	vadd.f32 v8, v10;
	v17 =	vadd.f32 v18, v17;
	v18 =	vmul.bf16 v23, v27;
	v10 =	vld [tilespmem:s22+$0xFDE0]  }
0x349: {  	v6 =	vadd.f32 v6, v7;
	v23 =	vshll.u32 v5, $0x10;
	v9 =	vadd.f32 v9, v29;
	v7 =	vld [tilespmem:s22+$0x125E0];
	(xrf2) =	vadd.scan.msk.f32 $0xffff, v16  }
0x34a: {  	v8 =	vadd.f32 v23, v8;
	v16 =	vadd.f32 v26, v17;
	v17 =	vshll.u32 v18, $0x10;
	v12, _, _ =	vpop (xrf2)  }
0x34b: {  	v4 =	vadd.f32 v4, v6;
	v9 =	vadd.f32 v17, v9;
	v11 =	vmul.bf16 v11, v13  }
0x34c: {  	v2 =	vadd.f32 v2, v3;
	v6 =	vshll.u32 v1, $0x10;
	v5 =	vadd.f32 v5, v8;
	v3 =	vld [tilespmem:s22+$0xFE60];
	(xrf2) =	vadd.scan.msk.f32 $0xffff, v16  }
0x34d: {  	v4 =	vadd.f32 v6, v4;
	v16 =	vadd.f32 v18, v9;
	v9 =	vshll.u32 v11, $0x10;
	v6 =	vld [tilespmem:s22+$0x12660];
	v13, _, _ =	vpop (xrf2)  }
0x34e: {  	v5 =	vadd.f32 v9, v5;
	v7 =	vmul.bf16 v7, v10;
	v9 =	vmul.bf16 v21, v24  }
0x34f: {  	v0 =	vadd.f32 v0, v2;
	v1 =	vadd.f32 v1, v4;
	(xrf2) =	vadd.scan.msk.f32 $0xffff, v16  }
0x350: {  	v10 =	vadd.f32 v11, v5;
	v4 =	vshll.u32 v7, $0x10;
	v5 =	vshll.u32 v9, $0x10;
	v8, _, _ =	vpop (xrf2)  }
0x351: {  	v1 =	vadd.f32 v4, v1;
	v0 =	vadd.f32 v5, v0  }
0x352: {  	v3 =	vmul.bf16 v6, v3;
	(xrf2) =	vadd.scan.msk.f32 $0xffff, v10  }
0x353: {  	v1 =	vadd.f32 v7, v1;
	v0 =	vadd.f32 v9, v0;
	v2, _, _ =	vpop (xrf2)  }
0x354: {  	v7 =	vbroadcast v8, $0xF;
	v2 =	vbroadcast v2, $0xF;
	v5 =	vshll.u32 v3, $0x10  }
0x355: {  	v6 =	vbroadcast v13, $0xF;
	v0 =	vadd.f32 v5, v0;
	(xrf2) =	vadd.scan.msk.f32 $0xffff, v1  }
0x356: {  	v1 =	vsel vm0, v7, v2;
	v2 =	vbroadcast v12, $0xF;
	v4, _, _ =	vpop (xrf2)  }
0x357: {  	v1 =	vsel vm1, v1, v6;
	v5 =	vbroadcast v4, $0xF;
	v0 =	vadd.f32 v3, v0  }
0x358: {  	v1 =	vsel vm2, v1, v2;
	v2 =	vbroadcast v25, $0xF  }
0x359: {  	v1 =	vsel vm3, v1, v5;
	v5 =	vbroadcast v28, $0xF;
	v4, _, _ =	vpop (xrf2);
	(xrf2) =	vadd.scan.msk.f32 $0xffff, v0  }
0x35a: {  	v0 =	vsel vm4, v1, v2;
	v1 =	vbroadcast v4, $0xF  }
0x35b: {  	v2 =	vbroadcast v22, $0xF;
	v0 =	vsel vm5, v0, v5  }
0x35c: {  	v0 =	vsel vm6, v0, v1;
	v1 =	vbroadcast v14, $0xF;
	v3, _, _ =	vpop (xrf2)  }
0x35d: {  	v0 =	vsel vm7, v0, v2;
	v2 =	vbroadcast v3, $0xF  }
0x35e: {  	v0 =	vsel vm8, v0, v1;
	v1 =	vbroadcast v20, $0xF  }
0x35f: {  	v0 =	vsel vm9, v0, v2;
	v2 =	vbroadcast v19, $0xF;
	v3, _, _ =	vpop (xrf2)  }
0x360: {  	v0 =	vsel vm10, v0, v1;
	v3 =	vbroadcast v3, $0xF  }
0x361: {  	v0 =	vsel vm11, v0, v2;
	v2 =	vbroadcast v15, $0xF  }
0x362: {  	v0 =	vsel vm12, v0, v3  }
0x363: {  	v0 =	vsel vm13, v0, v2;
	v1, _, _ =	vpop (xrf2)  }
0x364: {  	s20 =	sadd.s32 $0x10, s20;
	v0 =	vsel vm14, v0, v1  }
0x365: {  	s22 =	sshra.s32 s15, $0x2;
	[tilespmem:s20+$0x0] =	vst v0  }
0x366: {  	v0 =	vld [tilespmem:s22+$0xFE20]  }
0x367: {  	v1 =	vld [tilespmem:s22+$0x12620]  }
0x368: {  	v2 =	vld [tilespmem:s22+$0xFDA0]  }
0x369: {  	v3 =	vld [tilespmem:s22+$0x125A0]  }
0x36a: {  	v4 =	vld [tilespmem:s22+$0xFE10]  }
0x36b: {  	v6 =	vld [tilespmem:s22+$0x12610]  }
0x36c: {  	v16 =	vld [tilespmem:s22+$0xFE40]  }
0x36d: {  	v17 =	vld [tilespmem:s22+$0x12640]  }
0x36e: {  	v18 =	vld [tilespmem:s22+$0xFD60]  }
0x36f: {  	v21 =	vld [tilespmem:s22+$0x12560]  }
0x370: {  	v23 =	vld [tilespmem:s22+$0xFDD0]  }
0x371: {  	v24 =	vld [tilespmem:s22+$0x125D0]  }
0x372: {  	v26 =	vld [tilespmem:s22+$0xFD90]  }
0x373: {  	v27 =	vld [tilespmem:s22+$0x12590]  }
0x374: {  	v25 =	vld [tilespmem:s22+$0xFE00]  }
0x375: {  	v32 =	vld [tilespmem:s22+$0x12600]  }
0x376: {  	v35 =	vld [tilespmem:s22+$0xFE30]  }
0x377: {  	v36 =	vld [tilespmem:s22+$0x12630]  }
0x378: {  	v37 =	vld [tilespmem:s22+$0xFCE0]  }
0x379: {  	v38 =	vld [tilespmem:s22+$0x124E0]  }
0x37a: {  	v39 =	vld [tilespmem:s22+$0xFD50]  }
0x37b: {  	v40 =	vld [tilespmem:s22+$0x12550]  }
0x37c: {  	v41 =	vld [tilespmem:s22+$0xFDC0]  }
0x37d: {  	v42 =	vld [tilespmem:s22+$0x125C0]  }
0x37e: {  	v43 =	vld [tilespmem:s22+$0xFCA0]  }
0x37f: {  	v44 =	vld [tilespmem:s22+$0x124A0]  }
0x380: {  	v5 =	vld [tilespmem:s22+$0xFD10]  }
0x381: {  	v22 =	vld [tilespmem:s22+$0x12510]  }
0x382: {  	v45 =	vld [tilespmem:s22+$0xFD80]  }
0x383: {  	v46 =	vld [tilespmem:s22+$0x12580]  }
0x384: {  	v13 =	vld [tilespmem:s22+$0xFDF0]  }
0x385: {  	v14 =	vld [tilespmem:s22+$0x125F0]  }
0x386: {  	v7 =	vld [tilespmem:s22+$0xFCD0]  }
0x387: {  	v28 =	vld [tilespmem:s22+$0x124D0]  }
0x388: {  	v47 =	vld [tilespmem:s22+$0xFD40]  }
0x389: {  	v48 =	vld [tilespmem:s22+$0x12540]  }
0x38a: {  	v49 =	vld [tilespmem:s22+$0xFDB0]  }
0x38b: {  	v50 =	vld [tilespmem:s22+$0x125B0]  }
0x38c: {  	v30 =	vld [tilespmem:s22+$0xFC20]  }
0x38d: {  	v51 =	vld [tilespmem:s22+$0x12420]  }
0x38e: {  	v29 =	vld [tilespmem:s22+$0xFC90]  }
0x38f: {  	v34 =	vld [tilespmem:s22+$0x12490]  }
0x390: {  	v8 =	vld [tilespmem:s22+$0xFD00]  }
0x391: {  	v31 =	vld [tilespmem:s22+$0x12500]  }
0x392: {  	v52 =	vld [tilespmem:s22+$0xFD70]  }
0x393: {  	v53 =	vld [tilespmem:s22+$0x12570]  }
0x394: {  	v10 =	vld [tilespmem:s22+$0xFBE0]  }
0x395: {  	v15 =	vld [tilespmem:s22+$0x123E0]  }
0x396: {  	v9 =	vld [tilespmem:s22+$0xFC50]  }
0x397: {  	v12 =	vld [tilespmem:s22+$0x12450]  }
0x398: {  	v20 =	vld [tilespmem:s22+$0xFCC0]  }
0x399: {  	v33 =	vld [tilespmem:s22+$0x124C0]  }
0x39a: {  	v54 =	vld [tilespmem:s22+$0xFD30]  }
0x39b: {  	v55 =	vld [tilespmem:s22+$0x12530]  }
0x39c: {  	v57 =	vmul.bf16 v1, v0;
	v56 =	vmul.bf16 v14, v13;
	v11 =	vld [tilespmem:s22+$0xFC10]  }
0x39d: {  	v58 =	vmul.bf16 v3, v2;
	v13 =	vld [tilespmem:s22+$0x12410]  }
0x39e: {  	v59 =	vshll.u32 v57, $0x10;
	v6 =	vmul.bf16 v6, v4;
	v0 =	vshll.u32 v56, $0x10;
	v14 =	vld [tilespmem:s22+$0xFC80]  }
0x39f: {  	v60 =	vshll.u32 v58, $0x10;
	v1 =	vadd.f32 $0.0e+00, v0;
	v0 =	vmul.bf16 v17, v16;
	v19 =	vld [tilespmem:s22+$0x12480]  }
0x3a0: {  	v62 =	vshll.u32 v6, $0x10;
	v3 =	vmul.bf16 v32, v25;
	v4 =	vmul.bf16 v36, v35;
	v61 =	vld [tilespmem:s22+$0xFCF0]  }
0x3a1: {  	v25 =	vmul.bf16 v21, v18;
	v16 =	vadd.f32 v56, v1;
	v2 =	vshll.u32 v0, $0x10;
	v35 =	vld [tilespmem:s22+$0x124F0]  }
0x3a2: {  	v21 =	vshll.u32 v4, $0x10;
	v17 =	vshll.u32 v3, $0x10;
	v1 =	vmul.bf16 v24, v23;
	v18 =	vld [tilespmem:s22+$0xFB60]  }
0x3a3: {  	v36 =	vmul.bf16 v27, v26;
	v21 =	vadd.f32 $0.0e+00, v21;
	v16 =	vadd.f32 v17, v16;
	v32 =	vld [tilespmem:s22+$0x12360]  }
0x3a4: {  	v17 =	vmul.bf16 v38, v37;
	v37 =	vshll.u32 v25, $0x10;
	v23 =	vmul.bf16 v53, v52;
	v56 =	vld [tilespmem:s22+$0xFBD0]  }
0x3a5: {  	v24 =	vadd.f32 v3, v16;
	v3 =	vadd.f32 v4, v21;
	v52 =	vshll.u32 v36, $0x10;
	v38 =	vld [tilespmem:s22+$0x123D0]  }
0x3a6: {  	v39 =	vmul.bf16 v40, v39;
	v16 =	vshll.u32 v17, $0x10;
	v4 =	vshll.u32 v23, $0x10;
	v53 =	vld [tilespmem:s22+$0xFC40]  }
0x3a7: {  	v24 =	vadd.f32 v62, v24;
	v26 =	vadd.f32 $0.0e+00, v4;
	v4 =	vmul.bf16 v42, v41;
	v40 =	vld [tilespmem:s22+$0x12440]  }
0x3a8: {  	v21 =	vmul.bf16 v44, v43;
	v43 =	vmul.bf16 v46, v45;
	v42 =	vshll.u32 v39, $0x10;
	v41 =	vld [tilespmem:s22+$0xFCB0]  }
0x3a9: {  	v23 =	vadd.f32 v23, v26;
	v26 =	vadd.f32 v6, v24;
	v45 =	vmul.bf16 v55, v54;
	v44 =	vld [tilespmem:s22+$0x124B0]  }
0x3aa: {  	v27 =	vshll.u32 v43, $0x10;
	v24 =	vshll.u32 v21, $0x10;
	v6 =	vshll.u32 v4, $0x10;
	v46 =	vld [tilespmem:s22+$0xFB20]  }
0x3ab: {  	v23 =	vadd.f32 v27, v23;
	v59 =	vadd.f32 v59, v26;
	v55 =	vshll.u32 v45, $0x10;
	v54 =	vld [tilespmem:s22+$0x12320]  }
0x3ac: {  	v5 =	vmul.bf16 v22, v5;
	v49 =	vmul.bf16 v50, v49;
	v22 =	vadd.f32 $0.0e+00, v55;
	v26 =	vld [tilespmem:s22+$0xFB90]  }
0x3ad: {  	v47 =	vmul.bf16 v48, v47;
	v43 =	vadd.f32 v43, v23;
	v23 =	vadd.f32 v57, v59;
	v27 =	vld [tilespmem:s22+$0x12390]  }
0x3ae: {  	v50 =	vmul.bf16 v28, v7;
	v7 =	vadd.f32 v45, v22;
	v22 =	vshll.u32 v49, $0x10;
	v48 =	vld [tilespmem:s22+$0xFC00]  }
0x3af: {  	v55 =	vshll.u32 v47, $0x10;
	v43 =	vadd.f32 v52, v43;
	v22 =	vadd.f32 $0.0e+00, v22;
	v45 =	vld [tilespmem:s22+$0x12400]  }
0x3b0: {  	v28 =	vmul.bf16 v51, v30;
	v52 =	vshll.u32 v50, $0x10;
	v55 =	vadd.f32 v55, v7;
	v51 =	vld [tilespmem:s22+$0xFC70]  }
0x3b1: {  	v29 =	vmul.bf16 v34, v29;
	v34 =	vadd.f32 v36, v43;
	v7 =	vadd.f32 v49, v22;
	v57 =	vld [tilespmem:s22+$0x12470]  }
0x3b2: {  	v30 =	vshll.u32 v28, $0x10;
	v8 =	vmul.bf16 v31, v8;
	v22 =	vadd.f32 v47, v55;
	v36 =	vld [tilespmem:s22+$0xFAA0]  }
0x3b3: {  	v43 =	vshll.u32 v29, $0x10;
	v34 =	vadd.f32 v60, v34;
	v41 =	vmul.bf16 v44, v41;
	v31 =	vld [tilespmem:s22+$0x122A0]  }
0x3b4: {  	v15 =	vmul.bf16 v15, v10;
	v10 =	vshll.u32 v8, $0x10;
	v22 =	vadd.f32 v42, v22;
	v44 =	vld [tilespmem:s22+$0xFB50]  }
0x3b5: {  	v33 =	vmul.bf16 v33, v20;
	v49 =	vadd.f32 v58, v34;
	v47 =	vshll.u32 v41, $0x10;
	v42 =	vld [tilespmem:s22+$0x12350]  }
0x3b6: {  	v20 =	vshll.u32 v15, $0x10;
	v22 =	vadd.f32 v39, v22;
	v34 =	vadd.f32 $0.0e+00, v47;
	v55 =	vld [tilespmem:s22+$0xFBC0]  }
0x3b7: {  	v9 =	vmul.bf16 v12, v9;
	v47 =	vshll.u32 v33, $0x10;
	v12 =	vmul.bf16 v57, v51;
	v39 =	vld [tilespmem:s22+$0x123C0]  }
0x3b8: {  	v35 =	vmul.bf16 v35, v61;
	v22 =	vadd.f32 v37, v22;
	v34 =	vadd.f32 v41, v34;
	v51 =	vld [tilespmem:s22+$0xFBF0]  }
0x3b9: {  	v41 =	vmul.bf16 v13, v11;
	v13 =	vmul.bf16 v19, v14;
	v11 =	vshll.u32 v12, $0x10;
	v37 =	vld [tilespmem:s22+$0x123F0]  }
0x3ba: {  	v19 =	vshll.u32 v35, $0x10;
	v14 =	vadd.f32 v47, v34;
	v11 =	vadd.f32 $0.0e+00, v11;
	v57 =	vld [tilespmem:s22+$0xFC30]  }
0x3bb: {  	v58 =	vadd.f32 $0.0e+00, v19;
	v19 =	vadd.f32 v25, v22;
	v47 =	vshll.u32 v41, $0x10;
	v34 =	vld [tilespmem:s22+$0xFBB0]  }
0x3bc: {  	v25 =	vshll.u32 v13, $0x10;
	v33 =	vadd.f32 v33, v14;
	v12 =	vadd.f32 v12, v11;
	v22 =	vld [tilespmem:s22+$0x123B0]  }
0x3bd: {  	v56 =	vmul.bf16 v38, v56;
	v14 =	vmul.bf16 v32, v18;
	v11 =	vadd.f32 v35, v58;
	v32 =	vld [tilespmem:s22+$0x12430]  }
0x3be: {  	v33 =	vadd.f32 v52, v33;
	v25 =	vadd.f32 v25, v12;
	v38 =	vld [tilespmem:s22+$0xFB10];
	v35 =	vmul.bf16 v37, v51  }
0x3bf: {  	v18 =	vshll.u32 v14, $0x10;
	v12 =	vmul.bf16 v40, v53;
	v51 =	vshll.u32 v56, $0x10;
	v37 =	vld [tilespmem:s22+$0x12310]  }
0x3c0: {  	v33 =	vadd.f32 v50, v33;
	v25 =	vadd.f32 v13, v25;
	v52 =	vld [tilespmem:s22+$0xFB80];
	v40 =	vshll.u32 v35, $0x10  }
0x3c1: {  	v13 =	vshll.u32 v12, $0x10;
	v50 =	vld [tilespmem:s22+$0x12380];
	v53 =	vmul.bf16 v22, v34;
	v22 =	vadd.f32 $0.0e+00, v40  }
0x3c2: {  	v40 =	vmul.bf16 v45, v48;
	v25 =	vadd.f32 v43, v25;
	v43 =	vadd.f32 v16, v33;
	v58 =	vld [tilespmem:s22+$0xFB40]  }
0x3c3: {  	v16 =	vmul.bf16 v54, v46;
	v45 =	vld [tilespmem:s22+$0x12340];
	v34 =	vshll.u32 v53, $0x10;
	v22 =	vadd.f32 v35, v22  }
0x3c4: {  	v46 =	vshll.u32 v40, $0x10;
	v29 =	vadd.f32 v29, v25;
	v33 =	vld [tilespmem:s22+$0xFB00];
	v35 =	vadd.f32 $0.0e+00, v34  }
0x3c5: {  	v39 =	vmul.bf16 v39, v55;
	v25 =	vadd.f32 v17, v43;
	v34 =	vld [tilespmem:s22+$0x12300];
	v46 =	vadd.f32 v46, v22  }
0x3c6: {  	v22 =	vshll.u32 v16, $0x10;
	v24 =	vadd.f32 v24, v29;
	v43 =	vld [tilespmem:s22+$0xFB30];
	v48 =	vadd.f32 v53, v35  }
0x3c7: {  	v29 =	vshll.u32 v39, $0x10;
	v53 =	vld [tilespmem:s22+$0x12330];
	v40 =	vadd.f32 v40, v46;
	v46 =	vmul.bf16 v32, v57  }
0x3c8: {  	v17 =	vmul.bf16 v27, v26;
	v26 =	vadd.f32 v21, v24;
	v35 =	vld [tilespmem:s22+$0xFB70];
	v27 =	vadd.f32 v29, v48  }
0x3c9: {  	v29 =	vmul.bf16 v42, v44;
	v48 =	vld [tilespmem:s22+$0xFAF0];
	v24 =	vadd.f32 v47, v40;
	v32 =	vshll.u32 v46, $0x10  }
0x3ca: {  	v21 =	vmul.bf16 v31, v36;
	v47 =	vld [tilespmem:s22+$0x122F0];
	v31 =	vadd.f32 v39, v27;
	v36 =	vadd.f32 $0.0e+00, v32;
	(xrf2) =	vadd.scan.msk.f32 $0xffff, v23  }
.Ltmp1:
0x3cb: {  	v27 =	vmul.bf16 v37, v38;
	v32 =	vshll.u32 v29, $0x10;
	v38 =	vld [tilespmem:s22+$0x12370];
	v37 =	vadd.f32 v41, v24;
	(pc) =	sbr.rel @p0 .LBB2_5-.Ltmp1, $4  }
0x3cc: {  	v40 =	vld [tilespmem:s22+$0x12270];
	v41 =	vmul.bf16 v53, v43;
	v39 =	vadd.f32 v51, v31;
	v23 =	vadd.f32 v46, v36  }
0x3cd: {  	v24 =	vmul.bf16 v50, v52;
	v31 =	vshll.u32 v27, $0x10;
	v42 =	vld [tilespmem:s22+$0xFA70];
	v30 =	vadd.f32 v30, v37;
	(xrf2) =	vadd.scan.msk.f32 $0xffff, v49  }
0x3ce: {  	v37 =	vmul.bf16 v45, v58;
	v36 =	vld [tilespmem:s22+$0xFA80];
	v46 =	vshll.u32 v41, $0x10;
	v44 =	vadd.f32 v56, v39  }
0x3cf: {  	s15 =	sadd.s32 $0x1000, s15;
	v39 =	vld [tilespmem:s22+$0xFAB0];
	v43 =	vmul.bf16 v47, v48;
	v45 =	vadd.f32 $0.0e+00, v46;
	v28 =	vadd.f32 v28, v30  }
0x3d0: {  	v30 =	vld [tilespmem:s22+$0x122B0];
	v33 =	vmul.bf16 v34, v33;
	v59 =	vshll.u32 v37, $0x10;
	v20 =	vadd.f32 v20, v44  }
0x3d1: {  	v60 =	vld [tilespmem:s22+$0x12280];
	v35 =	vmul.bf16 v38, v35;
	v13 =	vadd.f32 v13, v23;
	v10 =	vadd.f32 v10, v11  }
0x3d2: {  	v48 =	vld [tilespmem:s22+$0xFAC0];
	v46 =	vshll.u32 v43, $0x10;
	v41 =	vadd.f32 v41, v45;
	v61 =	vmul.bf16 v40, v42  }
0x3d3: {  	v52 =	vld [tilespmem:s22+$0x122C0];
	v63 =	vadd.f32 $0.0e+00, v46;
	v15 =	vadd.f32 v15, v20;
	v50 =	vshll.u32 v35, $0x10  }
0x3d4: {  	v62 =	vld [tilespmem:s22+$0xFA90];
	v49 =	vshll.u32 v33, $0x10;
	v34 =	vadd.f32 v59, v41;
	v41 =	vadd.f32 $0.0e+00, v50  }
0x3d5: {  	v53 =	vld [tilespmem:s22+$0x12290];
	v51 =	vshll.u32 v61, $0x10;
	v42 =	vadd.f32 v43, v63;
	v30 =	vmul.bf16 v30, v39  }
0x3d6: {  	v46 =	vadd.f32 $0.0e+00, v51;
	v34 =	vadd.f32 v37, v34;
	v36 =	vmul.bf16 v60, v36  }
0x3d7: {  	v56 =	vld [tilespmem:s22+$0xFAD0];
	v35 =	vadd.f32 v35, v41;
	v54 =	vadd.f32 v49, v42;
	v55 =	vshll.u32 v30, $0x10  }
0x3d8: {  	v58 =	vld [tilespmem:s22+$0x122D0];
	v20 =	vmul.bf16 v52, v48;
	v38 =	vadd.f32 v61, v46;
	v41 =	vadd.f32 $0.0e+00, v55  }
0x3d9: {  	v32 =	vadd.f32 v32, v34;
	v57 =	vshll.u32 v36, $0x10;
	v33 =	vadd.f32 v33, v54  }
0x3da: {  	v59 =	vmul.bf16 v53, v62;
	v34 =	vadd.f32 v57, v38;
	v30 =	vadd.f32 v30, v41  }
0x3db: {  	v62 =	vld [tilespmem:s22+$0xFAE0];
	v61 =	vshll.u32 v20, $0x10;
	v29 =	vadd.f32 v29, v32;
	v31 =	vadd.f32 v31, v33  }
0x3dc: {  	v37 =	vld [tilespmem:s22+$0x122E0];
	v63 =	vshll.u32 v59, $0x10;
	v60 =	vadd.f32 v36, v34;
	v30 =	vadd.f32 v61, v30  }
0x3dd: {  	v38 =	vmul.bf16 v58, v56;
	v18 =	vadd.f32 v18, v29;
	v27 =	vadd.f32 v27, v31  }
0x3de: {  	v44 =	vld [tilespmem:s22+$0x123A0];
	v41 =	vshll.u32 v24, $0x10;
	v29 =	vadd.f32 v63, v60;
	v39 =	vadd.f32 v20, v30  }
0x3df: {  	v42 =	vld [tilespmem:s22+$0xFBA0];
	v43 =	vshll.u32 v38, $0x10;
	v40 =	vadd.f32 v22, v27;
	v22 =	vadd.f32 v41, v35  }
0x3e0: {  	(xrf2) =	vadd.scan.msk.f32 $0xffff, v19;
	v45 =	vshll.u32 v21, $0x10;
	v14 =	vadd.f32 v14, v18;
	v18 =	vadd.f32 v43, v39  }
0x3e1: {  	v47 =	vld [tilespmem:s22+$0xFC60];
	(xrf2) =	vadd.scan.msk.f32 $0xffff, v25;
	v46 =	vmul.bf16 v37, v62;
	v29 =	vadd.f32 v59, v29;
	v22 =	vadd.f32 v24, v22  }
0x3e2: {  	(xrf2) =	vadd.scan.msk.f32 $0xffff, v26;
	v12 =	vadd.f32 v12, v13;
	v48 =	vshll.u32 v17, $0x10;
	v49 =	vld [tilespmem:s22+$0x12460];
	v18 =	vadd.f32 v38, v18  }
0x3e3: {  	(xrf2) =	vadd.scan.msk.f32 $0xffff, v28;
	v51 =	vld [tilespmem:s22+$0xFE50];
	v50 =	vshll.u32 v46, $0x10;
	v19 =	vadd.f32 v45, v29;
	v22 =	vadd.f32 v48, v22  }
0x3e4: {  	(xrf2) =	vadd.scan.msk.f32 $0xffff, v15;
	v54 =	vld [tilespmem:s22+$0xFD20];
	v53 =	vmul.bf16 v44, v42;
	v16 =	vadd.f32 v16, v40;
	v52 =	vadd.f32 v50, v18  }
0x3e5: {  	v56 =	vshll.u32 v9, $0x10;
	v57 =	vld [tilespmem:s22+$0x12520];
	(xrf2) =	vadd.scan.msk.f32 $0xffff, v14;
	v19 =	vadd.f32 v21, v19;
	v55 =	vadd.f32 v17, v22  }
0x3e6: {  	v12 =	vadd.f32 v56, v12;
	v61 =	vld [tilespmem:s22+$0xFDE0];
	v58 =	vshll.u32 v53, $0x10;
	(xrf2) =	vadd.scan.msk.f32 $0xffff, v16;
	v15 =	vadd.f32 v46, v52  }
0x3e7: {  	v8 =	vadd.f32 v8, v10;
	v60 =	vmul.bf16 v49, v47;
	v59 =	vld [tilespmem:s22+$0x12650];
	(xrf2) =	vadd.scan.msk.f32 $0xffff, v19;
	v14 =	vadd.f32 v58, v55  }
0x3e8: {  	v6 =	vadd.f32 v6, v7;
	v62, _, _ =	vpop (xrf2);
	v63 =	vadd.f32 v9, v12;
	v21 =	vshll.u32 v5, $0x10;
	v22 =	vld [tilespmem:s22+$0x125E0];
	(xrf2) =	vadd.scan.msk.f32 $0xffff, v15  }
0x3e9: {  	v23, _, _ =	vpop (xrf2);
	v24 =	vshll.u32 v60, $0x10;
	v8 =	vadd.f32 v21, v8;
	v14 =	vadd.f32 v53, v14  }
0x3ea: {  	v4 =	vadd.f32 v4, v6;
	v26, _, _ =	vpop (xrf2);
	v11 =	vmul.bf16 v57, v54;
	v9 =	vadd.f32 v24, v63  }
0x3eb: {  	v2 =	vadd.f32 v2, v3;
	v33 =	vld [tilespmem:s22+$0x12660];
	v27, _, _ =	vpop (xrf2);
	v29 =	vshll.u32 v1, $0x10;
	v28 =	vadd.f32 v5, v8;
	(xrf2) =	vadd.scan.msk.f32 $0xffff, v14  }
0x3ec: {  	v30 =	vld [tilespmem:s22+$0xFE60];
	v32 =	vshll.u32 v11, $0x10;
	v31, _, _ =	vpop (xrf2);
	v4 =	vadd.f32 v29, v4;
	v9 =	vadd.f32 v60, v9  }
0x3ed: {  	v34, _, _ =	vpop (xrf2);
	v35 =	vmul.bf16 v59, v51;
	v5 =	vadd.f32 v32, v28;
	v7 =	vmul.bf16 v22, v61  }
0x3ee: {  	v0 =	vadd.f32 v0, v2;
	v36, _, _ =	vpop (xrf2);
	v37 =	vadd.f32 v1, v4;
	(xrf2) =	vadd.scan.msk.f32 $0xffff, v9  }
0x3ef: {  	v41 =	vshll.u32 v35, $0x10;
	v38, _, _ =	vpop (xrf2);
	v39 =	vadd.f32 v11, v5;
	v40 =	vshll.u32 v7, $0x10  }
0x3f0: {  	v0 =	vadd.f32 v41, v0;
	v42, _, _ =	vpop (xrf2);
	v1 =	vadd.f32 v40, v37  }
0x3f1: {  	v3 =	vmul.bf16 v33, v30;
	(xrf2) =	vadd.scan.msk.f32 $0xffff, v39;
	v43, _, _ =	vpop (xrf2)  }
0x3f2: {  	v0 =	vadd.f32 v35, v0;
	v1 =	vadd.f32 v7, v1;
	v44, _, _ =	vpop (xrf2)  }
0x3f3: {  	v45 =	vshll.u32 v3, $0x10;
	v5 =	vbroadcast v43, $0xF;
	v4 =	vbroadcast v44, $0xF  }
0x3f4: {  	v0 =	vadd.f32 v45, v0;
	v46 =	vbroadcast v42, $0xF;
	(xrf2) =	vadd.scan.msk.f32 $0xffff, v1  }
0x3f5: {  	v2 =	vbroadcast v38, $0xF;
	v48, _, _ =	vpop (xrf2);
	v47 =	vsel vm0, v5, v4  }
0x3f6: {  	v0 =	vadd.f32 v3, v0;
	v4 =	vbroadcast v48, $0xF;
	v1 =	vsel vm1, v47, v46  }
0x3f7: {  	v49 =	vbroadcast v36, $0xF;
	v1 =	vsel vm2, v1, v2  }
0x3f8: {  	v50 =	vbroadcast v34, $0xF;
	(xrf2) =	vadd.scan.msk.f32 $0xffff, v0;
	v51, _, _ =	vpop (xrf2);
	v1 =	vsel vm3, v1, v4  }
0x3f9: {  	v53 =	vbroadcast v51, $0xF;
	v52 =	vsel vm4, v1, v49  }
0x3fa: {  	v54 =	vbroadcast v31, $0xF;
	v0 =	vsel vm5, v52, v50  }
0x3fb: {  	v55 =	vbroadcast v27, $0xF;
	v56, _, _ =	vpop (xrf2);
	v0 =	vsel vm6, v0, v53  }
0x3fc: {  	v57 =	vbroadcast v56, $0xF;
	v0 =	vsel vm7, v0, v54  }
0x3fd: {  	v58 =	vbroadcast v26, $0xF;
	v0 =	vsel vm8, v0, v55  }
0x3fe: {  	v59 =	vbroadcast v23, $0xF;
	v60, _, _ =	vpop (xrf2);
	v0 =	vsel vm9, v0, v57  }
0x3ff: {  	v61 =	vbroadcast v60, $0xF;
	v0 =	vsel vm10, v0, v58  }
0x400: {  	v62 =	vbroadcast v62, $0xF;
	v0 =	vsel vm11, v0, v59  }
0x401: {  	v0 =	vsel vm12, v0, v61  }
0x402: {  	s15 =	sadd.s32 s1, s10;
	v63, _, _ =	vpop (xrf2);
	v0 =	vsel vm13, v0, v62  }
0x403: {  	s20 =	sadd.s32 $0x10, s20;
	p0 =	seq.s32 s0, $0x3D;
	s15 =	sshrl.u32 s15, $0x3;
	v0 =	vsel vm14, v0, v63  }
.Ltmp2:
0x404: {  	s15 =	sadd.s32 s2, s15;
	[tilespmem:s20+$0x0] =	vst v0;
	(pc) =	sbr.rel @p0 .LBB2_8-.Ltmp2, $4  }
0x405: {  	[hbm4b:s15+s4] =	stream.linear.scatter [tilespmem:s30], [sflag:$0x5], $0x50, $0x38;
	[tilespmem:$0x13B00] =	vst v63  }
0x406: {  	_ =	swait.ge [sflag:s14], $0x50  }
0x407: {  	[sflag:s14] =	ssyncset.done $0x0  }
0x408: {  	[sflag:s14] =	ssyncadd.s32 $0xFFFFFFB0  }
.Ltmp3:
0x409: {  	(pc) =	sbr.rel .LBB2_2-.Ltmp3, $4  }
0x40a: {  	s15 =	sadd.s32 $0x9D30, s1  }
0x40b: {  	[tilespmem:s21], [sflag:$0x2] =	stream.indirect.gather [spmem:s3], $0x40, s15, s17, $0xb8;
	[tilespmem:$0x13B00] =	vst v63  }
0x40c: {  	s22 =	sadd.s32 $0xC440, s1;
	s0 =	sadd.s32 $0x1, s0  }
0x40d: {  	[tilespmem:s23], [sflag:$0x4] =	stream.indirect.gather [spmem:s3], $0x40, s22, s17, $0xb8;
	[tilespmem:$0x13B00] =	vst v63  }
.LBB2_8:
0x40e: {  	_ =	swait.ge [sflag:s24], $0x1400  }
0x40f: {  	[sflag:s24] =	ssyncset.done $0x0  }
0x410: {  	[sflag:s24] =	ssyncadd.s32 $0xFFFFEC00  }
0x411: {  	_ =	swait.ge [sflag:s25], $0x1400  }
0x412: {  	[sflag:s25] =	ssyncset.done $0x0  }
0x413: {  	s0 =	simm.s32 $0x3F0;
	[sflag:s25] =	ssyncadd.s32 $0xFFFFEC00  }
0x414: {  	v0 =	vld [tilespmem:s0+$0xEA20]  }
0x415: {  	v1 =	vld [tilespmem:s0+$0x11220]  }
0x416: {  	v2 =	vld [tilespmem:s0+$0xE9A0]  }
0x417: {  	v3 =	vld [tilespmem:s0+$0x111A0]  }
0x418: {  	v4 =	vld [tilespmem:s0+$0xEA10]  }
0x419: {  	v5 =	vld [tilespmem:s0+$0x11210]  }
0x41a: {  	v6 =	vld [tilespmem:s0+$0xEA40]  }
0x41b: {  	v7 =	vld [tilespmem:s0+$0x11240]  }
0x41c: {  	v8 =	vld [tilespmem:s0+$0xE960]  }
0x41d: {  	v9 =	vld [tilespmem:s0+$0x11160]  }
0x41e: {  	v10 =	vld [tilespmem:s0+$0xE9D0]  }
0x41f: {  	v11 =	vld [tilespmem:s0+$0x111D0]  }
0x420: {  	v12 =	vld [tilespmem:s0+$0xE990]  }
0x421: {  	v13 =	vld [tilespmem:s0+$0x11190]  }
0x422: {  	v14 =	vld [tilespmem:s0+$0xEA00]  }
0x423: {  	v15 =	vld [tilespmem:s0+$0x11200]  }
0x424: {  	v16 =	vld [tilespmem:s0+$0xEA30]  }
0x425: {  	v17 =	vld [tilespmem:s0+$0x11230]  }
0x426: {  	v18 =	vld [tilespmem:s0+$0xE8E0]  }
0x427: {  	v19 =	vld [tilespmem:s0+$0x110E0]  }
0x428: {  	v20 =	vld [tilespmem:s0+$0xE950]  }
0x429: {  	v21 =	vld [tilespmem:s0+$0x11150]  }
0x42a: {  	v22 =	vld [tilespmem:s0+$0xE9C0]  }
0x42b: {  	v23 =	vld [tilespmem:s0+$0x111C0]  }
0x42c: {  	v24 =	vld [tilespmem:s0+$0xE8A0]  }
0x42d: {  	v25 =	vld [tilespmem:s0+$0x110A0]  }
0x42e: {  	v26 =	vld [tilespmem:s0+$0xE910]  }
0x42f: {  	v27 =	vld [tilespmem:s0+$0x11110]  }
0x430: {  	v28 =	vld [tilespmem:s0+$0xE980]  }
0x431: {  	v29 =	vld [tilespmem:s0+$0x11180]  }
0x432: {  	v30 =	vld [tilespmem:s0+$0xE9F0]  }
0x433: {  	v31 =	vld [tilespmem:s0+$0x111F0]  }
0x434: {  	v32 =	vld [tilespmem:s0+$0xE8D0]  }
0x435: {  	v33 =	vld [tilespmem:s0+$0x110D0]  }
0x436: {  	v34 =	vld [tilespmem:s0+$0xE940]  }
0x437: {  	v35 =	vld [tilespmem:s0+$0x11140]  }
0x438: {  	v36 =	vld [tilespmem:s0+$0xE9B0]  }
0x439: {  	v37 =	vld [tilespmem:s0+$0x111B0]  }
0x43a: {  	v38 =	vld [tilespmem:s0+$0xE820]  }
0x43b: {  	v39 =	vld [tilespmem:s0+$0x11020]  }
0x43c: {  	v40 =	vld [tilespmem:s0+$0xE890]  }
0x43d: {  	v41 =	vld [tilespmem:s0+$0x11090]  }
0x43e: {  	v42 =	vld [tilespmem:s0+$0xE900]  }
0x43f: {  	v43 =	vld [tilespmem:s0+$0x11100]  }
0x440: {  	v44 =	vld [tilespmem:s0+$0xE970]  }
0x441: {  	v45 =	vld [tilespmem:s0+$0x11170]  }
0x442: {  	v46 =	vld [tilespmem:s0+$0xE7E0]  }
0x443: {  	v47 =	vld [tilespmem:s0+$0x10FE0]  }
0x444: {  	v48 =	vld [tilespmem:s0+$0xE850]  }
0x445: {  	v49 =	vld [tilespmem:s0+$0x11050]  }
0x446: {  	v50 =	vld [tilespmem:s0+$0xE8C0]  }
0x447: {  	v51 =	vld [tilespmem:s0+$0x110C0]  }
0x448: {  	v52 =	vld [tilespmem:s0+$0xE930]  }
0x449: {  	v53 =	vld [tilespmem:s0+$0x11130];
	v30 =	vmul.bf16 v31, v30;
	v31 =	vmul.bf16 v1, v0  }
0x44a: {  	v54 =	vld [tilespmem:s0+$0xE810];
	v56 =	vmul.bf16 v3, v2;
	v5 =	vmul.bf16 v5, v4  }
0x44b: {  	v55 =	vld [tilespmem:s0+$0x11010];
	v3 =	vmul.bf16 v15, v14;
	v4 =	vmul.bf16 v17, v16  }
0x44c: {  	v57 =	vld [tilespmem:s0+$0xE880];
	v15 =	vmul.bf16 v9, v8;
	v16 =	vmul.bf16 v19, v18  }
0x44d: {  	v59 =	vld [tilespmem:s0+$0x11080];
	v20 =	vmul.bf16 v21, v20;
	v17 =	vmul.bf16 v25, v24  }
0x44e: {  	v61 =	vld [tilespmem:s0+$0xE8F0];
	v25 =	vmul.bf16 v53, v52;
	v34 =	vmul.bf16 v35, v34  }
0x44f: {  	v62 =	vld [tilespmem:s0+$0x10F60];
	v32 =	vmul.bf16 v33, v32;
	v33 =	vmul.bf16 v39, v38;
	v0 =	vshll.u32 v30, $0x10  }
0x450: {  	v14 =	vld [tilespmem:s0+$0x110F0];
	v38 =	vmul.bf16 v41, v40;
	v41 =	vmul.bf16 v47, v46;
	v1 =	vadd.f32 $0.0e+00, v0  }
0x451: {  	v19 =	vld [tilespmem:s0+$0x10FD0];
	v58 =	vshll.u32 v31, $0x10;
	v60 =	vshll.u32 v56, $0x10;
	v8 =	vshll.u32 v3, $0x10  }
0x452: {  	v21 =	vld [tilespmem:s0+$0x11040];
	v9 =	vshll.u32 v4, $0x10;
	v0 =	vmul.bf16 v7, v6;
	v7 =	vadd.f32 v30, v1  }
0x453: {  	v24 =	vld [tilespmem:s0+$0x110B0];
	v18 =	vshll.u32 v15, $0x10;
	v39 =	vshll.u32 v33, $0x10;
	v1 =	vmul.bf16 v11, v10  }
0x454: {  	v52 =	vld [tilespmem:s0+$0x10F20];
	v7 =	vadd.f32 v8, v7;
	v8 =	vadd.f32 $0.0e+00, v9;
	v9 =	vmul.bf16 v45, v44  }
0x455: {  	v53 =	vld [tilespmem:s0+$0xE790];
	v40 =	vshll.u32 v38, $0x10;
	v10 =	vmul.bf16 v13, v12;
	v14 =	vmul.bf16 v14, v61  }
0x456: {  	v13 =	vld [tilespmem:s0+$0xE7D0];
	v7 =	vadd.f32 v3, v7;
	v3 =	vadd.f32 v4, v8;
	v4 =	vshll.u32 v9, $0x10  }
0x457: {  	v46 =	vld [tilespmem:s0+$0xE7C0];
	v47 =	vshll.u32 v41, $0x10;
	v6 =	vshll.u32 v5, $0x10;
	v8 =	vadd.f32 $0.0e+00, v4  }
0x458: {  	v44 =	vld [tilespmem:s0+$0xE840];
	v61 =	vshll.u32 v14, $0x10;
	v6 =	vadd.f32 v6, v7;
	v7 =	vmul.bf16 v29, v28  }
0x459: {  	v30 =	vld [tilespmem:s0+$0xE760];
	v11 =	vshll.u32 v25, $0x10;
	v35 =	vadd.f32 $0.0e+00, v61;
	v8 =	vadd.f32 v9, v8  }
0x45a: {  	v4 =	vmul.bf16 v23, v22;
	v22 =	vld [tilespmem:s0+$0xE8B0];
	v5 =	vadd.f32 v5, v6;
	v9 =	vshll.u32 v7, $0x10  }
0x45b: {  	v19 =	vmul.bf16 v19, v13;
	v13 =	vadd.f32 v14, v35;
	v35 =	vld [tilespmem:s0+$0xE710];
	v8 =	vadd.f32 v9, v8  }
0x45c: {  	v28 =	vld [tilespmem:s0+$0xE720];
	v9 =	vadd.f32 v58, v5;
	v5 =	vmul.bf16 v27, v26;
	v26 =	vadd.f32 $0.0e+00, v11  }
0x45d: {  	v14 =	vmul.bf16 v21, v44;
	v21 =	vld [tilespmem:s0+$0xE780];
	v27 =	vmul.bf16 v37, v36;
	v7 =	vadd.f32 v7, v8  }
0x45e: {  	v12 =	vshll.u32 v10, $0x10;
	v36 =	vld [tilespmem:s0+$0x10F90];
	v11 =	vadd.f32 v31, v9;
	v8 =	vadd.f32 v25, v26  }
0x45f: {  	v58 =	vld [tilespmem:s0+$0xE870];
	v9 =	vshll.u32 v27, $0x10;
	v26 =	vshll.u32 v34, $0x10;
	v7 =	vadd.f32 v12, v7  }
0x460: {  	v22 =	vmul.bf16 v24, v22;
	v24 =	vld [tilespmem:s0+$0xE750];
	v9 =	vadd.f32 $0.0e+00, v9;
	v12 =	vadd.f32 v26, v8  }
0x461: {  	v45 =	vshll.u32 v16, $0x10;
	v23 =	vshll.u32 v20, $0x10;
	v26 =	vld [tilespmem:s0+$0x11070];
	v10 =	vadd.f32 v10, v7  }
0x462: {  	v30 =	vmul.bf16 v62, v30;
	v31 =	vld [tilespmem:s0+$0xE800];
	v7 =	vadd.f32 v27, v9;
	v9 =	vadd.f32 v34, v12  }
0x463: {  	v29 =	vshll.u32 v17, $0x10;
	v6 =	vshll.u32 v4, $0x10;
	v25 =	vld [tilespmem:s0+$0x11000];
	v63 =	vshll.u32 v22, $0x10  }
0x464: {  	v8 =	vmul.bf16 v43, v42;
	v43 =	vmul.bf16 v51, v50;
	v50 =	vld [tilespmem:s0+$0x10FC0];
	v9 =	vadd.f32 v23, v9  }
0x465: {  	v37 =	vshll.u32 v32, $0x10;
	v28 =	vmul.bf16 v52, v28;
	v42 =	vadd.f32 $0.0e+00, v63;
	v63 =	vld [tilespmem:s0+$0xE7B0]  }
0x466: {  	v51 =	vmul.bf16 v59, v57;
	v27 =	vld [tilespmem:s0+$0xE6A0];
	v26 =	vmul.bf16 v26, v58;
	v20 =	vadd.f32 v20, v9  }
0x467: {  	v36 =	vmul.bf16 v36, v53;
	v22 =	vadd.f32 v22, v42;
	v9 =	vmul.bf16 v49, v48;
	v48 =	vld [tilespmem:s0+$0xE7F0]  }
0x468: {  	v12 =	vadd.f32 v60, v10;
	v60 =	vshll.u32 v26, $0x10;
	v18 =	vadd.f32 v18, v20;
	v20 =	vld [tilespmem:s0+$0x10FF0]  }
0x469: {  	v34 =	vld [tilespmem:s0+$0x10EA0];
	v42 =	vmul.bf16 v55, v54;
	v10 =	vshll.u32 v8, $0x10;
	v49 =	vadd.f32 $0.0e+00, v60  }
0x46a: {  	v59 =	vshll.u32 v51, $0x10;
	v55 =	vld [tilespmem:s0+$0xE740];
	v6 =	vadd.f32 v6, v7;
	v10 =	vadd.f32 v10, v13  }
0x46b: {  	v58 =	vshll.u32 v43, $0x10;
	v15 =	vadd.f32 v15, v18;
	v18 =	vld [tilespmem:s0+$0x10FB0];
	v26 =	vadd.f32 v26, v49  }
0x46c: {  	v25 =	vmul.bf16 v25, v31;
	v31 =	vld [tilespmem:s0+$0x10F40];
	v12 =	vadd.f32 v56, v12;
	v22 =	vadd.f32 v58, v22  }
0x46d: {  	v52 =	vld [tilespmem:s0+$0xE700];
	v46 =	vmul.bf16 v50, v46;
	v26 =	vadd.f32 v59, v26;
	v20 =	vmul.bf16 v20, v48  }
0x46e: {  	v23 =	vld [tilespmem:s0+$0x10F50];
	v56 =	vshll.u32 v42, $0x10;
	v57 =	vshll.u32 v25, $0x10;
	v22 =	vadd.f32 v43, v22  }
0x46f: {  	v54 =	vld [tilespmem:s0+$0xE830];
	v50 =	vshll.u32 v46, $0x10;
	v26 =	vadd.f32 v51, v26;
	v61 =	vshll.u32 v20, $0x10  }
0x470: {  	v58 =	vld [tilespmem:s0+$0x10F00];
	v22 =	vadd.f32 v37, v22;
	v62 =	vmul.bf16 v18, v63;
	v44 =	vadd.f32 $0.0e+00, v61  }
0x471: {  	v27 =	vmul.bf16 v34, v27;
	v60 =	vld [tilespmem:s0+$0x11030];
	v31 =	vmul.bf16 v31, v55;
	v26 =	vadd.f32 v40, v26  }
0x472: {  	v37 =	vld [tilespmem:s0+$0x10F10];
	v22 =	vadd.f32 v32, v22;
	v63 =	vshll.u32 v62, $0x10;
	v20 =	vadd.f32 v20, v44  }
0x473: {  	v23 =	vmul.bf16 v23, v24;
	v32 =	vld [tilespmem:s0+$0x10F80];
	v40 =	vadd.f32 $0.0e+00, v63;
	v26 =	vadd.f32 v38, v26  }
0x474: {  	v49 =	vshll.u32 v19, $0x10;
	v59 =	vld [tilespmem:s0+$0xE730];
	v22 =	vadd.f32 v45, v22;
	v20 =	vadd.f32 v57, v20  }
0x475: {  	v48 =	vshll.u32 v30, $0x10;
	v40 =	vadd.f32 v62, v40;
	v26 =	vadd.f32 v29, v26;
	v29 =	vld [tilespmem:s0+$0x10F30]  }
0x476: {  	v51 =	vshll.u32 v31, $0x10;
	v61 =	vld [tilespmem:s0+$0x10EF0];
	v20 =	vadd.f32 v25, v20;
	v25 =	vmul.bf16 v60, v54  }
0x477: {  	v18 =	vshll.u32 v14, $0x10;
	v35 =	vmul.bf16 v37, v35;
	v63 =	vld [tilespmem:s0+$0x10E70];
	v40 =	vadd.f32 v50, v40  }
0x478: {  	v17 =	vadd.f32 v17, v26;
	v26 =	vld [tilespmem:s0+$0xE6F0];
	v20 =	vadd.f32 v56, v20;
	v24 =	vshll.u32 v25, $0x10  }
0x479: {  	v37 =	vshll.u32 v23, $0x10;
	v62 =	vld [tilespmem:s0+$0x10F70];
	v40 =	vadd.f32 v46, v40;
	v24 =	vadd.f32 $0.0e+00, v24  }
0x47a: {  	v16 =	vadd.f32 v16, v22;
	v60 =	vld [tilespmem:s0+$0xE770];
	v29 =	vmul.bf16 v29, v59;
	v20 =	vadd.f32 v42, v20  }
0x47b: {  	v22 =	vshll.u32 v28, $0x10;
	v40 =	vadd.f32 v49, v40;
	v24 =	vadd.f32 v25, v24;
	v25 =	vld [tilespmem:s0+$0xE670]  }
0x47c: {  	v21 =	vmul.bf16 v32, v21;
	v32 =	vld [tilespmem:s0+$0xE680];
	v49 =	vshll.u32 v29, $0x10;
	v20 =	vadd.f32 v39, v20  }
0x47d: {  	v26 =	vmul.bf16 v61, v26;
	v19 =	vadd.f32 v19, v40;
	v40 =	vld [tilespmem:s0+$0xE6B0];
	v50 =	vadd.f32 $0.0e+00, v49  }
0x47e: {  	v45 =	vshll.u32 v35, $0x10;
	v38 =	vmul.bf16 v58, v52;
	v20 =	vadd.f32 v33, v20;
	v33 =	vld [tilespmem:s0+$0x10EB0]  }
0x47f: {  	v52 =	vld [tilespmem:s0+$0x10E80];
	v54 =	vmul.bf16 v62, v60;
	v53 =	vshll.u32 v26, $0x10;
	v29 =	vadd.f32 v29, v50  }
0x480: {  	v55 =	vld [tilespmem:s0+$0xE690];
	v58 =	vshll.u32 v38, $0x10;
	v56 =	vadd.f32 $0.0e+00, v53;
	v25 =	vmul.bf16 v63, v25  }
0x481: {  	v57 =	vld [tilespmem:s0+$0xE6C0];
	v59 =	vshll.u32 v54, $0x10;
	v18 =	vadd.f32 v18, v24;
	v29 =	vadd.f32 v51, v29  }
0x482: {  	v61 =	vld [tilespmem:s0+$0x10EC0];
	v39 =	vadd.f32 $0.0e+00, v59;
	v26 =	vadd.f32 v26, v56;
	v60 =	vshll.u32 v25, $0x10  }
0x483: {  	v63 =	vld [tilespmem:s0+$0x10E90];
	v29 =	vadd.f32 v31, v29;
	v62 =	vadd.f32 $0.0e+00, v60;
	v33 =	vmul.bf16 v33, v40  }
0x484: {  	v44 =	vadd.f32 v54, v39;
	v31 =	vmul.bf16 v52, v32;
	v26 =	vadd.f32 v58, v26  }
0x485: {  	v50 =	vld [tilespmem:s0+$0xE6D0];
	v29 =	vadd.f32 v37, v29;
	v25 =	vadd.f32 v25, v62;
	v46 =	vshll.u32 v33, $0x10  }
0x486: {  	v52 =	vld [tilespmem:s0+$0x10ED0];
	v51 =	vshll.u32 v31, $0x10;
	v26 =	vadd.f32 v38, v26;
	v34 =	vadd.f32 $0.0e+00, v46  }
0x487: {  	v53 =	vmul.bf16 v61, v57;
	v23 =	vadd.f32 v23, v29;
	v25 =	vadd.f32 v51, v25  }
0x488: {  	v29 =	vmul.bf16 v63, v55;
	v26 =	vadd.f32 v45, v26;
	v33 =	vadd.f32 v33, v34  }
0x489: {  	v54 =	vld [tilespmem:s0+$0xE6E0];
	v23 =	vadd.f32 v48, v23;
	v25 =	vadd.f32 v31, v25;
	v31 =	vshll.u32 v53, $0x10  }
0x48a: {  	v56 =	vld [tilespmem:s0+$0x10EE0];
	v55 =	vshll.u32 v29, $0x10;
	v26 =	vadd.f32 v35, v26;
	v31 =	vadd.f32 v31, v33  }
0x48b: {  	v57 =	vmul.bf16 v52, v50;
	v23 =	vadd.f32 v30, v23;
	v25 =	vadd.f32 v55, v25  }
0x48c: {  	(xrf2) =	vadd.scan.msk.f32 $0xffff, v11;
	v22 =	vadd.f32 v22, v26;
	v26 =	vshll.u32 v21, $0x10;
	v30 =	vld [tilespmem:s0+$0xE7A0];
	v11 =	vadd.f32 v53, v31  }
0x48d: {  	(xrf2) =	vadd.scan.msk.f32 $0xffff, v12;
	v26 =	vadd.f32 v26, v44;
	v12 =	vadd.f32 v29, v25;
	v25 =	vshll.u32 v57, $0x10;
	v29 =	vld [tilespmem:s0+$0x10FA0]  }
0x48e: {  	(xrf2) =	vadd.scan.msk.f32 $0xffff, v15;
	v15 =	vshll.u32 v27, $0x10;
	v19 =	vadd.f32 v47, v19;
	v11 =	vadd.f32 v25, v11  }
0x48f: {  	(xrf2) =	vadd.scan.msk.f32 $0xffff, v16;
	v24 =	vld [tilespmem:s0+$0x11060];
	v16 =	vadd.f32 v21, v26;
	v12 =	vadd.f32 v15, v12;
	v15 =	vmul.bf16 v56, v54  }
0x490: {  	(xrf2) =	vadd.scan.msk.f32 $0xffff, v17;
	v17 =	vshll.u32 v36, $0x10;
	v19 =	vadd.f32 v41, v19;
	v21 =	vld [tilespmem:s0+$0xE860];
	v11 =	vadd.f32 v57, v11  }
0x491: {  	v14 =	vadd.f32 v14, v18;
	(xrf2) =	vadd.scan.msk.f32 $0xffff, v20;
	v16 =	vadd.f32 v17, v16;
	v20 =	vshll.u32 v15, $0x10  }
0x492: {  	v13 =	vld [tilespmem:s0+$0x11120];
	(xrf2) =	vadd.scan.msk.f32 $0xffff, v19;
	v22 =	vadd.f32 v28, v22;
	v11 =	vadd.f32 v20, v11;
	v19 =	vmul.bf16 v29, v30  }
0x493: {  	v18 =	vld [tilespmem:s0+$0xE920];
	(xrf2) =	vadd.scan.msk.f32 $0xffff, v23;
	v12 =	vadd.f32 v27, v12;
	v16 =	vadd.f32 v36, v16;
	v20 =	vshll.u32 v9, $0x10  }
0x494: {  	(xrf2) =	vadd.scan.msk.f32 $0xffff, v22;
	v14 =	vadd.f32 v20, v14;
	v11 =	vadd.f32 v15, v11;
	v15 =	vshll.u32 v19, $0x10  }
0x495: {  	v7 =	vld [tilespmem:s0+$0x111E0];
	v8 =	vadd.f32 v8, v10;
	(xrf2) =	vadd.scan.msk.f32 $0xffff, v12;
	v12 =	vadd.f32 v15, v16;
	v15 =	vmul.bf16 v24, v21  }
0x496: {  	v2 =	vshll.u32 v0, $0x10;
	v10 =	vld [tilespmem:s0+$0xE9E0];
	v9 =	vadd.f32 v9, v14;
	v14 =	vshll.u32 v5, $0x10  }
0x497: {  	v16, _, _ =	vpop (xrf2);
	(xrf2) =	vadd.scan.msk.f32 $0xffff, v11;
	v8 =	vadd.f32 v14, v8;
	v12 =	vadd.f32 v19, v12;
	v19 =	vshll.u32 v15, $0x10  }
0x498: {  	v2 =	vadd.f32 v2, v3;
	v13 =	vmul.bf16 v13, v18;
	v11, _, _ =	vpop (xrf2);
	v9 =	vadd.f32 v19, v9  }
0x499: {  	v4 =	vadd.f32 v4, v6;
	v5 =	vadd.f32 v5, v8;
	v14, _, _ =	vpop (xrf2)  }
0x49a: {  	v17 =	vld [tilespmem:s0+$0xEA50];
	v8 =	vshll.u32 v1, $0x10;
	v6, _, _ =	vpop (xrf2);
	v9 =	vadd.f32 v15, v9;
	v15 =	vshll.u32 v13, $0x10  }
0x49b: {  	v7 =	vmul.bf16 v7, v10;
	v20 =	vld [tilespmem:s0+$0x11250];
	(xrf2) =	vadd.scan.msk.f32 $0xffff, v12;
	v4 =	vadd.f32 v8, v4;
	v12, _, _ =	vpop (xrf2);
	v5 =	vadd.f32 v15, v5  }
0x49c: {  	v18, _, _ =	vpop (xrf2)  }
0x49d: {  	v1 =	vadd.f32 v1, v4;
	v15, _, _ =	vpop (xrf2);
	v4 =	vadd.f32 v13, v5;
	v5 =	vshll.u32 v7, $0x10  }
0x49e: {  	v3 =	vld [tilespmem:s0+$0xEA60];
	v0 =	vadd.f32 v0, v2;
	v2, _, _ =	vpop (xrf2)  }
0x49f: {  	v8 =	vld [tilespmem:s0+$0x11260];
	v13, _, _ =	vpop (xrf2)  }
0x4a0: {  	v10 =	vmul.bf16 v20, v17;
	(xrf2) =	vadd.scan.msk.f32 $0xffff, v9;
	v1 =	vadd.f32 v5, v1;
	v5, _, _ =	vpop (xrf2)  }
0x4a1: {  	(xrf2) =	vadd.scan.msk.f32 $0xffff, v4;
	v4, _, _ =	vpop (xrf2)  }
0x4a2: {  	v9 =	vshll.u32 v10, $0x10;
	v4 =	vbroadcast v4, $0xF  }
0x4a3: {  	v0 =	vadd.f32 v9, v0  }
0x4a4: {  	v3 =	vmul.bf16 v8, v3;
	v1 =	vadd.f32 v7, v1;
	v5 =	vbroadcast v5, $0xF  }
0x4a5: {  	v0 =	vadd.f32 v10, v0  }
0x4a6: {  	v7 =	vshll.u32 v3, $0x10;
	(xrf2) =	vadd.scan.msk.f32 $0xffff, v1;
	v1 =	vsel vm0, v5, v4;
	v4, _, _ =	vpop (xrf2)  }
0x4a7: {  	v8 =	vbroadcast v13, $0xF;
	v0 =	vadd.f32 v7, v0;
	v4 =	vbroadcast v4, $0xF  }
0x4a8: {  	v2 =	vbroadcast v2, $0xF  }
0x4a9: {  	v0 =	vadd.f32 v3, v0;
	v1 =	vsel vm1, v1, v8  }
0x4aa: {  	v3 =	vbroadcast v18, $0xF;
	v1 =	vsel vm2, v1, v2;
	v2 =	vbroadcast v15, $0xF  }
0x4ab: {  	v1 =	vsel vm3, v1, v4;
	v4, _, _ =	vpop (xrf2)  }
0x4ac: {  	(xrf2) =	vadd.scan.msk.f32 $0xffff, v0;
	v0 =	vsel vm4, v1, v2;
	v1 =	vbroadcast v4, $0xF  }
0x4ad: {  	v2 =	vbroadcast v12, $0xF;
	v0 =	vsel vm5, v0, v3  }
0x4ae: {  	v3, _, _ =	vpop (xrf2);
	v0 =	vsel vm6, v0, v1;
	v1 =	vbroadcast v6, $0xF  }
0x4af: {  	v0 =	vsel vm7, v0, v2;
	v2 =	vbroadcast v3, $0xF  }
0x4b0: {  	v0 =	vsel vm8, v0, v1;
	v1 =	vbroadcast v14, $0xF  }
0x4b1: {  	v3, _, _ =	vpop (xrf2);
	v0 =	vsel vm9, v0, v2  }
0x4b2: {  	v2 =	vbroadcast v11, $0xF;
	v0 =	vsel vm10, v0, v1;
	v1 =	vbroadcast v3, $0xF;
	_ =	sdelay $0x1  }
0x4b3: {  	v0 =	vsel vm11, v0, v2;
	v2 =	vbroadcast v16, $0xF  }
0x4b4: {  	v0 =	vsel vm12, v0, v1  }
0x4b5: {  	v0 =	vsel vm13, v0, v2;
	v1, _, _ =	vpop (xrf2)  }
0x4b6: {  	s0 =	simm.s32 $0x13A60;
	v0 =	vsel vm14, v0, v1  }
0x4b7: {  	s1 =	simm.s32 $0x7F0;
	[tilespmem:s0+$0x0] =	vst v0  }
0x4b8: {  	v0 =	vld [tilespmem:s1+$0xEA20]  }
0x4b9: {  	v1 =	vld [tilespmem:s1+$0x11220]  }
0x4ba: {  	v2 =	vld [tilespmem:s1+$0xE9A0]  }
0x4bb: {  	v3 =	vld [tilespmem:s1+$0x111A0]  }
0x4bc: {  	v4 =	vld [tilespmem:s1+$0xEA10]  }
0x4bd: {  	v5 =	vld [tilespmem:s1+$0x11210]  }
0x4be: {  	v6 =	vld [tilespmem:s1+$0xEA40]  }
0x4bf: {  	v7 =	vld [tilespmem:s1+$0x11240]  }
0x4c0: {  	v8 =	vld [tilespmem:s1+$0xE960]  }
0x4c1: {  	v9 =	vld [tilespmem:s1+$0x11160]  }
0x4c2: {  	v10 =	vld [tilespmem:s1+$0xE9D0]  }
0x4c3: {  	v11 =	vld [tilespmem:s1+$0x111D0]  }
0x4c4: {  	v12 =	vld [tilespmem:s1+$0xE990]  }
0x4c5: {  	v13 =	vld [tilespmem:s1+$0x11190]  }
0x4c6: {  	v14 =	vld [tilespmem:s1+$0xEA00]  }
0x4c7: {  	v15 =	vld [tilespmem:s1+$0x11200]  }
0x4c8: {  	v16 =	vld [tilespmem:s1+$0xEA30]  }
0x4c9: {  	v17 =	vld [tilespmem:s1+$0x11230]  }
0x4ca: {  	v18 =	vld [tilespmem:s1+$0xE8E0]  }
0x4cb: {  	v19 =	vld [tilespmem:s1+$0x110E0]  }
0x4cc: {  	v20 =	vld [tilespmem:s1+$0xE950]  }
0x4cd: {  	v21 =	vld [tilespmem:s1+$0x11150]  }
0x4ce: {  	v22 =	vld [tilespmem:s1+$0xE9C0]  }
0x4cf: {  	v23 =	vld [tilespmem:s1+$0x111C0]  }
0x4d0: {  	v24 =	vld [tilespmem:s1+$0xE8A0]  }
0x4d1: {  	v25 =	vld [tilespmem:s1+$0x110A0]  }
0x4d2: {  	v26 =	vld [tilespmem:s1+$0xE910]  }
0x4d3: {  	v27 =	vld [tilespmem:s1+$0x11110]  }
0x4d4: {  	v28 =	vld [tilespmem:s1+$0xE980]  }
0x4d5: {  	v29 =	vld [tilespmem:s1+$0x11180]  }
0x4d6: {  	v30 =	vld [tilespmem:s1+$0xE9F0]  }
0x4d7: {  	v31 =	vld [tilespmem:s1+$0x111F0]  }
0x4d8: {  	v32 =	vld [tilespmem:s1+$0xE8D0]  }
0x4d9: {  	v33 =	vld [tilespmem:s1+$0x110D0]  }
0x4da: {  	v34 =	vld [tilespmem:s1+$0xE940]  }
0x4db: {  	v35 =	vld [tilespmem:s1+$0x11140]  }
0x4dc: {  	v36 =	vld [tilespmem:s1+$0xE9B0]  }
0x4dd: {  	v37 =	vld [tilespmem:s1+$0x111B0]  }
0x4de: {  	v38 =	vld [tilespmem:s1+$0xE820]  }
0x4df: {  	v39 =	vld [tilespmem:s1+$0x11020]  }
0x4e0: {  	v40 =	vld [tilespmem:s1+$0xE890]  }
0x4e1: {  	v41 =	vld [tilespmem:s1+$0x11090]  }
0x4e2: {  	v42 =	vld [tilespmem:s1+$0xE900]  }
0x4e3: {  	v43 =	vld [tilespmem:s1+$0x11100]  }
0x4e4: {  	v44 =	vld [tilespmem:s1+$0xE970]  }
0x4e5: {  	v45 =	vld [tilespmem:s1+$0x11170]  }
0x4e6: {  	v46 =	vld [tilespmem:s1+$0xE7E0]  }
0x4e7: {  	v47 =	vld [tilespmem:s1+$0x10FE0]  }
0x4e8: {  	v48 =	vld [tilespmem:s1+$0xE850]  }
0x4e9: {  	v49 =	vld [tilespmem:s1+$0x11050]  }
0x4ea: {  	v50 =	vld [tilespmem:s1+$0xE8C0]  }
0x4eb: {  	v51 =	vld [tilespmem:s1+$0x110C0]  }
0x4ec: {  	v52 =	vld [tilespmem:s1+$0xE930]  }
0x4ed: {  	v53 =	vld [tilespmem:s1+$0x11130];
	v30 =	vmul.bf16 v31, v30  }
0x4ee: {  	v54 =	vld [tilespmem:s1+$0xE810];
	v31 =	vmul.bf16 v1, v0;
	v56 =	vmul.bf16 v3, v2  }
0x4ef: {  	v55 =	vld [tilespmem:s1+$0x11010];
	v5 =	vmul.bf16 v5, v4;
	v3 =	vmul.bf16 v15, v14  }
0x4f0: {  	v57 =	vld [tilespmem:s1+$0xE880];
	v4 =	vmul.bf16 v17, v16;
	v16 =	vmul.bf16 v9, v8  }
0x4f1: {  	v59 =	vld [tilespmem:s1+$0x11080];
	v17 =	vmul.bf16 v19, v18;
	v19 =	vmul.bf16 v21, v20  }
0x4f2: {  	v61 =	vld [tilespmem:s1+$0xE8F0];
	v21 =	vmul.bf16 v25, v24;
	v24 =	vmul.bf16 v53, v52;
	v0 =	vshll.u32 v30, $0x10  }
0x4f3: {  	v62 =	vld [tilespmem:s1+$0xE760];
	v34 =	vmul.bf16 v35, v34;
	v32 =	vmul.bf16 v33, v32;
	v1 =	vadd.f32 $0.0e+00, v0  }
0x4f4: {  	v63 =	vld [tilespmem:s1+$0x11040];
	v58 =	vshll.u32 v31, $0x10;
	v60 =	vshll.u32 v56, $0x10;
	v0 =	vmul.bf16 v7, v6  }
0x4f5: {  	v14 =	vld [tilespmem:s1+$0x110F0];
	v8 =	vshll.u32 v3, $0x10;
	v9 =	vshll.u32 v4, $0x10;
	v7 =	vadd.f32 v30, v1  }
0x4f6: {  	v18 =	vld [tilespmem:s1+$0x10FD0];
	v35 =	vshll.u32 v32, $0x10;
	v6 =	vshll.u32 v5, $0x10;
	v2 =	vshll.u32 v0, $0x10  }
0x4f7: {  	v20 =	vld [tilespmem:s1+$0xE8B0];
	v7 =	vadd.f32 v8, v7;
	v8 =	vadd.f32 $0.0e+00, v9;
	v9 =	vmul.bf16 v45, v44  }
0x4f8: {  	v25 =	vld [tilespmem:s1+$0xE720];
	v1 =	vmul.bf16 v11, v10;
	v10 =	vmul.bf16 v13, v12;
	v13 =	vshll.u32 v16, $0x10  }
0x4f9: {  	v52 =	vld [tilespmem:s1+$0x10F20];
	v7 =	vadd.f32 v3, v7;
	v3 =	vadd.f32 v4, v8;
	v4 =	vshll.u32 v9, $0x10  }
0x4fa: {  	v53 =	vld [tilespmem:s1+$0xE790];
	v30 =	vmul.bf16 v39, v38;
	v15 =	vshll.u32 v10, $0x10;
	v8 =	vadd.f32 $0.0e+00, v4  }
0x4fb: {  	v33 =	vld [tilespmem:s1+$0xE7B0];
	v45 =	vshll.u32 v17, $0x10;
	v6 =	vadd.f32 v6, v7;
	v7 =	vmul.bf16 v29, v28  }
0x4fc: {  	v39 =	vshll.u32 v30, $0x10;
	v4 =	vmul.bf16 v23, v22;
	v23 =	vld [tilespmem:s1+$0x110B0];
	v8 =	vadd.f32 v9, v8  }
0x4fd: {  	v11 =	vld [tilespmem:s1+$0x10F60];
	v22 =	vshll.u32 v19, $0x10;
	v5 =	vadd.f32 v5, v6;
	v9 =	vshll.u32 v7, $0x10  }
0x4fe: {  	v12 =	vld [tilespmem:s1+$0xE7D0];
	v29 =	vshll.u32 v21, $0x10;
	v28 =	vshll.u32 v24, $0x10;
	v8 =	vadd.f32 v9, v8  }
0x4ff: {  	v38 =	vld [tilespmem:s1+$0x10EA0];
	v9 =	vadd.f32 v58, v5;
	v5 =	vmul.bf16 v27, v26;
	v26 =	vadd.f32 $0.0e+00, v28  }
0x500: {  	v44 =	vld [tilespmem:s1+$0xE840];
	v27 =	vmul.bf16 v37, v36;
	v37 =	vmul.bf16 v41, v40;
	v7 =	vadd.f32 v7, v8  }
0x501: {  	v36 =	vld [tilespmem:s1+$0x10F90];
	v23 =	vmul.bf16 v23, v20;
	v28 =	vadd.f32 v31, v9;
	v8 =	vadd.f32 v24, v26  }
0x502: {  	v58 =	vld [tilespmem:s1+$0xE870];
	v9 =	vshll.u32 v27, $0x10;
	v26 =	vshll.u32 v34, $0x10;
	v7 =	vadd.f32 v15, v7  }
0x503: {  	v40 =	vld [tilespmem:s1+$0xE750];
	v9 =	vadd.f32 $0.0e+00, v9;
	v15 =	vadd.f32 v26, v8;
	v8 =	vmul.bf16 v43, v42  }
0x504: {  	v26 =	vld [tilespmem:s1+$0x11070];
	v42 =	vmul.bf16 v51, v50;
	v50 =	vmul.bf16 v55, v54;
	v10 =	vadd.f32 v10, v7  }
0x505: {  	v41 =	vld [tilespmem:s1+$0x10F50];
	v51 =	vmul.bf16 v59, v57;
	v7 =	vadd.f32 v27, v9;
	v9 =	vadd.f32 v34, v15  }
0x506: {  	v6 =	vshll.u32 v4, $0x10;
	v31 =	vld [tilespmem:s1+$0xE800];
	v57 =	vmul.bf16 v18, v12;
	v12 =	vmul.bf16 v63, v44  }
0x507: {  	v24 =	vld [tilespmem:s1+$0x11000];
	v34 =	vshll.u32 v37, $0x10;
	v9 =	vadd.f32 v22, v9;
	v22 =	vshll.u32 v23, $0x10  }
0x508: {  	v15 =	vmul.bf16 v47, v46;
	v46 =	vld [tilespmem:s1+$0xE7C0];
	v55 =	vshll.u32 v50, $0x10;
	v22 =	vadd.f32 $0.0e+00, v22  }
0x509: {  	v47 =	vld [tilespmem:s1+$0x10FC0];
	v20 =	vadd.f32 v60, v10;
	v26 =	vmul.bf16 v26, v58;
	v19 =	vadd.f32 v19, v9  }
0x50a: {  	v9 =	vmul.bf16 v49, v48;
	v48 =	vld [tilespmem:s1+$0xE7F0];
	v22 =	vadd.f32 v23, v22;
	v23 =	vmul.bf16 v14, v61  }
0x50b: {  	v60 =	vshll.u32 v42, $0x10;
	v43 =	vadd.f32 v56, v20;
	v49 =	vld [tilespmem:s1+$0x10FF0];
	v14 =	vshll.u32 v26, $0x10  }
0x50c: {  	v54 =	vld [tilespmem:s1+$0xE830];
	v13 =	vadd.f32 v13, v19;
	v14 =	vadd.f32 $0.0e+00, v14;
	v19 =	vshll.u32 v23, $0x10  }
0x50d: {  	v44 =	vld [tilespmem:s1+$0xE780];
	v10 =	vshll.u32 v8, $0x10;
	v22 =	vadd.f32 v60, v22;
	v61 =	vadd.f32 $0.0e+00, v19  }
0x50e: {  	v24 =	vmul.bf16 v24, v31;
	v19 =	vadd.f32 v16, v13;
	v13 =	vld [tilespmem:s1+$0x10FB0];
	v16 =	vadd.f32 v26, v14  }
0x50f: {  	v59 =	vld [tilespmem:s1+$0xE6F0];
	v20 =	vshll.u32 v15, $0x10;
	v63 =	vmul.bf16 v47, v46;
	v26 =	vshll.u32 v51, $0x10  }
0x510: {  	v27 =	vld [tilespmem:s1+$0xE6A0];
	v22 =	vadd.f32 v42, v22;
	v48 =	vmul.bf16 v49, v48;
	v16 =	vadd.f32 v26, v16  }
0x511: {  	v56 =	vshll.u32 v57, $0x10;
	v58 =	vld [tilespmem:s1+$0xE740];
	v47 =	vshll.u32 v63, $0x10;
	v14 =	vmul.bf16 v11, v62  }
0x512: {  	v60 =	vld [tilespmem:s1+$0x11030];
	v22 =	vadd.f32 v35, v22;
	v26 =	vshll.u32 v48, $0x10;
	v16 =	vadd.f32 v51, v16  }
0x513: {  	v49 =	vld [tilespmem:s1+$0x10F10];
	v11 =	vadd.f32 v23, v61;
	v26 =	vadd.f32 $0.0e+00, v26;
	v61 =	vmul.bf16 v13, v33  }
0x514: {  	v23 =	vld [tilespmem:s1+$0xE710];
	v18 =	vshll.u32 v14, $0x10;
	v22 =	vadd.f32 v32, v22;
	v31 =	vadd.f32 v34, v16  }
0x515: {  	v35 =	vld [tilespmem:s1+$0xE770];
	v16 =	vmul.bf16 v52, v25;
	v26 =	vadd.f32 v48, v26;
	v25 =	vshll.u32 v61, $0x10  }
0x516: {  	v51 =	vld [tilespmem:s1+$0x10F80];
	v22 =	vadd.f32 v45, v22;
	v62 =	vadd.f32 $0.0e+00, v25;
	v25 =	vshll.u32 v24, $0x10  }
0x517: {  	v42 =	vmul.bf16 v60, v54;
	v33 =	vld [tilespmem:s1+$0xE700];
	v31 =	vadd.f32 v37, v31;
	v26 =	vadd.f32 v25, v26  }
0x518: {  	v13 =	vshll.u32 v12, $0x10;
	v52 =	vld [tilespmem:s1+$0xE730];
	v25 =	vadd.f32 v17, v22;
	v32 =	vadd.f32 v61, v62  }
0x519: {  	v60 =	vshll.u32 v42, $0x10;
	v29 =	vadd.f32 v29, v31;
	v31 =	vld [tilespmem:s1+$0x10F30];
	v24 =	vadd.f32 v24, v26  }
0x51a: {  	v34 =	vld [tilespmem:s1+$0x10F00];
	v17 =	vmul.bf16 v36, v53;
	v36 =	vadd.f32 $0.0e+00, v60;
	v32 =	vadd.f32 v47, v32  }
0x51b: {  	v45 =	vld [tilespmem:s1+$0x10F40];
	v22 =	vshll.u32 v16, $0x10;
	v26 =	vadd.f32 v21, v29;
	v24 =	vadd.f32 v55, v24  }
0x51c: {  	(xrf2) =	vadd.scan.msk.f32 $0xffff, v28;
	v61 =	vld [tilespmem:s1+$0x10EF0];
	v29 =	vmul.bf16 v41, v40;
	v21 =	vmul.bf16 v38, v27;
	v37 =	vadd.f32 v63, v32  }
0x51d: {  	v27 =	vmul.bf16 v49, v23;
	v38 =	vld [tilespmem:s1+$0x10F70];
	v23 =	vadd.f32 v42, v36;
	v62 =	vadd.f32 v50, v24  }
0x51e: {  	v40 =	vld [tilespmem:s1+$0x10E70];
	v32 =	vshll.u32 v29, $0x10;
	v41 =	vmul.bf16 v31, v52;
	v63 =	vadd.f32 v56, v37  }
0x51f: {  	(xrf2) =	vadd.scan.msk.f32 $0xffff, v43;
	v42 =	vld [tilespmem:s1+$0xE670];
	v31 =	vshll.u32 v27, $0x10;
	v24 =	vmul.bf16 v51, v44;
	v49 =	vadd.f32 v39, v62  }
0x520: {  	v36 =	vld [tilespmem:s1+$0xE680];
	v37 =	vmul.bf16 v45, v58;
	v28 =	vshll.u32 v41, $0x10;
	v44 =	vadd.f32 v57, v63  }
0x521: {  	s15 =	simm.s32 $0x2FC0;
	v43 =	vmul.bf16 v61, v59;
	v39 =	vld [tilespmem:s1+$0xE6B0];
	v45 =	vadd.f32 $0.0e+00, v28;
	v28 =	vadd.f32 v30, v49  }
.LBB2_9:
0x522: {  	p0 =	sne.s32 s15, $0x4FC0;
	v30 =	vld [tilespmem:s1+$0x10EB0];
	v33 =	vmul.bf16 v34, v33;
	v34 =	vshll.u32 v37, $0x10;
	v20 =	vadd.f32 v20, v44;
	(xrf2) =	vadd.scan.msk.f32 $0xffff, v19  }
0x523: {  	v35 =	vmul.bf16 v38, v35;
	v19 =	vld [tilespmem:s1+$0x10E80];
	v44 =	vshll.u32 v43, $0x10;
	v41 =	vadd.f32 v41, v45  }
0x524: {  	v38 =	vmul.bf16 v40, v42;
	v40 =	vld [tilespmem:s1+$0xE690];
	v42 =	vadd.f32 $0.0e+00, v44;
	v44 =	vadd.f32 v15, v20  }
0x525: {  	v45 =	vshll.u32 v33, $0x10;
	v46 =	vshll.u32 v35, $0x10;
	v20 =	vld [tilespmem:s1+$0xE6C0];
	v34 =	vadd.f32 v34, v41;
	(xrf2) =	vadd.scan.msk.f32 $0xffff, v25  }
0x526: {  	v25 =	vshll.u32 v38, $0x10;
	v41 =	vld [tilespmem:s1+$0x10EC0];
	v42 =	vadd.f32 v43, v42;
	v43 =	vadd.f32 $0.0e+00, v46;
	v15, _, _ =	vpop (xrf2)  }
0x527: {  	v25 =	vadd.f32 $0.0e+00, v25;
	v46 =	vld [tilespmem:s1+$0x10E90];
	v30 =	vmul.bf16 v30, v39;
	v34 =	vadd.f32 v37, v34  }
0x528: {  	v36 =	vmul.bf16 v19, v36;
	v37 =	vadd.f32 v45, v42;
	v35 =	vadd.f32 v35, v43;
	(xrf2) =	vadd.scan.msk.f32 $0xffff, v26  }
0x529: {  	v25 =	vadd.f32 v38, v25;
	v26 =	vshll.u32 v30, $0x10;
	v38 =	vld [tilespmem:s1+$0xE6D0];
	v32 =	vadd.f32 v32, v34;
	v19, _, _ =	vpop (xrf2)  }
0x52a: {  	v34 =	vshll.u32 v36, $0x10;
	v26 =	vadd.f32 $0.0e+00, v26;
	v39 =	vld [tilespmem:s1+$0x10ED0];
	v33 =	vadd.f32 v33, v37  }
0x52b: {  	v25 =	vadd.f32 v34, v25;
	v34 =	vmul.bf16 v41, v20;
	v29 =	vadd.f32 v29, v32;
	(xrf2) =	vadd.scan.msk.f32 $0xffff, v28  }
0x52c: {  	v28 =	vmul.bf16 v46, v40;
	v26 =	vadd.f32 v30, v26;
	v30 =	vadd.f32 v31, v33;
	v20, _, _ =	vpop (xrf2)  }
0x52d: {  	v25 =	vadd.f32 v36, v25;
	v31 =	vshll.u32 v34, $0x10;
	v32 =	vld [tilespmem:s1+$0xE6E0];
	v18 =	vadd.f32 v18, v29  }
0x52e: {  	v29 =	vshll.u32 v28, $0x10;
	v26 =	vadd.f32 v31, v26;
	v31 =	vld [tilespmem:s1+$0x10EE0];
	v27 =	vadd.f32 v27, v30;
	(xrf2) =	vadd.scan.msk.f32 $0xffff, v44  }
0x52f: {  	v25 =	vadd.f32 v29, v25;
	v29 =	vmul.bf16 v39, v38;
	v18 =	vadd.f32 v14, v18;
	v14, _, _ =	vpop (xrf2)  }
0x530: {  	v26 =	vadd.f32 v34, v26;
	v34 =	vadd.f32 v22, v27;
	v27 =	vshll.u32 v24, $0x10;
	v30 =	vld [tilespmem:s1+$0xE7A0]  }
0x531: {  	v25 =	vadd.f32 v28, v25;
	v28 =	vshll.u32 v29, $0x10;
	v27 =	vadd.f32 v27, v35;
	v33 =	vld [tilespmem:s1+$0x10FA0];
	(xrf2) =	vadd.scan.msk.f32 $0xffff, v18  }
0x532: {  	v18 =	vshll.u32 v21, $0x10;
	v26 =	vadd.f32 v28, v26;
	v16 =	vadd.f32 v16, v34;
	v22, _, _ =	vpop (xrf2)  }
0x533: {  	v18 =	vadd.f32 v18, v25;
	v25 =	vmul.bf16 v31, v32;
	v24 =	vadd.f32 v24, v27;
	v27 =	vld [tilespmem:s1+$0xE860]  }
0x534: {  	v13 =	vadd.f32 v13, v23;
	v26 =	vadd.f32 v29, v26;
	v29 =	vshll.u32 v17, $0x10;
	v23 =	vld [tilespmem:s1+$0x11060];
	(xrf2) =	vadd.scan.msk.f32 $0xffff, v16  }
0x535: {  	v16 =	vadd.f32 v21, v18;
	v18 =	vshll.u32 v25, $0x10;
	v21 =	vadd.f32 v29, v24;
	v24 =	vld [tilespmem:s1+$0xEA50];
	v28, _, _ =	vpop (xrf2)  }
0x536: {  	v12 =	vadd.f32 v12, v13;
	v18 =	vadd.f32 v18, v26;
	v26 =	vmul.bf16 v33, v30;
	v13 =	vld [tilespmem:s1+$0xE920]  }
0x537: {  	v10 =	vadd.f32 v10, v11;
	v17 =	vadd.f32 v17, v21;
	v21 =	vshll.u32 v9, $0x10;
	v11 =	vld [tilespmem:s1+$0x11120];
	(xrf2) =	vadd.scan.msk.f32 $0xffff, v16  }
0x538: {  	v16 =	vadd.f32 v25, v18;
	v18 =	vshll.u32 v26, $0x10;
	v29 =	vadd.f32 v21, v12;
	v21 =	vld [tilespmem:s1+$0x11250];
	v25, _, _ =	vpop (xrf2)  }
0x539: {  	v8 =	vadd.f32 v8, v10;
	v17 =	vadd.f32 v18, v17;
	v18 =	vmul.bf16 v23, v27;
	v10 =	vld [tilespmem:s1+$0xE9E0]  }
0x53a: {  	v6 =	vadd.f32 v6, v7;
	v23 =	vshll.u32 v5, $0x10;
	v9 =	vadd.f32 v9, v29;
	v7 =	vld [tilespmem:s1+$0x111E0];
	(xrf2) =	vadd.scan.msk.f32 $0xffff, v16  }
0x53b: {  	v8 =	vadd.f32 v23, v8;
	v16 =	vadd.f32 v26, v17;
	v17 =	vshll.u32 v18, $0x10;
	v12, _, _ =	vpop (xrf2)  }
0x53c: {  	v4 =	vadd.f32 v4, v6;
	v9 =	vadd.f32 v17, v9;
	v11 =	vmul.bf16 v11, v13  }
0x53d: {  	v2 =	vadd.f32 v2, v3;
	v6 =	vshll.u32 v1, $0x10;
	v5 =	vadd.f32 v5, v8;
	v3 =	vld [tilespmem:s1+$0xEA60];
	(xrf2) =	vadd.scan.msk.f32 $0xffff, v16  }
0x53e: {  	v4 =	vadd.f32 v6, v4;
	v16 =	vadd.f32 v18, v9;
	v9 =	vshll.u32 v11, $0x10;
	v6 =	vld [tilespmem:s1+$0x11260];
	v13, _, _ =	vpop (xrf2)  }
0x53f: {  	v5 =	vadd.f32 v9, v5;
	v7 =	vmul.bf16 v7, v10;
	v9 =	vmul.bf16 v21, v24  }
0x540: {  	v0 =	vadd.f32 v0, v2;
	v1 =	vadd.f32 v1, v4;
	(xrf2) =	vadd.scan.msk.f32 $0xffff, v16  }
0x541: {  	v10 =	vadd.f32 v11, v5;
	v4 =	vshll.u32 v7, $0x10;
	v5 =	vshll.u32 v9, $0x10;
	v8, _, _ =	vpop (xrf2)  }
0x542: {  	v1 =	vadd.f32 v4, v1;
	v0 =	vadd.f32 v5, v0  }
0x543: {  	v3 =	vmul.bf16 v6, v3;
	(xrf2) =	vadd.scan.msk.f32 $0xffff, v10  }
0x544: {  	v1 =	vadd.f32 v7, v1;
	v0 =	vadd.f32 v9, v0;
	v2, _, _ =	vpop (xrf2)  }
0x545: {  	v7 =	vbroadcast v8, $0xF;
	v2 =	vbroadcast v2, $0xF;
	v5 =	vshll.u32 v3, $0x10  }
0x546: {  	v6 =	vbroadcast v13, $0xF;
	v0 =	vadd.f32 v5, v0;
	(xrf2) =	vadd.scan.msk.f32 $0xffff, v1  }
0x547: {  	v1 =	vsel vm0, v7, v2;
	v2 =	vbroadcast v12, $0xF;
	v4, _, _ =	vpop (xrf2)  }
0x548: {  	v1 =	vsel vm1, v1, v6;
	v5 =	vbroadcast v4, $0xF;
	v0 =	vadd.f32 v3, v0  }
0x549: {  	v1 =	vsel vm2, v1, v2;
	v2 =	vbroadcast v25, $0xF  }
0x54a: {  	v1 =	vsel vm3, v1, v5;
	v5 =	vbroadcast v28, $0xF;
	v4, _, _ =	vpop (xrf2);
	(xrf2) =	vadd.scan.msk.f32 $0xffff, v0  }
0x54b: {  	v0 =	vsel vm4, v1, v2;
	v1 =	vbroadcast v4, $0xF  }
0x54c: {  	v2 =	vbroadcast v22, $0xF;
	v0 =	vsel vm5, v0, v5  }
0x54d: {  	v0 =	vsel vm6, v0, v1;
	v1 =	vbroadcast v14, $0xF;
	v3, _, _ =	vpop (xrf2)  }
0x54e: {  	v0 =	vsel vm7, v0, v2;
	v2 =	vbroadcast v3, $0xF  }
0x54f: {  	v0 =	vsel vm8, v0, v1;
	v1 =	vbroadcast v20, $0xF  }
0x550: {  	v0 =	vsel vm9, v0, v2;
	v2 =	vbroadcast v19, $0xF;
	v3, _, _ =	vpop (xrf2)  }
0x551: {  	v0 =	vsel vm10, v0, v1;
	v3 =	vbroadcast v3, $0xF  }
0x552: {  	v0 =	vsel vm11, v0, v2;
	v2 =	vbroadcast v15, $0xF  }
0x553: {  	v0 =	vsel vm12, v0, v3  }
0x554: {  	v0 =	vsel vm13, v0, v2;
	v1, _, _ =	vpop (xrf2)  }
0x555: {  	s0 =	sadd.s32 $0x10, s0;
	v0 =	vsel vm14, v0, v1  }
0x556: {  	s1 =	sshra.s32 s15, $0x2;
	[tilespmem:s0+$0x0] =	vst v0  }
0x557: {  	v0 =	vld [tilespmem:s1+$0xEA20]  }
0x558: {  	v1 =	vld [tilespmem:s1+$0x11220]  }
0x559: {  	v2 =	vld [tilespmem:s1+$0xE9A0]  }
0x55a: {  	v3 =	vld [tilespmem:s1+$0x111A0]  }
0x55b: {  	v4 =	vld [tilespmem:s1+$0xEA10]  }
0x55c: {  	v6 =	vld [tilespmem:s1+$0x11210]  }
0x55d: {  	v16 =	vld [tilespmem:s1+$0xEA40]  }
0x55e: {  	v17 =	vld [tilespmem:s1+$0x11240]  }
0x55f: {  	v18 =	vld [tilespmem:s1+$0xE960]  }
0x560: {  	v21 =	vld [tilespmem:s1+$0x11160]  }
0x561: {  	v23 =	vld [tilespmem:s1+$0xE9D0]  }
0x562: {  	v24 =	vld [tilespmem:s1+$0x111D0]  }
0x563: {  	v26 =	vld [tilespmem:s1+$0xE990]  }
0x564: {  	v27 =	vld [tilespmem:s1+$0x11190]  }
0x565: {  	v25 =	vld [tilespmem:s1+$0xEA00]  }
0x566: {  	v32 =	vld [tilespmem:s1+$0x11200]  }
0x567: {  	v35 =	vld [tilespmem:s1+$0xEA30]  }
0x568: {  	v36 =	vld [tilespmem:s1+$0x11230]  }
0x569: {  	v37 =	vld [tilespmem:s1+$0xE8E0]  }
0x56a: {  	v38 =	vld [tilespmem:s1+$0x110E0]  }
0x56b: {  	v39 =	vld [tilespmem:s1+$0xE950]  }
0x56c: {  	v40 =	vld [tilespmem:s1+$0x11150]  }
0x56d: {  	v41 =	vld [tilespmem:s1+$0xE9C0]  }
0x56e: {  	v42 =	vld [tilespmem:s1+$0x111C0]  }
0x56f: {  	v43 =	vld [tilespmem:s1+$0xE8A0]  }
0x570: {  	v44 =	vld [tilespmem:s1+$0x110A0]  }
0x571: {  	v5 =	vld [tilespmem:s1+$0xE910]  }
0x572: {  	v22 =	vld [tilespmem:s1+$0x11110]  }
0x573: {  	v45 =	vld [tilespmem:s1+$0xE980]  }
0x574: {  	v46 =	vld [tilespmem:s1+$0x11180]  }
0x575: {  	v13 =	vld [tilespmem:s1+$0xE9F0]  }
0x576: {  	v14 =	vld [tilespmem:s1+$0x111F0]  }
0x577: {  	v7 =	vld [tilespmem:s1+$0xE8D0]  }
0x578: {  	v28 =	vld [tilespmem:s1+$0x110D0]  }
0x579: {  	v47 =	vld [tilespmem:s1+$0xE940]  }
0x57a: {  	v48 =	vld [tilespmem:s1+$0x11140]  }
0x57b: {  	v49 =	vld [tilespmem:s1+$0xE9B0]  }
0x57c: {  	v50 =	vld [tilespmem:s1+$0x111B0]  }
0x57d: {  	v30 =	vld [tilespmem:s1+$0xE820]  }
0x57e: {  	v51 =	vld [tilespmem:s1+$0x11020]  }
0x57f: {  	v29 =	vld [tilespmem:s1+$0xE890]  }
0x580: {  	v34 =	vld [tilespmem:s1+$0x11090]  }
0x581: {  	v8 =	vld [tilespmem:s1+$0xE900]  }
0x582: {  	v31 =	vld [tilespmem:s1+$0x11100]  }
0x583: {  	v52 =	vld [tilespmem:s1+$0xE970]  }
0x584: {  	v53 =	vld [tilespmem:s1+$0x11170]  }
0x585: {  	v10 =	vld [tilespmem:s1+$0xE7E0]  }
0x586: {  	v15 =	vld [tilespmem:s1+$0x10FE0]  }
0x587: {  	v9 =	vld [tilespmem:s1+$0xE850]  }
0x588: {  	v12 =	vld [tilespmem:s1+$0x11050]  }
0x589: {  	v20 =	vld [tilespmem:s1+$0xE8C0]  }
0x58a: {  	v33 =	vld [tilespmem:s1+$0x110C0]  }
0x58b: {  	v54 =	vld [tilespmem:s1+$0xE930]  }
0x58c: {  	v55 =	vld [tilespmem:s1+$0x11130]  }
0x58d: {  	v57 =	vmul.bf16 v1, v0;
	v56 =	vmul.bf16 v14, v13;
	v11 =	vld [tilespmem:s1+$0xE810]  }
0x58e: {  	v58 =	vmul.bf16 v3, v2;
	v13 =	vld [tilespmem:s1+$0x11010]  }
0x58f: {  	v59 =	vshll.u32 v57, $0x10;
	v6 =	vmul.bf16 v6, v4;
	v0 =	vshll.u32 v56, $0x10;
	v14 =	vld [tilespmem:s1+$0xE880]  }
0x590: {  	v60 =	vshll.u32 v58, $0x10;
	v1 =	vadd.f32 $0.0e+00, v0;
	v0 =	vmul.bf16 v17, v16;
	v19 =	vld [tilespmem:s1+$0x11080]  }
0x591: {  	v62 =	vshll.u32 v6, $0x10;
	v3 =	vmul.bf16 v32, v25;
	v4 =	vmul.bf16 v36, v35;
	v61 =	vld [tilespmem:s1+$0xE8F0]  }
0x592: {  	v25 =	vmul.bf16 v21, v18;
	v16 =	vadd.f32 v56, v1;
	v2 =	vshll.u32 v0, $0x10;
	v35 =	vld [tilespmem:s1+$0x110F0]  }
0x593: {  	v21 =	vshll.u32 v4, $0x10;
	v17 =	vshll.u32 v3, $0x10;
	v1 =	vmul.bf16 v24, v23;
	v18 =	vld [tilespmem:s1+$0xE760]  }
0x594: {  	v36 =	vmul.bf16 v27, v26;
	v21 =	vadd.f32 $0.0e+00, v21;
	v16 =	vadd.f32 v17, v16;
	v32 =	vld [tilespmem:s1+$0x10F60]  }
0x595: {  	v17 =	vmul.bf16 v38, v37;
	v37 =	vshll.u32 v25, $0x10;
	v23 =	vmul.bf16 v53, v52;
	v56 =	vld [tilespmem:s1+$0xE7D0]  }
0x596: {  	v24 =	vadd.f32 v3, v16;
	v3 =	vadd.f32 v4, v21;
	v52 =	vshll.u32 v36, $0x10;
	v38 =	vld [tilespmem:s1+$0x10FD0]  }
0x597: {  	v39 =	vmul.bf16 v40, v39;
	v16 =	vshll.u32 v17, $0x10;
	v4 =	vshll.u32 v23, $0x10;
	v53 =	vld [tilespmem:s1+$0xE840]  }
0x598: {  	v24 =	vadd.f32 v62, v24;
	v26 =	vadd.f32 $0.0e+00, v4;
	v4 =	vmul.bf16 v42, v41;
	v40 =	vld [tilespmem:s1+$0x11040]  }
0x599: {  	v21 =	vmul.bf16 v44, v43;
	v43 =	vmul.bf16 v46, v45;
	v42 =	vshll.u32 v39, $0x10;
	v41 =	vld [tilespmem:s1+$0xE8B0]  }
0x59a: {  	v23 =	vadd.f32 v23, v26;
	v26 =	vadd.f32 v6, v24;
	v45 =	vmul.bf16 v55, v54;
	v44 =	vld [tilespmem:s1+$0x110B0]  }
0x59b: {  	v27 =	vshll.u32 v43, $0x10;
	v24 =	vshll.u32 v21, $0x10;
	v6 =	vshll.u32 v4, $0x10;
	v46 =	vld [tilespmem:s1+$0xE720]  }
0x59c: {  	v23 =	vadd.f32 v27, v23;
	v59 =	vadd.f32 v59, v26;
	v55 =	vshll.u32 v45, $0x10;
	v54 =	vld [tilespmem:s1+$0x10F20]  }
0x59d: {  	v5 =	vmul.bf16 v22, v5;
	v49 =	vmul.bf16 v50, v49;
	v22 =	vadd.f32 $0.0e+00, v55;
	v26 =	vld [tilespmem:s1+$0xE790]  }
0x59e: {  	v47 =	vmul.bf16 v48, v47;
	v43 =	vadd.f32 v43, v23;
	v23 =	vadd.f32 v57, v59;
	v27 =	vld [tilespmem:s1+$0x10F90]  }
0x59f: {  	v50 =	vmul.bf16 v28, v7;
	v7 =	vadd.f32 v45, v22;
	v22 =	vshll.u32 v49, $0x10;
	v48 =	vld [tilespmem:s1+$0xE800]  }
0x5a0: {  	v55 =	vshll.u32 v47, $0x10;
	v43 =	vadd.f32 v52, v43;
	v22 =	vadd.f32 $0.0e+00, v22;
	v45 =	vld [tilespmem:s1+$0x11000]  }
0x5a1: {  	v28 =	vmul.bf16 v51, v30;
	v52 =	vshll.u32 v50, $0x10;
	v55 =	vadd.f32 v55, v7;
	v51 =	vld [tilespmem:s1+$0xE870]  }
0x5a2: {  	v29 =	vmul.bf16 v34, v29;
	v34 =	vadd.f32 v36, v43;
	v7 =	vadd.f32 v49, v22;
	v57 =	vld [tilespmem:s1+$0x11070]  }
0x5a3: {  	v30 =	vshll.u32 v28, $0x10;
	v8 =	vmul.bf16 v31, v8;
	v22 =	vadd.f32 v47, v55;
	v36 =	vld [tilespmem:s1+$0xE6A0]  }
0x5a4: {  	v43 =	vshll.u32 v29, $0x10;
	v34 =	vadd.f32 v60, v34;
	v41 =	vmul.bf16 v44, v41;
	v31 =	vld [tilespmem:s1+$0x10EA0]  }
0x5a5: {  	v15 =	vmul.bf16 v15, v10;
	v10 =	vshll.u32 v8, $0x10;
	v22 =	vadd.f32 v42, v22;
	v44 =	vld [tilespmem:s1+$0xE750]  }
0x5a6: {  	v33 =	vmul.bf16 v33, v20;
	v49 =	vadd.f32 v58, v34;
	v47 =	vshll.u32 v41, $0x10;
	v42 =	vld [tilespmem:s1+$0x10F50]  }
0x5a7: {  	v20 =	vshll.u32 v15, $0x10;
	v22 =	vadd.f32 v39, v22;
	v34 =	vadd.f32 $0.0e+00, v47;
	v55 =	vld [tilespmem:s1+$0xE7C0]  }
0x5a8: {  	v9 =	vmul.bf16 v12, v9;
	v47 =	vshll.u32 v33, $0x10;
	v12 =	vmul.bf16 v57, v51;
	v39 =	vld [tilespmem:s1+$0x10FC0]  }
0x5a9: {  	v35 =	vmul.bf16 v35, v61;
	v22 =	vadd.f32 v37, v22;
	v34 =	vadd.f32 v41, v34;
	v51 =	vld [tilespmem:s1+$0xE7F0]  }
0x5aa: {  	v41 =	vmul.bf16 v13, v11;
	v13 =	vmul.bf16 v19, v14;
	v11 =	vshll.u32 v12, $0x10;
	v37 =	vld [tilespmem:s1+$0x10FF0]  }
0x5ab: {  	v19 =	vshll.u32 v35, $0x10;
	v14 =	vadd.f32 v47, v34;
	v11 =	vadd.f32 $0.0e+00, v11;
	v57 =	vld [tilespmem:s1+$0xE830]  }
0x5ac: {  	v58 =	vadd.f32 $0.0e+00, v19;
	v19 =	vadd.f32 v25, v22;
	v47 =	vshll.u32 v41, $0x10;
	v34 =	vld [tilespmem:s1+$0xE7B0]  }
0x5ad: {  	v25 =	vshll.u32 v13, $0x10;
	v33 =	vadd.f32 v33, v14;
	v12 =	vadd.f32 v12, v11;
	v22 =	vld [tilespmem:s1+$0x10FB0]  }
0x5ae: {  	v56 =	vmul.bf16 v38, v56;
	v14 =	vmul.bf16 v32, v18;
	v11 =	vadd.f32 v35, v58;
	v32 =	vld [tilespmem:s1+$0x11030]  }
0x5af: {  	v33 =	vadd.f32 v52, v33;
	v25 =	vadd.f32 v25, v12;
	v38 =	vld [tilespmem:s1+$0xE710];
	v35 =	vmul.bf16 v37, v51  }
0x5b0: {  	v18 =	vshll.u32 v14, $0x10;
	v12 =	vmul.bf16 v40, v53;
	v51 =	vshll.u32 v56, $0x10;
	v37 =	vld [tilespmem:s1+$0x10F10]  }
0x5b1: {  	v33 =	vadd.f32 v50, v33;
	v25 =	vadd.f32 v13, v25;
	v52 =	vld [tilespmem:s1+$0xE780];
	v40 =	vshll.u32 v35, $0x10  }
0x5b2: {  	v13 =	vshll.u32 v12, $0x10;
	v50 =	vld [tilespmem:s1+$0x10F80];
	v53 =	vmul.bf16 v22, v34;
	v22 =	vadd.f32 $0.0e+00, v40  }
0x5b3: {  	v40 =	vmul.bf16 v45, v48;
	v25 =	vadd.f32 v43, v25;
	v43 =	vadd.f32 v16, v33;
	v58 =	vld [tilespmem:s1+$0xE740]  }
0x5b4: {  	v16 =	vmul.bf16 v54, v46;
	v45 =	vld [tilespmem:s1+$0x10F40];
	v34 =	vshll.u32 v53, $0x10;
	v22 =	vadd.f32 v35, v22  }
0x5b5: {  	v46 =	vshll.u32 v40, $0x10;
	v29 =	vadd.f32 v29, v25;
	v33 =	vld [tilespmem:s1+$0xE700];
	v35 =	vadd.f32 $0.0e+00, v34  }
0x5b6: {  	v39 =	vmul.bf16 v39, v55;
	v25 =	vadd.f32 v17, v43;
	v34 =	vld [tilespmem:s1+$0x10F00];
	v46 =	vadd.f32 v46, v22  }
0x5b7: {  	v22 =	vshll.u32 v16, $0x10;
	v24 =	vadd.f32 v24, v29;
	v43 =	vld [tilespmem:s1+$0xE730];
	v48 =	vadd.f32 v53, v35  }
0x5b8: {  	v29 =	vshll.u32 v39, $0x10;
	v53 =	vld [tilespmem:s1+$0x10F30];
	v40 =	vadd.f32 v40, v46;
	v46 =	vmul.bf16 v32, v57  }
0x5b9: {  	v17 =	vmul.bf16 v27, v26;
	v26 =	vadd.f32 v21, v24;
	v35 =	vld [tilespmem:s1+$0xE770];
	v27 =	vadd.f32 v29, v48  }
0x5ba: {  	v29 =	vmul.bf16 v42, v44;
	v48 =	vld [tilespmem:s1+$0xE6F0];
	v24 =	vadd.f32 v47, v40;
	v32 =	vshll.u32 v46, $0x10  }
0x5bb: {  	v21 =	vmul.bf16 v31, v36;
	v47 =	vld [tilespmem:s1+$0x10EF0];
	v31 =	vadd.f32 v39, v27;
	v36 =	vadd.f32 $0.0e+00, v32;
	(xrf2) =	vadd.scan.msk.f32 $0xffff, v23  }
.Ltmp4:
0x5bc: {  	v27 =	vmul.bf16 v37, v38;
	v32 =	vshll.u32 v29, $0x10;
	v38 =	vld [tilespmem:s1+$0x10F70];
	v37 =	vadd.f32 v41, v24;
	(pc) =	sbr.rel @p0 .LBB2_9-.Ltmp4, $4  }
0x5bd: {  	v40 =	vld [tilespmem:s1+$0x10E70];
	v41 =	vmul.bf16 v53, v43;
	v39 =	vadd.f32 v51, v31;
	v23 =	vadd.f32 v46, v36  }
0x5be: {  	v24 =	vmul.bf16 v50, v52;
	v31 =	vshll.u32 v27, $0x10;
	v42 =	vld [tilespmem:s1+$0xE670];
	v30 =	vadd.f32 v30, v37;
	(xrf2) =	vadd.scan.msk.f32 $0xffff, v49  }
0x5bf: {  	v37 =	vmul.bf16 v45, v58;
	v36 =	vld [tilespmem:s1+$0xE680];
	v46 =	vshll.u32 v41, $0x10;
	v44 =	vadd.f32 v56, v39  }
0x5c0: {  	s15 =	sadd.s32 $0x1000, s15;
	v39 =	vld [tilespmem:s1+$0xE6B0];
	v43 =	vmul.bf16 v47, v48;
	v45 =	vadd.f32 $0.0e+00, v46;
	v28 =	vadd.f32 v28, v30  }
0x5c1: {  	v30 =	vld [tilespmem:s1+$0x10EB0];
	v33 =	vmul.bf16 v34, v33;
	v59 =	vshll.u32 v37, $0x10;
	v20 =	vadd.f32 v20, v44  }
0x5c2: {  	v60 =	vld [tilespmem:s1+$0x10E80];
	v35 =	vmul.bf16 v38, v35;
	v13 =	vadd.f32 v13, v23;
	v10 =	vadd.f32 v10, v11  }
0x5c3: {  	v48 =	vld [tilespmem:s1+$0xE6C0];
	v46 =	vshll.u32 v43, $0x10;
	v41 =	vadd.f32 v41, v45;
	v61 =	vmul.bf16 v40, v42  }
0x5c4: {  	v52 =	vld [tilespmem:s1+$0x10EC0];
	v63 =	vadd.f32 $0.0e+00, v46;
	v15 =	vadd.f32 v15, v20;
	v50 =	vshll.u32 v35, $0x10  }
0x5c5: {  	v62 =	vld [tilespmem:s1+$0xE690];
	v49 =	vshll.u32 v33, $0x10;
	v34 =	vadd.f32 v59, v41;
	v41 =	vadd.f32 $0.0e+00, v50  }
0x5c6: {  	v53 =	vld [tilespmem:s1+$0x10E90];
	v51 =	vshll.u32 v61, $0x10;
	v42 =	vadd.f32 v43, v63;
	v30 =	vmul.bf16 v30, v39  }
0x5c7: {  	v46 =	vadd.f32 $0.0e+00, v51;
	v34 =	vadd.f32 v37, v34;
	v36 =	vmul.bf16 v60, v36  }
0x5c8: {  	v56 =	vld [tilespmem:s1+$0xE6D0];
	v35 =	vadd.f32 v35, v41;
	v54 =	vadd.f32 v49, v42;
	v55 =	vshll.u32 v30, $0x10  }
0x5c9: {  	v58 =	vld [tilespmem:s1+$0x10ED0];
	v20 =	vmul.bf16 v52, v48;
	v38 =	vadd.f32 v61, v46;
	v41 =	vadd.f32 $0.0e+00, v55  }
0x5ca: {  	v32 =	vadd.f32 v32, v34;
	v57 =	vshll.u32 v36, $0x10;
	v33 =	vadd.f32 v33, v54  }
0x5cb: {  	v59 =	vmul.bf16 v53, v62;
	v34 =	vadd.f32 v57, v38;
	v30 =	vadd.f32 v30, v41  }
0x5cc: {  	v62 =	vld [tilespmem:s1+$0xE6E0];
	v61 =	vshll.u32 v20, $0x10;
	v29 =	vadd.f32 v29, v32;
	v31 =	vadd.f32 v31, v33  }
0x5cd: {  	v37 =	vld [tilespmem:s1+$0x10EE0];
	v63 =	vshll.u32 v59, $0x10;
	v60 =	vadd.f32 v36, v34;
	v30 =	vadd.f32 v61, v30  }
0x5ce: {  	v38 =	vmul.bf16 v58, v56;
	v18 =	vadd.f32 v18, v29;
	v27 =	vadd.f32 v27, v31  }
0x5cf: {  	v44 =	vld [tilespmem:s1+$0x10FA0];
	v41 =	vshll.u32 v24, $0x10;
	v29 =	vadd.f32 v63, v60;
	v39 =	vadd.f32 v20, v30  }
0x5d0: {  	v42 =	vld [tilespmem:s1+$0xE7A0];
	v43 =	vshll.u32 v38, $0x10;
	v40 =	vadd.f32 v22, v27;
	v22 =	vadd.f32 v41, v35  }
0x5d1: {  	(xrf2) =	vadd.scan.msk.f32 $0xffff, v19;
	v45 =	vshll.u32 v21, $0x10;
	v14 =	vadd.f32 v14, v18;
	v18 =	vadd.f32 v43, v39  }
0x5d2: {  	v47 =	vld [tilespmem:s1+$0xE860];
	(xrf2) =	vadd.scan.msk.f32 $0xffff, v25;
	v46 =	vmul.bf16 v37, v62;
	v29 =	vadd.f32 v59, v29;
	v22 =	vadd.f32 v24, v22  }
0x5d3: {  	(xrf2) =	vadd.scan.msk.f32 $0xffff, v26;
	v12 =	vadd.f32 v12, v13;
	v48 =	vshll.u32 v17, $0x10;
	v49 =	vld [tilespmem:s1+$0x11060];
	v18 =	vadd.f32 v38, v18  }
0x5d4: {  	(xrf2) =	vadd.scan.msk.f32 $0xffff, v28;
	v51 =	vld [tilespmem:s1+$0xEA50];
	v50 =	vshll.u32 v46, $0x10;
	v19 =	vadd.f32 v45, v29;
	v22 =	vadd.f32 v48, v22  }
0x5d5: {  	(xrf2) =	vadd.scan.msk.f32 $0xffff, v15;
	v54 =	vld [tilespmem:s1+$0xE920];
	v53 =	vmul.bf16 v44, v42;
	v16 =	vadd.f32 v16, v40;
	v52 =	vadd.f32 v50, v18  }
0x5d6: {  	v56 =	vshll.u32 v9, $0x10;
	v57 =	vld [tilespmem:s1+$0x11120];
	(xrf2) =	vadd.scan.msk.f32 $0xffff, v14;
	v19 =	vadd.f32 v21, v19;
	v55 =	vadd.f32 v17, v22  }
0x5d7: {  	v12 =	vadd.f32 v56, v12;
	v61 =	vld [tilespmem:s1+$0xE9E0];
	v58 =	vshll.u32 v53, $0x10;
	(xrf2) =	vadd.scan.msk.f32 $0xffff, v16;
	v15 =	vadd.f32 v46, v52  }
0x5d8: {  	v8 =	vadd.f32 v8, v10;
	v60 =	vmul.bf16 v49, v47;
	v59 =	vld [tilespmem:s1+$0x11250];
	(xrf2) =	vadd.scan.msk.f32 $0xffff, v19;
	v14 =	vadd.f32 v58, v55  }
0x5d9: {  	v6 =	vadd.f32 v6, v7;
	v62, _, _ =	vpop (xrf2);
	v63 =	vadd.f32 v9, v12;
	v21 =	vshll.u32 v5, $0x10;
	v22 =	vld [tilespmem:s1+$0x111E0];
	(xrf2) =	vadd.scan.msk.f32 $0xffff, v15  }
0x5da: {  	v23, _, _ =	vpop (xrf2);
	v24 =	vshll.u32 v60, $0x10;
	v8 =	vadd.f32 v21, v8;
	v14 =	vadd.f32 v53, v14  }
0x5db: {  	v4 =	vadd.f32 v4, v6;
	v26, _, _ =	vpop (xrf2);
	v11 =	vmul.bf16 v57, v54;
	v9 =	vadd.f32 v24, v63  }
0x5dc: {  	v2 =	vadd.f32 v2, v3;
	v33 =	vld [tilespmem:s1+$0x11260];
	v27, _, _ =	vpop (xrf2);
	v29 =	vshll.u32 v1, $0x10;
	v28 =	vadd.f32 v5, v8;
	(xrf2) =	vadd.scan.msk.f32 $0xffff, v14  }
0x5dd: {  	v30 =	vld [tilespmem:s1+$0xEA60];
	v32 =	vshll.u32 v11, $0x10;
	v31, _, _ =	vpop (xrf2);
	v4 =	vadd.f32 v29, v4;
	v9 =	vadd.f32 v60, v9  }
0x5de: {  	v34, _, _ =	vpop (xrf2);
	v35 =	vmul.bf16 v59, v51;
	v5 =	vadd.f32 v32, v28;
	v7 =	vmul.bf16 v22, v61  }
0x5df: {  	v0 =	vadd.f32 v0, v2;
	v36, _, _ =	vpop (xrf2);
	v37 =	vadd.f32 v1, v4;
	(xrf2) =	vadd.scan.msk.f32 $0xffff, v9  }
0x5e0: {  	v41 =	vshll.u32 v35, $0x10;
	v38, _, _ =	vpop (xrf2);
	v39 =	vadd.f32 v11, v5;
	v40 =	vshll.u32 v7, $0x10  }
0x5e1: {  	v0 =	vadd.f32 v41, v0;
	v42, _, _ =	vpop (xrf2);
	v1 =	vadd.f32 v40, v37  }
0x5e2: {  	v3 =	vmul.bf16 v33, v30;
	(xrf2) =	vadd.scan.msk.f32 $0xffff, v39;
	v43, _, _ =	vpop (xrf2)  }
0x5e3: {  	v0 =	vadd.f32 v35, v0;
	v1 =	vadd.f32 v7, v1;
	v44, _, _ =	vpop (xrf2)  }
0x5e4: {  	v45 =	vshll.u32 v3, $0x10;
	v5 =	vbroadcast v43, $0xF;
	v4 =	vbroadcast v44, $0xF  }
0x5e5: {  	v0 =	vadd.f32 v45, v0;
	v46 =	vbroadcast v42, $0xF;
	(xrf2) =	vadd.scan.msk.f32 $0xffff, v1  }
0x5e6: {  	v2 =	vbroadcast v38, $0xF;
	v48, _, _ =	vpop (xrf2);
	v47 =	vsel vm0, v5, v4  }
0x5e7: {  	v0 =	vadd.f32 v3, v0;
	v4 =	vbroadcast v48, $0xF;
	v1 =	vsel vm1, v47, v46  }
0x5e8: {  	v49 =	vbroadcast v36, $0xF;
	v1 =	vsel vm2, v1, v2  }
0x5e9: {  	v50 =	vbroadcast v34, $0xF;
	(xrf2) =	vadd.scan.msk.f32 $0xffff, v0;
	v51, _, _ =	vpop (xrf2);
	v1 =	vsel vm3, v1, v4  }
0x5ea: {  	v53 =	vbroadcast v51, $0xF;
	v52 =	vsel vm4, v1, v49  }
0x5eb: {  	v54 =	vbroadcast v31, $0xF;
	v0 =	vsel vm5, v52, v50  }
0x5ec: {  	v55 =	vbroadcast v27, $0xF;
	v56, _, _ =	vpop (xrf2);
	v0 =	vsel vm6, v0, v53  }
0x5ed: {  	v57 =	vbroadcast v56, $0xF;
	v0 =	vsel vm7, v0, v54  }
0x5ee: {  	v58 =	vbroadcast v26, $0xF;
	v0 =	vsel vm8, v0, v55  }
0x5ef: {  	v59 =	vbroadcast v23, $0xF;
	v60, _, _ =	vpop (xrf2);
	v0 =	vsel vm9, v0, v57  }
0x5f0: {  	v61 =	vbroadcast v60, $0xF;
	v0 =	vsel vm10, v0, v58  }
0x5f1: {  	v62 =	vbroadcast v62, $0xF;
	v0 =	vsel vm11, v0, v59  }
0x5f2: {  	v0 =	vsel vm12, v0, v61  }
0x5f3: {  	s31 =	sadd.s32 $0x1, s31;
	v63, _, _ =	vpop (xrf2);
	v0 =	vsel vm13, v0, v62  }
0x5f4: {  	s0 =	sadd.s32 $0x10, s0;
	p0 =	sne.s32 s31, s12;
	v0 =	vsel vm14, v0, v63  }
.Ltmp5:
0x5f5: {  	[tilespmem:s0+$0x0] =	vst v0;
	(pc) =	sbr.rel @p0 .LBB2_1-.Ltmp5, $4  }
0x5f6: {  	[hbm4b:s11+s4] =	stream.linear.scatter [tilespmem:s26], [sflag:$0x5], $0x50, $0x38;
	[tilespmem:$0x13B00] =	vst v63  }
0x5f7: {  	_ =	swait.ge [sflag:s14], $0x50  }
0x5f8: {  	[sflag:s14] =	ssyncset.done $0x0  }
0x5f9: {  	[sflag:s14] =	ssyncadd.s32 $0xFFFFFFB0  }
0x5fa: {  	_ =	sfence.sel $0x180000  }
0x5fb: {  	[bflag:$0x0] =	sbarrier.arrive $0xFFFF  }
0x5fc: {  	_ =	strace $0x90000047  }
0x5fd: {  	s0 =	stileid.u32;
	[bflag:$0x2] =	sbarrier.arrive $0xFFFF  }
0x5fe: {  	p0 =	sne.s32 s0, $0x0;
	s0 =	rddreg [dreg:$0x5]  }
0x5ff: {  	s0 =	sadd.s32 @!p0 $0x100000, s0  }
0x600: {  	[sflag:s0] =	ssyncadd.tile.s32 @!p0 $0x1;
	_ =	shalt  }
.Lfunc_end2:
_tile_overlayer_lowered:
.L_overlay_start_2:
0x601: {  	(tag) =	ssettag $0x2  }
0x602: {  	s0 =	rddreg [dreg:$0x0];
	s2 =	stileid.u32  }
0x603: {  	s1 =	rddreg [dreg:$0x1];
	p0 =	sne.s32 s2, $0x0  }
0x604: {  	s3 =	rddreg [dreg:$0x2];
	[bflag:$0x3] =	sbarrier.arrive $0xFFFF;
	s2 =	simm.s32 @!p0 $0x1C05  }
0x605: {  	[timem:s3], [sflag:s2] =	dma.local @!p0 [hbm:s0], s1  }
0x606: {  	s0 =	simm.s32 @!p0 $0x5  }
0x607: {  	_ =	swait.ge @!p0 [sflag:s0], s1  }
0x608: {  	s1 =	ssub.s32 @!p0 $0x0, s1;
	[sflag:s0] =	ssyncset.done @!p0 $0x0  }
0x609: {  	[sflag:s0] =	ssyncadd.s32 @!p0 s1  }
0x60a: {  	[bflag:$0x3] =	sbarrier.arrive $0xFFFF  }
0x60b: {  	_ =	shalt  }

</sc_bundles>
